<compile_context>
chip_gen: v7x
topology: tpu7x:2x2x1
jax: 0.10.2.dev20260603
libtpu: 0.0.44.dev20260713+nightly
codegen_flags: <defaults>
</compile_context>

<pallas_src>
import functools

import jax
import jax.numpy as jnp
from jax import lax
from jax.experimental import pallas as pl
from jax.experimental.pallas import tpu as pltpu
from jax.experimental.pallas import tpu_sc as plsc

N_NODES = 100000
BATCH = 16384
L = 16
NW = 32
RPW_MIN = 3120
RPW_PAD = 3136
LIST_LEN = RPW_PAD + L
CK = 24
NCH = RPW_MIN // CK
NS = 8
PRE = 4
SPC = 10
N_INIT = RPW_PAD // L
N_FILL = BATCH // L


@functools.cache
def _build_sc():
    mesh = plsc.VectorSubcoreMesh(
        core_axis_name="c", subcore_axis_name="s", num_cores=2, num_subcores=16
    )
    return pl.kernel(
        _body,
        out_type=jax.ShapeDtypeStruct((N_NODES, 4, 128), jnp.float32),
        mesh=mesh,
        compiler_params=pltpu.CompilerParams(needs_layout_passes=False),
        scratch_types=[
            pltpu.VMEM((BATCH,), jnp.int32),
            pltpu.VMEM((RPW_PAD,), jnp.int32),
            pltpu.VMEM((LIST_LEN,), jnp.int32),
            pltpu.VMEM((LIST_LEN,), jnp.int32),
            pltpu.VMEM((NS, CK, 4, 128), jnp.float32),
            pltpu.SemaphoreType.DMA((NS,)),
            pltpu.SemaphoreType.DMA((NS,)),
        ],
    )


def _body(mem, idx_hbm, vals_hbm, out, idx_v, aux, wlist, rlist, cbuf,
          gsem, ssem):
    wid = lax.axis_index("c") * 16 + lax.axis_index("s")
    lo = (8 * ((wid * 12500) >> 5)).astype(jnp.int32)
    hi = (8 * (((wid + 1) * 12500) >> 5)).astype(jnp.int32)
    lane = lax.iota(jnp.int32, L)
    neg1 = jnp.full((L,), -1, jnp.int32)

    for j in range(PRE):
        pltpu.async_copy(mem.at[pl.ds(lo + j * CK, CK)], cbuf.at[j],
                         gsem.at[j])
    pltpu.sync_copy(idx_hbm, idx_v)

    def scan_step(step):
        @pl.when(step < N_INIT)
        def _():
            aux[pl.ds(step * L, L)] = neg1

        @pl.when((step >= N_INIT) & (step < N_INIT + N_FILL))
        def _():
            i = step - N_INIT
            v = idx_v[pl.ds(i * L, L)]
            owned = (v >= lo) & (v < hi)
            _, last = plsc.scan_count(v, mask=owned)
            win = last & owned
            local = jnp.where(win, v - lo, 0)
            pos = (i * L + lane).astype(jnp.int32)
            plsc.store_scatter(aux, [local], pos, mask=win)

    def grp_body(g, carry):
        for j in range(NS):
            def chunk(j=j):
                k = g * NS + j

                def steps(t, c):
                    scan_step(k * SPC + t)
                    return c

                lax.fori_loop(0, SPC, steps, 0)

                kp = k + PRE
                jp = (j + PRE) % NS

                @pl.when(kp < NCH)
                def _():
                    @pl.when(kp - NS >= 0)
                    def _():
                        s_old = lo + (kp - NS) * CK
                        pltpu.make_async_copy(
                            cbuf.at[jp], out.at[pl.ds(s_old, CK)],
                            ssem.at[jp]).wait()
                    pltpu.async_copy(mem.at[pl.ds(lo + kp * CK, CK)],
                                     cbuf.at[jp], gsem.at[jp])

                s = lo + k * CK
                pltpu.make_async_copy(mem.at[pl.ds(s, CK)], cbuf.at[j],
                                      gsem.at[j]).wait()
                pltpu.async_copy(cbuf.at[j], out.at[pl.ds(s, CK)],
                                 ssem.at[j])

            @pl.when(g * NS + j < NCH)
            def _(chunk=chunk):
                chunk()
        return carry

    ngrp = (NCH + NS - 1) // NS
    lax.fori_loop(0, ngrp, grp_body, 0)

    for j in range(NS):
        k_last = NCH - NS + j
        jd = k_last % NS
        s_last = lo + k_last * CK
        pltpu.make_async_copy(cbuf.at[jd], out.at[pl.ds(s_last, CK)],
                              ssem.at[jd]).wait()

    total_steps = NCH * SPC
    need = N_INIT + N_FILL
    if total_steps < need:
        def rest(t, c):
            scan_step(t)
            return c
        lax.fori_loop(total_steps, need, rest, 0)

    @pl.when(hi - lo > RPW_MIN)
    def _():
        s = lo + RPW_MIN
        pltpu.sync_copy(mem.at[pl.ds(s, 8)], cbuf.at[0, pl.ds(0, 8)])
        pltpu.sync_copy(cbuf.at[0, pl.ds(0, 8)], out.at[pl.ds(s, 8)])

    def comp_body(c, off):
        a = aux[pl.ds(c * L, L)]
        m = a >= 0
        rows = lo + c * L + lane
        plsc.store_compressed(wlist.at[pl.ds(off, L)], a, mask=m)
        plsc.store_compressed(rlist.at[pl.ds(off, L)], rows, mask=m)
        return off + jnp.sum(m.astype(jnp.int32))

    n = lax.fori_loop(0, RPW_PAD // L, comp_body, jnp.int32(0))

    @pl.when(n >= L)
    def _():
        nch = (n + L - 1) >> 4

        def wgrp(g, carry):
            gbase = g * NS
            for j in range(NS):
                @pl.when(gbase + j < nch)
                def _(j=j):
                    o = jnp.minimum((gbase + j) * L, n - L)
                    wv = wlist[pl.ds(o, L)]
                    pltpu.async_copy(vals_hbm.at[wv],
                                     cbuf.at[j, pl.ds(0, L)], gsem.at[j])
            for j in range(NS):
                @pl.when(gbase + j < nch)
                def _(j=j):
                    pltpu.make_async_copy(vals_hbm.at[wlist[pl.ds(0, L)]],
                                          cbuf.at[j, pl.ds(0, L)],
                                          gsem.at[j]).wait()
                    o = jnp.minimum((gbase + j) * L, n - L)
                    rv = rlist[pl.ds(o, L)]
                    pltpu.async_copy(cbuf.at[j, pl.ds(0, L)], out.at[rv],
                                     ssem.at[j])
            for j in range(NS):
                @pl.when(gbase + j < nch)
                def _(j=j):
                    pltpu.make_async_copy(cbuf.at[j, pl.ds(0, L)],
                                          out.at[rlist[pl.ds(0, L)]],
                                          ssem.at[j]).wait()
            return carry

        lax.fori_loop(0, (nch + NS - 1) >> 3, wgrp, 0)

    @pl.when((n > 0) & (n < L))
    def _():
        wv = wlist[pl.ds(0, L)]
        rv = rlist[pl.ds(0, L)]

        def tail_body(i, carry):
            @pl.when(i < n)
            def _():
                wsc = jnp.max(jnp.where(lane == i, wv, -1))
                rsc = jnp.max(jnp.where(lane == i, rv, -1))
                pltpu.sync_copy(vals_hbm.at[pl.ds(wsc, 1)],
                                cbuf.at[0, pl.ds(0, 1)])
                pltpu.sync_copy(cbuf.at[0, pl.ds(0, 1)],
                                out.at[pl.ds(rsc, 1)])
            return carry

        lax.fori_loop(0, L, tail_body, 0)


def kernel(memory, node_idxs, values):
    idx = node_idxs.astype(jnp.int32)
    return _build_sc()(memory, idx, values)

# --- scband reference (transcript-rebuilt; emitter-appended) ---
"""Pipeline reference for scband-memory-lambs-75265006895943 (READ-ONLY COPY).

The authoritative reference and input builder live on the scoring server;
editing this copy changes nothing except your own understanding.
"""

import jax, jax.numpy as jnp
import numpy as np

N_NODES = 100000
LAMB_LEN = 4
MEM_DIM = 128
BATCH = 16384

def setup_inputs(seed: int = 0) -> dict:
    key = jax.random.key(seed)
    k1, k2 = jax.random.split(key)
    # learned/state parameters materialized per init_kwargs
    memory = jnp.zeros((N_NODES, LAMB_LEN, MEM_DIM), dtype=jnp.float32)
    # forward args per input_specs
    node_idxs = jax.random.randint(k1, (BATCH,), 0, N_NODES)
    values = jax.random.normal(k2, (BATCH, LAMB_LEN, MEM_DIM), dtype=jnp.float32)
    return {"memory": memory, "node_idxs": node_idxs, "values": values}

def reference(memory, node_idxs, values):
    # Faithful translation of Memory_lambs.set_memory: self.memory[node_idxs] = values
    # (scatter-overwrite into the per-node, per-lambda memory table)
    new_memory = memory.at[node_idxs].set(values)
    return new_memory

if __name__ == "__main__":
    import jax
    _d = setup_inputs()
    print(jax.jit(kernel)(*tuple(_d.values())))

</pallas_src>

<mosaic_0001>
#map = affine_map<(d0, d1) -> (0, 0, 0)>
#map1 = affine_map<(d0, d1) -> (0)>
module attributes {stable_mosaic.version = 14 : i64} {
  func.func @_body(%arg0: i32, %arg1: i32, %arg2: memref<100000x4x128xf32, #tpu.memory_space<hbm>>, %arg3: memref<16384xi32, #tpu.memory_space<hbm>>, %arg4: memref<16384x4x128xf32, #tpu.memory_space<hbm>>, %arg5: memref<100000x4x128xf32, #tpu.memory_space<hbm>>, %arg6: memref<16384xi32, #tpu.memory_space<vmem>>, %arg7: memref<3136xi32, #tpu.memory_space<vmem>>, %arg8: memref<3152xi32, #tpu.memory_space<vmem>>, %arg9: memref<3152xi32, #tpu.memory_space<vmem>>, %arg10: memref<8x24x4x128xf32, #tpu.memory_space<vmem>>, %arg11: memref<8x!tpu.dma_semaphore, #tpu.memory_space<semaphore_mem>>, %arg12: memref<8x!tpu.dma_semaphore, #tpu.memory_space<semaphore_mem>>) attributes {dimension_semantics = [#tpu.dimension_semantics<core_parallel>, #tpu.dimension_semantics<subcore_parallel>], iteration_bounds = array<i64: 2, 16>, scalar_prefetch = 0 : i64, scratch_operands = 7 : i64, tpu.core_type = #tpu.core_type<sc_vector_subcore>, window_params = [{transform_indices = #map}, {transform_indices = #map1}, {transform_indices = #map}, {transform_indices = #map}]} {
    %mul3A = arith.constant 16 : i32
    %mul3A_0 = arith.muli %arg0, %mul3A : i32
    %add3A = arith.addi %mul3A_0, %arg1 : i32
    %mul3A_1 = arith.constant 12500 : i32
    %mul3A_2 = arith.muli %add3A, %mul3A_1 : i32
    %shift_right_arithmetic3A = arith.constant 5 : i32
    %shift_right_arithmetic3A_3 = arith.shrsi %mul3A_2, %shift_right_arithmetic3A : i32
    %mul3A_4 = arith.constant 8 : i32
    %mul3A_5 = arith.muli %mul3A_4, %shift_right_arithmetic3A_3 : i32
    %add3A_6 = arith.constant 1 : i32
    %add3A_7 = arith.addi %add3A, %add3A_6 : i32
    %mul3A_8 = arith.constant 12500 : i32
    %mul3A_9 = arith.muli %add3A_7, %mul3A_8 : i32
    %shift_right_arithmetic3A_10 = arith.constant 5 : i32
    %shift_right_arithmetic3A_11 = arith.shrsi %mul3A_9, %shift_right_arithmetic3A_10 : i32
    %mul3A_12 = arith.constant 8 : i32
    %mul3A_13 = arith.muli %mul3A_12, %shift_right_arithmetic3A_11 : i32
    %iota3A = tpu.iota {dimensions = array<i32: 0>} : vector<16xi32>
    %broadcast_in_dim3A = arith.constant -1 : i32
    %broadcast_in_dim3A_14 = vector.broadcast %broadcast_in_dim3A : i32 to vector<16xi32>
    %add3A_15 = arith.constant 0 : i32
    %add3A_16 = arith.addi %mul3A_5, %add3A_15 : i32
    %dma_start3A = arith.constant 0 : i32
    %dma_start3A_17 = arith.constant 0 : i32
    %dma_start3A_18 = arith.constant 0 : i32
    %dma_start3A_19 = arith.constant 0 : i32
    %dma_start3A_20 = arith.constant 0 : i32
    %dma_start3A_21 = tpu.memref_slice %arg10[%dma_start3A, %dma_start3A_18, %dma_start3A_19, %dma_start3A_20] : memref<8x24x4x128xf32, #tpu.memory_space<vmem>> -> memref<1x24x4x128xf32, #tpu.memory_space<vmem>>
    %dma_start3A_22 = tpu.memref_squeeze %dma_start3A_21 : memref<1x24x4x128xf32, #tpu.memory_space<vmem>> -> memref<24x4x128xf32, #tpu.memory_space<vmem>>
    %dma_start3A_23 = arith.constant 0 : i32
    %dma_start3A_24 = arith.constant 0 : i32
    %dma_start3A_25 = tpu.memref_slice %arg2[%add3A_16, %dma_start3A_23, %dma_start3A_24] : memref<100000x4x128xf32, #tpu.memory_space<hbm>> -> memref<24x4x128xf32, #tpu.memory_space<hbm>>
    %dma_start3A_26 = tpu.memref_slice %arg11[%dma_start3A_17] : memref<8x!tpu.dma_semaphore, #tpu.memory_space<semaphore_mem>> -> memref<1x!tpu.dma_semaphore, #tpu.memory_space<semaphore_mem>>
    %dma_start3A_27 = tpu.memref_squeeze %dma_start3A_26 : memref<1x!tpu.dma_semaphore, #tpu.memory_space<semaphore_mem>> -> memref<!tpu.dma_semaphore, #tpu.memory_space<semaphore_mem>>
    %dma_start3A_28 = arith.constant 0 : i32
    %dma_start3A_29 = arith.constant 0 : i32
    %dma_start3A_30 = arith.constant 0 : i32
    %dma_start3A_31 = tpu.memref_slice %arg10[%dma_start3A, %dma_start3A_28, %dma_start3A_29, %dma_start3A_30] : memref<8x24x4x128xf32, #tpu.memory_space<vmem>> -> memref<1x24x4x128xf32, #tpu.memory_space<vmem>>
    %dma_start3A_32 = tpu.memref_squeeze %dma_start3A_31 : memref<1x24x4x128xf32, #tpu.memory_space<vmem>> -> memref<24x4x128xf32, #tpu.memory_space<vmem>>
    %dma_start3A_33 = arith.constant 0 : i32
    %dma_start3A_34 = arith.constant 0 : i32
    %dma_start3A_35 = tpu.memref_slice %arg2[%add3A_16, %dma_start3A_33, %dma_start3A_34] : memref<100000x4x128xf32, #tpu.memory_space<hbm>> -> memref<24x4x128xf32, #tpu.memory_space<hbm>>
    tpu.enqueue_dma source(%dma_start3A_35 : memref<24x4x128xf32, #tpu.memory_space<hbm>>) target(%dma_start3A_32 : memref<24x4x128xf32, #tpu.memory_space<vmem>>) target_semaphore(%dma_start3A_27 : memref<!tpu.dma_semaphore, #tpu.memory_space<semaphore_mem>>)
    %add3A_36 = arith.constant 24 : i32
    %add3A_37 = arith.addi %mul3A_5, %add3A_36 : i32
    %dma_start3A_38 = arith.constant 1 : i32
    %dma_start3A_39 = arith.constant 1 : i32
    %dma_start3A_40 = arith.constant 0 : i32
    %dma_start3A_41 = arith.constant 0 : i32
    %dma_start3A_42 = arith.constant 0 : i32
    %dma_start3A_43 = tpu.memref_slice %arg10[%dma_start3A_38, %dma_start3A_40, %dma_start3A_41, %dma_start3A_42] : memref<8x24x4x128xf32, #tpu.memory_space<vmem>> -> memref<1x24x4x128xf32, #tpu.memory_space<vmem>>
    %dma_start3A_44 = tpu.memref_squeeze %dma_start3A_43 : memref<1x24x4x128xf32, #tpu.memory_space<vmem>> -> memref<24x4x128xf32, #tpu.memory_space<vmem>>
    %dma_start3A_45 = arith.constant 0 : i32
    %dma_start3A_46 = arith.constant 0 : i32
    %dma_start3A_47 = tpu.memref_slice %arg2[%add3A_37, %dma_start3A_45, %dma_start3A_46] : memref<100000x4x128xf32, #tpu.memory_space<hbm>> -> memref<24x4x128xf32, #tpu.memory_space<hbm>>
    %dma_start3A_48 = tpu.memref_slice %arg11[%dma_start3A_39] : memref<8x!tpu.dma_semaphore, #tpu.memory_space<semaphore_mem>> -> memref<1x!tpu.dma_semaphore, #tpu.memory_space<semaphore_mem>>
    %dma_start3A_49 = tpu.memref_squeeze %dma_start3A_48 : memref<1x!tpu.dma_semaphore, #tpu.memory_space<semaphore_mem>> -> memref<!tpu.dma_semaphore, #tpu.memory_space<semaphore_mem>>
    %dma_start3A_50 = arith.constant 0 : i32
    %dma_start3A_51 = arith.constant 0 : i32
    %dma_start3A_52 = arith.constant 0 : i32
    %dma_start3A_53 = tpu.memref_slice %arg10[%dma_start3A_38, %dma_start3A_50, %dma_start3A_51, %dma_start3A_52] : memref<8x24x4x128xf32, #tpu.memory_space<vmem>> -> memref<1x24x4x128xf32, #tpu.memory_space<vmem>>
    %dma_start3A_54 = tpu.memref_squeeze %dma_start3A_53 : memref<1x24x4x128xf32, #tpu.memory_space<vmem>> -> memref<24x4x128xf32, #tpu.memory_space<vmem>>
    %dma_start3A_55 = arith.constant 0 : i32
    %dma_start3A_56 = arith.constant 0 : i32
    %dma_start3A_57 = tpu.memref_slice %arg2[%add3A_37, %dma_start3A_55, %dma_start3A_56] : memref<100000x4x128xf32, #tpu.memory_space<hbm>> -> memref<24x4x128xf32, #tpu.memory_space<hbm>>
    tpu.enqueue_dma source(%dma_start3A_57 : memref<24x4x128xf32, #tpu.memory_space<hbm>>) target(%dma_start3A_54 : memref<24x4x128xf32, #tpu.memory_space<vmem>>) target_semaphore(%dma_start3A_49 : memref<!tpu.dma_semaphore, #tpu.memory_space<semaphore_mem>>)
    %add3A_58 = arith.constant 48 : i32
    %add3A_59 = arith.addi %mul3A_5, %add3A_58 : i32
    %dma_start3A_60 = arith.constant 2 : i32
    %dma_start3A_61 = arith.constant 2 : i32
    %dma_start3A_62 = arith.constant 0 : i32
    %dma_start3A_63 = arith.constant 0 : i32
    %dma_start3A_64 = arith.constant 0 : i32
    %dma_start3A_65 = tpu.memref_slice %arg10[%dma_start3A_60, %dma_start3A_62, %dma_start3A_63, %dma_start3A_64] : memref<8x24x4x128xf32, #tpu.memory_space<vmem>> -> memref<1x24x4x128xf32, #tpu.memory_space<vmem>>
    %dma_start3A_66 = tpu.memref_squeeze %dma_start3A_65 : memref<1x24x4x128xf32, #tpu.memory_space<vmem>> -> memref<24x4x128xf32, #tpu.memory_space<vmem>>
    %dma_start3A_67 = arith.constant 0 : i32
    %dma_start3A_68 = arith.constant 0 : i32
    %dma_start3A_69 = tpu.memref_slice %arg2[%add3A_59, %dma_start3A_67, %dma_start3A_68] : memref<100000x4x128xf32, #tpu.memory_space<hbm>> -> memref<24x4x128xf32, #tpu.memory_space<hbm>>
    %dma_start3A_70 = tpu.memref_slice %arg11[%dma_start3A_61] : memref<8x!tpu.dma_semaphore, #tpu.memory_space<semaphore_mem>> -> memref<1x!tpu.dma_semaphore, #tpu.memory_space<semaphore_mem>>
    %dma_start3A_71 = tpu.memref_squeeze %dma_start3A_70 : memref<1x!tpu.dma_semaphore, #tpu.memory_space<semaphore_mem>> -> memref<!tpu.dma_semaphore, #tpu.memory_space<semaphore_mem>>
    %dma_start3A_72 = arith.constant 0 : i32
    %dma_start3A_73 = arith.constant 0 : i32
    %dma_start3A_74 = arith.constant 0 : i32
    %dma_start3A_75 = tpu.memref_slice %arg10[%dma_start3A_60, %dma_start3A_72, %dma_start3A_73, %dma_start3A_74] : memref<8x24x4x128xf32, #tpu.memory_space<vmem>> -> memref<1x24x4x128xf32, #tpu.memory_space<vmem>>
    %dma_start3A_76 = tpu.memref_squeeze %dma_start3A_75 : memref<1x24x4x128xf32, #tpu.memory_space<vmem>> -> memref<24x4x128xf32, #tpu.memory_space<vmem>>
    %dma_start3A_77 = arith.constant 0 : i32
    %dma_start3A_78 = arith.constant 0 : i32
    %dma_start3A_79 = tpu.memref_slice %arg2[%add3A_59, %dma_start3A_77, %dma_start3A_78] : memref<100000x4x128xf32, #tpu.memory_space<hbm>> -> memref<24x4x128xf32, #tpu.memory_space<hbm>>
    tpu.enqueue_dma source(%dma_start3A_79 : memref<24x4x128xf32, #tpu.memory_space<hbm>>) target(%dma_start3A_76 : memref<24x4x128xf32, #tpu.memory_space<vmem>>) target_semaphore(%dma_start3A_71 : memref<!tpu.dma_semaphore, #tpu.memory_space<semaphore_mem>>)
    %add3A_80 = arith.constant 72 : i32
    %add3A_81 = arith.addi %mul3A_5, %add3A_80 : i32
    %dma_start3A_82 = arith.constant 3 : i32
    %dma_start3A_83 = arith.constant 3 : i32
    %dma_start3A_84 = arith.constant 0 : i32
    %dma_start3A_85 = arith.constant 0 : i32
    %dma_start3A_86 = arith.constant 0 : i32
    %dma_start3A_87 = tpu.memref_slice %arg10[%dma_start3A_82, %dma_start3A_84, %dma_start3A_85, %dma_start3A_86] : memref<8x24x4x128xf32, #tpu.memory_space<vmem>> -> memref<1x24x4x128xf32, #tpu.memory_space<vmem>>
    %dma_start3A_88 = tpu.memref_squeeze %dma_start3A_87 : memref<1x24x4x128xf32, #tpu.memory_space<vmem>> -> memref<24x4x128xf32, #tpu.memory_space<vmem>>
    %dma_start3A_89 = arith.constant 0 : i32
    %dma_start3A_90 = arith.constant 0 : i32
    %dma_start3A_91 = tpu.memref_slice %arg2[%add3A_81, %dma_start3A_89, %dma_start3A_90] : memref<100000x4x128xf32, #tpu.memory_space<hbm>> -> memref<24x4x128xf32, #tpu.memory_space<hbm>>
    %dma_start3A_92 = tpu.memref_slice %arg11[%dma_start3A_83] : memref<8x!tpu.dma_semaphore, #tpu.memory_space<semaphore_mem>> -> memref<1x!tpu.dma_semaphore, #tpu.memory_space<semaphore_mem>>
    %dma_start3A_93 = tpu.memref_squeeze %dma_start3A_92 : memref<1x!tpu.dma_semaphore, #tpu.memory_space<semaphore_mem>> -> memref<!tpu.dma_semaphore, #tpu.memory_space<semaphore_mem>>
    %dma_start3A_94 = arith.constant 0 : i32
    %dma_start3A_95 = arith.constant 0 : i32
    %dma_start3A_96 = arith.constant 0 : i32
    %dma_start3A_97 = tpu.memref_slice %arg10[%dma_start3A_82, %dma_start3A_94, %dma_start3A_95, %dma_start3A_96] : memref<8x24x4x128xf32, #tpu.memory_space<vmem>> -> memref<1x24x4x128xf32, #tpu.memory_space<vmem>>
    %dma_start3A_98 = tpu.memref_squeeze %dma_start3A_97 : memref<1x24x4x128xf32, #tpu.memory_space<vmem>> -> memref<24x4x128xf32, #tpu.memory_space<vmem>>
    %dma_start3A_99 = arith.constant 0 : i32
    %dma_start3A_100 = arith.constant 0 : i32
    %dma_start3A_101 = tpu.memref_slice %arg2[%add3A_81, %dma_start3A_99, %dma_start3A_100] : memref<100000x4x128xf32, #tpu.memory_space<hbm>> -> memref<24x4x128xf32, #tpu.memory_space<hbm>>
    tpu.enqueue_dma source(%dma_start3A_101 : memref<24x4x128xf32, #tpu.memory_space<hbm>>) target(%dma_start3A_98 : memref<24x4x128xf32, #tpu.memory_space<vmem>>) target_semaphore(%dma_start3A_93 : memref<!tpu.dma_semaphore, #tpu.memory_space<semaphore_mem>>)
    "tpu.region"() ({
      %run_scoped3A = tpu.sem_alloc : memref<!tpu.dma_semaphore, #tpu.memory_space<semaphore_mem>>
      tpu.enqueue_dma source(%arg3 : memref<16384xi32, #tpu.memory_space<hbm>>) target(%arg6 : memref<16384xi32, #tpu.memory_space<vmem>>) target_semaphore(%run_scoped3A : memref<!tpu.dma_semaphore, #tpu.memory_space<semaphore_mem>>)
      tpu.wait_dma2 semaphore(%run_scoped3A : memref<!tpu.dma_semaphore, #tpu.memory_space<semaphore_mem>>) src(%arg3 : memref<16384xi32, #tpu.memory_space<hbm>>) dst(%arg6 : memref<16384xi32, #tpu.memory_space<vmem>>)
      tpu.yield
    }) : () -> ()
    %scan3A = arith.constant 0 : i32
    %scan3A_102 = arith.constant 0 : i32
    %scan3A_103 = arith.constant 17 : i32
    %scan3A_104 = arith.addi %scan3A_102, %scan3A_103 : i32
    %scan3A_105 = arith.constant 1 : i32
    scf.for %scan3A_301 = %scan3A_102 to %scan3A_104 step %scan3A_105  : i32 {
      %mul3A_302 = arith.constant 8 : i32
      %mul3A_303 = arith.muli %scan3A_301, %mul3A_302 : i32
      %add3A_304 = arith.constant 0 : i32
      %add3A_305 = arith.addi %mul3A_303, %add3A_304 : i32
      %lt3A_306 = arith.constant 130 : i32
      %lt3A_307 = arith.cmpi slt, %add3A_305, %lt3A_306 : i32
      %convert_element_type3A_308 = arith.extui %lt3A_307 : i1 to i32
      %cond3A_309 = arith.constant 0 : i32
      %cond3A_310 = arith.cmpi ne, %convert_element_type3A_308, %cond3A_309 : i32
      scf.if %cond3A_310 {
        %mul3A_374 = arith.constant 8 : i32
        %mul3A_375 = arith.muli %scan3A_301, %mul3A_374 : i32
        %add3A_376 = arith.constant 0 : i32
        %add3A_377 = arith.addi %mul3A_375, %add3A_376 : i32
        %scan3A_378 = arith.constant 0 : i32
        %scan3A_379 = arith.constant 0 : i32
        %scan3A_380 = arith.constant 10 : i32
        %scan3A_381 = arith.addi %scan3A_379, %scan3A_380 : i32
        %scan3A_382 = arith.constant 1 : i32
        scf.for %scan3A_434 = %scan3A_379 to %scan3A_381 step %scan3A_382  : i32 {
          %mul3A_435 = arith.constant 10 : i32
          %mul3A_436 = arith.muli %add3A_377, %mul3A_435 : i32
          %add3A_437 = arith.addi %mul3A_436, %scan3A_434 : i32
          %lt3A_438 = arith.constant 196 : i32
          %lt3A_439 = arith.cmpi slt, %add3A_437, %lt3A_438 : i32
          %convert_element_type3A_440 = arith.extui %lt3A_439 : i1 to i32
          %cond3A_441 = arith.constant 0 : i32
          %cond3A_442 = arith.cmpi ne, %convert_element_type3A_440, %cond3A_441 : i32
          scf.if %cond3A_442 {
            %mul3A_451 = arith.constant 16 : i32
            %mul3A_452 = arith.muli %add3A_437, %mul3A_451 : i32
            %swap3A = arith.index_cast %mul3A_452 : i32 to index
            %swap3A_453 = tpu.vector_load %arg7[%swap3A] {strides = array<i32>} : memref<3136xi32, #tpu.memory_space<vmem>>, vector<16xi32>,
            tpu.vector_store %arg7[%swap3A], %broadcast_in_dim3A_14 {strides = array<i32>} : memref<3136xi32, #tpu.memory_space<vmem>>, vector<16xi32>,
          } else {
          }
          %ge3A_443 = arith.constant 196 : i32
          %ge3A_444 = arith.cmpi sge, %add3A_437, %ge3A_443 : i32
          %lt3A_445 = arith.constant 1220 : i32
          %lt3A_446 = arith.cmpi slt, %add3A_437, %lt3A_445 : i32
          %and3A_447 = arith.andi %ge3A_444, %lt3A_446 : i1
          %convert_element_type3A_448 = arith.extui %and3A_447 : i1 to i32
          %cond3A_449 = arith.constant 0 : i32
          %cond3A_450 = arith.cmpi ne, %convert_element_type3A_448, %cond3A_449 : i32
          scf.if %cond3A_450 {
            %sub3A_451 = arith.constant 196 : i32
            %sub3A_452 = arith.subi %add3A_437, %sub3A_451 : i32
            %mul3A_453 = arith.constant 16 : i32
            %mul3A_454 = arith.muli %sub3A_452, %mul3A_453 : i32
            %get3A = arith.index_cast %mul3A_454 : i32 to index
            %get3A_455 = tpu.vector_load %arg6[%get3A] {strides = array<i32>} : memref<16384xi32, #tpu.memory_space<vmem>>, vector<16xi32>,
            %ge3A_456 = vector.broadcast %mul3A_5 : i32 to vector<16xi32>
            %ge3A_457 = arith.cmpi sge, %get3A_455, %ge3A_456 : vector<16xi32>
            %lt3A_458 = vector.broadcast %mul3A_13 : i32 to vector<16xi32>
            %lt3A_459 = arith.cmpi slt, %get3A_455, %lt3A_458 : vector<16xi32>
            %and3A_460 = arith.andi %ge3A_457, %lt3A_459 : vector<16xi1>
            %unique3A, %unique3A_461 = tpu.scan_count mask(%and3A_460 : vector<16xi1>) value(%get3A_455 : vector<16xi32>) : vector<16xi1>, vector<16xi32>
            %and3A_462 = arith.andi %unique3A, %and3A_460 : vector<16xi1>
            %sub3A_463 = vector.broadcast %mul3A_5 : i32 to vector<16xi32>
            %sub3A_464 = arith.subi %get3A_455, %sub3A_463 : vector<16xi32>
            %jit3A = arith.constant 0 : i32
            %broadcast_in_dim3A_465 = vector.broadcast %jit3A : i32 to vector<16xi32>
            %select_n3A = arith.select %and3A_462, %sub3A_464, %broadcast_in_dim3A_465 : vector<16xi1>, vector<16xi32>
            %mul3A_466 = arith.constant 16 : i32
            %mul3A_467 = arith.muli %sub3A_452, %mul3A_466 : i32
            %add3A_468 = vector.broadcast %mul3A_467 : i32 to vector<16xi32>
            %add3A_469 = arith.addi %add3A_468, %iota3A : vector<16xi32>
            tpu.vector_store_idx %arg7[%select_n3A], %add3A_469 masked %and3A_462 : memref<3136xi32, #tpu.memory_space<vmem>>[vector<16xi32>], vector<16xi32>, vector<16xi1>
          } else {
          }
        }
        %scan3A_383 = arith.constant 10 : i32
        %add3A_384 = arith.constant 4 : i32
        %add3A_385 = arith.addi %add3A_377, %add3A_384 : i32
        %lt3A_386 = arith.constant 130 : i32
        %lt3A_387 = arith.cmpi slt, %add3A_385, %lt3A_386 : i32
        %convert_element_type3A_388 = arith.extui %lt3A_387 : i1 to i32
        %cond3A_389 = arith.constant 0 : i32
        %cond3A_390 = arith.cmpi ne, %convert_element_type3A_388, %cond3A_389 : i32
        scf.if %cond3A_390 {
          %sub3A_434 = arith.constant 8 : i32
          %sub3A_435 = arith.subi %add3A_385, %sub3A_434 : i32
          %ge3A_436 = arith.constant 0 : i32
          %ge3A_437 = arith.cmpi sge, %sub3A_435, %ge3A_436 : i32
          %convert_element_type3A_438 = arith.extui %ge3A_437 : i1 to i32
          %cond3A_439 = arith.constant 0 : i32
          %cond3A_440 = arith.cmpi ne, %convert_element_type3A_438, %cond3A_439 : i32
          scf.if %cond3A_440 {
            %sub3A_464 = arith.constant 8 : i32
            %sub3A_465 = arith.subi %add3A_385, %sub3A_464 : i32
            %mul3A_466 = arith.constant 24 : i32
            %mul3A_467 = arith.muli %sub3A_465, %mul3A_466 : i32
            %add3A_468 = arith.addi %mul3A_5, %mul3A_467 : i32
            %dma_wait3A_469 = arith.constant 4 : i32
            %dma_wait3A_470 = arith.constant 4 : i32
            %dma_wait3A_471 = arith.constant 0 : i32
            %dma_wait3A_472 = arith.constant 0 : i32
            %dma_wait3A_473 = arith.constant 0 : i32
            %dma_wait3A_474 = tpu.memref_slice %arg10[%dma_wait3A_469, %dma_wait3A_471, %dma_wait3A_472, %dma_wait3A_473] : memref<8x24x4x128xf32, #tpu.memory_space<vmem>> -> memref<1x24x4x128xf32, #tpu.memory_space<vmem>>
            %dma_wait3A_475 = tpu.memref_squeeze %dma_wait3A_474 : memref<1x24x4x128xf32, #tpu.memory_space<vmem>> -> memref<24x4x128xf32, #tpu.memory_space<vmem>>
            %dma_wait3A_476 = arith.constant 0 : i32
            %dma_wait3A_477 = arith.constant 0 : i32
            %dma_wait3A_478 = tpu.memref_slice %arg5[%add3A_468, %dma_wait3A_476, %dma_wait3A_477] : memref<100000x4x128xf32, #tpu.memory_space<hbm>> -> memref<24x4x128xf32, #tpu.memory_space<hbm>>
            %dma_wait3A_479 = tpu.memref_slice %arg12[%dma_wait3A_470] : memref<8x!tpu.dma_semaphore, #tpu.memory_space<semaphore_mem>> -> memref<1x!tpu.dma_semaphore, #tpu.memory_space<semaphore_mem>>
            %dma_wait3A_480 = tpu.memref_squeeze %dma_wait3A_479 : memref<1x!tpu.dma_semaphore, #tpu.memory_space<semaphore_mem>> -> memref<!tpu.dma_semaphore, #tpu.memory_space<semaphore_mem>>
            %dma_wait3A_481 = arith.constant 0 : i32
            %dma_wait3A_482 = arith.constant 0 : i32
            %dma_wait3A_483 = tpu.memref_slice %arg5[%add3A_468, %dma_wait3A_481, %dma_wait3A_482] : memref<100000x4x128xf32, #tpu.memory_space<hbm>> -> memref<24x4x128xf32, #tpu.memory_space<hbm>>
            %dma_wait3A_484 = arith.constant 0 : i32
            %dma_wait3A_485 = arith.constant 0 : i32
            %dma_wait3A_486 = arith.constant 0 : i32
            %dma_wait3A_487 = tpu.memref_slice %arg10[%dma_wait3A_469, %dma_wait3A_484, %dma_wait3A_485, %dma_wait3A_486] : memref<8x24x4x128xf32, #tpu.memory_space<vmem>> -> memref<1x24x4x128xf32, #tpu.memory_space<vmem>>
            %dma_wait3A_488 = tpu.memref_squeeze %dma_wait3A_487 : memref<1x24x4x128xf32, #tpu.memory_space<vmem>> -> memref<24x4x128xf32, #tpu.memory_space<vmem>>
            tpu.wait_dma2 semaphore(%dma_wait3A_480 : memref<!tpu.dma_semaphore, #tpu.memory_space<semaphore_mem>>) src(%dma_wait3A_488 : memref<24x4x128xf32, #tpu.memory_space<vmem>>) dst(%dma_wait3A_483 : memref<24x4x128xf32, #tpu.memory_space<hbm>>)
          } else {
          }
          %mul3A_441 = arith.constant 24 : i32
          %mul3A_442 = arith.muli %add3A_385, %mul3A_441 : i32
          %add3A_443 = arith.addi %mul3A_5, %mul3A_442 : i32
          %dma_start3A_444 = arith.constant 4 : i32
          %dma_start3A_445 = arith.constant 4 : i32
          %dma_start3A_446 = arith.constant 0 : i32
          %dma_start3A_447 = arith.constant 0 : i32
          %dma_start3A_448 = arith.constant 0 : i32
          %dma_start3A_449 = tpu.memref_slice %arg10[%dma_start3A_444, %dma_start3A_446, %dma_start3A_447, %dma_start3A_448] : memref<8x24x4x128xf32, #tpu.memory_space<vmem>> -> memref<1x24x4x128xf32, #tpu.memory_space<vmem>>
          %dma_start3A_450 = tpu.memref_squeeze %dma_start3A_449 : memref<1x24x4x128xf32, #tpu.memory_space<vmem>> -> memref<24x4x128xf32, #tpu.memory_space<vmem>>
          %dma_start3A_451 = arith.constant 0 : i32
          %dma_start3A_452 = arith.constant 0 : i32
          %dma_start3A_453 = tpu.memref_slice %arg2[%add3A_443, %dma_start3A_451, %dma_start3A_452] : memref<100000x4x128xf32, #tpu.memory_space<hbm>> -> memref<24x4x128xf32, #tpu.memory_space<hbm>>
          %dma_start3A_454 = tpu.memref_slice %arg11[%dma_start3A_445] : memref<8x!tpu.dma_semaphore, #tpu.memory_space<semaphore_mem>> -> memref<1x!tpu.dma_semaphore, #tpu.memory_space<semaphore_mem>>
          %dma_start3A_455 = tpu.memref_squeeze %dma_start3A_454 : memref<1x!tpu.dma_semaphore, #tpu.memory_space<semaphore_mem>> -> memref<!tpu.dma_semaphore, #tpu.memory_space<semaphore_mem>>
          %dma_start3A_456 = arith.constant 0 : i32
          %dma_start3A_457 = arith.constant 0 : i32
          %dma_start3A_458 = arith.constant 0 : i32
          %dma_start3A_459 = tpu.memref_slice %arg10[%dma_start3A_444, %dma_start3A_456, %dma_start3A_457, %dma_start3A_458] : memref<8x24x4x128xf32, #tpu.memory_space<vmem>> -> memref<1x24x4x128xf32, #tpu.memory_space<vmem>>
          %dma_start3A_460 = tpu.memref_squeeze %dma_start3A_459 : memref<1x24x4x128xf32, #tpu.memory_space<vmem>> -> memref<24x4x128xf32, #tpu.memory_space<vmem>>
          %dma_start3A_461 = arith.constant 0 : i32
          %dma_start3A_462 = arith.constant 0 : i32
          %dma_start3A_463 = tpu.memref_slice %arg2[%add3A_443, %dma_start3A_461, %dma_start3A_462] : memref<100000x4x128xf32, #tpu.memory_space<hbm>> -> memref<24x4x128xf32, #tpu.memory_space<hbm>>
          tpu.enqueue_dma source(%dma_start3A_463 : memref<24x4x128xf32, #tpu.memory_space<hbm>>) target(%dma_start3A_460 : memref<24x4x128xf32, #tpu.memory_space<vmem>>) target_semaphore(%dma_start3A_455 : memref<!tpu.dma_semaphore, #tpu.memory_space<semaphore_mem>>)
        } else {
        }
        %mul3A_391 = arith.constant 24 : i32
        %mul3A_392 = arith.muli %add3A_377, %mul3A_391 : i32
        %add3A_393 = arith.addi %mul3A_5, %mul3A_392 : i32
        %dma_wait3A_394 = arith.constant 0 : i32
        %dma_wait3A_395 = arith.constant 0 : i32
        %dma_wait3A_396 = arith.constant 0 : i32
        %dma_wait3A_397 = arith.constant 0 : i32
        %dma_wait3A_398 = arith.constant 0 : i32
        %dma_wait3A_399 = tpu.memref_slice %arg10[%dma_wait3A_394, %dma_wait3A_396, %dma_wait3A_397, %dma_wait3A_398] : memref<8x24x4x128xf32, #tpu.memory_space<vmem>> -> memref<1x24x4x128xf32, #tpu.memory_space<vmem>>
        %dma_wait3A_400 = tpu.memref_squeeze %dma_wait3A_399 : memref<1x24x4x128xf32, #tpu.memory_space<vmem>> -> memref<24x4x128xf32, #tpu.memory_space<vmem>>
        %dma_wait3A_401 = arith.constant 0 : i32
        %dma_wait3A_402 = arith.constant 0 : i32
        %dma_wait3A_403 = tpu.memref_slice %arg2[%add3A_393, %dma_wait3A_401, %dma_wait3A_402] : memref<100000x4x128xf32, #tpu.memory_space<hbm>> -> memref<24x4x128xf32, #tpu.memory_space<hbm>>
        %dma_wait3A_404 = tpu.memref_slice %arg11[%dma_wait3A_395] : memref<8x!tpu.dma_semaphore, #tpu.memory_space<semaphore_mem>> -> memref<1x!tpu.dma_semaphore, #tpu.memory_space<semaphore_mem>>
        %dma_wait3A_405 = tpu.memref_squeeze %dma_wait3A_404 : memref<1x!tpu.dma_semaphore, #tpu.memory_space<semaphore_mem>> -> memref<!tpu.dma_semaphore, #tpu.memory_space<semaphore_mem>>
        %dma_wait3A_406 = arith.constant 0 : i32
        %dma_wait3A_407 = arith.constant 0 : i32
        %dma_wait3A_408 = arith.constant 0 : i32
        %dma_wait3A_409 = tpu.memref_slice %arg10[%dma_wait3A_394, %dma_wait3A_406, %dma_wait3A_407, %dma_wait3A_408] : memref<8x24x4x128xf32, #tpu.memory_space<vmem>> -> memref<1x24x4x128xf32, #tpu.memory_space<vmem>>
        %dma_wait3A_410 = tpu.memref_squeeze %dma_wait3A_409 : memref<1x24x4x128xf32, #tpu.memory_space<vmem>> -> memref<24x4x128xf32, #tpu.memory_space<vmem>>
        %dma_wait3A_411 = arith.constant 0 : i32
        %dma_wait3A_412 = arith.constant 0 : i32
        %dma_wait3A_413 = tpu.memref_slice %arg2[%add3A_393, %dma_wait3A_411, %dma_wait3A_412] : memref<100000x4x128xf32, #tpu.memory_space<hbm>> -> memref<24x4x128xf32, #tpu.memory_space<hbm>>
        tpu.wait_dma2 semaphore(%dma_wait3A_405 : memref<!tpu.dma_semaphore, #tpu.memory_space<semaphore_mem>>) src(%dma_wait3A_413 : memref<24x4x128xf32, #tpu.memory_space<hbm>>) dst(%dma_wait3A_410 : memref<24x4x128xf32, #tpu.memory_space<vmem>>)
        %dma_start3A_414 = arith.constant 0 : i32
        %dma_start3A_415 = arith.constant 0 : i32
        %dma_start3A_416 = arith.constant 0 : i32
        %dma_start3A_417 = arith.constant 0 : i32
        %dma_start3A_418 = arith.constant 0 : i32
        %dma_start3A_419 = tpu.memref_slice %arg10[%dma_start3A_414, %dma_start3A_416, %dma_start3A_417, %dma_start3A_418] : memref<8x24x4x128xf32, #tpu.memory_space<vmem>> -> memref<1x24x4x128xf32, #tpu.memory_space<vmem>>
        %dma_start3A_420 = tpu.memref_squeeze %dma_start3A_419 : memref<1x24x4x128xf32, #tpu.memory_space<vmem>> -> memref<24x4x128xf32, #tpu.memory_space<vmem>>
        %dma_start3A_421 = arith.constant 0 : i32
        %dma_start3A_422 = arith.constant 0 : i32
        %dma_start3A_423 = tpu.memref_slice %arg5[%add3A_393, %dma_start3A_421, %dma_start3A_422] : memref<100000x4x128xf32, #tpu.memory_space<hbm>> -> memref<24x4x128xf32, #tpu.memory_space<hbm>>
        %dma_start3A_424 = tpu.memref_slice %arg12[%dma_start3A_415] : memref<8x!tpu.dma_semaphore, #tpu.memory_space<semaphore_mem>> -> memref<1x!tpu.dma_semaphore, #tpu.memory_space<semaphore_mem>>
        %dma_start3A_425 = tpu.memref_squeeze %dma_start3A_424 : memref<1x!tpu.dma_semaphore, #tpu.memory_space<semaphore_mem>> -> memref<!tpu.dma_semaphore, #tpu.memory_space<semaphore_mem>>
        %dma_start3A_426 = arith.constant 0 : i32
        %dma_start3A_427 = arith.constant 0 : i32
        %dma_start3A_428 = tpu.memref_slice %arg5[%add3A_393, %dma_start3A_426, %dma_start3A_427] : memref<100000x4x128xf32, #tpu.memory_space<hbm>> -> memref<24x4x128xf32, #tpu.memory_space<hbm>>
        %dma_start3A_429 = arith.constant 0 : i32
        %dma_start3A_430 = arith.constant 0 : i32
        %dma_start3A_431 = arith.constant 0 : i32
        %dma_start3A_432 = tpu.memref_slice %arg10[%dma_start3A_414, %dma_start3A_429, %dma_start3A_430, %dma_start3A_431] : memref<8x24x4x128xf32, #tpu.memory_space<vmem>> -> memref<1x24x4x128xf32, #tpu.memory_space<vmem>>
        %dma_start3A_433 = tpu.memref_squeeze %dma_start3A_432 : memref<1x24x4x128xf32, #tpu.memory_space<vmem>> -> memref<24x4x128xf32, #tpu.memory_space<vmem>>
        tpu.enqueue_dma source(%dma_start3A_433 : memref<24x4x128xf32, #tpu.memory_space<vmem>>) target(%dma_start3A_428 : memref<24x4x128xf32, #tpu.memory_space<hbm>>) target_semaphore(%dma_start3A_425 : memref<!tpu.dma_semaphore, #tpu.memory_space<semaphore_mem>>)
      } else {
      }
      %mul3A_311 = arith.constant 8 : i32
      %mul3A_312 = arith.muli %scan3A_301, %mul3A_311 : i32
      %add3A_313 = arith.constant 1 : i32
      %add3A_314 = arith.addi %mul3A_312, %add3A_313 : i32
      %lt3A_315 = arith.constant 130 : i32
      %lt3A_316 = arith.cmpi slt, %add3A_314, %lt3A_315 : i32
      %convert_element_type3A_317 = arith.extui %lt3A_316 : i1 to i32
      %cond3A_318 = arith.constant 0 : i32
      %cond3A_319 = arith.cmpi ne, %convert_element_type3A_317, %cond3A_318 : i32
      scf.if %cond3A_319 {
        %mul3A_374 = arith.constant 8 : i32
        %mul3A_375 = arith.muli %scan3A_301, %mul3A_374 : i32
        %add3A_376 = arith.constant 1 : i32
        %add3A_377 = arith.addi %mul3A_375, %add3A_376 : i32
        %scan3A_378 = arith.constant 0 : i32
        %scan3A_379 = arith.constant 0 : i32
        %scan3A_380 = arith.constant 10 : i32
        %scan3A_381 = arith.addi %scan3A_379, %scan3A_380 : i32
        %scan3A_382 = arith.constant 1 : i32
        scf.for %scan3A_434 = %scan3A_379 to %scan3A_381 step %scan3A_382  : i32 {
          %mul3A_435 = arith.constant 10 : i32
          %mul3A_436 = arith.muli %add3A_377, %mul3A_435 : i32
          %add3A_437 = arith.addi %mul3A_436, %scan3A_434 : i32
          %lt3A_438 = arith.constant 196 : i32
          %lt3A_439 = arith.cmpi slt, %add3A_437, %lt3A_438 : i32
          %convert_element_type3A_440 = arith.extui %lt3A_439 : i1 to i32
          %cond3A_441 = arith.constant 0 : i32
          %cond3A_442 = arith.cmpi ne, %convert_element_type3A_440, %cond3A_441 : i32
          scf.if %cond3A_442 {
            %mul3A_451 = arith.constant 16 : i32
            %mul3A_452 = arith.muli %add3A_437, %mul3A_451 : i32
            %swap3A = arith.index_cast %mul3A_452 : i32 to index
            %swap3A_453 = tpu.vector_load %arg7[%swap3A] {strides = array<i32>} : memref<3136xi32, #tpu.memory_space<vmem>>, vector<16xi32>,
            tpu.vector_store %arg7[%swap3A], %broadcast_in_dim3A_14 {strides = array<i32>} : memref<3136xi32, #tpu.memory_space<vmem>>, vector<16xi32>,
          } else {
          }
          %ge3A_443 = arith.constant 196 : i32
          %ge3A_444 = arith.cmpi sge, %add3A_437, %ge3A_443 : i32
          %lt3A_445 = arith.constant 1220 : i32
          %lt3A_446 = arith.cmpi slt, %add3A_437, %lt3A_445 : i32
          %and3A_447 = arith.andi %ge3A_444, %lt3A_446 : i1
          %convert_element_type3A_448 = arith.extui %and3A_447 : i1 to i32
          %cond3A_449 = arith.constant 0 : i32
          %cond3A_450 = arith.cmpi ne, %convert_element_type3A_448, %cond3A_449 : i32
          scf.if %cond3A_450 {
            %sub3A_451 = arith.constant 196 : i32
            %sub3A_452 = arith.subi %add3A_437, %sub3A_451 : i32
            %mul3A_453 = arith.constant 16 : i32
            %mul3A_454 = arith.muli %sub3A_452, %mul3A_453 : i32
            %get3A = arith.index_cast %mul3A_454 : i32 to index
            %get3A_455 = tpu.vector_load %arg6[%get3A] {strides = array<i32>} : memref<16384xi32, #tpu.memory_space<vmem>>, vector<16xi32>,
            %ge3A_456 = vector.broadcast %mul3A_5 : i32 to vector<16xi32>
            %ge3A_457 = arith.cmpi sge, %get3A_455, %ge3A_456 : vector<16xi32>
            %lt3A_458 = vector.broadcast %mul3A_13 : i32 to vector<16xi32>
            %lt3A_459 = arith.cmpi slt, %get3A_455, %lt3A_458 : vector<16xi32>
            %and3A_460 = arith.andi %ge3A_457, %lt3A_459 : vector<16xi1>
            %unique3A, %unique3A_461 = tpu.scan_count mask(%and3A_460 : vector<16xi1>) value(%get3A_455 : vector<16xi32>) : vector<16xi1>, vector<16xi32>
            %and3A_462 = arith.andi %unique3A, %and3A_460 : vector<16xi1>
            %sub3A_463 = vector.broadcast %mul3A_5 : i32 to vector<16xi32>
            %sub3A_464 = arith.subi %get3A_455, %sub3A_463 : vector<16xi32>
            %jit3A = arith.constant 0 : i32
            %broadcast_in_dim3A_465 = vector.broadcast %jit3A : i32 to vector<16xi32>
            %select_n3A = arith.select %and3A_462, %sub3A_464, %broadcast_in_dim3A_465 : vector<16xi1>, vector<16xi32>
            %mul3A_466 = arith.constant 16 : i32
            %mul3A_467 = arith.muli %sub3A_452, %mul3A_466 : i32
            %add3A_468 = vector.broadcast %mul3A_467 : i32 to vector<16xi32>
            %add3A_469 = arith.addi %add3A_468, %iota3A : vector<16xi32>
            tpu.vector_store_idx %arg7[%select_n3A], %add3A_469 masked %and3A_462 : memref<3136xi32, #tpu.memory_space<vmem>>[vector<16xi32>], vector<16xi32>, vector<16xi1>
          } else {
          }
        }
        %scan3A_383 = arith.constant 10 : i32
        %add3A_384 = arith.constant 4 : i32
        %add3A_385 = arith.addi %add3A_377, %add3A_384 : i32
        %lt3A_386 = arith.constant 130 : i32
        %lt3A_387 = arith.cmpi slt, %add3A_385, %lt3A_386 : i32
        %convert_element_type3A_388 = arith.extui %lt3A_387 : i1 to i32
        %cond3A_389 = arith.constant 0 : i32
        %cond3A_390 = arith.cmpi ne, %convert_element_type3A_388, %cond3A_389 : i32
        scf.if %cond3A_390 {
          %sub3A_434 = arith.constant 8 : i32
          %sub3A_435 = arith.subi %add3A_385, %sub3A_434 : i32
          %ge3A_436 = arith.constant 0 : i32
          %ge3A_437 = arith.cmpi sge, %sub3A_435, %ge3A_436 : i32
          %convert_element_type3A_438 = arith.extui %ge3A_437 : i1 to i32
          %cond3A_439 = arith.constant 0 : i32
          %cond3A_440 = arith.cmpi ne, %convert_element_type3A_438, %cond3A_439 : i32
          scf.if %cond3A_440 {
            %sub3A_464 = arith.constant 8 : i32
            %sub3A_465 = arith.subi %add3A_385, %sub3A_464 : i32
            %mul3A_466 = arith.constant 24 : i32
            %mul3A_467 = arith.muli %sub3A_465, %mul3A_466 : i32
            %add3A_468 = arith.addi %mul3A_5, %mul3A_467 : i32
            %dma_wait3A_469 = arith.constant 5 : i32
            %dma_wait3A_470 = arith.constant 5 : i32
            %dma_wait3A_471 = arith.constant 0 : i32
            %dma_wait3A_472 = arith.constant 0 : i32
            %dma_wait3A_473 = arith.constant 0 : i32
            %dma_wait3A_474 = tpu.memref_slice %arg10[%dma_wait3A_469, %dma_wait3A_471, %dma_wait3A_472, %dma_wait3A_473] : memref<8x24x4x128xf32, #tpu.memory_space<vmem>> -> memref<1x24x4x128xf32, #tpu.memory_space<vmem>>
            %dma_wait3A_475 = tpu.memref_squeeze %dma_wait3A_474 : memref<1x24x4x128xf32, #tpu.memory_space<vmem>> -> memref<24x4x128xf32, #tpu.memory_space<vmem>>
            %dma_wait3A_476 = arith.constant 0 : i32
            %dma_wait3A_477 = arith.constant 0 : i32
            %dma_wait3A_478 = tpu.memref_slice %arg5[%add3A_468, %dma_wait3A_476, %dma_wait3A_477] : memref<100000x4x128xf32, #tpu.memory_space<hbm>> -> memref<24x4x128xf32, #tpu.memory_space<hbm>>
            %dma_wait3A_479 = tpu.memref_slice %arg12[%dma_wait3A_470] : memref<8x!tpu.dma_semaphore, #tpu.memory_space<semaphore_mem>> -> memref<1x!tpu.dma_semaphore, #tpu.memory_space<semaphore_mem>>
            %dma_wait3A_480 = tpu.memref_squeeze %dma_wait3A_479 : memref<1x!tpu.dma_semaphore, #tpu.memory_space<semaphore_mem>> -> memref<!tpu.dma_semaphore, #tpu.memory_space<semaphore_mem>>
            %dma_wait3A_481 = arith.constant 0 : i32
            %dma_wait3A_482 = arith.constant 0 : i32
            %dma_wait3A_483 = tpu.memref_slice %arg5[%add3A_468, %dma_wait3A_481, %dma_wait3A_482] : memref<100000x4x128xf32, #tpu.memory_space<hbm>> -> memref<24x4x128xf32, #tpu.memory_space<hbm>>
            %dma_wait3A_484 = arith.constant 0 : i32
            %dma_wait3A_485 = arith.constant 0 : i32
            %dma_wait3A_486 = arith.constant 0 : i32
            %dma_wait3A_487 = tpu.memref_slice %arg10[%dma_wait3A_469, %dma_wait3A_484, %dma_wait3A_485, %dma_wait3A_486] : memref<8x24x4x128xf32, #tpu.memory_space<vmem>> -> memref<1x24x4x128xf32, #tpu.memory_space<vmem>>
            %dma_wait3A_488 = tpu.memref_squeeze %dma_wait3A_487 : memref<1x24x4x128xf32, #tpu.memory_space<vmem>> -> memref<24x4x128xf32, #tpu.memory_space<vmem>>
            tpu.wait_dma2 semaphore(%dma_wait3A_480 : memref<!tpu.dma_semaphore, #tpu.memory_space<semaphore_mem>>) src(%dma_wait3A_488 : memref<24x4x128xf32, #tpu.memory_space<vmem>>) dst(%dma_wait3A_483 : memref<24x4x128xf32, #tpu.memory_space<hbm>>)
          } else {
          }
          %mul3A_441 = arith.constant 24 : i32
          %mul3A_442 = arith.muli %add3A_385, %mul3A_441 : i32
          %add3A_443 = arith.addi %mul3A_5, %mul3A_442 : i32
          %dma_start3A_444 = arith.constant 5 : i32
          %dma_start3A_445 = arith.constant 5 : i32
          %dma_start3A_446 = arith.constant 0 : i32
          %dma_start3A_447 = arith.constant 0 : i32
          %dma_start3A_448 = arith.constant 0 : i32
          %dma_start3A_449 = tpu.memref_slice %arg10[%dma_start3A_444, %dma_start3A_446, %dma_start3A_447, %dma_start3A_448] : memref<8x24x4x128xf32, #tpu.memory_space<vmem>> -> memref<1x24x4x128xf32, #tpu.memory_space<vmem>>
          %dma_start3A_450 = tpu.memref_squeeze %dma_start3A_449 : memref<1x24x4x128xf32, #tpu.memory_space<vmem>> -> memref<24x4x128xf32, #tpu.memory_space<vmem>>
          %dma_start3A_451 = arith.constant 0 : i32
          %dma_start3A_452 = arith.constant 0 : i32
          %dma_start3A_453 = tpu.memref_slice %arg2[%add3A_443, %dma_start3A_451, %dma_start3A_452] : memref<100000x4x128xf32, #tpu.memory_space<hbm>> -> memref<24x4x128xf32, #tpu.memory_space<hbm>>
          %dma_start3A_454 = tpu.memref_slice %arg11[%dma_start3A_445] : memref<8x!tpu.dma_semaphore, #tpu.memory_space<semaphore_mem>> -> memref<1x!tpu.dma_semaphore, #tpu.memory_space<semaphore_mem>>
          %dma_start3A_455 = tpu.memref_squeeze %dma_start3A_454 : memref<1x!tpu.dma_semaphore, #tpu.memory_space<semaphore_mem>> -> memref<!tpu.dma_semaphore, #tpu.memory_space<semaphore_mem>>
          %dma_start3A_456 = arith.constant 0 : i32
          %dma_start3A_457 = arith.constant 0 : i32
          %dma_start3A_458 = arith.constant 0 : i32
          %dma_start3A_459 = tpu.memref_slice %arg10[%dma_start3A_444, %dma_start3A_456, %dma_start3A_457, %dma_start3A_458] : memref<8x24x4x128xf32, #tpu.memory_space<vmem>> -> memref<1x24x4x128xf32, #tpu.memory_space<vmem>>
          %dma_start3A_460 = tpu.memref_squeeze %dma_start3A_459 : memref<1x24x4x128xf32, #tpu.memory_space<vmem>> -> memref<24x4x128xf32, #tpu.memory_space<vmem>>
          %dma_start3A_461 = arith.constant 0 : i32
          %dma_start3A_462 = arith.constant 0 : i32
          %dma_start3A_463 = tpu.memref_slice %arg2[%add3A_443, %dma_start3A_461, %dma_start3A_462] : memref<100000x4x128xf32, #tpu.memory_space<hbm>> -> memref<24x4x128xf32, #tpu.memory_space<hbm>>
          tpu.enqueue_dma source(%dma_start3A_463 : memref<24x4x128xf32, #tpu.memory_space<hbm>>) target(%dma_start3A_460 : memref<24x4x128xf32, #tpu.memory_space<vmem>>) target_semaphore(%dma_start3A_455 : memref<!tpu.dma_semaphore, #tpu.memory_space<semaphore_mem>>)
        } else {
        }
        %mul3A_391 = arith.constant 24 : i32
        %mul3A_392 = arith.muli %add3A_377, %mul3A_391 : i32
        %add3A_393 = arith.addi %mul3A_5, %mul3A_392 : i32
        %dma_wait3A_394 = arith.constant 1 : i32
        %dma_wait3A_395 = arith.constant 1 : i32
        %dma_wait3A_396 = arith.constant 0 : i32
        %dma_wait3A_397 = arith.constant 0 : i32
        %dma_wait3A_398 = arith.constant 0 : i32
        %dma_wait3A_399 = tpu.memref_slice %arg10[%dma_wait3A_394, %dma_wait3A_396, %dma_wait3A_397, %dma_wait3A_398] : memref<8x24x4x128xf32, #tpu.memory_space<vmem>> -> memref<1x24x4x128xf32, #tpu.memory_space<vmem>>
        %dma_wait3A_400 = tpu.memref_squeeze %dma_wait3A_399 : memref<1x24x4x128xf32, #tpu.memory_space<vmem>> -> memref<24x4x128xf32, #tpu.memory_space<vmem>>
        %dma_wait3A_401 = arith.constant 0 : i32
        %dma_wait3A_402 = arith.constant 0 : i32
        %dma_wait3A_403 = tpu.memref_slice %arg2[%add3A_393, %dma_wait3A_401, %dma_wait3A_402] : memref<100000x4x128xf32, #tpu.memory_space<hbm>> -> memref<24x4x128xf32, #tpu.memory_space<hbm>>
        %dma_wait3A_404 = tpu.memref_slice %arg11[%dma_wait3A_395] : memref<8x!tpu.dma_semaphore, #tpu.memory_space<semaphore_mem>> -> memref<1x!tpu.dma_semaphore, #tpu.memory_space<semaphore_mem>>
        %dma_wait3A_405 = tpu.memref_squeeze %dma_wait3A_404 : memref<1x!tpu.dma_semaphore, #tpu.memory_space<semaphore_mem>> -> memref<!tpu.dma_semaphore, #tpu.memory_space<semaphore_mem>>
        %dma_wait3A_406 = arith.constant 0 : i32
        %dma_wait3A_407 = arith.constant 0 : i32
        %dma_wait3A_408 = arith.constant 0 : i32
        %dma_wait3A_409 = tpu.memref_slice %arg10[%dma_wait3A_394, %dma_wait3A_406, %dma_wait3A_407, %dma_wait3A_408] : memref<8x24x4x128xf32, #tpu.memory_space<vmem>> -> memref<1x24x4x128xf32, #tpu.memory_space<vmem>>
        %dma_wait3A_410 = tpu.memref_squeeze %dma_wait3A_409 : memref<1x24x4x128xf32, #tpu.memory_space<vmem>> -> memref<24x4x128xf32, #tpu.memory_space<vmem>>
        %dma_wait3A_411 = arith.constant 0 : i32
        %dma_wait3A_412 = arith.constant 0 : i32
        %dma_wait3A_413 = tpu.memref_slice %arg2[%add3A_393, %dma_wait3A_411, %dma_wait3A_412] : memref<100000x4x128xf32, #tpu.memory_space<hbm>> -> memref<24x4x128xf32, #tpu.memory_space<hbm>>
        tpu.wait_dma2 semaphore(%dma_wait3A_405 : memref<!tpu.dma_semaphore, #tpu.memory_space<semaphore_mem>>) src(%dma_wait3A_413 : memref<24x4x128xf32, #tpu.memory_space<hbm>>) dst(%dma_wait3A_410 : memref<24x4x128xf32, #tpu.memory_space<vmem>>)
        %dma_start3A_414 = arith.constant 1 : i32
        %dma_start3A_415 = arith.constant 1 : i32
        %dma_start3A_416 = arith.constant 0 : i32
        %dma_start3A_417 = arith.constant 0 : i32
        %dma_start3A_418 = arith.constant 0 : i32
        %dma_start3A_419 = tpu.memref_slice %arg10[%dma_start3A_414, %dma_start3A_416, %dma_start3A_417, %dma_start3A_418] : memref<8x24x4x128xf32, #tpu.memory_space<vmem>> -> memref<1x24x4x128xf32, #tpu.memory_space<vmem>>
        %dma_start3A_420 = tpu.memref_squeeze %dma_start3A_419 : memref<1x24x4x128xf32, #tpu.memory_space<vmem>> -> memref<24x4x128xf32, #tpu.memory_space<vmem>>
        %dma_start3A_421 = arith.constant 0 : i32
        %dma_start3A_422 = arith.constant 0 : i32
        %dma_start3A_423 = tpu.memref_slice %arg5[%add3A_393, %dma_start3A_421, %dma_start3A_422] : memref<100000x4x128xf32, #tpu.memory_space<hbm>> -> memref<24x4x128xf32, #tpu.memory_space<hbm>>
        %dma_start3A_424 = tpu.memref_slice %arg12[%dma_start3A_415] : memref<8x!tpu.dma_semaphore, #tpu.memory_space<semaphore_mem>> -> memref<1x!tpu.dma_semaphore, #tpu.memory_space<semaphore_mem>>
        %dma_start3A_425 = tpu.memref_squeeze %dma_start3A_424 : memref<1x!tpu.dma_semaphore, #tpu.memory_space<semaphore_mem>> -> memref<!tpu.dma_semaphore, #tpu.memory_space<semaphore_mem>>
        %dma_start3A_426 = arith.constant 0 : i32
        %dma_start3A_427 = arith.constant 0 : i32
        %dma_start3A_428 = tpu.memref_slice %arg5[%add3A_393, %dma_start3A_426, %dma_start3A_427] : memref<100000x4x128xf32, #tpu.memory_space<hbm>> -> memref<24x4x128xf32, #tpu.memory_space<hbm>>
        %dma_start3A_429 = arith.constant 0 : i32
        %dma_start3A_430 = arith.constant 0 : i32
        %dma_start3A_431 = arith.constant 0 : i32
        %dma_start3A_432 = tpu.memref_slice %arg10[%dma_start3A_414, %dma_start3A_429, %dma_start3A_430, %dma_start3A_431] : memref<8x24x4x128xf32, #tpu.memory_space<vmem>> -> memref<1x24x4x128xf32, #tpu.memory_space<vmem>>
        %dma_start3A_433 = tpu.memref_squeeze %dma_start3A_432 : memref<1x24x4x128xf32, #tpu.memory_space<vmem>> -> memref<24x4x128xf32, #tpu.memory_space<vmem>>
        tpu.enqueue_dma source(%dma_start3A_433 : memref<24x4x128xf32, #tpu.memory_space<vmem>>) target(%dma_start3A_428 : memref<24x4x128xf32, #tpu.memory_space<hbm>>) target_semaphore(%dma_start3A_425 : memref<!tpu.dma_semaphore, #tpu.memory_space<semaphore_mem>>)
      } else {
      }
      %mul3A_320 = arith.constant 8 : i32
      %mul3A_321 = arith.muli %scan3A_301, %mul3A_320 : i32
      %add3A_322 = arith.constant 2 : i32
      %add3A_323 = arith.addi %mul3A_321, %add3A_322 : i32
      %lt3A_324 = arith.constant 130 : i32
      %lt3A_325 = arith.cmpi slt, %add3A_323, %lt3A_324 : i32
      %convert_element_type3A_326 = arith.extui %lt3A_325 : i1 to i32
      %cond3A_327 = arith.constant 0 : i32
      %cond3A_328 = arith.cmpi ne, %convert_element_type3A_326, %cond3A_327 : i32
      scf.if %cond3A_328 {
        %mul3A_374 = arith.constant 8 : i32
        %mul3A_375 = arith.muli %scan3A_301, %mul3A_374 : i32
        %add3A_376 = arith.constant 2 : i32
        %add3A_377 = arith.addi %mul3A_375, %add3A_376 : i32
        %scan3A_378 = arith.constant 0 : i32
        %scan3A_379 = arith.constant 0 : i32
        %scan3A_380 = arith.constant 10 : i32
        %scan3A_381 = arith.addi %scan3A_379, %scan3A_380 : i32
        %scan3A_382 = arith.constant 1 : i32
        scf.for %scan3A_434 = %scan3A_379 to %scan3A_381 step %scan3A_382  : i32 {
          %mul3A_435 = arith.constant 10 : i32
          %mul3A_436 = arith.muli %add3A_377, %mul3A_435 : i32
          %add3A_437 = arith.addi %mul3A_436, %scan3A_434 : i32
          %lt3A_438 = arith.constant 196 : i32
          %lt3A_439 = arith.cmpi slt, %add3A_437, %lt3A_438 : i32
          %convert_element_type3A_440 = arith.extui %lt3A_439 : i1 to i32
          %cond3A_441 = arith.constant 0 : i32
          %cond3A_442 = arith.cmpi ne, %convert_element_type3A_440, %cond3A_441 : i32
          scf.if %cond3A_442 {
            %mul3A_451 = arith.constant 16 : i32
            %mul3A_452 = arith.muli %add3A_437, %mul3A_451 : i32
            %swap3A = arith.index_cast %mul3A_452 : i32 to index
            %swap3A_453 = tpu.vector_load %arg7[%swap3A] {strides = array<i32>} : memref<3136xi32, #tpu.memory_space<vmem>>, vector<16xi32>,
            tpu.vector_store %arg7[%swap3A], %broadcast_in_dim3A_14 {strides = array<i32>} : memref<3136xi32, #tpu.memory_space<vmem>>, vector<16xi32>,
          } else {
          }
          %ge3A_443 = arith.constant 196 : i32
          %ge3A_444 = arith.cmpi sge, %add3A_437, %ge3A_443 : i32
          %lt3A_445 = arith.constant 1220 : i32
          %lt3A_446 = arith.cmpi slt, %add3A_437, %lt3A_445 : i32
          %and3A_447 = arith.andi %ge3A_444, %lt3A_446 : i1
          %convert_element_type3A_448 = arith.extui %and3A_447 : i1 to i32
          %cond3A_449 = arith.constant 0 : i32
          %cond3A_450 = arith.cmpi ne, %convert_element_type3A_448, %cond3A_449 : i32
          scf.if %cond3A_450 {
            %sub3A_451 = arith.constant 196 : i32
            %sub3A_452 = arith.subi %add3A_437, %sub3A_451 : i32
            %mul3A_453 = arith.constant 16 : i32
            %mul3A_454 = arith.muli %sub3A_452, %mul3A_453 : i32
            %get3A = arith.index_cast %mul3A_454 : i32 to index
            %get3A_455 = tpu.vector_load %arg6[%get3A] {strides = array<i32>} : memref<16384xi32, #tpu.memory_space<vmem>>, vector<16xi32>,
            %ge3A_456 = vector.broadcast %mul3A_5 : i32 to vector<16xi32>
            %ge3A_457 = arith.cmpi sge, %get3A_455, %ge3A_456 : vector<16xi32>
            %lt3A_458 = vector.broadcast %mul3A_13 : i32 to vector<16xi32>
            %lt3A_459 = arith.cmpi slt, %get3A_455, %lt3A_458 : vector<16xi32>
            %and3A_460 = arith.andi %ge3A_457, %lt3A_459 : vector<16xi1>
            %unique3A, %unique3A_461 = tpu.scan_count mask(%and3A_460 : vector<16xi1>) value(%get3A_455 : vector<16xi32>) : vector<16xi1>, vector<16xi32>
            %and3A_462 = arith.andi %unique3A, %and3A_460 : vector<16xi1>
            %sub3A_463 = vector.broadcast %mul3A_5 : i32 to vector<16xi32>
            %sub3A_464 = arith.subi %get3A_455, %sub3A_463 : vector<16xi32>
            %jit3A = arith.constant 0 : i32
            %broadcast_in_dim3A_465 = vector.broadcast %jit3A : i32 to vector<16xi32>
            %select_n3A = arith.select %and3A_462, %sub3A_464, %broadcast_in_dim3A_465 : vector<16xi1>, vector<16xi32>
            %mul3A_466 = arith.constant 16 : i32
            %mul3A_467 = arith.muli %sub3A_452, %mul3A_466 : i32
            %add3A_468 = vector.broadcast %mul3A_467 : i32 to vector<16xi32>
            %add3A_469 = arith.addi %add3A_468, %iota3A : vector<16xi32>
            tpu.vector_store_idx %arg7[%select_n3A], %add3A_469 masked %and3A_462 : memref<3136xi32, #tpu.memory_space<vmem>>[vector<16xi32>], vector<16xi32>, vector<16xi1>
          } else {
          }
        }
        %scan3A_383 = arith.constant 10 : i32
        %add3A_384 = arith.constant 4 : i32
        %add3A_385 = arith.addi %add3A_377, %add3A_384 : i32
        %lt3A_386 = arith.constant 130 : i32
        %lt3A_387 = arith.cmpi slt, %add3A_385, %lt3A_386 : i32
        %convert_element_type3A_388 = arith.extui %lt3A_387 : i1 to i32
        %cond3A_389 = arith.constant 0 : i32
        %cond3A_390 = arith.cmpi ne, %convert_element_type3A_388, %cond3A_389 : i32
        scf.if %cond3A_390 {
          %sub3A_434 = arith.constant 8 : i32
          %sub3A_435 = arith.subi %add3A_385, %sub3A_434 : i32
          %ge3A_436 = arith.constant 0 : i32
          %ge3A_437 = arith.cmpi sge, %sub3A_435, %ge3A_436 : i32
          %convert_element_type3A_438 = arith.extui %ge3A_437 : i1 to i32
          %cond3A_439 = arith.constant 0 : i32
          %cond3A_440 = arith.cmpi ne, %convert_element_type3A_438, %cond3A_439 : i32
          scf.if %cond3A_440 {
            %sub3A_464 = arith.constant 8 : i32
            %sub3A_465 = arith.subi %add3A_385, %sub3A_464 : i32
            %mul3A_466 = arith.constant 24 : i32
            %mul3A_467 = arith.muli %sub3A_465, %mul3A_466 : i32
            %add3A_468 = arith.addi %mul3A_5, %mul3A_467 : i32
            %dma_wait3A_469 = arith.constant 6 : i32
            %dma_wait3A_470 = arith.constant 6 : i32
            %dma_wait3A_471 = arith.constant 0 : i32
            %dma_wait3A_472 = arith.constant 0 : i32
            %dma_wait3A_473 = arith.constant 0 : i32
            %dma_wait3A_474 = tpu.memref_slice %arg10[%dma_wait3A_469, %dma_wait3A_471, %dma_wait3A_472, %dma_wait3A_473] : memref<8x24x4x128xf32, #tpu.memory_space<vmem>> -> memref<1x24x4x128xf32, #tpu.memory_space<vmem>>
            %dma_wait3A_475 = tpu.memref_squeeze %dma_wait3A_474 : memref<1x24x4x128xf32, #tpu.memory_space<vmem>> -> memref<24x4x128xf32, #tpu.memory_space<vmem>>
            %dma_wait3A_476 = arith.constant 0 : i32
            %dma_wait3A_477 = arith.constant 0 : i32
            %dma_wait3A_478 = tpu.memref_slice %arg5[%add3A_468, %dma_wait3A_476, %dma_wait3A_477] : memref<100000x4x128xf32, #tpu.memory_space<hbm>> -> memref<24x4x128xf32, #tpu.memory_space<hbm>>
            %dma_wait3A_479 = tpu.memref_slice %arg12[%dma_wait3A_470] : memref<8x!tpu.dma_semaphore, #tpu.memory_space<semaphore_mem>> -> memref<1x!tpu.dma_semaphore, #tpu.memory_space<semaphore_mem>>
            %dma_wait3A_480 = tpu.memref_squeeze %dma_wait3A_479 : memref<1x!tpu.dma_semaphore, #tpu.memory_space<semaphore_mem>> -> memref<!tpu.dma_semaphore, #tpu.memory_space<semaphore_mem>>
            %dma_wait3A_481 = arith.constant 0 : i32
            %dma_wait3A_482 = arith.constant 0 : i32
            %dma_wait3A_483 = tpu.memref_slice %arg5[%add3A_468, %dma_wait3A_481, %dma_wait3A_482] : memref<100000x4x128xf32, #tpu.memory_space<hbm>> -> memref<24x4x128xf32, #tpu.memory_space<hbm>>
            %dma_wait3A_484 = arith.constant 0 : i32
            %dma_wait3A_485 = arith.constant 0 : i32
            %dma_wait3A_486 = arith.constant 0 : i32
            %dma_wait3A_487 = tpu.memref_slice %arg10[%dma_wait3A_469, %dma_wait3A_484, %dma_wait3A_485, %dma_wait3A_486] : memref<8x24x4x128xf32, #tpu.memory_space<vmem>> -> memref<1x24x4x128xf32, #tpu.memory_space<vmem>>
            %dma_wait3A_488 = tpu.memref_squeeze %dma_wait3A_487 : memref<1x24x4x128xf32, #tpu.memory_space<vmem>> -> memref<24x4x128xf32, #tpu.memory_space<vmem>>
            tpu.wait_dma2 semaphore(%dma_wait3A_480 : memref<!tpu.dma_semaphore, #tpu.memory_space<semaphore_mem>>) src(%dma_wait3A_488 : memref<24x4x128xf32, #tpu.memory_space<vmem>>) dst(%dma_wait3A_483 : memref<24x4x128xf32, #tpu.memory_space<hbm>>)
          } else {
          }
          %mul3A_441 = arith.constant 24 : i32
          %mul3A_442 = arith.muli %add3A_385, %mul3A_441 : i32
          %add3A_443 = arith.addi %mul3A_5, %mul3A_442 : i32
          %dma_start3A_444 = arith.constant 6 : i32
          %dma_start3A_445 = arith.constant 6 : i32
          %dma_start3A_446 = arith.constant 0 : i32
          %dma_start3A_447 = arith.constant 0 : i32
          %dma_start3A_448 = arith.constant 0 : i32
          %dma_start3A_449 = tpu.memref_slice %arg10[%dma_start3A_444, %dma_start3A_446, %dma_start3A_447, %dma_start3A_448] : memref<8x24x4x128xf32, #tpu.memory_space<vmem>> -> memref<1x24x4x128xf32, #tpu.memory_space<vmem>>
          %dma_start3A_450 = tpu.memref_squeeze %dma_start3A_449 : memref<1x24x4x128xf32, #tpu.memory_space<vmem>> -> memref<24x4x128xf32, #tpu.memory_space<vmem>>
          %dma_start3A_451 = arith.constant 0 : i32
          %dma_start3A_452 = arith.constant 0 : i32
          %dma_start3A_453 = tpu.memref_slice %arg2[%add3A_443, %dma_start3A_451, %dma_start3A_452] : memref<100000x4x128xf32, #tpu.memory_space<hbm>> -> memref<24x4x128xf32, #tpu.memory_space<hbm>>
          %dma_start3A_454 = tpu.memref_slice %arg11[%dma_start3A_445] : memref<8x!tpu.dma_semaphore, #tpu.memory_space<semaphore_mem>> -> memref<1x!tpu.dma_semaphore, #tpu.memory_space<semaphore_mem>>
          %dma_start3A_455 = tpu.memref_squeeze %dma_start3A_454 : memref<1x!tpu.dma_semaphore, #tpu.memory_space<semaphore_mem>> -> memref<!tpu.dma_semaphore, #tpu.memory_space<semaphore_mem>>
          %dma_start3A_456 = arith.constant 0 : i32
          %dma_start3A_457 = arith.constant 0 : i32
          %dma_start3A_458 = arith.constant 0 : i32
          %dma_start3A_459 = tpu.memref_slice %arg10[%dma_start3A_444, %dma_start3A_456, %dma_start3A_457, %dma_start3A_458] : memref<8x24x4x128xf32, #tpu.memory_space<vmem>> -> memref<1x24x4x128xf32, #tpu.memory_space<vmem>>
          %dma_start3A_460 = tpu.memref_squeeze %dma_start3A_459 : memref<1x24x4x128xf32, #tpu.memory_space<vmem>> -> memref<24x4x128xf32, #tpu.memory_space<vmem>>
          %dma_start3A_461 = arith.constant 0 : i32
          %dma_start3A_462 = arith.constant 0 : i32
          %dma_start3A_463 = tpu.memref_slice %arg2[%add3A_443, %dma_start3A_461, %dma_start3A_462] : memref<100000x4x128xf32, #tpu.memory_space<hbm>> -> memref<24x4x128xf32, #tpu.memory_space<hbm>>
          tpu.enqueue_dma source(%dma_start3A_463 : memref<24x4x128xf32, #tpu.memory_space<hbm>>) target(%dma_start3A_460 : memref<24x4x128xf32, #tpu.memory_space<vmem>>) target_semaphore(%dma_start3A_455 : memref<!tpu.dma_semaphore, #tpu.memory_space<semaphore_mem>>)
        } else {
        }
        %mul3A_391 = arith.constant 24 : i32
        %mul3A_392 = arith.muli %add3A_377, %mul3A_391 : i32
        %add3A_393 = arith.addi %mul3A_5, %mul3A_392 : i32
        %dma_wait3A_394 = arith.constant 2 : i32
        %dma_wait3A_395 = arith.constant 2 : i32
        %dma_wait3A_396 = arith.constant 0 : i32
        %dma_wait3A_397 = arith.constant 0 : i32
        %dma_wait3A_398 = arith.constant 0 : i32
        %dma_wait3A_399 = tpu.memref_slice %arg10[%dma_wait3A_394, %dma_wait3A_396, %dma_wait3A_397, %dma_wait3A_398] : memref<8x24x4x128xf32, #tpu.memory_space<vmem>> -> memref<1x24x4x128xf32, #tpu.memory_space<vmem>>
        %dma_wait3A_400 = tpu.memref_squeeze %dma_wait3A_399 : memref<1x24x4x128xf32, #tpu.memory_space<vmem>> -> memref<24x4x128xf32, #tpu.memory_space<vmem>>
        %dma_wait3A_401 = arith.constant 0 : i32
        %dma_wait3A_402 = arith.constant 0 : i32
        %dma_wait3A_403 = tpu.memref_slice %arg2[%add3A_393, %dma_wait3A_401, %dma_wait3A_402] : memref<100000x4x128xf32, #tpu.memory_space<hbm>> -> memref<24x4x128xf32, #tpu.memory_space<hbm>>
        %dma_wait3A_404 = tpu.memref_slice %arg11[%dma_wait3A_395] : memref<8x!tpu.dma_semaphore, #tpu.memory_space<semaphore_mem>> -> memref<1x!tpu.dma_semaphore, #tpu.memory_space<semaphore_mem>>
        %dma_wait3A_405 = tpu.memref_squeeze %dma_wait3A_404 : memref<1x!tpu.dma_semaphore, #tpu.memory_space<semaphore_mem>> -> memref<!tpu.dma_semaphore, #tpu.memory_space<semaphore_mem>>
        %dma_wait3A_406 = arith.constant 0 : i32
        %dma_wait3A_407 = arith.constant 0 : i32
        %dma_wait3A_408 = arith.constant 0 : i32
        %dma_wait3A_409 = tpu.memref_slice %arg10[%dma_wait3A_394, %dma_wait3A_406, %dma_wait3A_407, %dma_wait3A_408] : memref<8x24x4x128xf32, #tpu.memory_space<vmem>> -> memref<1x24x4x128xf32, #tpu.memory_space<vmem>>
        %dma_wait3A_410 = tpu.memref_squeeze %dma_wait3A_409 : memref<1x24x4x128xf32, #tpu.memory_space<vmem>> -> memref<24x4x128xf32, #tpu.memory_space<vmem>>
        %dma_wait3A_411 = arith.constant 0 : i32
        %dma_wait3A_412 = arith.constant 0 : i32
        %dma_wait3A_413 = tpu.memref_slice %arg2[%add3A_393, %dma_wait3A_411, %dma_wait3A_412] : memref<100000x4x128xf32, #tpu.memory_space<hbm>> -> memref<24x4x128xf32, #tpu.memory_space<hbm>>
        tpu.wait_dma2 semaphore(%dma_wait3A_405 : memref<!tpu.dma_semaphore, #tpu.memory_space<semaphore_mem>>) src(%dma_wait3A_413 : memref<24x4x128xf32, #tpu.memory_space<hbm>>) dst(%dma_wait3A_410 : memref<24x4x128xf32, #tpu.memory_space<vmem>>)
        %dma_start3A_414 = arith.constant 2 : i32
        %dma_start3A_415 = arith.constant 2 : i32
        %dma_start3A_416 = arith.constant 0 : i32
        %dma_start3A_417 = arith.constant 0 : i32
        %dma_start3A_418 = arith.constant 0 : i32
        %dma_start3A_419 = tpu.memref_slice %arg10[%dma_start3A_414, %dma_start3A_416, %dma_start3A_417, %dma_start3A_418] : memref<8x24x4x128xf32, #tpu.memory_space<vmem>> -> memref<1x24x4x128xf32, #tpu.memory_space<vmem>>
        %dma_start3A_420 = tpu.memref_squeeze %dma_start3A_419 : memref<1x24x4x128xf32, #tpu.memory_space<vmem>> -> memref<24x4x128xf32, #tpu.memory_space<vmem>>
        %dma_start3A_421 = arith.constant 0 : i32
        %dma_start3A_422 = arith.constant 0 : i32
        %dma_start3A_423 = tpu.memref_slice %arg5[%add3A_393, %dma_start3A_421, %dma_start3A_422] : memref<100000x4x128xf32, #tpu.memory_space<hbm>> -> memref<24x4x128xf32, #tpu.memory_space<hbm>>
        %dma_start3A_424 = tpu.memref_slice %arg12[%dma_start3A_415] : memref<8x!tpu.dma_semaphore, #tpu.memory_space<semaphore_mem>> -> memref<1x!tpu.dma_semaphore, #tpu.memory_space<semaphore_mem>>
        %dma_start3A_425 = tpu.memref_squeeze %dma_start3A_424 : memref<1x!tpu.dma_semaphore, #tpu.memory_space<semaphore_mem>> -> memref<!tpu.dma_semaphore, #tpu.memory_space<semaphore_mem>>
        %dma_start3A_426 = arith.constant 0 : i32
        %dma_start3A_427 = arith.constant 0 : i32
        %dma_start3A_428 = tpu.memref_slice %arg5[%add3A_393, %dma_start3A_426, %dma_start3A_427] : memref<100000x4x128xf32, #tpu.memory_space<hbm>> -> memref<24x4x128xf32, #tpu.memory_space<hbm>>
        %dma_start3A_429 = arith.constant 0 : i32
        %dma_start3A_430 = arith.constant 0 : i32
        %dma_start3A_431 = arith.constant 0 : i32
        %dma_start3A_432 = tpu.memref_slice %arg10[%dma_start3A_414, %dma_start3A_429, %dma_start3A_430, %dma_start3A_431] : memref<8x24x4x128xf32, #tpu.memory_space<vmem>> -> memref<1x24x4x128xf32, #tpu.memory_space<vmem>>
        %dma_start3A_433 = tpu.memref_squeeze %dma_start3A_432 : memref<1x24x4x128xf32, #tpu.memory_space<vmem>> -> memref<24x4x128xf32, #tpu.memory_space<vmem>>
        tpu.enqueue_dma source(%dma_start3A_433 : memref<24x4x128xf32, #tpu.memory_space<vmem>>) target(%dma_start3A_428 : memref<24x4x128xf32, #tpu.memory_space<hbm>>) target_semaphore(%dma_start3A_425 : memref<!tpu.dma_semaphore, #tpu.memory_space<semaphore_mem>>)
      } else {
      }
      %mul3A_329 = arith.constant 8 : i32
      %mul3A_330 = arith.muli %scan3A_301, %mul3A_329 : i32
      %add3A_331 = arith.constant 3 : i32
      %add3A_332 = arith.addi %mul3A_330, %add3A_331 : i32
      %lt3A_333 = arith.constant 130 : i32
      %lt3A_334 = arith.cmpi slt, %add3A_332, %lt3A_333 : i32
      %convert_element_type3A_335 = arith.extui %lt3A_334 : i1 to i32
      %cond3A_336 = arith.constant 0 : i32
      %cond3A_337 = arith.cmpi ne, %convert_element_type3A_335, %cond3A_336 : i32
      scf.if %cond3A_337 {
        %mul3A_374 = arith.constant 8 : i32
        %mul3A_375 = arith.muli %scan3A_301, %mul3A_374 : i32
        %add3A_376 = arith.constant 3 : i32
        %add3A_377 = arith.addi %mul3A_375, %add3A_376 : i32
        %scan3A_378 = arith.constant 0 : i32
        %scan3A_379 = arith.constant 0 : i32
        %scan3A_380 = arith.constant 10 : i32
        %scan3A_381 = arith.addi %scan3A_379, %scan3A_380 : i32
        %scan3A_382 = arith.constant 1 : i32
        scf.for %scan3A_434 = %scan3A_379 to %scan3A_381 step %scan3A_382  : i32 {
          %mul3A_435 = arith.constant 10 : i32
          %mul3A_436 = arith.muli %add3A_377, %mul3A_435 : i32
          %add3A_437 = arith.addi %mul3A_436, %scan3A_434 : i32
          %lt3A_438 = arith.constant 196 : i32
          %lt3A_439 = arith.cmpi slt, %add3A_437, %lt3A_438 : i32
          %convert_element_type3A_440 = arith.extui %lt3A_439 : i1 to i32
          %cond3A_441 = arith.constant 0 : i32
          %cond3A_442 = arith.cmpi ne, %convert_element_type3A_440, %cond3A_441 : i32
          scf.if %cond3A_442 {
            %mul3A_451 = arith.constant 16 : i32
            %mul3A_452 = arith.muli %add3A_437, %mul3A_451 : i32
            %swap3A = arith.index_cast %mul3A_452 : i32 to index
            %swap3A_453 = tpu.vector_load %arg7[%swap3A] {strides = array<i32>} : memref<3136xi32, #tpu.memory_space<vmem>>, vector<16xi32>,
            tpu.vector_store %arg7[%swap3A], %broadcast_in_dim3A_14 {strides = array<i32>} : memref<3136xi32, #tpu.memory_space<vmem>>, vector<16xi32>,
          } else {
          }
          %ge3A_443 = arith.constant 196 : i32
          %ge3A_444 = arith.cmpi sge, %add3A_437, %ge3A_443 : i32
          %lt3A_445 = arith.constant 1220 : i32
          %lt3A_446 = arith.cmpi slt, %add3A_437, %lt3A_445 : i32
          %and3A_447 = arith.andi %ge3A_444, %lt3A_446 : i1
          %convert_element_type3A_448 = arith.extui %and3A_447 : i1 to i32
          %cond3A_449 = arith.constant 0 : i32
          %cond3A_450 = arith.cmpi ne, %convert_element_type3A_448, %cond3A_449 : i32
          scf.if %cond3A_450 {
            %sub3A_451 = arith.constant 196 : i32
            %sub3A_452 = arith.subi %add3A_437, %sub3A_451 : i32
            %mul3A_453 = arith.constant 16 : i32
            %mul3A_454 = arith.muli %sub3A_452, %mul3A_453 : i32
            %get3A = arith.index_cast %mul3A_454 : i32 to index
            %get3A_455 = tpu.vector_load %arg6[%get3A] {strides = array<i32>} : memref<16384xi32, #tpu.memory_space<vmem>>, vector<16xi32>,
            %ge3A_456 = vector.broadcast %mul3A_5 : i32 to vector<16xi32>
            %ge3A_457 = arith.cmpi sge, %get3A_455, %ge3A_456 : vector<16xi32>
            %lt3A_458 = vector.broadcast %mul3A_13 : i32 to vector<16xi32>
            %lt3A_459 = arith.cmpi slt, %get3A_455, %lt3A_458 : vector<16xi32>
            %and3A_460 = arith.andi %ge3A_457, %lt3A_459 : vector<16xi1>
            %unique3A, %unique3A_461 = tpu.scan_count mask(%and3A_460 : vector<16xi1>) value(%get3A_455 : vector<16xi32>) : vector<16xi1>, vector<16xi32>
            %and3A_462 = arith.andi %unique3A, %and3A_460 : vector<16xi1>
            %sub3A_463 = vector.broadcast %mul3A_5 : i32 to vector<16xi32>
            %sub3A_464 = arith.subi %get3A_455, %sub3A_463 : vector<16xi32>
            %jit3A = arith.constant 0 : i32
            %broadcast_in_dim3A_465 = vector.broadcast %jit3A : i32 to vector<16xi32>
            %select_n3A = arith.select %and3A_462, %sub3A_464, %broadcast_in_dim3A_465 : vector<16xi1>, vector<16xi32>
            %mul3A_466 = arith.constant 16 : i32
            %mul3A_467 = arith.muli %sub3A_452, %mul3A_466 : i32
            %add3A_468 = vector.broadcast %mul3A_467 : i32 to vector<16xi32>
            %add3A_469 = arith.addi %add3A_468, %iota3A : vector<16xi32>
            tpu.vector_store_idx %arg7[%select_n3A], %add3A_469 masked %and3A_462 : memref<3136xi32, #tpu.memory_space<vmem>>[vector<16xi32>], vector<16xi32>, vector<16xi1>
          } else {
          }
        }
        %scan3A_383 = arith.constant 10 : i32
        %add3A_384 = arith.constant 4 : i32
        %add3A_385 = arith.addi %add3A_377, %add3A_384 : i32
        %lt3A_386 = arith.constant 130 : i32
        %lt3A_387 = arith.cmpi slt, %add3A_385, %lt3A_386 : i32
        %convert_element_type3A_388 = arith.extui %lt3A_387 : i1 to i32
        %cond3A_389 = arith.constant 0 : i32
        %cond3A_390 = arith.cmpi ne, %convert_element_type3A_388, %cond3A_389 : i32
        scf.if %cond3A_390 {
          %sub3A_434 = arith.constant 8 : i32
          %sub3A_435 = arith.subi %add3A_385, %sub3A_434 : i32
          %ge3A_436 = arith.constant 0 : i32
          %ge3A_437 = arith.cmpi sge, %sub3A_435, %ge3A_436 : i32
          %convert_element_type3A_438 = arith.extui %ge3A_437 : i1 to i32
          %cond3A_439 = arith.constant 0 : i32
          %cond3A_440 = arith.cmpi ne, %convert_element_type3A_438, %cond3A_439 : i32
          scf.if %cond3A_440 {
            %sub3A_464 = arith.constant 8 : i32
            %sub3A_465 = arith.subi %add3A_385, %sub3A_464 : i32
            %mul3A_466 = arith.constant 24 : i32
            %mul3A_467 = arith.muli %sub3A_465, %mul3A_466 : i32
            %add3A_468 = arith.addi %mul3A_5, %mul3A_467 : i32
            %dma_wait3A_469 = arith.constant 7 : i32
            %dma_wait3A_470 = arith.constant 7 : i32
            %dma_wait3A_471 = arith.constant 0 : i32
            %dma_wait3A_472 = arith.constant 0 : i32
            %dma_wait3A_473 = arith.constant 0 : i32
            %dma_wait3A_474 = tpu.memref_slice %arg10[%dma_wait3A_469, %dma_wait3A_471, %dma_wait3A_472, %dma_wait3A_473] : memref<8x24x4x128xf32, #tpu.memory_space<vmem>> -> memref<1x24x4x128xf32, #tpu.memory_space<vmem>>
            %dma_wait3A_475 = tpu.memref_squeeze %dma_wait3A_474 : memref<1x24x4x128xf32, #tpu.memory_space<vmem>> -> memref<24x4x128xf32, #tpu.memory_space<vmem>>
            %dma_wait3A_476 = arith.constant 0 : i32
            %dma_wait3A_477 = arith.constant 0 : i32
            %dma_wait3A_478 = tpu.memref_slice %arg5[%add3A_468, %dma_wait3A_476, %dma_wait3A_477] : memref<100000x4x128xf32, #tpu.memory_space<hbm>> -> memref<24x4x128xf32, #tpu.memory_space<hbm>>
            %dma_wait3A_479 = tpu.memref_slice %arg12[%dma_wait3A_470] : memref<8x!tpu.dma_semaphore, #tpu.memory_space<semaphore_mem>> -> memref<1x!tpu.dma_semaphore, #tpu.memory_space<semaphore_mem>>
            %dma_wait3A_480 = tpu.memref_squeeze %dma_wait3A_479 : memref<1x!tpu.dma_semaphore, #tpu.memory_space<semaphore_mem>> -> memref<!tpu.dma_semaphore, #tpu.memory_space<semaphore_mem>>
            %dma_wait3A_481 = arith.constant 0 : i32
            %dma_wait3A_482 = arith.constant 0 : i32
            %dma_wait3A_483 = tpu.memref_slice %arg5[%add3A_468, %dma_wait3A_481, %dma_wait3A_482] : memref<100000x4x128xf32, #tpu.memory_space<hbm>> -> memref<24x4x128xf32, #tpu.memory_space<hbm>>
            %dma_wait3A_484 = arith.constant 0 : i32
            %dma_wait3A_485 = arith.constant 0 : i32
            %dma_wait3A_486 = arith.constant 0 : i32
            %dma_wait3A_487 = tpu.memref_slice %arg10[%dma_wait3A_469, %dma_wait3A_484, %dma_wait3A_485, %dma_wait3A_486] : memref<8x24x4x128xf32, #tpu.memory_space<vmem>> -> memref<1x24x4x128xf32, #tpu.memory_space<vmem>>
            %dma_wait3A_488 = tpu.memref_squeeze %dma_wait3A_487 : memref<1x24x4x128xf32, #tpu.memory_space<vmem>> -> memref<24x4x128xf32, #tpu.memory_space<vmem>>
            tpu.wait_dma2 semaphore(%dma_wait3A_480 : memref<!tpu.dma_semaphore, #tpu.memory_space<semaphore_mem>>) src(%dma_wait3A_488 : memref<24x4x128xf32, #tpu.memory_space<vmem>>) dst(%dma_wait3A_483 : memref<24x4x128xf32, #tpu.memory_space<hbm>>)
          } else {
          }
          %mul3A_441 = arith.constant 24 : i32
          %mul3A_442 = arith.muli %add3A_385, %mul3A_441 : i32
          %add3A_443 = arith.addi %mul3A_5, %mul3A_442 : i32
          %dma_start3A_444 = arith.constant 7 : i32
          %dma_start3A_445 = arith.constant 7 : i32
          %dma_start3A_446 = arith.constant 0 : i32
          %dma_start3A_447 = arith.constant 0 : i32
          %dma_start3A_448 = arith.constant 0 : i32
          %dma_start3A_449 = tpu.memref_slice %arg10[%dma_start3A_444, %dma_start3A_446, %dma_start3A_447, %dma_start3A_448] : memref<8x24x4x128xf32, #tpu.memory_space<vmem>> -> memref<1x24x4x128xf32, #tpu.memory_space<vmem>>
          %dma_start3A_450 = tpu.memref_squeeze %dma_start3A_449 : memref<1x24x4x128xf32, #tpu.memory_space<vmem>> -> memref<24x4x128xf32, #tpu.memory_space<vmem>>
          %dma_start3A_451 = arith.constant 0 : i32
          %dma_start3A_452 = arith.constant 0 : i32
          %dma_start3A_453 = tpu.memref_slice %arg2[%add3A_443, %dma_start3A_451, %dma_start3A_452] : memref<100000x4x128xf32, #tpu.memory_space<hbm>> -> memref<24x4x128xf32, #tpu.memory_space<hbm>>
          %dma_start3A_454 = tpu.memref_slice %arg11[%dma_start3A_445] : memref<8x!tpu.dma_semaphore, #tpu.memory_space<semaphore_mem>> -> memref<1x!tpu.dma_semaphore, #tpu.memory_space<semaphore_mem>>
          %dma_start3A_455 = tpu.memref_squeeze %dma_start3A_454 : memref<1x!tpu.dma_semaphore, #tpu.memory_space<semaphore_mem>> -> memref<!tpu.dma_semaphore, #tpu.memory_space<semaphore_mem>>
          %dma_start3A_456 = arith.constant 0 : i32
          %dma_start3A_457 = arith.constant 0 : i32
          %dma_start3A_458 = arith.constant 0 : i32
          %dma_start3A_459 = tpu.memref_slice %arg10[%dma_start3A_444, %dma_start3A_456, %dma_start3A_457, %dma_start3A_458] : memref<8x24x4x128xf32, #tpu.memory_space<vmem>> -> memref<1x24x4x128xf32, #tpu.memory_space<vmem>>
          %dma_start3A_460 = tpu.memref_squeeze %dma_start3A_459 : memref<1x24x4x128xf32, #tpu.memory_space<vmem>> -> memref<24x4x128xf32, #tpu.memory_space<vmem>>
          %dma_start3A_461 = arith.constant 0 : i32
          %dma_start3A_462 = arith.constant 0 : i32
          %dma_start3A_463 = tpu.memref_slice %arg2[%add3A_443, %dma_start3A_461, %dma_start3A_462] : memref<100000x4x128xf32, #tpu.memory_space<hbm>> -> memref<24x4x128xf32, #tpu.memory_space<hbm>>
          tpu.enqueue_dma source(%dma_start3A_463 : memref<24x4x128xf32, #tpu.memory_space<hbm>>) target(%dma_start3A_460 : memref<24x4x128xf32, #tpu.memory_space<vmem>>) target_semaphore(%dma_start3A_455 : memref<!tpu.dma_semaphore, #tpu.memory_space<semaphore_mem>>)
        } else {
        }
        %mul3A_391 = arith.constant 24 : i32
        %mul3A_392 = arith.muli %add3A_377, %mul3A_391 : i32
        %add3A_393 = arith.addi %mul3A_5, %mul3A_392 : i32
        %dma_wait3A_394 = arith.constant 3 : i32
        %dma_wait3A_395 = arith.constant 3 : i32
        %dma_wait3A_396 = arith.constant 0 : i32
        %dma_wait3A_397 = arith.constant 0 : i32
        %dma_wait3A_398 = arith.constant 0 : i32
        %dma_wait3A_399 = tpu.memref_slice %arg10[%dma_wait3A_394, %dma_wait3A_396, %dma_wait3A_397, %dma_wait3A_398] : memref<8x24x4x128xf32, #tpu.memory_space<vmem>> -> memref<1x24x4x128xf32, #tpu.memory_space<vmem>>
        %dma_wait3A_400 = tpu.memref_squeeze %dma_wait3A_399 : memref<1x24x4x128xf32, #tpu.memory_space<vmem>> -> memref<24x4x128xf32, #tpu.memory_space<vmem>>
        %dma_wait3A_401 = arith.constant 0 : i32
        %dma_wait3A_402 = arith.constant 0 : i32
        %dma_wait3A_403 = tpu.memref_slice %arg2[%add3A_393, %dma_wait3A_401, %dma_wait3A_402] : memref<100000x4x128xf32, #tpu.memory_space<hbm>> -> memref<24x4x128xf32, #tpu.memory_space<hbm>>
        %dma_wait3A_404 = tpu.memref_slice %arg11[%dma_wait3A_395] : memref<8x!tpu.dma_semaphore, #tpu.memory_space<semaphore_mem>> -> memref<1x!tpu.dma_semaphore, #tpu.memory_space<semaphore_mem>>
        %dma_wait3A_405 = tpu.memref_squeeze %dma_wait3A_404 : memref<1x!tpu.dma_semaphore, #tpu.memory_space<semaphore_mem>> -> memref<!tpu.dma_semaphore, #tpu.memory_space<semaphore_mem>>
        %dma_wait3A_406 = arith.constant 0 : i32
        %dma_wait3A_407 = arith.constant 0 : i32
        %dma_wait3A_408 = arith.constant 0 : i32
        %dma_wait3A_409 = tpu.memref_slice %arg10[%dma_wait3A_394, %dma_wait3A_406, %dma_wait3A_407, %dma_wait3A_408] : memref<8x24x4x128xf32, #tpu.memory_space<vmem>> -> memref<1x24x4x128xf32, #tpu.memory_space<vmem>>
        %dma_wait3A_410 = tpu.memref_squeeze %dma_wait3A_409 : memref<1x24x4x128xf32, #tpu.memory_space<vmem>> -> memref<24x4x128xf32, #tpu.memory_space<vmem>>
        %dma_wait3A_411 = arith.constant 0 : i32
        %dma_wait3A_412 = arith.constant 0 : i32
        %dma_wait3A_413 = tpu.memref_slice %arg2[%add3A_393, %dma_wait3A_411, %dma_wait3A_412] : memref<100000x4x128xf32, #tpu.memory_space<hbm>> -> memref<24x4x128xf32, #tpu.memory_space<hbm>>
        tpu.wait_dma2 semaphore(%dma_wait3A_405 : memref<!tpu.dma_semaphore, #tpu.memory_space<semaphore_mem>>) src(%dma_wait3A_413 : memref<24x4x128xf32, #tpu.memory_space<hbm>>) dst(%dma_wait3A_410 : memref<24x4x128xf32, #tpu.memory_space<vmem>>)
        %dma_start3A_414 = arith.constant 3 : i32
        %dma_start3A_415 = arith.constant 3 : i32
        %dma_start3A_416 = arith.constant 0 : i32
        %dma_start3A_417 = arith.constant 0 : i32
        %dma_start3A_418 = arith.constant 0 : i32
        %dma_start3A_419 = tpu.memref_slice %arg10[%dma_start3A_414, %dma_start3A_416, %dma_start3A_417, %dma_start3A_418] : memref<8x24x4x128xf32, #tpu.memory_space<vmem>> -> memref<1x24x4x128xf32, #tpu.memory_space<vmem>>
        %dma_start3A_420 = tpu.memref_squeeze %dma_start3A_419 : memref<1x24x4x128xf32, #tpu.memory_space<vmem>> -> memref<24x4x128xf32, #tpu.memory_space<vmem>>
        %dma_start3A_421 = arith.constant 0 : i32
        %dma_start3A_422 = arith.constant 0 : i32
        %dma_start3A_423 = tpu.memref_slice %arg5[%add3A_393, %dma_start3A_421, %dma_start3A_422] : memref<100000x4x128xf32, #tpu.memory_space<hbm>> -> memref<24x4x128xf32, #tpu.memory_space<hbm>>
        %dma_start3A_424 = tpu.memref_slice %arg12[%dma_start3A_415] : memref<8x!tpu.dma_semaphore, #tpu.memory_space<semaphore_mem>> -> memref<1x!tpu.dma_semaphore, #tpu.memory_space<semaphore_mem>>
        %dma_start3A_425 = tpu.memref_squeeze %dma_start3A_424 : memref<1x!tpu.dma_semaphore, #tpu.memory_space<semaphore_mem>> -> memref<!tpu.dma_semaphore, #tpu.memory_space<semaphore_mem>>
        %dma_start3A_426 = arith.constant 0 : i32
        %dma_start3A_427 = arith.constant 0 : i32
        %dma_start3A_428 = tpu.memref_slice %arg5[%add3A_393, %dma_start3A_426, %dma_start3A_427] : memref<100000x4x128xf32, #tpu.memory_space<hbm>> -> memref<24x4x128xf32, #tpu.memory_space<hbm>>
        %dma_start3A_429 = arith.constant 0 : i32
        %dma_start3A_430 = arith.constant 0 : i32
        %dma_start3A_431 = arith.constant 0 : i32
        %dma_start3A_432 = tpu.memref_slice %arg10[%dma_start3A_414, %dma_start3A_429, %dma_start3A_430, %dma_start3A_431] : memref<8x24x4x128xf32, #tpu.memory_space<vmem>> -> memref<1x24x4x128xf32, #tpu.memory_space<vmem>>
        %dma_start3A_433 = tpu.memref_squeeze %dma_start3A_432 : memref<1x24x4x128xf32, #tpu.memory_space<vmem>> -> memref<24x4x128xf32, #tpu.memory_space<vmem>>
        tpu.enqueue_dma source(%dma_start3A_433 : memref<24x4x128xf32, #tpu.memory_space<vmem>>) target(%dma_start3A_428 : memref<24x4x128xf32, #tpu.memory_space<hbm>>) target_semaphore(%dma_start3A_425 : memref<!tpu.dma_semaphore, #tpu.memory_space<semaphore_mem>>)
      } else {
      }
      %mul3A_338 = arith.constant 8 : i32
      %mul3A_339 = arith.muli %scan3A_301, %mul3A_338 : i32
      %add3A_340 = arith.constant 4 : i32
      %add3A_341 = arith.addi %mul3A_339, %add3A_340 : i32
      %lt3A_342 = arith.constant 130 : i32
      %lt3A_343 = arith.cmpi slt, %add3A_341, %lt3A_342 : i32
      %convert_element_type3A_344 = arith.extui %lt3A_343 : i1 to i32
      %cond3A_345 = arith.constant 0 : i32
      %cond3A_346 = arith.cmpi ne, %convert_element_type3A_344, %cond3A_345 : i32
      scf.if %cond3A_346 {
        %mul3A_374 = arith.constant 8 : i32
        %mul3A_375 = arith.muli %scan3A_301, %mul3A_374 : i32
        %add3A_376 = arith.constant 4 : i32
        %add3A_377 = arith.addi %mul3A_375, %add3A_376 : i32
        %scan3A_378 = arith.constant 0 : i32
        %scan3A_379 = arith.constant 0 : i32
        %scan3A_380 = arith.constant 10 : i32
        %scan3A_381 = arith.addi %scan3A_379, %scan3A_380 : i32
        %scan3A_382 = arith.constant 1 : i32
        scf.for %scan3A_434 = %scan3A_379 to %scan3A_381 step %scan3A_382  : i32 {
          %mul3A_435 = arith.constant 10 : i32
          %mul3A_436 = arith.muli %add3A_377, %mul3A_435 : i32
          %add3A_437 = arith.addi %mul3A_436, %scan3A_434 : i32
          %lt3A_438 = arith.constant 196 : i32
          %lt3A_439 = arith.cmpi slt, %add3A_437, %lt3A_438 : i32
          %convert_element_type3A_440 = arith.extui %lt3A_439 : i1 to i32
          %cond3A_441 = arith.constant 0 : i32
          %cond3A_442 = arith.cmpi ne, %convert_element_type3A_440, %cond3A_441 : i32
          scf.if %cond3A_442 {
            %mul3A_451 = arith.constant 16 : i32
            %mul3A_452 = arith.muli %add3A_437, %mul3A_451 : i32
            %swap3A = arith.index_cast %mul3A_452 : i32 to index
            %swap3A_453 = tpu.vector_load %arg7[%swap3A] {strides = array<i32>} : memref<3136xi32, #tpu.memory_space<vmem>>, vector<16xi32>,
            tpu.vector_store %arg7[%swap3A], %broadcast_in_dim3A_14 {strides = array<i32>} : memref<3136xi32, #tpu.memory_space<vmem>>, vector<16xi32>,
          } else {
          }
          %ge3A_443 = arith.constant 196 : i32
          %ge3A_444 = arith.cmpi sge, %add3A_437, %ge3A_443 : i32
          %lt3A_445 = arith.constant 1220 : i32
          %lt3A_446 = arith.cmpi slt, %add3A_437, %lt3A_445 : i32
          %and3A_447 = arith.andi %ge3A_444, %lt3A_446 : i1
          %convert_element_type3A_448 = arith.extui %and3A_447 : i1 to i32
          %cond3A_449 = arith.constant 0 : i32
          %cond3A_450 = arith.cmpi ne, %convert_element_type3A_448, %cond3A_449 : i32
          scf.if %cond3A_450 {
            %sub3A_451 = arith.constant 196 : i32
            %sub3A_452 = arith.subi %add3A_437, %sub3A_451 : i32
            %mul3A_453 = arith.constant 16 : i32
            %mul3A_454 = arith.muli %sub3A_452, %mul3A_453 : i32
            %get3A = arith.index_cast %mul3A_454 : i32 to index
            %get3A_455 = tpu.vector_load %arg6[%get3A] {strides = array<i32>} : memref<16384xi32, #tpu.memory_space<vmem>>, vector<16xi32>,
            %ge3A_456 = vector.broadcast %mul3A_5 : i32 to vector<16xi32>
            %ge3A_457 = arith.cmpi sge, %get3A_455, %ge3A_456 : vector<16xi32>
            %lt3A_458 = vector.broadcast %mul3A_13 : i32 to vector<16xi32>
            %lt3A_459 = arith.cmpi slt, %get3A_455, %lt3A_458 : vector<16xi32>
            %and3A_460 = arith.andi %ge3A_457, %lt3A_459 : vector<16xi1>
            %unique3A, %unique3A_461 = tpu.scan_count mask(%and3A_460 : vector<16xi1>) value(%get3A_455 : vector<16xi32>) : vector<16xi1>, vector<16xi32>
            %and3A_462 = arith.andi %unique3A, %and3A_460 : vector<16xi1>
            %sub3A_463 = vector.broadcast %mul3A_5 : i32 to vector<16xi32>
            %sub3A_464 = arith.subi %get3A_455, %sub3A_463 : vector<16xi32>
            %jit3A = arith.constant 0 : i32
            %broadcast_in_dim3A_465 = vector.broadcast %jit3A : i32 to vector<16xi32>
            %select_n3A = arith.select %and3A_462, %sub3A_464, %broadcast_in_dim3A_465 : vector<16xi1>, vector<16xi32>
            %mul3A_466 = arith.constant 16 : i32
            %mul3A_467 = arith.muli %sub3A_452, %mul3A_466 : i32
            %add3A_468 = vector.broadcast %mul3A_467 : i32 to vector<16xi32>
            %add3A_469 = arith.addi %add3A_468, %iota3A : vector<16xi32>
            tpu.vector_store_idx %arg7[%select_n3A], %add3A_469 masked %and3A_462 : memref<3136xi32, #tpu.memory_space<vmem>>[vector<16xi32>], vector<16xi32>, vector<16xi1>
          } else {
          }
        }
        %scan3A_383 = arith.constant 10 : i32
        %add3A_384 = arith.constant 4 : i32
        %add3A_385 = arith.addi %add3A_377, %add3A_384 : i32
        %lt3A_386 = arith.constant 130 : i32
        %lt3A_387 = arith.cmpi slt, %add3A_385, %lt3A_386 : i32
        %convert_element_type3A_388 = arith.extui %lt3A_387 : i1 to i32
        %cond3A_389 = arith.constant 0 : i32
        %cond3A_390 = arith.cmpi ne, %convert_element_type3A_388, %cond3A_389 : i32
        scf.if %cond3A_390 {
          %sub3A_434 = arith.constant 8 : i32
          %sub3A_435 = arith.subi %add3A_385, %sub3A_434 : i32
          %ge3A_436 = arith.constant 0 : i32
          %ge3A_437 = arith.cmpi sge, %sub3A_435, %ge3A_436 : i32
          %convert_element_type3A_438 = arith.extui %ge3A_437 : i1 to i32
          %cond3A_439 = arith.constant 0 : i32
          %cond3A_440 = arith.cmpi ne, %convert_element_type3A_438, %cond3A_439 : i32
          scf.if %cond3A_440 {
            %sub3A_464 = arith.constant 8 : i32
            %sub3A_465 = arith.subi %add3A_385, %sub3A_464 : i32
            %mul3A_466 = arith.constant 24 : i32
            %mul3A_467 = arith.muli %sub3A_465, %mul3A_466 : i32
            %add3A_468 = arith.addi %mul3A_5, %mul3A_467 : i32
            %dma_wait3A_469 = arith.constant 0 : i32
            %dma_wait3A_470 = arith.constant 0 : i32
            %dma_wait3A_471 = arith.constant 0 : i32
            %dma_wait3A_472 = arith.constant 0 : i32
            %dma_wait3A_473 = arith.constant 0 : i32
            %dma_wait3A_474 = tpu.memref_slice %arg10[%dma_wait3A_469, %dma_wait3A_471, %dma_wait3A_472, %dma_wait3A_473] : memref<8x24x4x128xf32, #tpu.memory_space<vmem>> -> memref<1x24x4x128xf32, #tpu.memory_space<vmem>>
            %dma_wait3A_475 = tpu.memref_squeeze %dma_wait3A_474 : memref<1x24x4x128xf32, #tpu.memory_space<vmem>> -> memref<24x4x128xf32, #tpu.memory_space<vmem>>
            %dma_wait3A_476 = arith.constant 0 : i32
            %dma_wait3A_477 = arith.constant 0 : i32
            %dma_wait3A_478 = tpu.memref_slice %arg5[%add3A_468, %dma_wait3A_476, %dma_wait3A_477] : memref<100000x4x128xf32, #tpu.memory_space<hbm>> -> memref<24x4x128xf32, #tpu.memory_space<hbm>>
            %dma_wait3A_479 = tpu.memref_slice %arg12[%dma_wait3A_470] : memref<8x!tpu.dma_semaphore, #tpu.memory_space<semaphore_mem>> -> memref<1x!tpu.dma_semaphore, #tpu.memory_space<semaphore_mem>>
            %dma_wait3A_480 = tpu.memref_squeeze %dma_wait3A_479 : memref<1x!tpu.dma_semaphore, #tpu.memory_space<semaphore_mem>> -> memref<!tpu.dma_semaphore, #tpu.memory_space<semaphore_mem>>
            %dma_wait3A_481 = arith.constant 0 : i32
            %dma_wait3A_482 = arith.constant 0 : i32
            %dma_wait3A_483 = tpu.memref_slice %arg5[%add3A_468, %dma_wait3A_481, %dma_wait3A_482] : memref<100000x4x128xf32, #tpu.memory_space<hbm>> -> memref<24x4x128xf32, #tpu.memory_space<hbm>>
            %dma_wait3A_484 = arith.constant 0 : i32
            %dma_wait3A_485 = arith.constant 0 : i32
            %dma_wait3A_486 = arith.constant 0 : i32
            %dma_wait3A_487 = tpu.memref_slice %arg10[%dma_wait3A_469, %dma_wait3A_484, %dma_wait3A_485, %dma_wait3A_486] : memref<8x24x4x128xf32, #tpu.memory_space<vmem>> -> memref<1x24x4x128xf32, #tpu.memory_space<vmem>>
            %dma_wait3A_488 = tpu.memref_squeeze %dma_wait3A_487 : memref<1x24x4x128xf32, #tpu.memory_space<vmem>> -> memref<24x4x128xf32, #tpu.memory_space<vmem>>
            tpu.wait_dma2 semaphore(%dma_wait3A_480 : memref<!tpu.dma_semaphore, #tpu.memory_space<semaphore_mem>>) src(%dma_wait3A_488 : memref<24x4x128xf32, #tpu.memory_space<vmem>>) dst(%dma_wait3A_483 : memref<24x4x128xf32, #tpu.memory_space<hbm>>)
          } else {
          }
          %mul3A_441 = arith.constant 24 : i32
          %mul3A_442 = arith.muli %add3A_385, %mul3A_441 : i32
          %add3A_443 = arith.addi %mul3A_5, %mul3A_442 : i32
          %dma_start3A_444 = arith.constant 0 : i32
          %dma_start3A_445 = arith.constant 0 : i32
          %dma_start3A_446 = arith.constant 0 : i32
          %dma_start3A_447 = arith.constant 0 : i32
          %dma_start3A_448 = arith.constant 0 : i32
          %dma_start3A_449 = tpu.memref_slice %arg10[%dma_start3A_444, %dma_start3A_446, %dma_start3A_447, %dma_start3A_448] : memref<8x24x4x128xf32, #tpu.memory_space<vmem>> -> memref<1x24x4x128xf32, #tpu.memory_space<vmem>>
          %dma_start3A_450 = tpu.memref_squeeze %dma_start3A_449 : memref<1x24x4x128xf32, #tpu.memory_space<vmem>> -> memref<24x4x128xf32, #tpu.memory_space<vmem>>
          %dma_start3A_451 = arith.constant 0 : i32
          %dma_start3A_452 = arith.constant 0 : i32
          %dma_start3A_453 = tpu.memref_slice %arg2[%add3A_443, %dma_start3A_451, %dma_start3A_452] : memref<100000x4x128xf32, #tpu.memory_space<hbm>> -> memref<24x4x128xf32, #tpu.memory_space<hbm>>
          %dma_start3A_454 = tpu.memref_slice %arg11[%dma_start3A_445] : memref<8x!tpu.dma_semaphore, #tpu.memory_space<semaphore_mem>> -> memref<1x!tpu.dma_semaphore, #tpu.memory_space<semaphore_mem>>
          %dma_start3A_455 = tpu.memref_squeeze %dma_start3A_454 : memref<1x!tpu.dma_semaphore, #tpu.memory_space<semaphore_mem>> -> memref<!tpu.dma_semaphore, #tpu.memory_space<semaphore_mem>>
          %dma_start3A_456 = arith.constant 0 : i32
          %dma_start3A_457 = arith.constant 0 : i32
          %dma_start3A_458 = arith.constant 0 : i32
          %dma_start3A_459 = tpu.memref_slice %arg10[%dma_start3A_444, %dma_start3A_456, %dma_start3A_457, %dma_start3A_458] : memref<8x24x4x128xf32, #tpu.memory_space<vmem>> -> memref<1x24x4x128xf32, #tpu.memory_space<vmem>>
          %dma_start3A_460 = tpu.memref_squeeze %dma_start3A_459 : memref<1x24x4x128xf32, #tpu.memory_space<vmem>> -> memref<24x4x128xf32, #tpu.memory_space<vmem>>
          %dma_start3A_461 = arith.constant 0 : i32
          %dma_start3A_462 = arith.constant 0 : i32
          %dma_start3A_463 = tpu.memref_slice %arg2[%add3A_443, %dma_start3A_461, %dma_start3A_462] : memref<100000x4x128xf32, #tpu.memory_space<hbm>> -> memref<24x4x128xf32, #tpu.memory_space<hbm>>
          tpu.enqueue_dma source(%dma_start3A_463 : memref<24x4x128xf32, #tpu.memory_space<hbm>>) target(%dma_start3A_460 : memref<24x4x128xf32, #tpu.memory_space<vmem>>) target_semaphore(%dma_start3A_455 : memref<!tpu.dma_semaphore, #tpu.memory_space<semaphore_mem>>)
        } else {
        }
        %mul3A_391 = arith.constant 24 : i32
        %mul3A_392 = arith.muli %add3A_377, %mul3A_391 : i32
        %add3A_393 = arith.addi %mul3A_5, %mul3A_392 : i32
        %dma_wait3A_394 = arith.constant 4 : i32
        %dma_wait3A_395 = arith.constant 4 : i32
        %dma_wait3A_396 = arith.constant 0 : i32
        %dma_wait3A_397 = arith.constant 0 : i32
        %dma_wait3A_398 = arith.constant 0 : i32
        %dma_wait3A_399 = tpu.memref_slice %arg10[%dma_wait3A_394, %dma_wait3A_396, %dma_wait3A_397, %dma_wait3A_398] : memref<8x24x4x128xf32, #tpu.memory_space<vmem>> -> memref<1x24x4x128xf32, #tpu.memory_space<vmem>>
        %dma_wait3A_400 = tpu.memref_squeeze %dma_wait3A_399 : memref<1x24x4x128xf32, #tpu.memory_space<vmem>> -> memref<24x4x128xf32, #tpu.memory_space<vmem>>
        %dma_wait3A_401 = arith.constant 0 : i32
        %dma_wait3A_402 = arith.constant 0 : i32
        %dma_wait3A_403 = tpu.memref_slice %arg2[%add3A_393, %dma_wait3A_401, %dma_wait3A_402] : memref<100000x4x128xf32, #tpu.memory_space<hbm>> -> memref<24x4x128xf32, #tpu.memory_space<hbm>>
        %dma_wait3A_404 = tpu.memref_slice %arg11[%dma_wait3A_395] : memref<8x!tpu.dma_semaphore, #tpu.memory_space<semaphore_mem>> -> memref<1x!tpu.dma_semaphore, #tpu.memory_space<semaphore_mem>>
        %dma_wait3A_405 = tpu.memref_squeeze %dma_wait3A_404 : memref<1x!tpu.dma_semaphore, #tpu.memory_space<semaphore_mem>> -> memref<!tpu.dma_semaphore, #tpu.memory_space<semaphore_mem>>
        %dma_wait3A_406 = arith.constant 0 : i32
        %dma_wait3A_407 = arith.constant 0 : i32
        %dma_wait3A_408 = arith.constant 0 : i32
        %dma_wait3A_409 = tpu.memref_slice %arg10[%dma_wait3A_394, %dma_wait3A_406, %dma_wait3A_407, %dma_wait3A_408] : memref<8x24x4x128xf32, #tpu.memory_space<vmem>> -> memref<1x24x4x128xf32, #tpu.memory_space<vmem>>
        %dma_wait3A_410 = tpu.memref_squeeze %dma_wait3A_409 : memref<1x24x4x128xf32, #tpu.memory_space<vmem>> -> memref<24x4x128xf32, #tpu.memory_space<vmem>>
        %dma_wait3A_411 = arith.constant 0 : i32
        %dma_wait3A_412 = arith.constant 0 : i32
        %dma_wait3A_413 = tpu.memref_slice %arg2[%add3A_393, %dma_wait3A_411, %dma_wait3A_412] : memref<100000x4x128xf32, #tpu.memory_space<hbm>> -> memref<24x4x128xf32, #tpu.memory_space<hbm>>
        tpu.wait_dma2 semaphore(%dma_wait3A_405 : memref<!tpu.dma_semaphore, #tpu.memory_space<semaphore_mem>>) src(%dma_wait3A_413 : memref<24x4x128xf32, #tpu.memory_space<hbm>>) dst(%dma_wait3A_410 : memref<24x4x128xf32, #tpu.memory_space<vmem>>)
        %dma_start3A_414 = arith.constant 4 : i32
        %dma_start3A_415 = arith.constant 4 : i32
        %dma_start3A_416 = arith.constant 0 : i32
        %dma_start3A_417 = arith.constant 0 : i32
        %dma_start3A_418 = arith.constant 0 : i32
        %dma_start3A_419 = tpu.memref_slice %arg10[%dma_start3A_414, %dma_start3A_416, %dma_start3A_417, %dma_start3A_418] : memref<8x24x4x128xf32, #tpu.memory_space<vmem>> -> memref<1x24x4x128xf32, #tpu.memory_space<vmem>>
        %dma_start3A_420 = tpu.memref_squeeze %dma_start3A_419 : memref<1x24x4x128xf32, #tpu.memory_space<vmem>> -> memref<24x4x128xf32, #tpu.memory_space<vmem>>
        %dma_start3A_421 = arith.constant 0 : i32
        %dma_start3A_422 = arith.constant 0 : i32
        %dma_start3A_423 = tpu.memref_slice %arg5[%add3A_393, %dma_start3A_421, %dma_start3A_422] : memref<100000x4x128xf32, #tpu.memory_space<hbm>> -> memref<24x4x128xf32, #tpu.memory_space<hbm>>
        %dma_start3A_424 = tpu.memref_slice %arg12[%dma_start3A_415] : memref<8x!tpu.dma_semaphore, #tpu.memory_space<semaphore_mem>> -> memref<1x!tpu.dma_semaphore, #tpu.memory_space<semaphore_mem>>
        %dma_start3A_425 = tpu.memref_squeeze %dma_start3A_424 : memref<1x!tpu.dma_semaphore, #tpu.memory_space<semaphore_mem>> -> memref<!tpu.dma_semaphore, #tpu.memory_space<semaphore_mem>>
        %dma_start3A_426 = arith.constant 0 : i32
        %dma_start3A_427 = arith.constant 0 : i32
        %dma_start3A_428 = tpu.memref_slice %arg5[%add3A_393, %dma_start3A_426, %dma_start3A_427] : memref<100000x4x128xf32, #tpu.memory_space<hbm>> -> memref<24x4x128xf32, #tpu.memory_space<hbm>>
        %dma_start3A_429 = arith.constant 0 : i32
        %dma_start3A_430 = arith.constant 0 : i32
        %dma_start3A_431 = arith.constant 0 : i32
        %dma_start3A_432 = tpu.memref_slice %arg10[%dma_start3A_414, %dma_start3A_429, %dma_start3A_430, %dma_start3A_431] : memref<8x24x4x128xf32, #tpu.memory_space<vmem>> -> memref<1x24x4x128xf32, #tpu.memory_space<vmem>>
        %dma_start3A_433 = tpu.memref_squeeze %dma_start3A_432 : memref<1x24x4x128xf32, #tpu.memory_space<vmem>> -> memref<24x4x128xf32, #tpu.memory_space<vmem>>
        tpu.enqueue_dma source(%dma_start3A_433 : memref<24x4x128xf32, #tpu.memory_space<vmem>>) target(%dma_start3A_428 : memref<24x4x128xf32, #tpu.memory_space<hbm>>) target_semaphore(%dma_start3A_425 : memref<!tpu.dma_semaphore, #tpu.memory_space<semaphore_mem>>)
      } else {
      }
      %mul3A_347 = arith.constant 8 : i32
      %mul3A_348 = arith.muli %scan3A_301, %mul3A_347 : i32
      %add3A_349 = arith.constant 5 : i32
      %add3A_350 = arith.addi %mul3A_348, %add3A_349 : i32
      %lt3A_351 = arith.constant 130 : i32
      %lt3A_352 = arith.cmpi slt, %add3A_350, %lt3A_351 : i32
      %convert_element_type3A_353 = arith.extui %lt3A_352 : i1 to i32
      %cond3A_354 = arith.constant 0 : i32
      %cond3A_355 = arith.cmpi ne, %convert_element_type3A_353, %cond3A_354 : i32
      scf.if %cond3A_355 {
        %mul3A_374 = arith.constant 8 : i32
        %mul3A_375 = arith.muli %scan3A_301, %mul3A_374 : i32
        %add3A_376 = arith.constant 5 : i32
        %add3A_377 = arith.addi %mul3A_375, %add3A_376 : i32
        %scan3A_378 = arith.constant 0 : i32
        %scan3A_379 = arith.constant 0 : i32
        %scan3A_380 = arith.constant 10 : i32
        %scan3A_381 = arith.addi %scan3A_379, %scan3A_380 : i32
        %scan3A_382 = arith.constant 1 : i32
        scf.for %scan3A_434 = %scan3A_379 to %scan3A_381 step %scan3A_382  : i32 {
          %mul3A_435 = arith.constant 10 : i32
          %mul3A_436 = arith.muli %add3A_377, %mul3A_435 : i32
          %add3A_437 = arith.addi %mul3A_436, %scan3A_434 : i32
          %lt3A_438 = arith.constant 196 : i32
          %lt3A_439 = arith.cmpi slt, %add3A_437, %lt3A_438 : i32
          %convert_element_type3A_440 = arith.extui %lt3A_439 : i1 to i32
          %cond3A_441 = arith.constant 0 : i32
          %cond3A_442 = arith.cmpi ne, %convert_element_type3A_440, %cond3A_441 : i32
          scf.if %cond3A_442 {
            %mul3A_451 = arith.constant 16 : i32
            %mul3A_452 = arith.muli %add3A_437, %mul3A_451 : i32
            %swap3A = arith.index_cast %mul3A_452 : i32 to index
            %swap3A_453 = tpu.vector_load %arg7[%swap3A] {strides = array<i32>} : memref<3136xi32, #tpu.memory_space<vmem>>, vector<16xi32>,
            tpu.vector_store %arg7[%swap3A], %broadcast_in_dim3A_14 {strides = array<i32>} : memref<3136xi32, #tpu.memory_space<vmem>>, vector<16xi32>,
          } else {
          }
          %ge3A_443 = arith.constant 196 : i32
          %ge3A_444 = arith.cmpi sge, %add3A_437, %ge3A_443 : i32
          %lt3A_445 = arith.constant 1220 : i32
          %lt3A_446 = arith.cmpi slt, %add3A_437, %lt3A_445 : i32
          %and3A_447 = arith.andi %ge3A_444, %lt3A_446 : i1
          %convert_element_type3A_448 = arith.extui %and3A_447 : i1 to i32
          %cond3A_449 = arith.constant 0 : i32
          %cond3A_450 = arith.cmpi ne, %convert_element_type3A_448, %cond3A_449 : i32
          scf.if %cond3A_450 {
            %sub3A_451 = arith.constant 196 : i32
            %sub3A_452 = arith.subi %add3A_437, %sub3A_451 : i32
            %mul3A_453 = arith.constant 16 : i32
            %mul3A_454 = arith.muli %sub3A_452, %mul3A_453 : i32
            %get3A = arith.index_cast %mul3A_454 : i32 to index
            %get3A_455 = tpu.vector_load %arg6[%get3A] {strides = array<i32>} : memref<16384xi32, #tpu.memory_space<vmem>>, vector<16xi32>,
            %ge3A_456 = vector.broadcast %mul3A_5 : i32 to vector<16xi32>
            %ge3A_457 = arith.cmpi sge, %get3A_455, %ge3A_456 : vector<16xi32>
            %lt3A_458 = vector.broadcast %mul3A_13 : i32 to vector<16xi32>
            %lt3A_459 = arith.cmpi slt, %get3A_455, %lt3A_458 : vector<16xi32>
            %and3A_460 = arith.andi %ge3A_457, %lt3A_459 : vector<16xi1>
            %unique3A, %unique3A_461 = tpu.scan_count mask(%and3A_460 : vector<16xi1>) value(%get3A_455 : vector<16xi32>) : vector<16xi1>, vector<16xi32>
            %and3A_462 = arith.andi %unique3A, %and3A_460 : vector<16xi1>
            %sub3A_463 = vector.broadcast %mul3A_5 : i32 to vector<16xi32>
            %sub3A_464 = arith.subi %get3A_455, %sub3A_463 : vector<16xi32>
            %jit3A = arith.constant 0 : i32
            %broadcast_in_dim3A_465 = vector.broadcast %jit3A : i32 to vector<16xi32>
            %select_n3A = arith.select %and3A_462, %sub3A_464, %broadcast_in_dim3A_465 : vector<16xi1>, vector<16xi32>
            %mul3A_466 = arith.constant 16 : i32
            %mul3A_467 = arith.muli %sub3A_452, %mul3A_466 : i32
            %add3A_468 = vector.broadcast %mul3A_467 : i32 to vector<16xi32>
            %add3A_469 = arith.addi %add3A_468, %iota3A : vector<16xi32>
            tpu.vector_store_idx %arg7[%select_n3A], %add3A_469 masked %and3A_462 : memref<3136xi32, #tpu.memory_space<vmem>>[vector<16xi32>], vector<16xi32>, vector<16xi1>
          } else {
          }
        }
        %scan3A_383 = arith.constant 10 : i32
        %add3A_384 = arith.constant 4 : i32
        %add3A_385 = arith.addi %add3A_377, %add3A_384 : i32
        %lt3A_386 = arith.constant 130 : i32
        %lt3A_387 = arith.cmpi slt, %add3A_385, %lt3A_386 : i32
        %convert_element_type3A_388 = arith.extui %lt3A_387 : i1 to i32
        %cond3A_389 = arith.constant 0 : i32
        %cond3A_390 = arith.cmpi ne, %convert_element_type3A_388, %cond3A_389 : i32
        scf.if %cond3A_390 {
          %sub3A_434 = arith.constant 8 : i32
          %sub3A_435 = arith.subi %add3A_385, %sub3A_434 : i32
          %ge3A_436 = arith.constant 0 : i32
          %ge3A_437 = arith.cmpi sge, %sub3A_435, %ge3A_436 : i32
          %convert_element_type3A_438 = arith.extui %ge3A_437 : i1 to i32
          %cond3A_439 = arith.constant 0 : i32
          %cond3A_440 = arith.cmpi ne, %convert_element_type3A_438, %cond3A_439 : i32
          scf.if %cond3A_440 {
            %sub3A_464 = arith.constant 8 : i32
            %sub3A_465 = arith.subi %add3A_385, %sub3A_464 : i32
            %mul3A_466 = arith.constant 24 : i32
            %mul3A_467 = arith.muli %sub3A_465, %mul3A_466 : i32
            %add3A_468 = arith.addi %mul3A_5, %mul3A_467 : i32
            %dma_wait3A_469 = arith.constant 1 : i32
            %dma_wait3A_470 = arith.constant 1 : i32
            %dma_wait3A_471 = arith.constant 0 : i32
            %dma_wait3A_472 = arith.constant 0 : i32
            %dma_wait3A_473 = arith.constant 0 : i32
            %dma_wait3A_474 = tpu.memref_slice %arg10[%dma_wait3A_469, %dma_wait3A_471, %dma_wait3A_472, %dma_wait3A_473] : memref<8x24x4x128xf32, #tpu.memory_space<vmem>> -> memref<1x24x4x128xf32, #tpu.memory_space<vmem>>
            %dma_wait3A_475 = tpu.memref_squeeze %dma_wait3A_474 : memref<1x24x4x128xf32, #tpu.memory_space<vmem>> -> memref<24x4x128xf32, #tpu.memory_space<vmem>>
            %dma_wait3A_476 = arith.constant 0 : i32
            %dma_wait3A_477 = arith.constant 0 : i32
            %dma_wait3A_478 = tpu.memref_slice %arg5[%add3A_468, %dma_wait3A_476, %dma_wait3A_477] : memref<100000x4x128xf32, #tpu.memory_space<hbm>> -> memref<24x4x128xf32, #tpu.memory_space<hbm>>
            %dma_wait3A_479 = tpu.memref_slice %arg12[%dma_wait3A_470] : memref<8x!tpu.dma_semaphore, #tpu.memory_space<semaphore_mem>> -> memref<1x!tpu.dma_semaphore, #tpu.memory_space<semaphore_mem>>
            %dma_wait3A_480 = tpu.memref_squeeze %dma_wait3A_479 : memref<1x!tpu.dma_semaphore, #tpu.memory_space<semaphore_mem>> -> memref<!tpu.dma_semaphore, #tpu.memory_space<semaphore_mem>>
            %dma_wait3A_481 = arith.constant 0 : i32
            %dma_wait3A_482 = arith.constant 0 : i32
            %dma_wait3A_483 = tpu.memref_slice %arg5[%add3A_468, %dma_wait3A_481, %dma_wait3A_482] : memref<100000x4x128xf32, #tpu.memory_space<hbm>> -> memref<24x4x128xf32, #tpu.memory_space<hbm>>
            %dma_wait3A_484 = arith.constant 0 : i32
            %dma_wait3A_485 = arith.constant 0 : i32
            %dma_wait3A_486 = arith.constant 0 : i32
            %dma_wait3A_487 = tpu.memref_slice %arg10[%dma_wait3A_469, %dma_wait3A_484, %dma_wait3A_485, %dma_wait3A_486] : memref<8x24x4x128xf32, #tpu.memory_space<vmem>> -> memref<1x24x4x128xf32, #tpu.memory_space<vmem>>
            %dma_wait3A_488 = tpu.memref_squeeze %dma_wait3A_487 : memref<1x24x4x128xf32, #tpu.memory_space<vmem>> -> memref<24x4x128xf32, #tpu.memory_space<vmem>>
            tpu.wait_dma2 semaphore(%dma_wait3A_480 : memref<!tpu.dma_semaphore, #tpu.memory_space<semaphore_mem>>) src(%dma_wait3A_488 : memref<24x4x128xf32, #tpu.memory_space<vmem>>) dst(%dma_wait3A_483 : memref<24x4x128xf32, #tpu.memory_space<hbm>>)
          } else {
          }
          %mul3A_441 = arith.constant 24 : i32
          %mul3A_442 = arith.muli %add3A_385, %mul3A_441 : i32
          %add3A_443 = arith.addi %mul3A_5, %mul3A_442 : i32
          %dma_start3A_444 = arith.constant 1 : i32
          %dma_start3A_445 = arith.constant 1 : i32
          %dma_start3A_446 = arith.constant 0 : i32
          %dma_start3A_447 = arith.constant 0 : i32
          %dma_start3A_448 = arith.constant 0 : i32
          %dma_start3A_449 = tpu.memref_slice %arg10[%dma_start3A_444, %dma_start3A_446, %dma_start3A_447, %dma_start3A_448] : memref<8x24x4x128xf32, #tpu.memory_space<vmem>> -> memref<1x24x4x128xf32, #tpu.memory_space<vmem>>
          %dma_start3A_450 = tpu.memref_squeeze %dma_start3A_449 : memref<1x24x4x128xf32, #tpu.memory_space<vmem>> -> memref<24x4x128xf32, #tpu.memory_space<vmem>>
          %dma_start3A_451 = arith.constant 0 : i32
          %dma_start3A_452 = arith.constant 0 : i32
          %dma_start3A_453 = tpu.memref_slice %arg2[%add3A_443, %dma_start3A_451, %dma_start3A_452] : memref<100000x4x128xf32, #tpu.memory_space<hbm>> -> memref<24x4x128xf32, #tpu.memory_space<hbm>>
          %dma_start3A_454 = tpu.memref_slice %arg11[%dma_start3A_445] : memref<8x!tpu.dma_semaphore, #tpu.memory_space<semaphore_mem>> -> memref<1x!tpu.dma_semaphore, #tpu.memory_space<semaphore_mem>>
          %dma_start3A_455 = tpu.memref_squeeze %dma_start3A_454 : memref<1x!tpu.dma_semaphore, #tpu.memory_space<semaphore_mem>> -> memref<!tpu.dma_semaphore, #tpu.memory_space<semaphore_mem>>
          %dma_start3A_456 = arith.constant 0 : i32
          %dma_start3A_457 = arith.constant 0 : i32
          %dma_start3A_458 = arith.constant 0 : i32
          %dma_start3A_459 = tpu.memref_slice %arg10[%dma_start3A_444, %dma_start3A_456, %dma_start3A_457, %dma_start3A_458] : memref<8x24x4x128xf32, #tpu.memory_space<vmem>> -> memref<1x24x4x128xf32, #tpu.memory_space<vmem>>
          %dma_start3A_460 = tpu.memref_squeeze %dma_start3A_459 : memref<1x24x4x128xf32, #tpu.memory_space<vmem>> -> memref<24x4x128xf32, #tpu.memory_space<vmem>>
          %dma_start3A_461 = arith.constant 0 : i32
          %dma_start3A_462 = arith.constant 0 : i32
          %dma_start3A_463 = tpu.memref_slice %arg2[%add3A_443, %dma_start3A_461, %dma_start3A_462] : memref<100000x4x128xf32, #tpu.memory_space<hbm>> -> memref<24x4x128xf32, #tpu.memory_space<hbm>>
          tpu.enqueue_dma source(%dma_start3A_463 : memref<24x4x128xf32, #tpu.memory_space<hbm>>) target(%dma_start3A_460 : memref<24x4x128xf32, #tpu.memory_space<vmem>>) target_semaphore(%dma_start3A_455 : memref<!tpu.dma_semaphore, #tpu.memory_space<semaphore_mem>>)
        } else {
        }
        %mul3A_391 = arith.constant 24 : i32
        %mul3A_392 = arith.muli %add3A_377, %mul3A_391 : i32
        %add3A_393 = arith.addi %mul3A_5, %mul3A_392 : i32
        %dma_wait3A_394 = arith.constant 5 : i32
        %dma_wait3A_395 = arith.constant 5 : i32
        %dma_wait3A_396 = arith.constant 0 : i32
        %dma_wait3A_397 = arith.constant 0 : i32
        %dma_wait3A_398 = arith.constant 0 : i32
        %dma_wait3A_399 = tpu.memref_slice %arg10[%dma_wait3A_394, %dma_wait3A_396, %dma_wait3A_397, %dma_wait3A_398] : memref<8x24x4x128xf32, #tpu.memory_space<vmem>> -> memref<1x24x4x128xf32, #tpu.memory_space<vmem>>
        %dma_wait3A_400 = tpu.memref_squeeze %dma_wait3A_399 : memref<1x24x4x128xf32, #tpu.memory_space<vmem>> -> memref<24x4x128xf32, #tpu.memory_space<vmem>>
        %dma_wait3A_401 = arith.constant 0 : i32
        %dma_wait3A_402 = arith.constant 0 : i32
        %dma_wait3A_403 = tpu.memref_slice %arg2[%add3A_393, %dma_wait3A_401, %dma_wait3A_402] : memref<100000x4x128xf32, #tpu.memory_space<hbm>> -> memref<24x4x128xf32, #tpu.memory_space<hbm>>
        %dma_wait3A_404 = tpu.memref_slice %arg11[%dma_wait3A_395] : memref<8x!tpu.dma_semaphore, #tpu.memory_space<semaphore_mem>> -> memref<1x!tpu.dma_semaphore, #tpu.memory_space<semaphore_mem>>
        %dma_wait3A_405 = tpu.memref_squeeze %dma_wait3A_404 : memref<1x!tpu.dma_semaphore, #tpu.memory_space<semaphore_mem>> -> memref<!tpu.dma_semaphore, #tpu.memory_space<semaphore_mem>>
        %dma_wait3A_406 = arith.constant 0 : i32
        %dma_wait3A_407 = arith.constant 0 : i32
        %dma_wait3A_408 = arith.constant 0 : i32
        %dma_wait3A_409 = tpu.memref_slice %arg10[%dma_wait3A_394, %dma_wait3A_406, %dma_wait3A_407, %dma_wait3A_408] : memref<8x24x4x128xf32, #tpu.memory_space<vmem>> -> memref<1x24x4x128xf32, #tpu.memory_space<vmem>>
        %dma_wait3A_410 = tpu.memref_squeeze %dma_wait3A_409 : memref<1x24x4x128xf32, #tpu.memory_space<vmem>> -> memref<24x4x128xf32, #tpu.memory_space<vmem>>
        %dma_wait3A_411 = arith.constant 0 : i32
        %dma_wait3A_412 = arith.constant 0 : i32
        %dma_wait3A_413 = tpu.memref_slice %arg2[%add3A_393, %dma_wait3A_411, %dma_wait3A_412] : memref<100000x4x128xf32, #tpu.memory_space<hbm>> -> memref<24x4x128xf32, #tpu.memory_space<hbm>>
        tpu.wait_dma2 semaphore(%dma_wait3A_405 : memref<!tpu.dma_semaphore, #tpu.memory_space<semaphore_mem>>) src(%dma_wait3A_413 : memref<24x4x128xf32, #tpu.memory_space<hbm>>) dst(%dma_wait3A_410 : memref<24x4x128xf32, #tpu.memory_space<vmem>>)
        %dma_start3A_414 = arith.constant 5 : i32
        %dma_start3A_415 = arith.constant 5 : i32
        %dma_start3A_416 = arith.constant 0 : i32
        %dma_start3A_417 = arith.constant 0 : i32
        %dma_start3A_418 = arith.constant 0 : i32
        %dma_start3A_419 = tpu.memref_slice %arg10[%dma_start3A_414, %dma_start3A_416, %dma_start3A_417, %dma_start3A_418] : memref<8x24x4x128xf32, #tpu.memory_space<vmem>> -> memref<1x24x4x128xf32, #tpu.memory_space<vmem>>
        %dma_start3A_420 = tpu.memref_squeeze %dma_start3A_419 : memref<1x24x4x128xf32, #tpu.memory_space<vmem>> -> memref<24x4x128xf32, #tpu.memory_space<vmem>>
        %dma_start3A_421 = arith.constant 0 : i32
        %dma_start3A_422 = arith.constant 0 : i32
        %dma_start3A_423 = tpu.memref_slice %arg5[%add3A_393, %dma_start3A_421, %dma_start3A_422] : memref<100000x4x128xf32, #tpu.memory_space<hbm>> -> memref<24x4x128xf32, #tpu.memory_space<hbm>>
        %dma_start3A_424 = tpu.memref_slice %arg12[%dma_start3A_415] : memref<8x!tpu.dma_semaphore, #tpu.memory_space<semaphore_mem>> -> memref<1x!tpu.dma_semaphore, #tpu.memory_space<semaphore_mem>>
        %dma_start3A_425 = tpu.memref_squeeze %dma_start3A_424 : memref<1x!tpu.dma_semaphore, #tpu.memory_space<semaphore_mem>> -> memref<!tpu.dma_semaphore, #tpu.memory_space<semaphore_mem>>
        %dma_start3A_426 = arith.constant 0 : i32
        %dma_start3A_427 = arith.constant 0 : i32
        %dma_start3A_428 = tpu.memref_slice %arg5[%add3A_393, %dma_start3A_426, %dma_start3A_427] : memref<100000x4x128xf32, #tpu.memory_space<hbm>> -> memref<24x4x128xf32, #tpu.memory_space<hbm>>
        %dma_start3A_429 = arith.constant 0 : i32
        %dma_start3A_430 = arith.constant 0 : i32
        %dma_start3A_431 = arith.constant 0 : i32
        %dma_start3A_432 = tpu.memref_slice %arg10[%dma_start3A_414, %dma_start3A_429, %dma_start3A_430, %dma_start3A_431] : memref<8x24x4x128xf32, #tpu.memory_space<vmem>> -> memref<1x24x4x128xf32, #tpu.memory_space<vmem>>
        %dma_start3A_433 = tpu.memref_squeeze %dma_start3A_432 : memref<1x24x4x128xf32, #tpu.memory_space<vmem>> -> memref<24x4x128xf32, #tpu.memory_space<vmem>>
        tpu.enqueue_dma source(%dma_start3A_433 : memref<24x4x128xf32, #tpu.memory_space<vmem>>) target(%dma_start3A_428 : memref<24x4x128xf32, #tpu.memory_space<hbm>>) target_semaphore(%dma_start3A_425 : memref<!tpu.dma_semaphore, #tpu.memory_space<semaphore_mem>>)
      } else {
      }
      %mul3A_356 = arith.constant 8 : i32
      %mul3A_357 = arith.muli %scan3A_301, %mul3A_356 : i32
      %add3A_358 = arith.constant 6 : i32
      %add3A_359 = arith.addi %mul3A_357, %add3A_358 : i32
      %lt3A_360 = arith.constant 130 : i32
      %lt3A_361 = arith.cmpi slt, %add3A_359, %lt3A_360 : i32
      %convert_element_type3A_362 = arith.extui %lt3A_361 : i1 to i32
      %cond3A_363 = arith.constant 0 : i32
      %cond3A_364 = arith.cmpi ne, %convert_element_type3A_362, %cond3A_363 : i32
      scf.if %cond3A_364 {
        %mul3A_374 = arith.constant 8 : i32
        %mul3A_375 = arith.muli %scan3A_301, %mul3A_374 : i32
        %add3A_376 = arith.constant 6 : i32
        %add3A_377 = arith.addi %mul3A_375, %add3A_376 : i32
        %scan3A_378 = arith.constant 0 : i32
        %scan3A_379 = arith.constant 0 : i32
        %scan3A_380 = arith.constant 10 : i32
        %scan3A_381 = arith.addi %scan3A_379, %scan3A_380 : i32
        %scan3A_382 = arith.constant 1 : i32
        scf.for %scan3A_434 = %scan3A_379 to %scan3A_381 step %scan3A_382  : i32 {
          %mul3A_435 = arith.constant 10 : i32
          %mul3A_436 = arith.muli %add3A_377, %mul3A_435 : i32
          %add3A_437 = arith.addi %mul3A_436, %scan3A_434 : i32
          %lt3A_438 = arith.constant 196 : i32
          %lt3A_439 = arith.cmpi slt, %add3A_437, %lt3A_438 : i32
          %convert_element_type3A_440 = arith.extui %lt3A_439 : i1 to i32
          %cond3A_441 = arith.constant 0 : i32
          %cond3A_442 = arith.cmpi ne, %convert_element_type3A_440, %cond3A_441 : i32
          scf.if %cond3A_442 {
            %mul3A_451 = arith.constant 16 : i32
            %mul3A_452 = arith.muli %add3A_437, %mul3A_451 : i32
            %swap3A = arith.index_cast %mul3A_452 : i32 to index
            %swap3A_453 = tpu.vector_load %arg7[%swap3A] {strides = array<i32>} : memref<3136xi32, #tpu.memory_space<vmem>>, vector<16xi32>,
            tpu.vector_store %arg7[%swap3A], %broadcast_in_dim3A_14 {strides = array<i32>} : memref<3136xi32, #tpu.memory_space<vmem>>, vector<16xi32>,
          } else {
          }
          %ge3A_443 = arith.constant 196 : i32
          %ge3A_444 = arith.cmpi sge, %add3A_437, %ge3A_443 : i32
          %lt3A_445 = arith.constant 1220 : i32
          %lt3A_446 = arith.cmpi slt, %add3A_437, %lt3A_445 : i32
          %and3A_447 = arith.andi %ge3A_444, %lt3A_446 : i1
          %convert_element_type3A_448 = arith.extui %and3A_447 : i1 to i32
          %cond3A_449 = arith.constant 0 : i32
          %cond3A_450 = arith.cmpi ne, %convert_element_type3A_448, %cond3A_449 : i32
          scf.if %cond3A_450 {
            %sub3A_451 = arith.constant 196 : i32
            %sub3A_452 = arith.subi %add3A_437, %sub3A_451 : i32
            %mul3A_453 = arith.constant 16 : i32
            %mul3A_454 = arith.muli %sub3A_452, %mul3A_453 : i32
            %get3A = arith.index_cast %mul3A_454 : i32 to index
            %get3A_455 = tpu.vector_load %arg6[%get3A] {strides = array<i32>} : memref<16384xi32, #tpu.memory_space<vmem>>, vector<16xi32>,
            %ge3A_456 = vector.broadcast %mul3A_5 : i32 to vector<16xi32>
            %ge3A_457 = arith.cmpi sge, %get3A_455, %ge3A_456 : vector<16xi32>
            %lt3A_458 = vector.broadcast %mul3A_13 : i32 to vector<16xi32>
            %lt3A_459 = arith.cmpi slt, %get3A_455, %lt3A_458 : vector<16xi32>
            %and3A_460 = arith.andi %ge3A_457, %lt3A_459 : vector<16xi1>
            %unique3A, %unique3A_461 = tpu.scan_count mask(%and3A_460 : vector<16xi1>) value(%get3A_455 : vector<16xi32>) : vector<16xi1>, vector<16xi32>
            %and3A_462 = arith.andi %unique3A, %and3A_460 : vector<16xi1>
            %sub3A_463 = vector.broadcast %mul3A_5 : i32 to vector<16xi32>
            %sub3A_464 = arith.subi %get3A_455, %sub3A_463 : vector<16xi32>
            %jit3A = arith.constant 0 : i32
            %broadcast_in_dim3A_465 = vector.broadcast %jit3A : i32 to vector<16xi32>
            %select_n3A = arith.select %and3A_462, %sub3A_464, %broadcast_in_dim3A_465 : vector<16xi1>, vector<16xi32>
            %mul3A_466 = arith.constant 16 : i32
            %mul3A_467 = arith.muli %sub3A_452, %mul3A_466 : i32
            %add3A_468 = vector.broadcast %mul3A_467 : i32 to vector<16xi32>
            %add3A_469 = arith.addi %add3A_468, %iota3A : vector<16xi32>
            tpu.vector_store_idx %arg7[%select_n3A], %add3A_469 masked %and3A_462 : memref<3136xi32, #tpu.memory_space<vmem>>[vector<16xi32>], vector<16xi32>, vector<16xi1>
          } else {
          }
        }
        %scan3A_383 = arith.constant 10 : i32
        %add3A_384 = arith.constant 4 : i32
        %add3A_385 = arith.addi %add3A_377, %add3A_384 : i32
        %lt3A_386 = arith.constant 130 : i32
        %lt3A_387 = arith.cmpi slt, %add3A_385, %lt3A_386 : i32
        %convert_element_type3A_388 = arith.extui %lt3A_387 : i1 to i32
        %cond3A_389 = arith.constant 0 : i32
        %cond3A_390 = arith.cmpi ne, %convert_element_type3A_388, %cond3A_389 : i32
        scf.if %cond3A_390 {
          %sub3A_434 = arith.constant 8 : i32
          %sub3A_435 = arith.subi %add3A_385, %sub3A_434 : i32
          %ge3A_436 = arith.constant 0 : i32
          %ge3A_437 = arith.cmpi sge, %sub3A_435, %ge3A_436 : i32
          %convert_element_type3A_438 = arith.extui %ge3A_437 : i1 to i32
          %cond3A_439 = arith.constant 0 : i32
          %cond3A_440 = arith.cmpi ne, %convert_element_type3A_438, %cond3A_439 : i32
          scf.if %cond3A_440 {
            %sub3A_464 = arith.constant 8 : i32
            %sub3A_465 = arith.subi %add3A_385, %sub3A_464 : i32
            %mul3A_466 = arith.constant 24 : i32
            %mul3A_467 = arith.muli %sub3A_465, %mul3A_466 : i32
            %add3A_468 = arith.addi %mul3A_5, %mul3A_467 : i32
            %dma_wait3A_469 = arith.constant 2 : i32
            %dma_wait3A_470 = arith.constant 2 : i32
            %dma_wait3A_471 = arith.constant 0 : i32
            %dma_wait3A_472 = arith.constant 0 : i32
            %dma_wait3A_473 = arith.constant 0 : i32
            %dma_wait3A_474 = tpu.memref_slice %arg10[%dma_wait3A_469, %dma_wait3A_471, %dma_wait3A_472, %dma_wait3A_473] : memref<8x24x4x128xf32, #tpu.memory_space<vmem>> -> memref<1x24x4x128xf32, #tpu.memory_space<vmem>>
            %dma_wait3A_475 = tpu.memref_squeeze %dma_wait3A_474 : memref<1x24x4x128xf32, #tpu.memory_space<vmem>> -> memref<24x4x128xf32, #tpu.memory_space<vmem>>
            %dma_wait3A_476 = arith.constant 0 : i32
            %dma_wait3A_477 = arith.constant 0 : i32
            %dma_wait3A_478 = tpu.memref_slice %arg5[%add3A_468, %dma_wait3A_476, %dma_wait3A_477] : memref<100000x4x128xf32, #tpu.memory_space<hbm>> -> memref<24x4x128xf32, #tpu.memory_space<hbm>>
            %dma_wait3A_479 = tpu.memref_slice %arg12[%dma_wait3A_470] : memref<8x!tpu.dma_semaphore, #tpu.memory_space<semaphore_mem>> -> memref<1x!tpu.dma_semaphore, #tpu.memory_space<semaphore_mem>>
            %dma_wait3A_480 = tpu.memref_squeeze %dma_wait3A_479 : memref<1x!tpu.dma_semaphore, #tpu.memory_space<semaphore_mem>> -> memref<!tpu.dma_semaphore, #tpu.memory_space<semaphore_mem>>
            %dma_wait3A_481 = arith.constant 0 : i32
            %dma_wait3A_482 = arith.constant 0 : i32
            %dma_wait3A_483 = tpu.memref_slice %arg5[%add3A_468, %dma_wait3A_481, %dma_wait3A_482] : memref<100000x4x128xf32, #tpu.memory_space<hbm>> -> memref<24x4x128xf32, #tpu.memory_space<hbm>>
            %dma_wait3A_484 = arith.constant 0 : i32
            %dma_wait3A_485 = arith.constant 0 : i32
            %dma_wait3A_486 = arith.constant 0 : i32
            %dma_wait3A_487 = tpu.memref_slice %arg10[%dma_wait3A_469, %dma_wait3A_484, %dma_wait3A_485, %dma_wait3A_486] : memref<8x24x4x128xf32, #tpu.memory_space<vmem>> -> memref<1x24x4x128xf32, #tpu.memory_space<vmem>>
            %dma_wait3A_488 = tpu.memref_squeeze %dma_wait3A_487 : memref<1x24x4x128xf32, #tpu.memory_space<vmem>> -> memref<24x4x128xf32, #tpu.memory_space<vmem>>
            tpu.wait_dma2 semaphore(%dma_wait3A_480 : memref<!tpu.dma_semaphore, #tpu.memory_space<semaphore_mem>>) src(%dma_wait3A_488 : memref<24x4x128xf32, #tpu.memory_space<vmem>>) dst(%dma_wait3A_483 : memref<24x4x128xf32, #tpu.memory_space<hbm>>)
          } else {
          }
          %mul3A_441 = arith.constant 24 : i32
          %mul3A_442 = arith.muli %add3A_385, %mul3A_441 : i32
          %add3A_443 = arith.addi %mul3A_5, %mul3A_442 : i32
          %dma_start3A_444 = arith.constant 2 : i32
          %dma_start3A_445 = arith.constant 2 : i32
          %dma_start3A_446 = arith.constant 0 : i32
          %dma_start3A_447 = arith.constant 0 : i32
          %dma_start3A_448 = arith.constant 0 : i32
          %dma_start3A_449 = tpu.memref_slice %arg10[%dma_start3A_444, %dma_start3A_446, %dma_start3A_447, %dma_start3A_448] : memref<8x24x4x128xf32, #tpu.memory_space<vmem>> -> memref<1x24x4x128xf32, #tpu.memory_space<vmem>>
          %dma_start3A_450 = tpu.memref_squeeze %dma_start3A_449 : memref<1x24x4x128xf32, #tpu.memory_space<vmem>> -> memref<24x4x128xf32, #tpu.memory_space<vmem>>
          %dma_start3A_451 = arith.constant 0 : i32
          %dma_start3A_452 = arith.constant 0 : i32
          %dma_start3A_453 = tpu.memref_slice %arg2[%add3A_443, %dma_start3A_451, %dma_start3A_452] : memref<100000x4x128xf32, #tpu.memory_space<hbm>> -> memref<24x4x128xf32, #tpu.memory_space<hbm>>
          %dma_start3A_454 = tpu.memref_slice %arg11[%dma_start3A_445] : memref<8x!tpu.dma_semaphore, #tpu.memory_space<semaphore_mem>> -> memref<1x!tpu.dma_semaphore, #tpu.memory_space<semaphore_mem>>
          %dma_start3A_455 = tpu.memref_squeeze %dma_start3A_454 : memref<1x!tpu.dma_semaphore, #tpu.memory_space<semaphore_mem>> -> memref<!tpu.dma_semaphore, #tpu.memory_space<semaphore_mem>>
          %dma_start3A_456 = arith.constant 0 : i32
          %dma_start3A_457 = arith.constant 0 : i32
          %dma_start3A_458 = arith.constant 0 : i32
          %dma_start3A_459 = tpu.memref_slice %arg10[%dma_start3A_444, %dma_start3A_456, %dma_start3A_457, %dma_start3A_458] : memref<8x24x4x128xf32, #tpu.memory_space<vmem>> -> memref<1x24x4x128xf32, #tpu.memory_space<vmem>>
          %dma_start3A_460 = tpu.memref_squeeze %dma_start3A_459 : memref<1x24x4x128xf32, #tpu.memory_space<vmem>> -> memref<24x4x128xf32, #tpu.memory_space<vmem>>
          %dma_start3A_461 = arith.constant 0 : i32
          %dma_start3A_462 = arith.constant 0 : i32
          %dma_start3A_463 = tpu.memref_slice %arg2[%add3A_443, %dma_start3A_461, %dma_start3A_462] : memref<100000x4x128xf32, #tpu.memory_space<hbm>> -> memref<24x4x128xf32, #tpu.memory_space<hbm>>
          tpu.enqueue_dma source(%dma_start3A_463 : memref<24x4x128xf32, #tpu.memory_space<hbm>>) target(%dma_start3A_460 : memref<24x4x128xf32, #tpu.memory_space<vmem>>) target_semaphore(%dma_start3A_455 : memref<!tpu.dma_semaphore, #tpu.memory_space<semaphore_mem>>)
        } else {
        }
        %mul3A_391 = arith.constant 24 : i32
        %mul3A_392 = arith.muli %add3A_377, %mul3A_391 : i32
        %add3A_393 = arith.addi %mul3A_5, %mul3A_392 : i32
        %dma_wait3A_394 = arith.constant 6 : i32
        %dma_wait3A_395 = arith.constant 6 : i32
        %dma_wait3A_396 = arith.constant 0 : i32
        %dma_wait3A_397 = arith.constant 0 : i32
        %dma_wait3A_398 = arith.constant 0 : i32
        %dma_wait3A_399 = tpu.memref_slice %arg10[%dma_wait3A_394, %dma_wait3A_396, %dma_wait3A_397, %dma_wait3A_398] : memref<8x24x4x128xf32, #tpu.memory_space<vmem>> -> memref<1x24x4x128xf32, #tpu.memory_space<vmem>>
        %dma_wait3A_400 = tpu.memref_squeeze %dma_wait3A_399 : memref<1x24x4x128xf32, #tpu.memory_space<vmem>> -> memref<24x4x128xf32, #tpu.memory_space<vmem>>
        %dma_wait3A_401 = arith.constant 0 : i32
        %dma_wait3A_402 = arith.constant 0 : i32
        %dma_wait3A_403 = tpu.memref_slice %arg2[%add3A_393, %dma_wait3A_401, %dma_wait3A_402] : memref<100000x4x128xf32, #tpu.memory_space<hbm>> -> memref<24x4x128xf32, #tpu.memory_space<hbm>>
        %dma_wait3A_404 = tpu.memref_slice %arg11[%dma_wait3A_395] : memref<8x!tpu.dma_semaphore, #tpu.memory_space<semaphore_mem>> -> memref<1x!tpu.dma_semaphore, #tpu.memory_space<semaphore_mem>>
        %dma_wait3A_405 = tpu.memref_squeeze %dma_wait3A_404 : memref<1x!tpu.dma_semaphore, #tpu.memory_space<semaphore_mem>> -> memref<!tpu.dma_semaphore, #tpu.memory_space<semaphore_mem>>
        %dma_wait3A_406 = arith.constant 0 : i32
        %dma_wait3A_407 = arith.constant 0 : i32
        %dma_wait3A_408 = arith.constant 0 : i32
        %dma_wait3A_409 = tpu.memref_slice %arg10[%dma_wait3A_394, %dma_wait3A_406, %dma_wait3A_407, %dma_wait3A_408] : memref<8x24x4x128xf32, #tpu.memory_space<vmem>> -> memref<1x24x4x128xf32, #tpu.memory_space<vmem>>
        %dma_wait3A_410 = tpu.memref_squeeze %dma_wait3A_409 : memref<1x24x4x128xf32, #tpu.memory_space<vmem>> -> memref<24x4x128xf32, #tpu.memory_space<vmem>>
        %dma_wait3A_411 = arith.constant 0 : i32
        %dma_wait3A_412 = arith.constant 0 : i32
        %dma_wait3A_413 = tpu.memref_slice %arg2[%add3A_393, %dma_wait3A_411, %dma_wait3A_412] : memref<100000x4x128xf32, #tpu.memory_space<hbm>> -> memref<24x4x128xf32, #tpu.memory_space<hbm>>
        tpu.wait_dma2 semaphore(%dma_wait3A_405 : memref<!tpu.dma_semaphore, #tpu.memory_space<semaphore_mem>>) src(%dma_wait3A_413 : memref<24x4x128xf32, #tpu.memory_space<hbm>>) dst(%dma_wait3A_410 : memref<24x4x128xf32, #tpu.memory_space<vmem>>)
        %dma_start3A_414 = arith.constant 6 : i32
        %dma_start3A_415 = arith.constant 6 : i32
        %dma_start3A_416 = arith.constant 0 : i32
        %dma_start3A_417 = arith.constant 0 : i32
        %dma_start3A_418 = arith.constant 0 : i32
        %dma_start3A_419 = tpu.memref_slice %arg10[%dma_start3A_414, %dma_start3A_416, %dma_start3A_417, %dma_start3A_418] : memref<8x24x4x128xf32, #tpu.memory_space<vmem>> -> memref<1x24x4x128xf32, #tpu.memory_space<vmem>>
        %dma_start3A_420 = tpu.memref_squeeze %dma_start3A_419 : memref<1x24x4x128xf32, #tpu.memory_space<vmem>> -> memref<24x4x128xf32, #tpu.memory_space<vmem>>
        %dma_start3A_421 = arith.constant 0 : i32
        %dma_start3A_422 = arith.constant 0 : i32
        %dma_start3A_423 = tpu.memref_slice %arg5[%add3A_393, %dma_start3A_421, %dma_start3A_422] : memref<100000x4x128xf32, #tpu.memory_space<hbm>> -> memref<24x4x128xf32, #tpu.memory_space<hbm>>
        %dma_start3A_424 = tpu.memref_slice %arg12[%dma_start3A_415] : memref<8x!tpu.dma_semaphore, #tpu.memory_space<semaphore_mem>> -> memref<1x!tpu.dma_semaphore, #tpu.memory_space<semaphore_mem>>
        %dma_start3A_425 = tpu.memref_squeeze %dma_start3A_424 : memref<1x!tpu.dma_semaphore, #tpu.memory_space<semaphore_mem>> -> memref<!tpu.dma_semaphore, #tpu.memory_space<semaphore_mem>>
        %dma_start3A_426 = arith.constant 0 : i32
        %dma_start3A_427 = arith.constant 0 : i32
        %dma_start3A_428 = tpu.memref_slice %arg5[%add3A_393, %dma_start3A_426, %dma_start3A_427] : memref<100000x4x128xf32, #tpu.memory_space<hbm>> -> memref<24x4x128xf32, #tpu.memory_space<hbm>>
        %dma_start3A_429 = arith.constant 0 : i32
        %dma_start3A_430 = arith.constant 0 : i32
        %dma_start3A_431 = arith.constant 0 : i32
        %dma_start3A_432 = tpu.memref_slice %arg10[%dma_start3A_414, %dma_start3A_429, %dma_start3A_430, %dma_start3A_431] : memref<8x24x4x128xf32, #tpu.memory_space<vmem>> -> memref<1x24x4x128xf32, #tpu.memory_space<vmem>>
        %dma_start3A_433 = tpu.memref_squeeze %dma_start3A_432 : memref<1x24x4x128xf32, #tpu.memory_space<vmem>> -> memref<24x4x128xf32, #tpu.memory_space<vmem>>
        tpu.enqueue_dma source(%dma_start3A_433 : memref<24x4x128xf32, #tpu.memory_space<vmem>>) target(%dma_start3A_428 : memref<24x4x128xf32, #tpu.memory_space<hbm>>) target_semaphore(%dma_start3A_425 : memref<!tpu.dma_semaphore, #tpu.memory_space<semaphore_mem>>)
      } else {
      }
      %mul3A_365 = arith.constant 8 : i32
      %mul3A_366 = arith.muli %scan3A_301, %mul3A_365 : i32
      %add3A_367 = arith.constant 7 : i32
      %add3A_368 = arith.addi %mul3A_366, %add3A_367 : i32
      %lt3A_369 = arith.constant 130 : i32
      %lt3A_370 = arith.cmpi slt, %add3A_368, %lt3A_369 : i32
      %convert_element_type3A_371 = arith.extui %lt3A_370 : i1 to i32
      %cond3A_372 = arith.constant 0 : i32
      %cond3A_373 = arith.cmpi ne, %convert_element_type3A_371, %cond3A_372 : i32
      scf.if %cond3A_373 {
        %mul3A_374 = arith.constant 8 : i32
        %mul3A_375 = arith.muli %scan3A_301, %mul3A_374 : i32
        %add3A_376 = arith.constant 7 : i32
        %add3A_377 = arith.addi %mul3A_375, %add3A_376 : i32
        %scan3A_378 = arith.constant 0 : i32
        %scan3A_379 = arith.constant 0 : i32
        %scan3A_380 = arith.constant 10 : i32
        %scan3A_381 = arith.addi %scan3A_379, %scan3A_380 : i32
        %scan3A_382 = arith.constant 1 : i32
        scf.for %scan3A_434 = %scan3A_379 to %scan3A_381 step %scan3A_382  : i32 {
          %mul3A_435 = arith.constant 10 : i32
          %mul3A_436 = arith.muli %add3A_377, %mul3A_435 : i32
          %add3A_437 = arith.addi %mul3A_436, %scan3A_434 : i32
          %lt3A_438 = arith.constant 196 : i32
          %lt3A_439 = arith.cmpi slt, %add3A_437, %lt3A_438 : i32
          %convert_element_type3A_440 = arith.extui %lt3A_439 : i1 to i32
          %cond3A_441 = arith.constant 0 : i32
          %cond3A_442 = arith.cmpi ne, %convert_element_type3A_440, %cond3A_441 : i32
          scf.if %cond3A_442 {
            %mul3A_451 = arith.constant 16 : i32
            %mul3A_452 = arith.muli %add3A_437, %mul3A_451 : i32
            %swap3A = arith.index_cast %mul3A_452 : i32 to index
            %swap3A_453 = tpu.vector_load %arg7[%swap3A] {strides = array<i32>} : memref<3136xi32, #tpu.memory_space<vmem>>, vector<16xi32>,
            tpu.vector_store %arg7[%swap3A], %broadcast_in_dim3A_14 {strides = array<i32>} : memref<3136xi32, #tpu.memory_space<vmem>>, vector<16xi32>,
          } else {
          }
          %ge3A_443 = arith.constant 196 : i32
          %ge3A_444 = arith.cmpi sge, %add3A_437, %ge3A_443 : i32
          %lt3A_445 = arith.constant 1220 : i32
          %lt3A_446 = arith.cmpi slt, %add3A_437, %lt3A_445 : i32
          %and3A_447 = arith.andi %ge3A_444, %lt3A_446 : i1
          %convert_element_type3A_448 = arith.extui %and3A_447 : i1 to i32
          %cond3A_449 = arith.constant 0 : i32
          %cond3A_450 = arith.cmpi ne, %convert_element_type3A_448, %cond3A_449 : i32
          scf.if %cond3A_450 {
            %sub3A_451 = arith.constant 196 : i32
            %sub3A_452 = arith.subi %add3A_437, %sub3A_451 : i32
            %mul3A_453 = arith.constant 16 : i32
            %mul3A_454 = arith.muli %sub3A_452, %mul3A_453 : i32
            %get3A = arith.index_cast %mul3A_454 : i32 to index
            %get3A_455 = tpu.vector_load %arg6[%get3A] {strides = array<i32>} : memref<16384xi32, #tpu.memory_space<vmem>>, vector<16xi32>,
            %ge3A_456 = vector.broadcast %mul3A_5 : i32 to vector<16xi32>
            %ge3A_457 = arith.cmpi sge, %get3A_455, %ge3A_456 : vector<16xi32>
            %lt3A_458 = vector.broadcast %mul3A_13 : i32 to vector<16xi32>
            %lt3A_459 = arith.cmpi slt, %get3A_455, %lt3A_458 : vector<16xi32>
            %and3A_460 = arith.andi %ge3A_457, %lt3A_459 : vector<16xi1>
            %unique3A, %unique3A_461 = tpu.scan_count mask(%and3A_460 : vector<16xi1>) value(%get3A_455 : vector<16xi32>) : vector<16xi1>, vector<16xi32>
            %and3A_462 = arith.andi %unique3A, %and3A_460 : vector<16xi1>
            %sub3A_463 = vector.broadcast %mul3A_5 : i32 to vector<16xi32>
            %sub3A_464 = arith.subi %get3A_455, %sub3A_463 : vector<16xi32>
            %jit3A = arith.constant 0 : i32
            %broadcast_in_dim3A_465 = vector.broadcast %jit3A : i32 to vector<16xi32>
            %select_n3A = arith.select %and3A_462, %sub3A_464, %broadcast_in_dim3A_465 : vector<16xi1>, vector<16xi32>
            %mul3A_466 = arith.constant 16 : i32
            %mul3A_467 = arith.muli %sub3A_452, %mul3A_466 : i32
            %add3A_468 = vector.broadcast %mul3A_467 : i32 to vector<16xi32>
            %add3A_469 = arith.addi %add3A_468, %iota3A : vector<16xi32>
            tpu.vector_store_idx %arg7[%select_n3A], %add3A_469 masked %and3A_462 : memref<3136xi32, #tpu.memory_space<vmem>>[vector<16xi32>], vector<16xi32>, vector<16xi1>
          } else {
          }
        }
        %scan3A_383 = arith.constant 10 : i32
        %add3A_384 = arith.constant 4 : i32
        %add3A_385 = arith.addi %add3A_377, %add3A_384 : i32
        %lt3A_386 = arith.constant 130 : i32
        %lt3A_387 = arith.cmpi slt, %add3A_385, %lt3A_386 : i32
        %convert_element_type3A_388 = arith.extui %lt3A_387 : i1 to i32
        %cond3A_389 = arith.constant 0 : i32
        %cond3A_390 = arith.cmpi ne, %convert_element_type3A_388, %cond3A_389 : i32
        scf.if %cond3A_390 {
          %sub3A_434 = arith.constant 8 : i32
          %sub3A_435 = arith.subi %add3A_385, %sub3A_434 : i32
          %ge3A_436 = arith.constant 0 : i32
          %ge3A_437 = arith.cmpi sge, %sub3A_435, %ge3A_436 : i32
          %convert_element_type3A_438 = arith.extui %ge3A_437 : i1 to i32
          %cond3A_439 = arith.constant 0 : i32
          %cond3A_440 = arith.cmpi ne, %convert_element_type3A_438, %cond3A_439 : i32
          scf.if %cond3A_440 {
            %sub3A_464 = arith.constant 8 : i32
            %sub3A_465 = arith.subi %add3A_385, %sub3A_464 : i32
            %mul3A_466 = arith.constant 24 : i32
            %mul3A_467 = arith.muli %sub3A_465, %mul3A_466 : i32
            %add3A_468 = arith.addi %mul3A_5, %mul3A_467 : i32
            %dma_wait3A_469 = arith.constant 3 : i32
            %dma_wait3A_470 = arith.constant 3 : i32
            %dma_wait3A_471 = arith.constant 0 : i32
            %dma_wait3A_472 = arith.constant 0 : i32
            %dma_wait3A_473 = arith.constant 0 : i32
            %dma_wait3A_474 = tpu.memref_slice %arg10[%dma_wait3A_469, %dma_wait3A_471, %dma_wait3A_472, %dma_wait3A_473] : memref<8x24x4x128xf32, #tpu.memory_space<vmem>> -> memref<1x24x4x128xf32, #tpu.memory_space<vmem>>
            %dma_wait3A_475 = tpu.memref_squeeze %dma_wait3A_474 : memref<1x24x4x128xf32, #tpu.memory_space<vmem>> -> memref<24x4x128xf32, #tpu.memory_space<vmem>>
            %dma_wait3A_476 = arith.constant 0 : i32
            %dma_wait3A_477 = arith.constant 0 : i32
            %dma_wait3A_478 = tpu.memref_slice %arg5[%add3A_468, %dma_wait3A_476, %dma_wait3A_477] : memref<100000x4x128xf32, #tpu.memory_space<hbm>> -> memref<24x4x128xf32, #tpu.memory_space<hbm>>
            %dma_wait3A_479 = tpu.memref_slice %arg12[%dma_wait3A_470] : memref<8x!tpu.dma_semaphore, #tpu.memory_space<semaphore_mem>> -> memref<1x!tpu.dma_semaphore, #tpu.memory_space<semaphore_mem>>
            %dma_wait3A_480 = tpu.memref_squeeze %dma_wait3A_479 : memref<1x!tpu.dma_semaphore, #tpu.memory_space<semaphore_mem>> -> memref<!tpu.dma_semaphore, #tpu.memory_space<semaphore_mem>>
            %dma_wait3A_481 = arith.constant 0 : i32
            %dma_wait3A_482 = arith.constant 0 : i32
            %dma_wait3A_483 = tpu.memref_slice %arg5[%add3A_468, %dma_wait3A_481, %dma_wait3A_482] : memref<100000x4x128xf32, #tpu.memory_space<hbm>> -> memref<24x4x128xf32, #tpu.memory_space<hbm>>
            %dma_wait3A_484 = arith.constant 0 : i32
            %dma_wait3A_485 = arith.constant 0 : i32
            %dma_wait3A_486 = arith.constant 0 : i32
            %dma_wait3A_487 = tpu.memref_slice %arg10[%dma_wait3A_469, %dma_wait3A_484, %dma_wait3A_485, %dma_wait3A_486] : memref<8x24x4x128xf32, #tpu.memory_space<vmem>> -> memref<1x24x4x128xf32, #tpu.memory_space<vmem>>
            %dma_wait3A_488 = tpu.memref_squeeze %dma_wait3A_487 : memref<1x24x4x128xf32, #tpu.memory_space<vmem>> -> memref<24x4x128xf32, #tpu.memory_space<vmem>>
            tpu.wait_dma2 semaphore(%dma_wait3A_480 : memref<!tpu.dma_semaphore, #tpu.memory_space<semaphore_mem>>) src(%dma_wait3A_488 : memref<24x4x128xf32, #tpu.memory_space<vmem>>) dst(%dma_wait3A_483 : memref<24x4x128xf32, #tpu.memory_space<hbm>>)
          } else {
          }
          %mul3A_441 = arith.constant 24 : i32
          %mul3A_442 = arith.muli %add3A_385, %mul3A_441 : i32
          %add3A_443 = arith.addi %mul3A_5, %mul3A_442 : i32
          %dma_start3A_444 = arith.constant 3 : i32
          %dma_start3A_445 = arith.constant 3 : i32
          %dma_start3A_446 = arith.constant 0 : i32
          %dma_start3A_447 = arith.constant 0 : i32
          %dma_start3A_448 = arith.constant 0 : i32
          %dma_start3A_449 = tpu.memref_slice %arg10[%dma_start3A_444, %dma_start3A_446, %dma_start3A_447, %dma_start3A_448] : memref<8x24x4x128xf32, #tpu.memory_space<vmem>> -> memref<1x24x4x128xf32, #tpu.memory_space<vmem>>
          %dma_start3A_450 = tpu.memref_squeeze %dma_start3A_449 : memref<1x24x4x128xf32, #tpu.memory_space<vmem>> -> memref<24x4x128xf32, #tpu.memory_space<vmem>>
          %dma_start3A_451 = arith.constant 0 : i32
          %dma_start3A_452 = arith.constant 0 : i32
          %dma_start3A_453 = tpu.memref_slice %arg2[%add3A_443, %dma_start3A_451, %dma_start3A_452] : memref<100000x4x128xf32, #tpu.memory_space<hbm>> -> memref<24x4x128xf32, #tpu.memory_space<hbm>>
          %dma_start3A_454 = tpu.memref_slice %arg11[%dma_start3A_445] : memref<8x!tpu.dma_semaphore, #tpu.memory_space<semaphore_mem>> -> memref<1x!tpu.dma_semaphore, #tpu.memory_space<semaphore_mem>>
          %dma_start3A_455 = tpu.memref_squeeze %dma_start3A_454 : memref<1x!tpu.dma_semaphore, #tpu.memory_space<semaphore_mem>> -> memref<!tpu.dma_semaphore, #tpu.memory_space<semaphore_mem>>
          %dma_start3A_456 = arith.constant 0 : i32
          %dma_start3A_457 = arith.constant 0 : i32
          %dma_start3A_458 = arith.constant 0 : i32
          %dma_start3A_459 = tpu.memref_slice %arg10[%dma_start3A_444, %dma_start3A_456, %dma_start3A_457, %dma_start3A_458] : memref<8x24x4x128xf32, #tpu.memory_space<vmem>> -> memref<1x24x4x128xf32, #tpu.memory_space<vmem>>
          %dma_start3A_460 = tpu.memref_squeeze %dma_start3A_459 : memref<1x24x4x128xf32, #tpu.memory_space<vmem>> -> memref<24x4x128xf32, #tpu.memory_space<vmem>>
          %dma_start3A_461 = arith.constant 0 : i32
          %dma_start3A_462 = arith.constant 0 : i32
          %dma_start3A_463 = tpu.memref_slice %arg2[%add3A_443, %dma_start3A_461, %dma_start3A_462] : memref<100000x4x128xf32, #tpu.memory_space<hbm>> -> memref<24x4x128xf32, #tpu.memory_space<hbm>>
          tpu.enqueue_dma source(%dma_start3A_463 : memref<24x4x128xf32, #tpu.memory_space<hbm>>) target(%dma_start3A_460 : memref<24x4x128xf32, #tpu.memory_space<vmem>>) target_semaphore(%dma_start3A_455 : memref<!tpu.dma_semaphore, #tpu.memory_space<semaphore_mem>>)
        } else {
        }
        %mul3A_391 = arith.constant 24 : i32
        %mul3A_392 = arith.muli %add3A_377, %mul3A_391 : i32
        %add3A_393 = arith.addi %mul3A_5, %mul3A_392 : i32
        %dma_wait3A_394 = arith.constant 7 : i32
        %dma_wait3A_395 = arith.constant 7 : i32
        %dma_wait3A_396 = arith.constant 0 : i32
        %dma_wait3A_397 = arith.constant 0 : i32
        %dma_wait3A_398 = arith.constant 0 : i32
        %dma_wait3A_399 = tpu.memref_slice %arg10[%dma_wait3A_394, %dma_wait3A_396, %dma_wait3A_397, %dma_wait3A_398] : memref<8x24x4x128xf32, #tpu.memory_space<vmem>> -> memref<1x24x4x128xf32, #tpu.memory_space<vmem>>
        %dma_wait3A_400 = tpu.memref_squeeze %dma_wait3A_399 : memref<1x24x4x128xf32, #tpu.memory_space<vmem>> -> memref<24x4x128xf32, #tpu.memory_space<vmem>>
        %dma_wait3A_401 = arith.constant 0 : i32
        %dma_wait3A_402 = arith.constant 0 : i32
        %dma_wait3A_403 = tpu.memref_slice %arg2[%add3A_393, %dma_wait3A_401, %dma_wait3A_402] : memref<100000x4x128xf32, #tpu.memory_space<hbm>> -> memref<24x4x128xf32, #tpu.memory_space<hbm>>
        %dma_wait3A_404 = tpu.memref_slice %arg11[%dma_wait3A_395] : memref<8x!tpu.dma_semaphore, #tpu.memory_space<semaphore_mem>> -> memref<1x!tpu.dma_semaphore, #tpu.memory_space<semaphore_mem>>
        %dma_wait3A_405 = tpu.memref_squeeze %dma_wait3A_404 : memref<1x!tpu.dma_semaphore, #tpu.memory_space<semaphore_mem>> -> memref<!tpu.dma_semaphore, #tpu.memory_space<semaphore_mem>>
        %dma_wait3A_406 = arith.constant 0 : i32
        %dma_wait3A_407 = arith.constant 0 : i32
        %dma_wait3A_408 = arith.constant 0 : i32
        %dma_wait3A_409 = tpu.memref_slice %arg10[%dma_wait3A_394, %dma_wait3A_406, %dma_wait3A_407, %dma_wait3A_408] : memref<8x24x4x128xf32, #tpu.memory_space<vmem>> -> memref<1x24x4x128xf32, #tpu.memory_space<vmem>>
        %dma_wait3A_410 = tpu.memref_squeeze %dma_wait3A_409 : memref<1x24x4x128xf32, #tpu.memory_space<vmem>> -> memref<24x4x128xf32, #tpu.memory_space<vmem>>
        %dma_wait3A_411 = arith.constant 0 : i32
        %dma_wait3A_412 = arith.constant 0 : i32
        %dma_wait3A_413 = tpu.memref_slice %arg2[%add3A_393, %dma_wait3A_411, %dma_wait3A_412] : memref<100000x4x128xf32, #tpu.memory_space<hbm>> -> memref<24x4x128xf32, #tpu.memory_space<hbm>>
        tpu.wait_dma2 semaphore(%dma_wait3A_405 : memref<!tpu.dma_semaphore, #tpu.memory_space<semaphore_mem>>) src(%dma_wait3A_413 : memref<24x4x128xf32, #tpu.memory_space<hbm>>) dst(%dma_wait3A_410 : memref<24x4x128xf32, #tpu.memory_space<vmem>>)
        %dma_start3A_414 = arith.constant 7 : i32
        %dma_start3A_415 = arith.constant 7 : i32
        %dma_start3A_416 = arith.constant 0 : i32
        %dma_start3A_417 = arith.constant 0 : i32
        %dma_start3A_418 = arith.constant 0 : i32
        %dma_start3A_419 = tpu.memref_slice %arg10[%dma_start3A_414, %dma_start3A_416, %dma_start3A_417, %dma_start3A_418] : memref<8x24x4x128xf32, #tpu.memory_space<vmem>> -> memref<1x24x4x128xf32, #tpu.memory_space<vmem>>
        %dma_start3A_420 = tpu.memref_squeeze %dma_start3A_419 : memref<1x24x4x128xf32, #tpu.memory_space<vmem>> -> memref<24x4x128xf32, #tpu.memory_space<vmem>>
        %dma_start3A_421 = arith.constant 0 : i32
        %dma_start3A_422 = arith.constant 0 : i32
        %dma_start3A_423 = tpu.memref_slice %arg5[%add3A_393, %dma_start3A_421, %dma_start3A_422] : memref<100000x4x128xf32, #tpu.memory_space<hbm>> -> memref<24x4x128xf32, #tpu.memory_space<hbm>>
        %dma_start3A_424 = tpu.memref_slice %arg12[%dma_start3A_415] : memref<8x!tpu.dma_semaphore, #tpu.memory_space<semaphore_mem>> -> memref<1x!tpu.dma_semaphore, #tpu.memory_space<semaphore_mem>>
        %dma_start3A_425 = tpu.memref_squeeze %dma_start3A_424 : memref<1x!tpu.dma_semaphore, #tpu.memory_space<semaphore_mem>> -> memref<!tpu.dma_semaphore, #tpu.memory_space<semaphore_mem>>
        %dma_start3A_426 = arith.constant 0 : i32
        %dma_start3A_427 = arith.constant 0 : i32
        %dma_start3A_428 = tpu.memref_slice %arg5[%add3A_393, %dma_start3A_426, %dma_start3A_427] : memref<100000x4x128xf32, #tpu.memory_space<hbm>> -> memref<24x4x128xf32, #tpu.memory_space<hbm>>
        %dma_start3A_429 = arith.constant 0 : i32
        %dma_start3A_430 = arith.constant 0 : i32
        %dma_start3A_431 = arith.constant 0 : i32
        %dma_start3A_432 = tpu.memref_slice %arg10[%dma_start3A_414, %dma_start3A_429, %dma_start3A_430, %dma_start3A_431] : memref<8x24x4x128xf32, #tpu.memory_space<vmem>> -> memref<1x24x4x128xf32, #tpu.memory_space<vmem>>
        %dma_start3A_433 = tpu.memref_squeeze %dma_start3A_432 : memref<1x24x4x128xf32, #tpu.memory_space<vmem>> -> memref<24x4x128xf32, #tpu.memory_space<vmem>>
        tpu.enqueue_dma source(%dma_start3A_433 : memref<24x4x128xf32, #tpu.memory_space<vmem>>) target(%dma_start3A_428 : memref<24x4x128xf32, #tpu.memory_space<hbm>>) target_semaphore(%dma_start3A_425 : memref<!tpu.dma_semaphore, #tpu.memory_space<semaphore_mem>>)
      } else {
      }
    }
    %scan3A_106 = arith.constant 17 : i32
    %add3A_107 = arith.constant 2928 : i32
    %add3A_108 = arith.addi %mul3A_5, %add3A_107 : i32
    %dma_wait3A = arith.constant 2 : i32
    %dma_wait3A_109 = arith.constant 2 : i32
    %dma_wait3A_110 = arith.constant 0 : i32
    %dma_wait3A_111 = arith.constant 0 : i32
    %dma_wait3A_112 = arith.constant 0 : i32
    %dma_wait3A_113 = tpu.memref_slice %arg10[%dma_wait3A, %dma_wait3A_110, %dma_wait3A_111, %dma_wait3A_112] : memref<8x24x4x128xf32, #tpu.memory_space<vmem>> -> memref<1x24x4x128xf32, #tpu.memory_space<vmem>>
    %dma_wait3A_114 = tpu.memref_squeeze %dma_wait3A_113 : memref<1x24x4x128xf32, #tpu.memory_space<vmem>> -> memref<24x4x128xf32, #tpu.memory_space<vmem>>
    %dma_wait3A_115 = arith.constant 0 : i32
    %dma_wait3A_116 = arith.constant 0 : i32
    %dma_wait3A_117 = tpu.memref_slice %arg5[%add3A_108, %dma_wait3A_115, %dma_wait3A_116] : memref<100000x4x128xf32, #tpu.memory_space<hbm>> -> memref<24x4x128xf32, #tpu.memory_space<hbm>>
    %dma_wait3A_118 = tpu.memref_slice %arg12[%dma_wait3A_109] : memref<8x!tpu.dma_semaphore, #tpu.memory_space<semaphore_mem>> -> memref<1x!tpu.dma_semaphore, #tpu.memory_space<semaphore_mem>>
    %dma_wait3A_119 = tpu.memref_squeeze %dma_wait3A_118 : memref<1x!tpu.dma_semaphore, #tpu.memory_space<semaphore_mem>> -> memref<!tpu.dma_semaphore, #tpu.memory_space<semaphore_mem>>
    %dma_wait3A_120 = arith.constant 0 : i32
    %dma_wait3A_121 = arith.constant 0 : i32
    %dma_wait3A_122 = tpu.memref_slice %arg5[%add3A_108, %dma_wait3A_120, %dma_wait3A_121] : memref<100000x4x128xf32, #tpu.memory_space<hbm>> -> memref<24x4x128xf32, #tpu.memory_space<hbm>>
    %dma_wait3A_123 = arith.constant 0 : i32
    %dma_wait3A_124 = arith.constant 0 : i32
    %dma_wait3A_125 = arith.constant 0 : i32
    %dma_wait3A_126 = tpu.memref_slice %arg10[%dma_wait3A, %dma_wait3A_123, %dma_wait3A_124, %dma_wait3A_125] : memref<8x24x4x128xf32, #tpu.memory_space<vmem>> -> memref<1x24x4x128xf32, #tpu.memory_space<vmem>>
    %dma_wait3A_127 = tpu.memref_squeeze %dma_wait3A_126 : memref<1x24x4x128xf32, #tpu.memory_space<vmem>> -> memref<24x4x128xf32, #tpu.memory_space<vmem>>
    tpu.wait_dma2 semaphore(%dma_wait3A_119 : memref<!tpu.dma_semaphore, #tpu.memory_space<semaphore_mem>>) src(%dma_wait3A_127 : memref<24x4x128xf32, #tpu.memory_space<vmem>>) dst(%dma_wait3A_122 : memref<24x4x128xf32, #tpu.memory_space<hbm>>)
    %add3A_128 = arith.constant 2952 : i32
    %add3A_129 = arith.addi %mul3A_5, %add3A_128 : i32
    %dma_wait3A_130 = arith.constant 3 : i32
    %dma_wait3A_131 = arith.constant 3 : i32
    %dma_wait3A_132 = arith.constant 0 : i32
    %dma_wait3A_133 = arith.constant 0 : i32
    %dma_wait3A_134 = arith.constant 0 : i32
    %dma_wait3A_135 = tpu.memref_slice %arg10[%dma_wait3A_130, %dma_wait3A_132, %dma_wait3A_133, %dma_wait3A_134] : memref<8x24x4x128xf32, #tpu.memory_space<vmem>> -> memref<1x24x4x128xf32, #tpu.memory_space<vmem>>
    %dma_wait3A_136 = tpu.memref_squeeze %dma_wait3A_135 : memref<1x24x4x128xf32, #tpu.memory_space<vmem>> -> memref<24x4x128xf32, #tpu.memory_space<vmem>>
    %dma_wait3A_137 = arith.constant 0 : i32
    %dma_wait3A_138 = arith.constant 0 : i32
    %dma_wait3A_139 = tpu.memref_slice %arg5[%add3A_129, %dma_wait3A_137, %dma_wait3A_138] : memref<100000x4x128xf32, #tpu.memory_space<hbm>> -> memref<24x4x128xf32, #tpu.memory_space<hbm>>
    %dma_wait3A_140 = tpu.memref_slice %arg12[%dma_wait3A_131] : memref<8x!tpu.dma_semaphore, #tpu.memory_space<semaphore_mem>> -> memref<1x!tpu.dma_semaphore, #tpu.memory_space<semaphore_mem>>
    %dma_wait3A_141 = tpu.memref_squeeze %dma_wait3A_140 : memref<1x!tpu.dma_semaphore, #tpu.memory_space<semaphore_mem>> -> memref<!tpu.dma_semaphore, #tpu.memory_space<semaphore_mem>>
    %dma_wait3A_142 = arith.constant 0 : i32
    %dma_wait3A_143 = arith.constant 0 : i32
    %dma_wait3A_144 = tpu.memref_slice %arg5[%add3A_129, %dma_wait3A_142, %dma_wait3A_143] : memref<100000x4x128xf32, #tpu.memory_space<hbm>> -> memref<24x4x128xf32, #tpu.memory_space<hbm>>
    %dma_wait3A_145 = arith.constant 0 : i32
    %dma_wait3A_146 = arith.constant 0 : i32
    %dma_wait3A_147 = arith.constant 0 : i32
    %dma_wait3A_148 = tpu.memref_slice %arg10[%dma_wait3A_130, %dma_wait3A_145, %dma_wait3A_146, %dma_wait3A_147] : memref<8x24x4x128xf32, #tpu.memory_space<vmem>> -> memref<1x24x4x128xf32, #tpu.memory_space<vmem>>
    %dma_wait3A_149 = tpu.memref_squeeze %dma_wait3A_148 : memref<1x24x4x128xf32, #tpu.memory_space<vmem>> -> memref<24x4x128xf32, #tpu.memory_space<vmem>>
    tpu.wait_dma2 semaphore(%dma_wait3A_141 : memref<!tpu.dma_semaphore, #tpu.memory_space<semaphore_mem>>) src(%dma_wait3A_149 : memref<24x4x128xf32, #tpu.memory_space<vmem>>) dst(%dma_wait3A_144 : memref<24x4x128xf32, #tpu.memory_space<hbm>>)
    %add3A_150 = arith.constant 2976 : i32
    %add3A_151 = arith.addi %mul3A_5, %add3A_150 : i32
    %dma_wait3A_152 = arith.constant 4 : i32
    %dma_wait3A_153 = arith.constant 4 : i32
    %dma_wait3A_154 = arith.constant 0 : i32
    %dma_wait3A_155 = arith.constant 0 : i32
    %dma_wait3A_156 = arith.constant 0 : i32
    %dma_wait3A_157 = tpu.memref_slice %arg10[%dma_wait3A_152, %dma_wait3A_154, %dma_wait3A_155, %dma_wait3A_156] : memref<8x24x4x128xf32, #tpu.memory_space<vmem>> -> memref<1x24x4x128xf32, #tpu.memory_space<vmem>>
    %dma_wait3A_158 = tpu.memref_squeeze %dma_wait3A_157 : memref<1x24x4x128xf32, #tpu.memory_space<vmem>> -> memref<24x4x128xf32, #tpu.memory_space<vmem>>
    %dma_wait3A_159 = arith.constant 0 : i32
    %dma_wait3A_160 = arith.constant 0 : i32
    %dma_wait3A_161 = tpu.memref_slice %arg5[%add3A_151, %dma_wait3A_159, %dma_wait3A_160] : memref<100000x4x128xf32, #tpu.memory_space<hbm>> -> memref<24x4x128xf32, #tpu.memory_space<hbm>>
    %dma_wait3A_162 = tpu.memref_slice %arg12[%dma_wait3A_153] : memref<8x!tpu.dma_semaphore, #tpu.memory_space<semaphore_mem>> -> memref<1x!tpu.dma_semaphore, #tpu.memory_space<semaphore_mem>>
    %dma_wait3A_163 = tpu.memref_squeeze %dma_wait3A_162 : memref<1x!tpu.dma_semaphore, #tpu.memory_space<semaphore_mem>> -> memref<!tpu.dma_semaphore, #tpu.memory_space<semaphore_mem>>
    %dma_wait3A_164 = arith.constant 0 : i32
    %dma_wait3A_165 = arith.constant 0 : i32
    %dma_wait3A_166 = tpu.memref_slice %arg5[%add3A_151, %dma_wait3A_164, %dma_wait3A_165] : memref<100000x4x128xf32, #tpu.memory_space<hbm>> -> memref<24x4x128xf32, #tpu.memory_space<hbm>>
    %dma_wait3A_167 = arith.constant 0 : i32
    %dma_wait3A_168 = arith.constant 0 : i32
    %dma_wait3A_169 = arith.constant 0 : i32
    %dma_wait3A_170 = tpu.memref_slice %arg10[%dma_wait3A_152, %dma_wait3A_167, %dma_wait3A_168, %dma_wait3A_169] : memref<8x24x4x128xf32, #tpu.memory_space<vmem>> -> memref<1x24x4x128xf32, #tpu.memory_space<vmem>>
    %dma_wait3A_171 = tpu.memref_squeeze %dma_wait3A_170 : memref<1x24x4x128xf32, #tpu.memory_space<vmem>> -> memref<24x4x128xf32, #tpu.memory_space<vmem>>
    tpu.wait_dma2 semaphore(%dma_wait3A_163 : memref<!tpu.dma_semaphore, #tpu.memory_space<semaphore_mem>>) src(%dma_wait3A_171 : memref<24x4x128xf32, #tpu.memory_space<vmem>>) dst(%dma_wait3A_166 : memref<24x4x128xf32, #tpu.memory_space<hbm>>)
    %add3A_172 = arith.constant 3000 : i32
    %add3A_173 = arith.addi %mul3A_5, %add3A_172 : i32
    %dma_wait3A_174 = arith.constant 5 : i32
    %dma_wait3A_175 = arith.constant 5 : i32
    %dma_wait3A_176 = arith.constant 0 : i32
    %dma_wait3A_177 = arith.constant 0 : i32
    %dma_wait3A_178 = arith.constant 0 : i32
    %dma_wait3A_179 = tpu.memref_slice %arg10[%dma_wait3A_174, %dma_wait3A_176, %dma_wait3A_177, %dma_wait3A_178] : memref<8x24x4x128xf32, #tpu.memory_space<vmem>> -> memref<1x24x4x128xf32, #tpu.memory_space<vmem>>
    %dma_wait3A_180 = tpu.memref_squeeze %dma_wait3A_179 : memref<1x24x4x128xf32, #tpu.memory_space<vmem>> -> memref<24x4x128xf32, #tpu.memory_space<vmem>>
    %dma_wait3A_181 = arith.constant 0 : i32
    %dma_wait3A_182 = arith.constant 0 : i32
    %dma_wait3A_183 = tpu.memref_slice %arg5[%add3A_173, %dma_wait3A_181, %dma_wait3A_182] : memref<100000x4x128xf32, #tpu.memory_space<hbm>> -> memref<24x4x128xf32, #tpu.memory_space<hbm>>
    %dma_wait3A_184 = tpu.memref_slice %arg12[%dma_wait3A_175] : memref<8x!tpu.dma_semaphore, #tpu.memory_space<semaphore_mem>> -> memref<1x!tpu.dma_semaphore, #tpu.memory_space<semaphore_mem>>
    %dma_wait3A_185 = tpu.memref_squeeze %dma_wait3A_184 : memref<1x!tpu.dma_semaphore, #tpu.memory_space<semaphore_mem>> -> memref<!tpu.dma_semaphore, #tpu.memory_space<semaphore_mem>>
    %dma_wait3A_186 = arith.constant 0 : i32
    %dma_wait3A_187 = arith.constant 0 : i32
    %dma_wait3A_188 = tpu.memref_slice %arg5[%add3A_173, %dma_wait3A_186, %dma_wait3A_187] : memref<100000x4x128xf32, #tpu.memory_space<hbm>> -> memref<24x4x128xf32, #tpu.memory_space<hbm>>
    %dma_wait3A_189 = arith.constant 0 : i32
    %dma_wait3A_190 = arith.constant 0 : i32
    %dma_wait3A_191 = arith.constant 0 : i32
    %dma_wait3A_192 = tpu.memref_slice %arg10[%dma_wait3A_174, %dma_wait3A_189, %dma_wait3A_190, %dma_wait3A_191] : memref<8x24x4x128xf32, #tpu.memory_space<vmem>> -> memref<1x24x4x128xf32, #tpu.memory_space<vmem>>
    %dma_wait3A_193 = tpu.memref_squeeze %dma_wait3A_192 : memref<1x24x4x128xf32, #tpu.memory_space<vmem>> -> memref<24x4x128xf32, #tpu.memory_space<vmem>>
    tpu.wait_dma2 semaphore(%dma_wait3A_185 : memref<!tpu.dma_semaphore, #tpu.memory_space<semaphore_mem>>) src(%dma_wait3A_193 : memref<24x4x128xf32, #tpu.memory_space<vmem>>) dst(%dma_wait3A_188 : memref<24x4x128xf32, #tpu.memory_space<hbm>>)
    %add3A_194 = arith.constant 3024 : i32
    %add3A_195 = arith.addi %mul3A_5, %add3A_194 : i32
    %dma_wait3A_196 = arith.constant 6 : i32
    %dma_wait3A_197 = arith.constant 6 : i32
    %dma_wait3A_198 = arith.constant 0 : i32
    %dma_wait3A_199 = arith.constant 0 : i32
    %dma_wait3A_200 = arith.constant 0 : i32
    %dma_wait3A_201 = tpu.memref_slice %arg10[%dma_wait3A_196, %dma_wait3A_198, %dma_wait3A_199, %dma_wait3A_200] : memref<8x24x4x128xf32, #tpu.memory_space<vmem>> -> memref<1x24x4x128xf32, #tpu.memory_space<vmem>>
    %dma_wait3A_202 = tpu.memref_squeeze %dma_wait3A_201 : memref<1x24x4x128xf32, #tpu.memory_space<vmem>> -> memref<24x4x128xf32, #tpu.memory_space<vmem>>
    %dma_wait3A_203 = arith.constant 0 : i32
    %dma_wait3A_204 = arith.constant 0 : i32
    %dma_wait3A_205 = tpu.memref_slice %arg5[%add3A_195, %dma_wait3A_203, %dma_wait3A_204] : memref<100000x4x128xf32, #tpu.memory_space<hbm>> -> memref<24x4x128xf32, #tpu.memory_space<hbm>>
    %dma_wait3A_206 = tpu.memref_slice %arg12[%dma_wait3A_197] : memref<8x!tpu.dma_semaphore, #tpu.memory_space<semaphore_mem>> -> memref<1x!tpu.dma_semaphore, #tpu.memory_space<semaphore_mem>>
    %dma_wait3A_207 = tpu.memref_squeeze %dma_wait3A_206 : memref<1x!tpu.dma_semaphore, #tpu.memory_space<semaphore_mem>> -> memref<!tpu.dma_semaphore, #tpu.memory_space<semaphore_mem>>
    %dma_wait3A_208 = arith.constant 0 : i32
    %dma_wait3A_209 = arith.constant 0 : i32
    %dma_wait3A_210 = tpu.memref_slice %arg5[%add3A_195, %dma_wait3A_208, %dma_wait3A_209] : memref<100000x4x128xf32, #tpu.memory_space<hbm>> -> memref<24x4x128xf32, #tpu.memory_space<hbm>>
    %dma_wait3A_211 = arith.constant 0 : i32
    %dma_wait3A_212 = arith.constant 0 : i32
    %dma_wait3A_213 = arith.constant 0 : i32
    %dma_wait3A_214 = tpu.memref_slice %arg10[%dma_wait3A_196, %dma_wait3A_211, %dma_wait3A_212, %dma_wait3A_213] : memref<8x24x4x128xf32, #tpu.memory_space<vmem>> -> memref<1x24x4x128xf32, #tpu.memory_space<vmem>>
    %dma_wait3A_215 = tpu.memref_squeeze %dma_wait3A_214 : memref<1x24x4x128xf32, #tpu.memory_space<vmem>> -> memref<24x4x128xf32, #tpu.memory_space<vmem>>
    tpu.wait_dma2 semaphore(%dma_wait3A_207 : memref<!tpu.dma_semaphore, #tpu.memory_space<semaphore_mem>>) src(%dma_wait3A_215 : memref<24x4x128xf32, #tpu.memory_space<vmem>>) dst(%dma_wait3A_210 : memref<24x4x128xf32, #tpu.memory_space<hbm>>)
    %add3A_216 = arith.constant 3048 : i32
    %add3A_217 = arith.addi %mul3A_5, %add3A_216 : i32
    %dma_wait3A_218 = arith.constant 7 : i32
    %dma_wait3A_219 = arith.constant 7 : i32
    %dma_wait3A_220 = arith.constant 0 : i32
    %dma_wait3A_221 = arith.constant 0 : i32
    %dma_wait3A_222 = arith.constant 0 : i32
    %dma_wait3A_223 = tpu.memref_slice %arg10[%dma_wait3A_218, %dma_wait3A_220, %dma_wait3A_221, %dma_wait3A_222] : memref<8x24x4x128xf32, #tpu.memory_space<vmem>> -> memref<1x24x4x128xf32, #tpu.memory_space<vmem>>
    %dma_wait3A_224 = tpu.memref_squeeze %dma_wait3A_223 : memref<1x24x4x128xf32, #tpu.memory_space<vmem>> -> memref<24x4x128xf32, #tpu.memory_space<vmem>>
    %dma_wait3A_225 = arith.constant 0 : i32
    %dma_wait3A_226 = arith.constant 0 : i32
    %dma_wait3A_227 = tpu.memref_slice %arg5[%add3A_217, %dma_wait3A_225, %dma_wait3A_226] : memref<100000x4x128xf32, #tpu.memory_space<hbm>> -> memref<24x4x128xf32, #tpu.memory_space<hbm>>
    %dma_wait3A_228 = tpu.memref_slice %arg12[%dma_wait3A_219] : memref<8x!tpu.dma_semaphore, #tpu.memory_space<semaphore_mem>> -> memref<1x!tpu.dma_semaphore, #tpu.memory_space<semaphore_mem>>
    %dma_wait3A_229 = tpu.memref_squeeze %dma_wait3A_228 : memref<1x!tpu.dma_semaphore, #tpu.memory_space<semaphore_mem>> -> memref<!tpu.dma_semaphore, #tpu.memory_space<semaphore_mem>>
    %dma_wait3A_230 = arith.constant 0 : i32
    %dma_wait3A_231 = arith.constant 0 : i32
    %dma_wait3A_232 = tpu.memref_slice %arg5[%add3A_217, %dma_wait3A_230, %dma_wait3A_231] : memref<100000x4x128xf32, #tpu.memory_space<hbm>> -> memref<24x4x128xf32, #tpu.memory_space<hbm>>
    %dma_wait3A_233 = arith.constant 0 : i32
    %dma_wait3A_234 = arith.constant 0 : i32
    %dma_wait3A_235 = arith.constant 0 : i32
    %dma_wait3A_236 = tpu.memref_slice %arg10[%dma_wait3A_218, %dma_wait3A_233, %dma_wait3A_234, %dma_wait3A_235] : memref<8x24x4x128xf32, #tpu.memory_space<vmem>> -> memref<1x24x4x128xf32, #tpu.memory_space<vmem>>
    %dma_wait3A_237 = tpu.memref_squeeze %dma_wait3A_236 : memref<1x24x4x128xf32, #tpu.memory_space<vmem>> -> memref<24x4x128xf32, #tpu.memory_space<vmem>>
    tpu.wait_dma2 semaphore(%dma_wait3A_229 : memref<!tpu.dma_semaphore, #tpu.memory_space<semaphore_mem>>) src(%dma_wait3A_237 : memref<24x4x128xf32, #tpu.memory_space<vmem>>) dst(%dma_wait3A_232 : memref<24x4x128xf32, #tpu.memory_space<hbm>>)
    %add3A_238 = arith.constant 3072 : i32
    %add3A_239 = arith.addi %mul3A_5, %add3A_238 : i32
    %dma_wait3A_240 = arith.constant 0 : i32
    %dma_wait3A_241 = arith.constant 0 : i32
    %dma_wait3A_242 = arith.constant 0 : i32
    %dma_wait3A_243 = arith.constant 0 : i32
    %dma_wait3A_244 = arith.constant 0 : i32
    %dma_wait3A_245 = tpu.memref_slice %arg10[%dma_wait3A_240, %dma_wait3A_242, %dma_wait3A_243, %dma_wait3A_244] : memref<8x24x4x128xf32, #tpu.memory_space<vmem>> -> memref<1x24x4x128xf32, #tpu.memory_space<vmem>>
    %dma_wait3A_246 = tpu.memref_squeeze %dma_wait3A_245 : memref<1x24x4x128xf32, #tpu.memory_space<vmem>> -> memref<24x4x128xf32, #tpu.memory_space<vmem>>
    %dma_wait3A_247 = arith.constant 0 : i32
    %dma_wait3A_248 = arith.constant 0 : i32
    %dma_wait3A_249 = tpu.memref_slice %arg5[%add3A_239, %dma_wait3A_247, %dma_wait3A_248] : memref<100000x4x128xf32, #tpu.memory_space<hbm>> -> memref<24x4x128xf32, #tpu.memory_space<hbm>>
    %dma_wait3A_250 = tpu.memref_slice %arg12[%dma_wait3A_241] : memref<8x!tpu.dma_semaphore, #tpu.memory_space<semaphore_mem>> -> memref<1x!tpu.dma_semaphore, #tpu.memory_space<semaphore_mem>>
    %dma_wait3A_251 = tpu.memref_squeeze %dma_wait3A_250 : memref<1x!tpu.dma_semaphore, #tpu.memory_space<semaphore_mem>> -> memref<!tpu.dma_semaphore, #tpu.memory_space<semaphore_mem>>
    %dma_wait3A_252 = arith.constant 0 : i32
    %dma_wait3A_253 = arith.constant 0 : i32
    %dma_wait3A_254 = tpu.memref_slice %arg5[%add3A_239, %dma_wait3A_252, %dma_wait3A_253] : memref<100000x4x128xf32, #tpu.memory_space<hbm>> -> memref<24x4x128xf32, #tpu.memory_space<hbm>>
    %dma_wait3A_255 = arith.constant 0 : i32
    %dma_wait3A_256 = arith.constant 0 : i32
    %dma_wait3A_257 = arith.constant 0 : i32
    %dma_wait3A_258 = tpu.memref_slice %arg10[%dma_wait3A_240, %dma_wait3A_255, %dma_wait3A_256, %dma_wait3A_257] : memref<8x24x4x128xf32, #tpu.memory_space<vmem>> -> memref<1x24x4x128xf32, #tpu.memory_space<vmem>>
    %dma_wait3A_259 = tpu.memref_squeeze %dma_wait3A_258 : memref<1x24x4x128xf32, #tpu.memory_space<vmem>> -> memref<24x4x128xf32, #tpu.memory_space<vmem>>
    tpu.wait_dma2 semaphore(%dma_wait3A_251 : memref<!tpu.dma_semaphore, #tpu.memory_space<semaphore_mem>>) src(%dma_wait3A_259 : memref<24x4x128xf32, #tpu.memory_space<vmem>>) dst(%dma_wait3A_254 : memref<24x4x128xf32, #tpu.memory_space<hbm>>)
    %add3A_260 = arith.constant 3096 : i32
    %add3A_261 = arith.addi %mul3A_5, %add3A_260 : i32
    %dma_wait3A_262 = arith.constant 1 : i32
    %dma_wait3A_263 = arith.constant 1 : i32
    %dma_wait3A_264 = arith.constant 0 : i32
    %dma_wait3A_265 = arith.constant 0 : i32
    %dma_wait3A_266 = arith.constant 0 : i32
    %dma_wait3A_267 = tpu.memref_slice %arg10[%dma_wait3A_262, %dma_wait3A_264, %dma_wait3A_265, %dma_wait3A_266] : memref<8x24x4x128xf32, #tpu.memory_space<vmem>> -> memref<1x24x4x128xf32, #tpu.memory_space<vmem>>
    %dma_wait3A_268 = tpu.memref_squeeze %dma_wait3A_267 : memref<1x24x4x128xf32, #tpu.memory_space<vmem>> -> memref<24x4x128xf32, #tpu.memory_space<vmem>>
    %dma_wait3A_269 = arith.constant 0 : i32
    %dma_wait3A_270 = arith.constant 0 : i32
    %dma_wait3A_271 = tpu.memref_slice %arg5[%add3A_261, %dma_wait3A_269, %dma_wait3A_270] : memref<100000x4x128xf32, #tpu.memory_space<hbm>> -> memref<24x4x128xf32, #tpu.memory_space<hbm>>
    %dma_wait3A_272 = tpu.memref_slice %arg12[%dma_wait3A_263] : memref<8x!tpu.dma_semaphore, #tpu.memory_space<semaphore_mem>> -> memref<1x!tpu.dma_semaphore, #tpu.memory_space<semaphore_mem>>
    %dma_wait3A_273 = tpu.memref_squeeze %dma_wait3A_272 : memref<1x!tpu.dma_semaphore, #tpu.memory_space<semaphore_mem>> -> memref<!tpu.dma_semaphore, #tpu.memory_space<semaphore_mem>>
    %dma_wait3A_274 = arith.constant 0 : i32
    %dma_wait3A_275 = arith.constant 0 : i32
    %dma_wait3A_276 = tpu.memref_slice %arg5[%add3A_261, %dma_wait3A_274, %dma_wait3A_275] : memref<100000x4x128xf32, #tpu.memory_space<hbm>> -> memref<24x4x128xf32, #tpu.memory_space<hbm>>
    %dma_wait3A_277 = arith.constant 0 : i32
    %dma_wait3A_278 = arith.constant 0 : i32
    %dma_wait3A_279 = arith.constant 0 : i32
    %dma_wait3A_280 = tpu.memref_slice %arg10[%dma_wait3A_262, %dma_wait3A_277, %dma_wait3A_278, %dma_wait3A_279] : memref<8x24x4x128xf32, #tpu.memory_space<vmem>> -> memref<1x24x4x128xf32, #tpu.memory_space<vmem>>
    %dma_wait3A_281 = tpu.memref_squeeze %dma_wait3A_280 : memref<1x24x4x128xf32, #tpu.memory_space<vmem>> -> memref<24x4x128xf32, #tpu.memory_space<vmem>>
    tpu.wait_dma2 semaphore(%dma_wait3A_273 : memref<!tpu.dma_semaphore, #tpu.memory_space<semaphore_mem>>) src(%dma_wait3A_281 : memref<24x4x128xf32, #tpu.memory_space<vmem>>) dst(%dma_wait3A_276 : memref<24x4x128xf32, #tpu.memory_space<hbm>>)
    %sub3A = arith.subi %mul3A_13, %mul3A_5 : i32
    %gt3A = arith.constant 3120 : i32
    %gt3A_282 = arith.cmpi sgt, %sub3A, %gt3A : i32
    %convert_element_type3A = arith.extui %gt3A_282 : i1 to i32
    %cond3A = arith.constant 0 : i32
    %cond3A_283 = arith.cmpi ne, %convert_element_type3A, %cond3A : i32
    scf.if %cond3A_283 {
      %add3A_301 = arith.constant 3120 : i32
      %add3A_302 = arith.addi %mul3A_5, %add3A_301 : i32
      %run_scoped3A = arith.constant 0 : i32
      "tpu.region"() ({
        %run_scoped3A_304 = tpu.sem_alloc : memref<!tpu.dma_semaphore, #tpu.memory_space<semaphore_mem>>
        %dma_start3A_305 = arith.constant 0 : i32
        %dma_start3A_306 = arith.constant 0 : i32
        %dma_start3A_307 = arith.constant 0 : i32
        %dma_start3A_308 = tpu.memref_slice %arg10[%run_scoped3A, %dma_start3A_305, %dma_start3A_306, %dma_start3A_307] : memref<8x24x4x128xf32, #tpu.memory_space<vmem>> -> memref<1x8x4x128xf32, #tpu.memory_space<vmem>>
        %dma_start3A_309 = tpu.memref_squeeze %dma_start3A_308 : memref<1x8x4x128xf32, #tpu.memory_space<vmem>> -> memref<8x4x128xf32, #tpu.memory_space<vmem>>
        %dma_start3A_310 = arith.constant 0 : i32
        %dma_start3A_311 = arith.constant 0 : i32
        %dma_start3A_312 = tpu.memref_slice %arg2[%add3A_302, %dma_start3A_310, %dma_start3A_311] : memref<100000x4x128xf32, #tpu.memory_space<hbm>> -> memref<8x4x128xf32, #tpu.memory_space<hbm>>
        %dma_start3A_313 = arith.constant 0 : i32
        %dma_start3A_314 = arith.constant 0 : i32
        %dma_start3A_315 = arith.constant 0 : i32
        %dma_start3A_316 = tpu.memref_slice %arg10[%run_scoped3A, %dma_start3A_313, %dma_start3A_314, %dma_start3A_315] : memref<8x24x4x128xf32, #tpu.memory_space<vmem>> -> memref<1x8x4x128xf32, #tpu.memory_space<vmem>>
        %dma_start3A_317 = tpu.memref_squeeze %dma_start3A_316 : memref<1x8x4x128xf32, #tpu.memory_space<vmem>> -> memref<8x4x128xf32, #tpu.memory_space<vmem>>
        %dma_start3A_318 = arith.constant 0 : i32
        %dma_start3A_319 = arith.constant 0 : i32
        %dma_start3A_320 = tpu.memref_slice %arg2[%add3A_302, %dma_start3A_318, %dma_start3A_319] : memref<100000x4x128xf32, #tpu.memory_space<hbm>> -> memref<8x4x128xf32, #tpu.memory_space<hbm>>
        tpu.enqueue_dma source(%dma_start3A_320 : memref<8x4x128xf32, #tpu.memory_space<hbm>>) target(%dma_start3A_317 : memref<8x4x128xf32, #tpu.memory_space<vmem>>) target_semaphore(%run_scoped3A_304 : memref<!tpu.dma_semaphore, #tpu.memory_space<semaphore_mem>>)
        %dma_wait3A_321 = arith.constant 0 : i32
        %dma_wait3A_322 = arith.constant 0 : i32
        %dma_wait3A_323 = arith.constant 0 : i32
        %dma_wait3A_324 = tpu.memref_slice %arg10[%run_scoped3A, %dma_wait3A_321, %dma_wait3A_322, %dma_wait3A_323] : memref<8x24x4x128xf32, #tpu.memory_space<vmem>> -> memref<1x8x4x128xf32, #tpu.memory_space<vmem>>
        %dma_wait3A_325 = tpu.memref_squeeze %dma_wait3A_324 : memref<1x8x4x128xf32, #tpu.memory_space<vmem>> -> memref<8x4x128xf32, #tpu.memory_space<vmem>>
        %dma_wait3A_326 = arith.constant 0 : i32
        %dma_wait3A_327 = arith.constant 0 : i32
        %dma_wait3A_328 = tpu.memref_slice %arg2[%add3A_302, %dma_wait3A_326, %dma_wait3A_327] : memref<100000x4x128xf32, #tpu.memory_space<hbm>> -> memref<8x4x128xf32, #tpu.memory_space<hbm>>
        %dma_wait3A_329 = arith.constant 0 : i32
        %dma_wait3A_330 = arith.constant 0 : i32
        %dma_wait3A_331 = arith.constant 0 : i32
        %dma_wait3A_332 = tpu.memref_slice %arg10[%run_scoped3A, %dma_wait3A_329, %dma_wait3A_330, %dma_wait3A_331] : memref<8x24x4x128xf32, #tpu.memory_space<vmem>> -> memref<1x8x4x128xf32, #tpu.memory_space<vmem>>
        %dma_wait3A_333 = tpu.memref_squeeze %dma_wait3A_332 : memref<1x8x4x128xf32, #tpu.memory_space<vmem>> -> memref<8x4x128xf32, #tpu.memory_space<vmem>>
        %dma_wait3A_334 = arith.constant 0 : i32
        %dma_wait3A_335 = arith.constant 0 : i32
        %dma_wait3A_336 = tpu.memref_slice %arg2[%add3A_302, %dma_wait3A_334, %dma_wait3A_335] : memref<100000x4x128xf32, #tpu.memory_space<hbm>> -> memref<8x4x128xf32, #tpu.memory_space<hbm>>
        tpu.wait_dma2 semaphore(%run_scoped3A_304 : memref<!tpu.dma_semaphore, #tpu.memory_space<semaphore_mem>>) src(%dma_wait3A_336 : memref<8x4x128xf32, #tpu.memory_space<hbm>>) dst(%dma_wait3A_333 : memref<8x4x128xf32, #tpu.memory_space<vmem>>)
        tpu.yield
      }) : () -> ()
      %run_scoped3A_303 = arith.constant 0 : i32
      "tpu.region"() ({
        %run_scoped3A_304 = tpu.sem_alloc : memref<!tpu.dma_semaphore, #tpu.memory_space<semaphore_mem>>
        %dma_start3A_305 = arith.constant 0 : i32
        %dma_start3A_306 = arith.constant 0 : i32
        %dma_start3A_307 = arith.constant 0 : i32
        %dma_start3A_308 = tpu.memref_slice %arg10[%run_scoped3A_303, %dma_start3A_305, %dma_start3A_306, %dma_start3A_307] : memref<8x24x4x128xf32, #tpu.memory_space<vmem>> -> memref<1x8x4x128xf32, #tpu.memory_space<vmem>>
        %dma_start3A_309 = tpu.memref_squeeze %dma_start3A_308 : memref<1x8x4x128xf32, #tpu.memory_space<vmem>> -> memref<8x4x128xf32, #tpu.memory_space<vmem>>
        %dma_start3A_310 = arith.constant 0 : i32
        %dma_start3A_311 = arith.constant 0 : i32
        %dma_start3A_312 = tpu.memref_slice %arg5[%add3A_302, %dma_start3A_310, %dma_start3A_311] : memref<100000x4x128xf32, #tpu.memory_space<hbm>> -> memref<8x4x128xf32, #tpu.memory_space<hbm>>
        %dma_start3A_313 = arith.constant 0 : i32
        %dma_start3A_314 = arith.constant 0 : i32
        %dma_start3A_315 = tpu.memref_slice %arg5[%add3A_302, %dma_start3A_313, %dma_start3A_314] : memref<100000x4x128xf32, #tpu.memory_space<hbm>> -> memref<8x4x128xf32, #tpu.memory_space<hbm>>
        %dma_start3A_316 = arith.constant 0 : i32
        %dma_start3A_317 = arith.constant 0 : i32
        %dma_start3A_318 = arith.constant 0 : i32
        %dma_start3A_319 = tpu.memref_slice %arg10[%run_scoped3A_303, %dma_start3A_316, %dma_start3A_317, %dma_start3A_318] : memref<8x24x4x128xf32, #tpu.memory_space<vmem>> -> memref<1x8x4x128xf32, #tpu.memory_space<vmem>>
        %dma_start3A_320 = tpu.memref_squeeze %dma_start3A_319 : memref<1x8x4x128xf32, #tpu.memory_space<vmem>> -> memref<8x4x128xf32, #tpu.memory_space<vmem>>
        tpu.enqueue_dma source(%dma_start3A_320 : memref<8x4x128xf32, #tpu.memory_space<vmem>>) target(%dma_start3A_315 : memref<8x4x128xf32, #tpu.memory_space<hbm>>) target_semaphore(%run_scoped3A_304 : memref<!tpu.dma_semaphore, #tpu.memory_space<semaphore_mem>>)
        %dma_wait3A_321 = arith.constant 0 : i32
        %dma_wait3A_322 = arith.constant 0 : i32
        %dma_wait3A_323 = arith.constant 0 : i32
        %dma_wait3A_324 = tpu.memref_slice %arg10[%run_scoped3A_303, %dma_wait3A_321, %dma_wait3A_322, %dma_wait3A_323] : memref<8x24x4x128xf32, #tpu.memory_space<vmem>> -> memref<1x8x4x128xf32, #tpu.memory_space<vmem>>
        %dma_wait3A_325 = tpu.memref_squeeze %dma_wait3A_324 : memref<1x8x4x128xf32, #tpu.memory_space<vmem>> -> memref<8x4x128xf32, #tpu.memory_space<vmem>>
        %dma_wait3A_326 = arith.constant 0 : i32
        %dma_wait3A_327 = arith.constant 0 : i32
        %dma_wait3A_328 = tpu.memref_slice %arg5[%add3A_302, %dma_wait3A_326, %dma_wait3A_327] : memref<100000x4x128xf32, #tpu.memory_space<hbm>> -> memref<8x4x128xf32, #tpu.memory_space<hbm>>
        %dma_wait3A_329 = arith.constant 0 : i32
        %dma_wait3A_330 = arith.constant 0 : i32
        %dma_wait3A_331 = tpu.memref_slice %arg5[%add3A_302, %dma_wait3A_329, %dma_wait3A_330] : memref<100000x4x128xf32, #tpu.memory_space<hbm>> -> memref<8x4x128xf32, #tpu.memory_space<hbm>>
        %dma_wait3A_332 = arith.constant 0 : i32
        %dma_wait3A_333 = arith.constant 0 : i32
        %dma_wait3A_334 = arith.constant 0 : i32
        %dma_wait3A_335 = tpu.memref_slice %arg10[%run_scoped3A_303, %dma_wait3A_332, %dma_wait3A_333, %dma_wait3A_334] : memref<8x24x4x128xf32, #tpu.memory_space<vmem>> -> memref<1x8x4x128xf32, #tpu.memory_space<vmem>>
        %dma_wait3A_336 = tpu.memref_squeeze %dma_wait3A_335 : memref<1x8x4x128xf32, #tpu.memory_space<vmem>> -> memref<8x4x128xf32, #tpu.memory_space<vmem>>
        tpu.wait_dma2 semaphore(%run_scoped3A_304 : memref<!tpu.dma_semaphore, #tpu.memory_space<semaphore_mem>>) src(%dma_wait3A_336 : memref<8x4x128xf32, #tpu.memory_space<vmem>>) dst(%dma_wait3A_331 : memref<8x4x128xf32, #tpu.memory_space<hbm>>)
        tpu.yield
      }) : () -> ()
    } else {
    }
    %scan3A_284 = arith.constant 0 : i32
    %scan3A_285 = arith.constant 0 : i32
    %scan3A_286 = arith.constant 196 : i32
    %scan3A_287 = arith.addi %scan3A_285, %scan3A_286 : i32
    %scan3A_288 = arith.constant 1 : i32
    %scan3A_289 = scf.for %scan3A_301 = %scan3A_285 to %scan3A_287 step %scan3A_288 iter_args(%scan3A_302 = %scan3A_284) -> (i32)  : i32 {
      %mul3A_303 = arith.constant 16 : i32
      %mul3A_304 = arith.muli %scan3A_301, %mul3A_303 : i32
      %get3A = arith.index_cast %mul3A_304 : i32 to index
      %get3A_305 = tpu.vector_load %arg7[%get3A] {strides = array<i32>} : memref<3136xi32, #tpu.memory_space<vmem>>, vector<16xi32>,
      %ge3A_306 = arith.constant 0 : i32
      %ge3A_307 = vector.broadcast %ge3A_306 : i32 to vector<16xi32>
      %ge3A_308 = arith.cmpi sge, %get3A_305, %ge3A_307 : vector<16xi32>
      %mul3A_309 = arith.constant 16 : i32
      %mul3A_310 = arith.muli %scan3A_301, %mul3A_309 : i32
      %add3A_311 = arith.addi %mul3A_5, %mul3A_310 : i32
      %add3A_312 = vector.broadcast %add3A_311 : i32 to vector<16xi32>
      %add3A_313 = arith.addi %add3A_312, %iota3A : vector<16xi32>
      %swap3A = arith.index_cast %scan3A_302 : i32 to index
      %swap3A_314 = tpu.vector_load %arg8[%swap3A] masked %ge3A_308 {strides = array<i32>} : memref<3152xi32, #tpu.memory_space<vmem>>, vector<16xi32>, vector<16xi1>
      tpu.vector_store %arg8[%swap3A], %get3A_305 masked %ge3A_308 {strides = array<i32>} : memref<3152xi32, #tpu.memory_space<vmem>>, vector<16xi32>, vector<16xi1>
      %swap3A_315 = arith.index_cast %scan3A_302 : i32 to index
      %swap3A_316 = tpu.vector_load %arg9[%swap3A_315] masked %ge3A_308 {strides = array<i32>} : memref<3152xi32, #tpu.memory_space<vmem>>, vector<16xi32>, vector<16xi1>
      tpu.vector_store %arg9[%swap3A_315], %add3A_313 masked %ge3A_308 {strides = array<i32>} : memref<3152xi32, #tpu.memory_space<vmem>>, vector<16xi32>, vector<16xi1>
      %convert_element_type3A_317 = arith.extui %ge3A_308 : vector<16xi1> to vector<16xi32>
      %reduce_sum3A = arith.constant true
      %reduce_sum3A_318 = vector.broadcast %reduce_sum3A : i1 to vector<16xi1>
      %reduce_sum3A_319 = tpu.scan <sum>, %convert_element_type3A_317 masked %reduce_sum3A_318 : vector<16xi32>, vector<16xi1> -> vector<16xi32>
      %reduce_sum3A_320 = vector.extract %reduce_sum3A_319[15] : i32 from vector<16xi32>
      %add3A_321 = arith.addi %scan3A_302, %reduce_sum3A_320 : i32
      scf.yield %add3A_321 : i32
    }
    %scan3A_290 = arith.constant 196 : i32
    %ge3A = arith.constant 16 : i32
    %ge3A_291 = arith.cmpi sge, %scan3A_289, %ge3A : i32
    %convert_element_type3A_292 = arith.extui %ge3A_291 : i1 to i32
    %cond3A_293 = arith.constant 0 : i32
    %cond3A_294 = arith.cmpi ne, %convert_element_type3A_292, %cond3A_293 : i32
    scf.if %cond3A_294 {
      %add3A_301 = arith.constant 16 : i32
      %add3A_302 = arith.addi %scan3A_289, %add3A_301 : i32
      %sub3A_303 = arith.constant 1 : i32
      %sub3A_304 = arith.subi %add3A_302, %sub3A_303 : i32
      %shift_right_arithmetic3A_305 = arith.constant 4 : i32
      %shift_right_arithmetic3A_306 = arith.shrsi %sub3A_304, %shift_right_arithmetic3A_305 : i32
      %add3A_307 = arith.constant 8 : i32
      %add3A_308 = arith.addi %shift_right_arithmetic3A_306, %add3A_307 : i32
      %sub3A_309 = arith.constant 1 : i32
      %sub3A_310 = arith.subi %add3A_308, %sub3A_309 : i32
      %shift_right_arithmetic3A_311 = arith.constant 3 : i32
      %shift_right_arithmetic3A_312 = arith.shrsi %sub3A_310, %shift_right_arithmetic3A_311 : i32
      %while3A = arith.constant 0 : i32
      %while3A_313 = arith.constant 0 : i32
      %while3A_314 = arith.subi %shift_right_arithmetic3A_312, %while3A_313 : i32
      %while3A_315 = arith.addi %while3A_313, %while3A_314 : i32
      %while3A_316 = arith.constant 1 : i32
      %while3A_317 = arith.divsi %while3A_314, %while3A_316 : i32
      %while3A_318 = arith.muli %while3A_317, %while3A_316 : i32
      %while3A_319 = arith.addi %while3A_313, %while3A_318 : i32
      %while3A_320 = arith.constant 1 : i32
      scf.for %while3A_322 = %while3A_313 to %while3A_319 step %while3A_320  : i32 {
        %mul3A_323 = arith.constant 8 : i32
        %mul3A_324 = arith.muli %while3A_322, %mul3A_323 : i32
        %add3A_325 = arith.constant 0 : i32
        %add3A_326 = arith.addi %mul3A_324, %add3A_325 : i32
        %lt3A_327 = arith.cmpi slt, %add3A_326, %shift_right_arithmetic3A_306 : i32
        %convert_element_type3A_328 = arith.extui %lt3A_327 : i1 to i32
        %cond3A_329 = arith.constant 0 : i32
        %cond3A_330 = arith.cmpi ne, %convert_element_type3A_328, %cond3A_329 : i32
        scf.if %cond3A_330 {
          %add3A_469 = arith.constant 0 : i32
          %add3A_470 = arith.addi %mul3A_324, %add3A_469 : i32
          %mul3A_471 = arith.constant 16 : i32
          %mul3A_472 = arith.muli %add3A_470, %mul3A_471 : i32
          %sub3A_473 = arith.constant 16 : i32
          %sub3A_474 = arith.subi %scan3A_289, %sub3A_473 : i32
          %min3A = arith.minsi %mul3A_472, %sub3A_474 : i32
          %get3A = arith.index_cast %min3A : i32 to index
          %get3A_475 = tpu.vector_load %arg8[%get3A] {strides = array<i32>} : memref<3152xi32, #tpu.memory_space<vmem>>, vector<16xi32>,
          %dma_start3A_476 = arith.constant 0 : i32
          %dma_start3A_477 = arith.constant 0 : i32
          %dma_start3A_478 = arith.constant 0 : i32
          %dma_start3A_479 = arith.constant 0 : i32
          %dma_start3A_480 = arith.constant 0 : i32
          %dma_start3A_481 = tpu.memref_slice %arg10[%dma_start3A_476, %dma_start3A_478, %dma_start3A_479, %dma_start3A_480] : memref<8x24x4x128xf32, #tpu.memory_space<vmem>> -> memref<1x16x4x128xf32, #tpu.memory_space<vmem>>
          %dma_start3A_482 = tpu.memref_squeeze %dma_start3A_481 : memref<1x16x4x128xf32, #tpu.memory_space<vmem>> -> memref<16x4x128xf32, #tpu.memory_space<vmem>>
          %dma_start3A_483 = arith.constant 0 : i32
          %dma_start3A_484 = arith.constant 0 : i32
          %dma_start3A_485 = arith.constant 0 : i32
          %dma_start3A_486 = tpu.memref_slice %arg4[%dma_start3A_483, %dma_start3A_484, %dma_start3A_485] : memref<16384x4x128xf32, #tpu.memory_space<hbm>> -> memref<16384x4x128xf32, #tpu.memory_space<hbm>>
          %dma_start3A_487 = tpu.memref_slice %arg11[%dma_start3A_477] : memref<8x!tpu.dma_semaphore, #tpu.memory_space<semaphore_mem>> -> memref<1x!tpu.dma_semaphore, #tpu.memory_space<semaphore_mem>>
          %dma_start3A_488 = tpu.memref_squeeze %dma_start3A_487 : memref<1x!tpu.dma_semaphore, #tpu.memory_space<semaphore_mem>> -> memref<!tpu.dma_semaphore, #tpu.memory_space<semaphore_mem>>
          tpu.enqueue_indirect_dma source(%dma_start3A_486 : memref<16384x4x128xf32, #tpu.memory_space<hbm>>) target(%dma_start3A_482 : memref<16x4x128xf32, #tpu.memory_space<vmem>>) offsets(%get3A_475 : vector<16xi32>) semaphore(%dma_start3A_488 : memref<!tpu.dma_semaphore, #tpu.memory_space<semaphore_mem>>)
        } else {
        }
        %add3A_331 = arith.constant 1 : i32
        %add3A_332 = arith.addi %mul3A_324, %add3A_331 : i32
        %lt3A_333 = arith.cmpi slt, %add3A_332, %shift_right_arithmetic3A_306 : i32
        %convert_element_type3A_334 = arith.extui %lt3A_333 : i1 to i32
        %cond3A_335 = arith.constant 0 : i32
        %cond3A_336 = arith.cmpi ne, %convert_element_type3A_334, %cond3A_335 : i32
        scf.if %cond3A_336 {
          %add3A_469 = arith.constant 1 : i32
          %add3A_470 = arith.addi %mul3A_324, %add3A_469 : i32
          %mul3A_471 = arith.constant 16 : i32
          %mul3A_472 = arith.muli %add3A_470, %mul3A_471 : i32
          %sub3A_473 = arith.constant 16 : i32
          %sub3A_474 = arith.subi %scan3A_289, %sub3A_473 : i32
          %min3A = arith.minsi %mul3A_472, %sub3A_474 : i32
          %get3A = arith.index_cast %min3A : i32 to index
          %get3A_475 = tpu.vector_load %arg8[%get3A] {strides = array<i32>} : memref<3152xi32, #tpu.memory_space<vmem>>, vector<16xi32>,
          %dma_start3A_476 = arith.constant 1 : i32
          %dma_start3A_477 = arith.constant 1 : i32
          %dma_start3A_478 = arith.constant 0 : i32
          %dma_start3A_479 = arith.constant 0 : i32
          %dma_start3A_480 = arith.constant 0 : i32
          %dma_start3A_481 = tpu.memref_slice %arg10[%dma_start3A_476, %dma_start3A_478, %dma_start3A_479, %dma_start3A_480] : memref<8x24x4x128xf32, #tpu.memory_space<vmem>> -> memref<1x16x4x128xf32, #tpu.memory_space<vmem>>
          %dma_start3A_482 = tpu.memref_squeeze %dma_start3A_481 : memref<1x16x4x128xf32, #tpu.memory_space<vmem>> -> memref<16x4x128xf32, #tpu.memory_space<vmem>>
          %dma_start3A_483 = arith.constant 0 : i32
          %dma_start3A_484 = arith.constant 0 : i32
          %dma_start3A_485 = arith.constant 0 : i32
          %dma_start3A_486 = tpu.memref_slice %arg4[%dma_start3A_483, %dma_start3A_484, %dma_start3A_485] : memref<16384x4x128xf32, #tpu.memory_space<hbm>> -> memref<16384x4x128xf32, #tpu.memory_space<hbm>>
          %dma_start3A_487 = tpu.memref_slice %arg11[%dma_start3A_477] : memref<8x!tpu.dma_semaphore, #tpu.memory_space<semaphore_mem>> -> memref<1x!tpu.dma_semaphore, #tpu.memory_space<semaphore_mem>>
          %dma_start3A_488 = tpu.memref_squeeze %dma_start3A_487 : memref<1x!tpu.dma_semaphore, #tpu.memory_space<semaphore_mem>> -> memref<!tpu.dma_semaphore, #tpu.memory_space<semaphore_mem>>
          tpu.enqueue_indirect_dma source(%dma_start3A_486 : memref<16384x4x128xf32, #tpu.memory_space<hbm>>) target(%dma_start3A_482 : memref<16x4x128xf32, #tpu.memory_space<vmem>>) offsets(%get3A_475 : vector<16xi32>) semaphore(%dma_start3A_488 : memref<!tpu.dma_semaphore, #tpu.memory_space<semaphore_mem>>)
        } else {
        }
        %add3A_337 = arith.constant 2 : i32
        %add3A_338 = arith.addi %mul3A_324, %add3A_337 : i32
        %lt3A_339 = arith.cmpi slt, %add3A_338, %shift_right_arithmetic3A_306 : i32
        %convert_element_type3A_340 = arith.extui %lt3A_339 : i1 to i32
        %cond3A_341 = arith.constant 0 : i32
        %cond3A_342 = arith.cmpi ne, %convert_element_type3A_340, %cond3A_341 : i32
        scf.if %cond3A_342 {
          %add3A_469 = arith.constant 2 : i32
          %add3A_470 = arith.addi %mul3A_324, %add3A_469 : i32
          %mul3A_471 = arith.constant 16 : i32
          %mul3A_472 = arith.muli %add3A_470, %mul3A_471 : i32
          %sub3A_473 = arith.constant 16 : i32
          %sub3A_474 = arith.subi %scan3A_289, %sub3A_473 : i32
          %min3A = arith.minsi %mul3A_472, %sub3A_474 : i32
          %get3A = arith.index_cast %min3A : i32 to index
          %get3A_475 = tpu.vector_load %arg8[%get3A] {strides = array<i32>} : memref<3152xi32, #tpu.memory_space<vmem>>, vector<16xi32>,
          %dma_start3A_476 = arith.constant 2 : i32
          %dma_start3A_477 = arith.constant 2 : i32
          %dma_start3A_478 = arith.constant 0 : i32
          %dma_start3A_479 = arith.constant 0 : i32
          %dma_start3A_480 = arith.constant 0 : i32
          %dma_start3A_481 = tpu.memref_slice %arg10[%dma_start3A_476, %dma_start3A_478, %dma_start3A_479, %dma_start3A_480] : memref<8x24x4x128xf32, #tpu.memory_space<vmem>> -> memref<1x16x4x128xf32, #tpu.memory_space<vmem>>
          %dma_start3A_482 = tpu.memref_squeeze %dma_start3A_481 : memref<1x16x4x128xf32, #tpu.memory_space<vmem>> -> memref<16x4x128xf32, #tpu.memory_space<vmem>>
          %dma_start3A_483 = arith.constant 0 : i32
          %dma_start3A_484 = arith.constant 0 : i32
          %dma_start3A_485 = arith.constant 0 : i32
          %dma_start3A_486 = tpu.memref_slice %arg4[%dma_start3A_483, %dma_start3A_484, %dma_start3A_485] : memref<16384x4x128xf32, #tpu.memory_space<hbm>> -> memref<16384x4x128xf32, #tpu.memory_space<hbm>>
          %dma_start3A_487 = tpu.memref_slice %arg11[%dma_start3A_477] : memref<8x!tpu.dma_semaphore, #tpu.memory_space<semaphore_mem>> -> memref<1x!tpu.dma_semaphore, #tpu.memory_space<semaphore_mem>>
          %dma_start3A_488 = tpu.memref_squeeze %dma_start3A_487 : memref<1x!tpu.dma_semaphore, #tpu.memory_space<semaphore_mem>> -> memref<!tpu.dma_semaphore, #tpu.memory_space<semaphore_mem>>
          tpu.enqueue_indirect_dma source(%dma_start3A_486 : memref<16384x4x128xf32, #tpu.memory_space<hbm>>) target(%dma_start3A_482 : memref<16x4x128xf32, #tpu.memory_space<vmem>>) offsets(%get3A_475 : vector<16xi32>) semaphore(%dma_start3A_488 : memref<!tpu.dma_semaphore, #tpu.memory_space<semaphore_mem>>)
        } else {
        }
        %add3A_343 = arith.constant 3 : i32
        %add3A_344 = arith.addi %mul3A_324, %add3A_343 : i32
        %lt3A_345 = arith.cmpi slt, %add3A_344, %shift_right_arithmetic3A_306 : i32
        %convert_element_type3A_346 = arith.extui %lt3A_345 : i1 to i32
        %cond3A_347 = arith.constant 0 : i32
        %cond3A_348 = arith.cmpi ne, %convert_element_type3A_346, %cond3A_347 : i32
        scf.if %cond3A_348 {
          %add3A_469 = arith.constant 3 : i32
          %add3A_470 = arith.addi %mul3A_324, %add3A_469 : i32
          %mul3A_471 = arith.constant 16 : i32
          %mul3A_472 = arith.muli %add3A_470, %mul3A_471 : i32
          %sub3A_473 = arith.constant 16 : i32
          %sub3A_474 = arith.subi %scan3A_289, %sub3A_473 : i32
          %min3A = arith.minsi %mul3A_472, %sub3A_474 : i32
          %get3A = arith.index_cast %min3A : i32 to index
          %get3A_475 = tpu.vector_load %arg8[%get3A] {strides = array<i32>} : memref<3152xi32, #tpu.memory_space<vmem>>, vector<16xi32>,
          %dma_start3A_476 = arith.constant 3 : i32
          %dma_start3A_477 = arith.constant 3 : i32
          %dma_start3A_478 = arith.constant 0 : i32
          %dma_start3A_479 = arith.constant 0 : i32
          %dma_start3A_480 = arith.constant 0 : i32
          %dma_start3A_481 = tpu.memref_slice %arg10[%dma_start3A_476, %dma_start3A_478, %dma_start3A_479, %dma_start3A_480] : memref<8x24x4x128xf32, #tpu.memory_space<vmem>> -> memref<1x16x4x128xf32, #tpu.memory_space<vmem>>
          %dma_start3A_482 = tpu.memref_squeeze %dma_start3A_481 : memref<1x16x4x128xf32, #tpu.memory_space<vmem>> -> memref<16x4x128xf32, #tpu.memory_space<vmem>>
          %dma_start3A_483 = arith.constant 0 : i32
          %dma_start3A_484 = arith.constant 0 : i32
          %dma_start3A_485 = arith.constant 0 : i32
          %dma_start3A_486 = tpu.memref_slice %arg4[%dma_start3A_483, %dma_start3A_484, %dma_start3A_485] : memref<16384x4x128xf32, #tpu.memory_space<hbm>> -> memref<16384x4x128xf32, #tpu.memory_space<hbm>>
          %dma_start3A_487 = tpu.memref_slice %arg11[%dma_start3A_477] : memref<8x!tpu.dma_semaphore, #tpu.memory_space<semaphore_mem>> -> memref<1x!tpu.dma_semaphore, #tpu.memory_space<semaphore_mem>>
          %dma_start3A_488 = tpu.memref_squeeze %dma_start3A_487 : memref<1x!tpu.dma_semaphore, #tpu.memory_space<semaphore_mem>> -> memref<!tpu.dma_semaphore, #tpu.memory_space<semaphore_mem>>
          tpu.enqueue_indirect_dma source(%dma_start3A_486 : memref<16384x4x128xf32, #tpu.memory_space<hbm>>) target(%dma_start3A_482 : memref<16x4x128xf32, #tpu.memory_space<vmem>>) offsets(%get3A_475 : vector<16xi32>) semaphore(%dma_start3A_488 : memref<!tpu.dma_semaphore, #tpu.memory_space<semaphore_mem>>)
        } else {
        }
        %add3A_349 = arith.constant 4 : i32
        %add3A_350 = arith.addi %mul3A_324, %add3A_349 : i32
        %lt3A_351 = arith.cmpi slt, %add3A_350, %shift_right_arithmetic3A_306 : i32
        %convert_element_type3A_352 = arith.extui %lt3A_351 : i1 to i32
        %cond3A_353 = arith.constant 0 : i32
        %cond3A_354 = arith.cmpi ne, %convert_element_type3A_352, %cond3A_353 : i32
        scf.if %cond3A_354 {
          %add3A_469 = arith.constant 4 : i32
          %add3A_470 = arith.addi %mul3A_324, %add3A_469 : i32
          %mul3A_471 = arith.constant 16 : i32
          %mul3A_472 = arith.muli %add3A_470, %mul3A_471 : i32
          %sub3A_473 = arith.constant 16 : i32
          %sub3A_474 = arith.subi %scan3A_289, %sub3A_473 : i32
          %min3A = arith.minsi %mul3A_472, %sub3A_474 : i32
          %get3A = arith.index_cast %min3A : i32 to index
          %get3A_475 = tpu.vector_load %arg8[%get3A] {strides = array<i32>} : memref<3152xi32, #tpu.memory_space<vmem>>, vector<16xi32>,
          %dma_start3A_476 = arith.constant 4 : i32
          %dma_start3A_477 = arith.constant 4 : i32
          %dma_start3A_478 = arith.constant 0 : i32
          %dma_start3A_479 = arith.constant 0 : i32
          %dma_start3A_480 = arith.constant 0 : i32
          %dma_start3A_481 = tpu.memref_slice %arg10[%dma_start3A_476, %dma_start3A_478, %dma_start3A_479, %dma_start3A_480] : memref<8x24x4x128xf32, #tpu.memory_space<vmem>> -> memref<1x16x4x128xf32, #tpu.memory_space<vmem>>
          %dma_start3A_482 = tpu.memref_squeeze %dma_start3A_481 : memref<1x16x4x128xf32, #tpu.memory_space<vmem>> -> memref<16x4x128xf32, #tpu.memory_space<vmem>>
          %dma_start3A_483 = arith.constant 0 : i32
          %dma_start3A_484 = arith.constant 0 : i32
          %dma_start3A_485 = arith.constant 0 : i32
          %dma_start3A_486 = tpu.memref_slice %arg4[%dma_start3A_483, %dma_start3A_484, %dma_start3A_485] : memref<16384x4x128xf32, #tpu.memory_space<hbm>> -> memref<16384x4x128xf32, #tpu.memory_space<hbm>>
          %dma_start3A_487 = tpu.memref_slice %arg11[%dma_start3A_477] : memref<8x!tpu.dma_semaphore, #tpu.memory_space<semaphore_mem>> -> memref<1x!tpu.dma_semaphore, #tpu.memory_space<semaphore_mem>>
          %dma_start3A_488 = tpu.memref_squeeze %dma_start3A_487 : memref<1x!tpu.dma_semaphore, #tpu.memory_space<semaphore_mem>> -> memref<!tpu.dma_semaphore, #tpu.memory_space<semaphore_mem>>
          tpu.enqueue_indirect_dma source(%dma_start3A_486 : memref<16384x4x128xf32, #tpu.memory_space<hbm>>) target(%dma_start3A_482 : memref<16x4x128xf32, #tpu.memory_space<vmem>>) offsets(%get3A_475 : vector<16xi32>) semaphore(%dma_start3A_488 : memref<!tpu.dma_semaphore, #tpu.memory_space<semaphore_mem>>)
        } else {
        }
        %add3A_355 = arith.constant 5 : i32
        %add3A_356 = arith.addi %mul3A_324, %add3A_355 : i32
        %lt3A_357 = arith.cmpi slt, %add3A_356, %shift_right_arithmetic3A_306 : i32
        %convert_element_type3A_358 = arith.extui %lt3A_357 : i1 to i32
        %cond3A_359 = arith.constant 0 : i32
        %cond3A_360 = arith.cmpi ne, %convert_element_type3A_358, %cond3A_359 : i32
        scf.if %cond3A_360 {
          %add3A_469 = arith.constant 5 : i32
          %add3A_470 = arith.addi %mul3A_324, %add3A_469 : i32
          %mul3A_471 = arith.constant 16 : i32
          %mul3A_472 = arith.muli %add3A_470, %mul3A_471 : i32
          %sub3A_473 = arith.constant 16 : i32
          %sub3A_474 = arith.subi %scan3A_289, %sub3A_473 : i32
          %min3A = arith.minsi %mul3A_472, %sub3A_474 : i32
          %get3A = arith.index_cast %min3A : i32 to index
          %get3A_475 = tpu.vector_load %arg8[%get3A] {strides = array<i32>} : memref<3152xi32, #tpu.memory_space<vmem>>, vector<16xi32>,
          %dma_start3A_476 = arith.constant 5 : i32
          %dma_start3A_477 = arith.constant 5 : i32
          %dma_start3A_478 = arith.constant 0 : i32
          %dma_start3A_479 = arith.constant 0 : i32
          %dma_start3A_480 = arith.constant 0 : i32
          %dma_start3A_481 = tpu.memref_slice %arg10[%dma_start3A_476, %dma_start3A_478, %dma_start3A_479, %dma_start3A_480] : memref<8x24x4x128xf32, #tpu.memory_space<vmem>> -> memref<1x16x4x128xf32, #tpu.memory_space<vmem>>
          %dma_start3A_482 = tpu.memref_squeeze %dma_start3A_481 : memref<1x16x4x128xf32, #tpu.memory_space<vmem>> -> memref<16x4x128xf32, #tpu.memory_space<vmem>>
          %dma_start3A_483 = arith.constant 0 : i32
          %dma_start3A_484 = arith.constant 0 : i32
          %dma_start3A_485 = arith.constant 0 : i32
          %dma_start3A_486 = tpu.memref_slice %arg4[%dma_start3A_483, %dma_start3A_484, %dma_start3A_485] : memref<16384x4x128xf32, #tpu.memory_space<hbm>> -> memref<16384x4x128xf32, #tpu.memory_space<hbm>>
          %dma_start3A_487 = tpu.memref_slice %arg11[%dma_start3A_477] : memref<8x!tpu.dma_semaphore, #tpu.memory_space<semaphore_mem>> -> memref<1x!tpu.dma_semaphore, #tpu.memory_space<semaphore_mem>>
          %dma_start3A_488 = tpu.memref_squeeze %dma_start3A_487 : memref<1x!tpu.dma_semaphore, #tpu.memory_space<semaphore_mem>> -> memref<!tpu.dma_semaphore, #tpu.memory_space<semaphore_mem>>
          tpu.enqueue_indirect_dma source(%dma_start3A_486 : memref<16384x4x128xf32, #tpu.memory_space<hbm>>) target(%dma_start3A_482 : memref<16x4x128xf32, #tpu.memory_space<vmem>>) offsets(%get3A_475 : vector<16xi32>) semaphore(%dma_start3A_488 : memref<!tpu.dma_semaphore, #tpu.memory_space<semaphore_mem>>)
        } else {
        }
        %add3A_361 = arith.constant 6 : i32
        %add3A_362 = arith.addi %mul3A_324, %add3A_361 : i32
        %lt3A_363 = arith.cmpi slt, %add3A_362, %shift_right_arithmetic3A_306 : i32
        %convert_element_type3A_364 = arith.extui %lt3A_363 : i1 to i32
        %cond3A_365 = arith.constant 0 : i32
        %cond3A_366 = arith.cmpi ne, %convert_element_type3A_364, %cond3A_365 : i32
        scf.if %cond3A_366 {
          %add3A_469 = arith.constant 6 : i32
          %add3A_470 = arith.addi %mul3A_324, %add3A_469 : i32
          %mul3A_471 = arith.constant 16 : i32
          %mul3A_472 = arith.muli %add3A_470, %mul3A_471 : i32
          %sub3A_473 = arith.constant 16 : i32
          %sub3A_474 = arith.subi %scan3A_289, %sub3A_473 : i32
          %min3A = arith.minsi %mul3A_472, %sub3A_474 : i32
          %get3A = arith.index_cast %min3A : i32 to index
          %get3A_475 = tpu.vector_load %arg8[%get3A] {strides = array<i32>} : memref<3152xi32, #tpu.memory_space<vmem>>, vector<16xi32>,
          %dma_start3A_476 = arith.constant 6 : i32
          %dma_start3A_477 = arith.constant 6 : i32
          %dma_start3A_478 = arith.constant 0 : i32
          %dma_start3A_479 = arith.constant 0 : i32
          %dma_start3A_480 = arith.constant 0 : i32
          %dma_start3A_481 = tpu.memref_slice %arg10[%dma_start3A_476, %dma_start3A_478, %dma_start3A_479, %dma_start3A_480] : memref<8x24x4x128xf32, #tpu.memory_space<vmem>> -> memref<1x16x4x128xf32, #tpu.memory_space<vmem>>
          %dma_start3A_482 = tpu.memref_squeeze %dma_start3A_481 : memref<1x16x4x128xf32, #tpu.memory_space<vmem>> -> memref<16x4x128xf32, #tpu.memory_space<vmem>>
          %dma_start3A_483 = arith.constant 0 : i32
          %dma_start3A_484 = arith.constant 0 : i32
          %dma_start3A_485 = arith.constant 0 : i32
          %dma_start3A_486 = tpu.memref_slice %arg4[%dma_start3A_483, %dma_start3A_484, %dma_start3A_485] : memref<16384x4x128xf32, #tpu.memory_space<hbm>> -> memref<16384x4x128xf32, #tpu.memory_space<hbm>>
          %dma_start3A_487 = tpu.memref_slice %arg11[%dma_start3A_477] : memref<8x!tpu.dma_semaphore, #tpu.memory_space<semaphore_mem>> -> memref<1x!tpu.dma_semaphore, #tpu.memory_space<semaphore_mem>>
          %dma_start3A_488 = tpu.memref_squeeze %dma_start3A_487 : memref<1x!tpu.dma_semaphore, #tpu.memory_space<semaphore_mem>> -> memref<!tpu.dma_semaphore, #tpu.memory_space<semaphore_mem>>
          tpu.enqueue_indirect_dma source(%dma_start3A_486 : memref<16384x4x128xf32, #tpu.memory_space<hbm>>) target(%dma_start3A_482 : memref<16x4x128xf32, #tpu.memory_space<vmem>>) offsets(%get3A_475 : vector<16xi32>) semaphore(%dma_start3A_488 : memref<!tpu.dma_semaphore, #tpu.memory_space<semaphore_mem>>)
        } else {
        }
        %add3A_367 = arith.constant 7 : i32
        %add3A_368 = arith.addi %mul3A_324, %add3A_367 : i32
        %lt3A_369 = arith.cmpi slt, %add3A_368, %shift_right_arithmetic3A_306 : i32
        %convert_element_type3A_370 = arith.extui %lt3A_369 : i1 to i32
        %cond3A_371 = arith.constant 0 : i32
        %cond3A_372 = arith.cmpi ne, %convert_element_type3A_370, %cond3A_371 : i32
        scf.if %cond3A_372 {
          %add3A_469 = arith.constant 7 : i32
          %add3A_470 = arith.addi %mul3A_324, %add3A_469 : i32
          %mul3A_471 = arith.constant 16 : i32
          %mul3A_472 = arith.muli %add3A_470, %mul3A_471 : i32
          %sub3A_473 = arith.constant 16 : i32
          %sub3A_474 = arith.subi %scan3A_289, %sub3A_473 : i32
          %min3A = arith.minsi %mul3A_472, %sub3A_474 : i32
          %get3A = arith.index_cast %min3A : i32 to index
          %get3A_475 = tpu.vector_load %arg8[%get3A] {strides = array<i32>} : memref<3152xi32, #tpu.memory_space<vmem>>, vector<16xi32>,
          %dma_start3A_476 = arith.constant 7 : i32
          %dma_start3A_477 = arith.constant 7 : i32
          %dma_start3A_478 = arith.constant 0 : i32
          %dma_start3A_479 = arith.constant 0 : i32
          %dma_start3A_480 = arith.constant 0 : i32
          %dma_start3A_481 = tpu.memref_slice %arg10[%dma_start3A_476, %dma_start3A_478, %dma_start3A_479, %dma_start3A_480] : memref<8x24x4x128xf32, #tpu.memory_space<vmem>> -> memref<1x16x4x128xf32, #tpu.memory_space<vmem>>
          %dma_start3A_482 = tpu.memref_squeeze %dma_start3A_481 : memref<1x16x4x128xf32, #tpu.memory_space<vmem>> -> memref<16x4x128xf32, #tpu.memory_space<vmem>>
          %dma_start3A_483 = arith.constant 0 : i32
          %dma_start3A_484 = arith.constant 0 : i32
          %dma_start3A_485 = arith.constant 0 : i32
          %dma_start3A_486 = tpu.memref_slice %arg4[%dma_start3A_483, %dma_start3A_484, %dma_start3A_485] : memref<16384x4x128xf32, #tpu.memory_space<hbm>> -> memref<16384x4x128xf32, #tpu.memory_space<hbm>>
          %dma_start3A_487 = tpu.memref_slice %arg11[%dma_start3A_477] : memref<8x!tpu.dma_semaphore, #tpu.memory_space<semaphore_mem>> -> memref<1x!tpu.dma_semaphore, #tpu.memory_space<semaphore_mem>>
          %dma_start3A_488 = tpu.memref_squeeze %dma_start3A_487 : memref<1x!tpu.dma_semaphore, #tpu.memory_space<semaphore_mem>> -> memref<!tpu.dma_semaphore, #tpu.memory_space<semaphore_mem>>
          tpu.enqueue_indirect_dma source(%dma_start3A_486 : memref<16384x4x128xf32, #tpu.memory_space<hbm>>) target(%dma_start3A_482 : memref<16x4x128xf32, #tpu.memory_space<vmem>>) offsets(%get3A_475 : vector<16xi32>) semaphore(%dma_start3A_488 : memref<!tpu.dma_semaphore, #tpu.memory_space<semaphore_mem>>)
        } else {
        }
        %add3A_373 = arith.constant 0 : i32
        %add3A_374 = arith.addi %mul3A_324, %add3A_373 : i32
        %lt3A_375 = arith.cmpi slt, %add3A_374, %shift_right_arithmetic3A_306 : i32
        %convert_element_type3A_376 = arith.extui %lt3A_375 : i1 to i32
        %cond3A_377 = arith.constant 0 : i32
        %cond3A_378 = arith.cmpi ne, %convert_element_type3A_376, %cond3A_377 : i32
        scf.if %cond3A_378 {
          %get3A = arith.constant 0 : index
          %get3A_469 = tpu.vector_load %arg8[%get3A] {strides = array<i32>} : memref<3152xi32, #tpu.memory_space<vmem>>, vector<16xi32>,
          %dma_wait3A_470 = arith.constant 0 : i32
          %dma_wait3A_471 = arith.constant 0 : i32
          %dma_wait3A_472 = arith.constant 0 : i32
          %dma_wait3A_473 = arith.constant 0 : i32
          %dma_wait3A_474 = arith.constant 0 : i32
          %dma_wait3A_475 = tpu.memref_slice %arg10[%dma_wait3A_470, %dma_wait3A_472, %dma_wait3A_473, %dma_wait3A_474] : memref<8x24x4x128xf32, #tpu.memory_space<vmem>> -> memref<1x16x4x128xf32, #tpu.memory_space<vmem>>
          %dma_wait3A_476 = tpu.memref_squeeze %dma_wait3A_475 : memref<1x16x4x128xf32, #tpu.memory_space<vmem>> -> memref<16x4x128xf32, #tpu.memory_space<vmem>>
          %dma_wait3A_477 = arith.constant 0 : i32
          %dma_wait3A_478 = arith.constant 0 : i32
          %dma_wait3A_479 = arith.constant 0 : i32
          %dma_wait3A_480 = tpu.memref_slice %arg4[%dma_wait3A_477, %dma_wait3A_478, %dma_wait3A_479] : memref<16384x4x128xf32, #tpu.memory_space<hbm>> -> memref<16384x4x128xf32, #tpu.memory_space<hbm>>
          %dma_wait3A_481 = tpu.memref_slice %arg11[%dma_wait3A_471] : memref<8x!tpu.dma_semaphore, #tpu.memory_space<semaphore_mem>> -> memref<1x!tpu.dma_semaphore, #tpu.memory_space<semaphore_mem>>
          %dma_wait3A_482 = tpu.memref_squeeze %dma_wait3A_481 : memref<1x!tpu.dma_semaphore, #tpu.memory_space<semaphore_mem>> -> memref<!tpu.dma_semaphore, #tpu.memory_space<semaphore_mem>>
          tpu.wait_indirect_dma semaphore(%dma_wait3A_482 : memref<!tpu.dma_semaphore, #tpu.memory_space<semaphore_mem>>) src(%dma_wait3A_480 : memref<16384x4x128xf32, #tpu.memory_space<hbm>>) dst(%dma_wait3A_476 : memref<16x4x128xf32, #tpu.memory_space<vmem>>)
          %add3A_483 = arith.constant 0 : i32
          %add3A_484 = arith.addi %mul3A_324, %add3A_483 : i32
          %mul3A_485 = arith.constant 16 : i32
          %mul3A_486 = arith.muli %add3A_484, %mul3A_485 : i32
          %sub3A_487 = arith.constant 16 : i32
          %sub3A_488 = arith.subi %scan3A_289, %sub3A_487 : i32
          %min3A = arith.minsi %mul3A_486, %sub3A_488 : i32
          %get3A_489 = arith.index_cast %min3A : i32 to index
          %get3A_490 = tpu.vector_load %arg9[%get3A_489] {strides = array<i32>} : memref<3152xi32, #tpu.memory_space<vmem>>, vector<16xi32>,
          %dma_start3A_491 = arith.constant 0 : i32
          %dma_start3A_492 = arith.constant 0 : i32
          %dma_start3A_493 = arith.constant 0 : i32
          %dma_start3A_494 = arith.constant 0 : i32
          %dma_start3A_495 = arith.constant 0 : i32
          %dma_start3A_496 = tpu.memref_slice %arg10[%dma_start3A_491, %dma_start3A_493, %dma_start3A_494, %dma_start3A_495] : memref<8x24x4x128xf32, #tpu.memory_space<vmem>> -> memref<1x16x4x128xf32, #tpu.memory_space<vmem>>
          %dma_start3A_497 = tpu.memref_squeeze %dma_start3A_496 : memref<1x16x4x128xf32, #tpu.memory_space<vmem>> -> memref<16x4x128xf32, #tpu.memory_space<vmem>>
          %dma_start3A_498 = arith.constant 0 : i32
          %dma_start3A_499 = arith.constant 0 : i32
          %dma_start3A_500 = arith.constant 0 : i32
          %dma_start3A_501 = tpu.memref_slice %arg5[%dma_start3A_498, %dma_start3A_499, %dma_start3A_500] : memref<100000x4x128xf32, #tpu.memory_space<hbm>> -> memref<100000x4x128xf32, #tpu.memory_space<hbm>>
          %dma_start3A_502 = tpu.memref_slice %arg12[%dma_start3A_492] : memref<8x!tpu.dma_semaphore, #tpu.memory_space<semaphore_mem>> -> memref<1x!tpu.dma_semaphore, #tpu.memory_space<semaphore_mem>>
          %dma_start3A_503 = tpu.memref_squeeze %dma_start3A_502 : memref<1x!tpu.dma_semaphore, #tpu.memory_space<semaphore_mem>> -> memref<!tpu.dma_semaphore, #tpu.memory_space<semaphore_mem>>
          tpu.enqueue_indirect_dma source(%dma_start3A_497 : memref<16x4x128xf32, #tpu.memory_space<vmem>>) target(%dma_start3A_501 : memref<100000x4x128xf32, #tpu.memory_space<hbm>>) offsets(%get3A_490 : vector<16xi32>) semaphore(%dma_start3A_503 : memref<!tpu.dma_semaphore, #tpu.memory_space<semaphore_mem>>)
        } else {
        }
        %add3A_379 = arith.constant 1 : i32
        %add3A_380 = arith.addi %mul3A_324, %add3A_379 : i32
        %lt3A_381 = arith.cmpi slt, %add3A_380, %shift_right_arithmetic3A_306 : i32
        %convert_element_type3A_382 = arith.extui %lt3A_381 : i1 to i32
        %cond3A_383 = arith.constant 0 : i32
        %cond3A_384 = arith.cmpi ne, %convert_element_type3A_382, %cond3A_383 : i32
        scf.if %cond3A_384 {
          %get3A = arith.constant 0 : index
          %get3A_469 = tpu.vector_load %arg8[%get3A] {strides = array<i32>} : memref<3152xi32, #tpu.memory_space<vmem>>, vector<16xi32>,
          %dma_wait3A_470 = arith.constant 1 : i32
          %dma_wait3A_471 = arith.constant 1 : i32
          %dma_wait3A_472 = arith.constant 0 : i32
          %dma_wait3A_473 = arith.constant 0 : i32
          %dma_wait3A_474 = arith.constant 0 : i32
          %dma_wait3A_475 = tpu.memref_slice %arg10[%dma_wait3A_470, %dma_wait3A_472, %dma_wait3A_473, %dma_wait3A_474] : memref<8x24x4x128xf32, #tpu.memory_space<vmem>> -> memref<1x16x4x128xf32, #tpu.memory_space<vmem>>
          %dma_wait3A_476 = tpu.memref_squeeze %dma_wait3A_475 : memref<1x16x4x128xf32, #tpu.memory_space<vmem>> -> memref<16x4x128xf32, #tpu.memory_space<vmem>>
          %dma_wait3A_477 = arith.constant 0 : i32
          %dma_wait3A_478 = arith.constant 0 : i32
          %dma_wait3A_479 = arith.constant 0 : i32
          %dma_wait3A_480 = tpu.memref_slice %arg4[%dma_wait3A_477, %dma_wait3A_478, %dma_wait3A_479] : memref<16384x4x128xf32, #tpu.memory_space<hbm>> -> memref<16384x4x128xf32, #tpu.memory_space<hbm>>
          %dma_wait3A_481 = tpu.memref_slice %arg11[%dma_wait3A_471] : memref<8x!tpu.dma_semaphore, #tpu.memory_space<semaphore_mem>> -> memref<1x!tpu.dma_semaphore, #tpu.memory_space<semaphore_mem>>
          %dma_wait3A_482 = tpu.memref_squeeze %dma_wait3A_481 : memref<1x!tpu.dma_semaphore, #tpu.memory_space<semaphore_mem>> -> memref<!tpu.dma_semaphore, #tpu.memory_space<semaphore_mem>>
          tpu.wait_indirect_dma semaphore(%dma_wait3A_482 : memref<!tpu.dma_semaphore, #tpu.memory_space<semaphore_mem>>) src(%dma_wait3A_480 : memref<16384x4x128xf32, #tpu.memory_space<hbm>>) dst(%dma_wait3A_476 : memref<16x4x128xf32, #tpu.memory_space<vmem>>)
          %add3A_483 = arith.constant 1 : i32
          %add3A_484 = arith.addi %mul3A_324, %add3A_483 : i32
          %mul3A_485 = arith.constant 16 : i32
          %mul3A_486 = arith.muli %add3A_484, %mul3A_485 : i32
          %sub3A_487 = arith.constant 16 : i32
          %sub3A_488 = arith.subi %scan3A_289, %sub3A_487 : i32
          %min3A = arith.minsi %mul3A_486, %sub3A_488 : i32
          %get3A_489 = arith.index_cast %min3A : i32 to index
          %get3A_490 = tpu.vector_load %arg9[%get3A_489] {strides = array<i32>} : memref<3152xi32, #tpu.memory_space<vmem>>, vector<16xi32>,
          %dma_start3A_491 = arith.constant 1 : i32
          %dma_start3A_492 = arith.constant 1 : i32
          %dma_start3A_493 = arith.constant 0 : i32
          %dma_start3A_494 = arith.constant 0 : i32
          %dma_start3A_495 = arith.constant 0 : i32
          %dma_start3A_496 = tpu.memref_slice %arg10[%dma_start3A_491, %dma_start3A_493, %dma_start3A_494, %dma_start3A_495] : memref<8x24x4x128xf32, #tpu.memory_space<vmem>> -> memref<1x16x4x128xf32, #tpu.memory_space<vmem>>
          %dma_start3A_497 = tpu.memref_squeeze %dma_start3A_496 : memref<1x16x4x128xf32, #tpu.memory_space<vmem>> -> memref<16x4x128xf32, #tpu.memory_space<vmem>>
          %dma_start3A_498 = arith.constant 0 : i32
          %dma_start3A_499 = arith.constant 0 : i32
          %dma_start3A_500 = arith.constant 0 : i32
          %dma_start3A_501 = tpu.memref_slice %arg5[%dma_start3A_498, %dma_start3A_499, %dma_start3A_500] : memref<100000x4x128xf32, #tpu.memory_space<hbm>> -> memref<100000x4x128xf32, #tpu.memory_space<hbm>>
          %dma_start3A_502 = tpu.memref_slice %arg12[%dma_start3A_492] : memref<8x!tpu.dma_semaphore, #tpu.memory_space<semaphore_mem>> -> memref<1x!tpu.dma_semaphore, #tpu.memory_space<semaphore_mem>>
          %dma_start3A_503 = tpu.memref_squeeze %dma_start3A_502 : memref<1x!tpu.dma_semaphore, #tpu.memory_space<semaphore_mem>> -> memref<!tpu.dma_semaphore, #tpu.memory_space<semaphore_mem>>
          tpu.enqueue_indirect_dma source(%dma_start3A_497 : memref<16x4x128xf32, #tpu.memory_space<vmem>>) target(%dma_start3A_501 : memref<100000x4x128xf32, #tpu.memory_space<hbm>>) offsets(%get3A_490 : vector<16xi32>) semaphore(%dma_start3A_503 : memref<!tpu.dma_semaphore, #tpu.memory_space<semaphore_mem>>)
        } else {
        }
        %add3A_385 = arith.constant 2 : i32
        %add3A_386 = arith.addi %mul3A_324, %add3A_385 : i32
        %lt3A_387 = arith.cmpi slt, %add3A_386, %shift_right_arithmetic3A_306 : i32
        %convert_element_type3A_388 = arith.extui %lt3A_387 : i1 to i32
        %cond3A_389 = arith.constant 0 : i32
        %cond3A_390 = arith.cmpi ne, %convert_element_type3A_388, %cond3A_389 : i32
        scf.if %cond3A_390 {
          %get3A = arith.constant 0 : index
          %get3A_469 = tpu.vector_load %arg8[%get3A] {strides = array<i32>} : memref<3152xi32, #tpu.memory_space<vmem>>, vector<16xi32>,
          %dma_wait3A_470 = arith.constant 2 : i32
          %dma_wait3A_471 = arith.constant 2 : i32
          %dma_wait3A_472 = arith.constant 0 : i32
          %dma_wait3A_473 = arith.constant 0 : i32
          %dma_wait3A_474 = arith.constant 0 : i32
          %dma_wait3A_475 = tpu.memref_slice %arg10[%dma_wait3A_470, %dma_wait3A_472, %dma_wait3A_473, %dma_wait3A_474] : memref<8x24x4x128xf32, #tpu.memory_space<vmem>> -> memref<1x16x4x128xf32, #tpu.memory_space<vmem>>
          %dma_wait3A_476 = tpu.memref_squeeze %dma_wait3A_475 : memref<1x16x4x128xf32, #tpu.memory_space<vmem>> -> memref<16x4x128xf32, #tpu.memory_space<vmem>>
          %dma_wait3A_477 = arith.constant 0 : i32
          %dma_wait3A_478 = arith.constant 0 : i32
          %dma_wait3A_479 = arith.constant 0 : i32
          %dma_wait3A_480 = tpu.memref_slice %arg4[%dma_wait3A_477, %dma_wait3A_478, %dma_wait3A_479] : memref<16384x4x128xf32, #tpu.memory_space<hbm>> -> memref<16384x4x128xf32, #tpu.memory_space<hbm>>
          %dma_wait3A_481 = tpu.memref_slice %arg11[%dma_wait3A_471] : memref<8x!tpu.dma_semaphore, #tpu.memory_space<semaphore_mem>> -> memref<1x!tpu.dma_semaphore, #tpu.memory_space<semaphore_mem>>
          %dma_wait3A_482 = tpu.memref_squeeze %dma_wait3A_481 : memref<1x!tpu.dma_semaphore, #tpu.memory_space<semaphore_mem>> -> memref<!tpu.dma_semaphore, #tpu.memory_space<semaphore_mem>>
          tpu.wait_indirect_dma semaphore(%dma_wait3A_482 : memref<!tpu.dma_semaphore, #tpu.memory_space<semaphore_mem>>) src(%dma_wait3A_480 : memref<16384x4x128xf32, #tpu.memory_space<hbm>>) dst(%dma_wait3A_476 : memref<16x4x128xf32, #tpu.memory_space<vmem>>)
          %add3A_483 = arith.constant 2 : i32
          %add3A_484 = arith.addi %mul3A_324, %add3A_483 : i32
          %mul3A_485 = arith.constant 16 : i32
          %mul3A_486 = arith.muli %add3A_484, %mul3A_485 : i32
          %sub3A_487 = arith.constant 16 : i32
          %sub3A_488 = arith.subi %scan3A_289, %sub3A_487 : i32
          %min3A = arith.minsi %mul3A_486, %sub3A_488 : i32
          %get3A_489 = arith.index_cast %min3A : i32 to index
          %get3A_490 = tpu.vector_load %arg9[%get3A_489] {strides = array<i32>} : memref<3152xi32, #tpu.memory_space<vmem>>, vector<16xi32>,
          %dma_start3A_491 = arith.constant 2 : i32
          %dma_start3A_492 = arith.constant 2 : i32
          %dma_start3A_493 = arith.constant 0 : i32
          %dma_start3A_494 = arith.constant 0 : i32
          %dma_start3A_495 = arith.constant 0 : i32
          %dma_start3A_496 = tpu.memref_slice %arg10[%dma_start3A_491, %dma_start3A_493, %dma_start3A_494, %dma_start3A_495] : memref<8x24x4x128xf32, #tpu.memory_space<vmem>> -> memref<1x16x4x128xf32, #tpu.memory_space<vmem>>
          %dma_start3A_497 = tpu.memref_squeeze %dma_start3A_496 : memref<1x16x4x128xf32, #tpu.memory_space<vmem>> -> memref<16x4x128xf32, #tpu.memory_space<vmem>>
          %dma_start3A_498 = arith.constant 0 : i32
          %dma_start3A_499 = arith.constant 0 : i32
          %dma_start3A_500 = arith.constant 0 : i32
          %dma_start3A_501 = tpu.memref_slice %arg5[%dma_start3A_498, %dma_start3A_499, %dma_start3A_500] : memref<100000x4x128xf32, #tpu.memory_space<hbm>> -> memref<100000x4x128xf32, #tpu.memory_space<hbm>>
          %dma_start3A_502 = tpu.memref_slice %arg12[%dma_start3A_492] : memref<8x!tpu.dma_semaphore, #tpu.memory_space<semaphore_mem>> -> memref<1x!tpu.dma_semaphore, #tpu.memory_space<semaphore_mem>>
          %dma_start3A_503 = tpu.memref_squeeze %dma_start3A_502 : memref<1x!tpu.dma_semaphore, #tpu.memory_space<semaphore_mem>> -> memref<!tpu.dma_semaphore, #tpu.memory_space<semaphore_mem>>
          tpu.enqueue_indirect_dma source(%dma_start3A_497 : memref<16x4x128xf32, #tpu.memory_space<vmem>>) target(%dma_start3A_501 : memref<100000x4x128xf32, #tpu.memory_space<hbm>>) offsets(%get3A_490 : vector<16xi32>) semaphore(%dma_start3A_503 : memref<!tpu.dma_semaphore, #tpu.memory_space<semaphore_mem>>)
        } else {
        }
        %add3A_391 = arith.constant 3 : i32
        %add3A_392 = arith.addi %mul3A_324, %add3A_391 : i32
        %lt3A_393 = arith.cmpi slt, %add3A_392, %shift_right_arithmetic3A_306 : i32
        %convert_element_type3A_394 = arith.extui %lt3A_393 : i1 to i32
        %cond3A_395 = arith.constant 0 : i32
        %cond3A_396 = arith.cmpi ne, %convert_element_type3A_394, %cond3A_395 : i32
        scf.if %cond3A_396 {
          %get3A = arith.constant 0 : index
          %get3A_469 = tpu.vector_load %arg8[%get3A] {strides = array<i32>} : memref<3152xi32, #tpu.memory_space<vmem>>, vector<16xi32>,
          %dma_wait3A_470 = arith.constant 3 : i32
          %dma_wait3A_471 = arith.constant 3 : i32
          %dma_wait3A_472 = arith.constant 0 : i32
          %dma_wait3A_473 = arith.constant 0 : i32
          %dma_wait3A_474 = arith.constant 0 : i32
          %dma_wait3A_475 = tpu.memref_slice %arg10[%dma_wait3A_470, %dma_wait3A_472, %dma_wait3A_473, %dma_wait3A_474] : memref<8x24x4x128xf32, #tpu.memory_space<vmem>> -> memref<1x16x4x128xf32, #tpu.memory_space<vmem>>
          %dma_wait3A_476 = tpu.memref_squeeze %dma_wait3A_475 : memref<1x16x4x128xf32, #tpu.memory_space<vmem>> -> memref<16x4x128xf32, #tpu.memory_space<vmem>>
          %dma_wait3A_477 = arith.constant 0 : i32
          %dma_wait3A_478 = arith.constant 0 : i32
          %dma_wait3A_479 = arith.constant 0 : i32
          %dma_wait3A_480 = tpu.memref_slice %arg4[%dma_wait3A_477, %dma_wait3A_478, %dma_wait3A_479] : memref<16384x4x128xf32, #tpu.memory_space<hbm>> -> memref<16384x4x128xf32, #tpu.memory_space<hbm>>
          %dma_wait3A_481 = tpu.memref_slice %arg11[%dma_wait3A_471] : memref<8x!tpu.dma_semaphore, #tpu.memory_space<semaphore_mem>> -> memref<1x!tpu.dma_semaphore, #tpu.memory_space<semaphore_mem>>
          %dma_wait3A_482 = tpu.memref_squeeze %dma_wait3A_481 : memref<1x!tpu.dma_semaphore, #tpu.memory_space<semaphore_mem>> -> memref<!tpu.dma_semaphore, #tpu.memory_space<semaphore_mem>>
          tpu.wait_indirect_dma semaphore(%dma_wait3A_482 : memref<!tpu.dma_semaphore, #tpu.memory_space<semaphore_mem>>) src(%dma_wait3A_480 : memref<16384x4x128xf32, #tpu.memory_space<hbm>>) dst(%dma_wait3A_476 : memref<16x4x128xf32, #tpu.memory_space<vmem>>)
          %add3A_483 = arith.constant 3 : i32
          %add3A_484 = arith.addi %mul3A_324, %add3A_483 : i32
          %mul3A_485 = arith.constant 16 : i32
          %mul3A_486 = arith.muli %add3A_484, %mul3A_485 : i32
          %sub3A_487 = arith.constant 16 : i32
          %sub3A_488 = arith.subi %scan3A_289, %sub3A_487 : i32
          %min3A = arith.minsi %mul3A_486, %sub3A_488 : i32
          %get3A_489 = arith.index_cast %min3A : i32 to index
          %get3A_490 = tpu.vector_load %arg9[%get3A_489] {strides = array<i32>} : memref<3152xi32, #tpu.memory_space<vmem>>, vector<16xi32>,
          %dma_start3A_491 = arith.constant 3 : i32
          %dma_start3A_492 = arith.constant 3 : i32
          %dma_start3A_493 = arith.constant 0 : i32
          %dma_start3A_494 = arith.constant 0 : i32
          %dma_start3A_495 = arith.constant 0 : i32
          %dma_start3A_496 = tpu.memref_slice %arg10[%dma_start3A_491, %dma_start3A_493, %dma_start3A_494, %dma_start3A_495] : memref<8x24x4x128xf32, #tpu.memory_space<vmem>> -> memref<1x16x4x128xf32, #tpu.memory_space<vmem>>
          %dma_start3A_497 = tpu.memref_squeeze %dma_start3A_496 : memref<1x16x4x128xf32, #tpu.memory_space<vmem>> -> memref<16x4x128xf32, #tpu.memory_space<vmem>>
          %dma_start3A_498 = arith.constant 0 : i32
          %dma_start3A_499 = arith.constant 0 : i32
          %dma_start3A_500 = arith.constant 0 : i32
          %dma_start3A_501 = tpu.memref_slice %arg5[%dma_start3A_498, %dma_start3A_499, %dma_start3A_500] : memref<100000x4x128xf32, #tpu.memory_space<hbm>> -> memref<100000x4x128xf32, #tpu.memory_space<hbm>>
          %dma_start3A_502 = tpu.memref_slice %arg12[%dma_start3A_492] : memref<8x!tpu.dma_semaphore, #tpu.memory_space<semaphore_mem>> -> memref<1x!tpu.dma_semaphore, #tpu.memory_space<semaphore_mem>>
          %dma_start3A_503 = tpu.memref_squeeze %dma_start3A_502 : memref<1x!tpu.dma_semaphore, #tpu.memory_space<semaphore_mem>> -> memref<!tpu.dma_semaphore, #tpu.memory_space<semaphore_mem>>
          tpu.enqueue_indirect_dma source(%dma_start3A_497 : memref<16x4x128xf32, #tpu.memory_space<vmem>>) target(%dma_start3A_501 : memref<100000x4x128xf32, #tpu.memory_space<hbm>>) offsets(%get3A_490 : vector<16xi32>) semaphore(%dma_start3A_503 : memref<!tpu.dma_semaphore, #tpu.memory_space<semaphore_mem>>)
        } else {
        }
        %add3A_397 = arith.constant 4 : i32
        %add3A_398 = arith.addi %mul3A_324, %add3A_397 : i32
        %lt3A_399 = arith.cmpi slt, %add3A_398, %shift_right_arithmetic3A_306 : i32
        %convert_element_type3A_400 = arith.extui %lt3A_399 : i1 to i32
        %cond3A_401 = arith.constant 0 : i32
        %cond3A_402 = arith.cmpi ne, %convert_element_type3A_400, %cond3A_401 : i32
        scf.if %cond3A_402 {
          %get3A = arith.constant 0 : index
          %get3A_469 = tpu.vector_load %arg8[%get3A] {strides = array<i32>} : memref<3152xi32, #tpu.memory_space<vmem>>, vector<16xi32>,
          %dma_wait3A_470 = arith.constant 4 : i32
          %dma_wait3A_471 = arith.constant 4 : i32
          %dma_wait3A_472 = arith.constant 0 : i32
          %dma_wait3A_473 = arith.constant 0 : i32
          %dma_wait3A_474 = arith.constant 0 : i32
          %dma_wait3A_475 = tpu.memref_slice %arg10[%dma_wait3A_470, %dma_wait3A_472, %dma_wait3A_473, %dma_wait3A_474] : memref<8x24x4x128xf32, #tpu.memory_space<vmem>> -> memref<1x16x4x128xf32, #tpu.memory_space<vmem>>
          %dma_wait3A_476 = tpu.memref_squeeze %dma_wait3A_475 : memref<1x16x4x128xf32, #tpu.memory_space<vmem>> -> memref<16x4x128xf32, #tpu.memory_space<vmem>>
          %dma_wait3A_477 = arith.constant 0 : i32
          %dma_wait3A_478 = arith.constant 0 : i32
          %dma_wait3A_479 = arith.constant 0 : i32
          %dma_wait3A_480 = tpu.memref_slice %arg4[%dma_wait3A_477, %dma_wait3A_478, %dma_wait3A_479] : memref<16384x4x128xf32, #tpu.memory_space<hbm>> -> memref<16384x4x128xf32, #tpu.memory_space<hbm>>
          %dma_wait3A_481 = tpu.memref_slice %arg11[%dma_wait3A_471] : memref<8x!tpu.dma_semaphore, #tpu.memory_space<semaphore_mem>> -> memref<1x!tpu.dma_semaphore, #tpu.memory_space<semaphore_mem>>
          %dma_wait3A_482 = tpu.memref_squeeze %dma_wait3A_481 : memref<1x!tpu.dma_semaphore, #tpu.memory_space<semaphore_mem>> -> memref<!tpu.dma_semaphore, #tpu.memory_space<semaphore_mem>>
          tpu.wait_indirect_dma semaphore(%dma_wait3A_482 : memref<!tpu.dma_semaphore, #tpu.memory_space<semaphore_mem>>) src(%dma_wait3A_480 : memref<16384x4x128xf32, #tpu.memory_space<hbm>>) dst(%dma_wait3A_476 : memref<16x4x128xf32, #tpu.memory_space<vmem>>)
          %add3A_483 = arith.constant 4 : i32
          %add3A_484 = arith.addi %mul3A_324, %add3A_483 : i32
          %mul3A_485 = arith.constant 16 : i32
          %mul3A_486 = arith.muli %add3A_484, %mul3A_485 : i32
          %sub3A_487 = arith.constant 16 : i32
          %sub3A_488 = arith.subi %scan3A_289, %sub3A_487 : i32
          %min3A = arith.minsi %mul3A_486, %sub3A_488 : i32
          %get3A_489 = arith.index_cast %min3A : i32 to index
          %get3A_490 = tpu.vector_load %arg9[%get3A_489] {strides = array<i32>} : memref<3152xi32, #tpu.memory_space<vmem>>, vector<16xi32>,
          %dma_start3A_491 = arith.constant 4 : i32
          %dma_start3A_492 = arith.constant 4 : i32
          %dma_start3A_493 = arith.constant 0 : i32
          %dma_start3A_494 = arith.constant 0 : i32
          %dma_start3A_495 = arith.constant 0 : i32
          %dma_start3A_496 = tpu.memref_slice %arg10[%dma_start3A_491, %dma_start3A_493, %dma_start3A_494, %dma_start3A_495] : memref<8x24x4x128xf32, #tpu.memory_space<vmem>> -> memref<1x16x4x128xf32, #tpu.memory_space<vmem>>
          %dma_start3A_497 = tpu.memref_squeeze %dma_start3A_496 : memref<1x16x4x128xf32, #tpu.memory_space<vmem>> -> memref<16x4x128xf32, #tpu.memory_space<vmem>>
          %dma_start3A_498 = arith.constant 0 : i32
          %dma_start3A_499 = arith.constant 0 : i32
          %dma_start3A_500 = arith.constant 0 : i32
          %dma_start3A_501 = tpu.memref_slice %arg5[%dma_start3A_498, %dma_start3A_499, %dma_start3A_500] : memref<100000x4x128xf32, #tpu.memory_space<hbm>> -> memref<100000x4x128xf32, #tpu.memory_space<hbm>>
          %dma_start3A_502 = tpu.memref_slice %arg12[%dma_start3A_492] : memref<8x!tpu.dma_semaphore, #tpu.memory_space<semaphore_mem>> -> memref<1x!tpu.dma_semaphore, #tpu.memory_space<semaphore_mem>>
          %dma_start3A_503 = tpu.memref_squeeze %dma_start3A_502 : memref<1x!tpu.dma_semaphore, #tpu.memory_space<semaphore_mem>> -> memref<!tpu.dma_semaphore, #tpu.memory_space<semaphore_mem>>
          tpu.enqueue_indirect_dma source(%dma_start3A_497 : memref<16x4x128xf32, #tpu.memory_space<vmem>>) target(%dma_start3A_501 : memref<100000x4x128xf32, #tpu.memory_space<hbm>>) offsets(%get3A_490 : vector<16xi32>) semaphore(%dma_start3A_503 : memref<!tpu.dma_semaphore, #tpu.memory_space<semaphore_mem>>)
        } else {
        }
        %add3A_403 = arith.constant 5 : i32
        %add3A_404 = arith.addi %mul3A_324, %add3A_403 : i32
        %lt3A_405 = arith.cmpi slt, %add3A_404, %shift_right_arithmetic3A_306 : i32
        %convert_element_type3A_406 = arith.extui %lt3A_405 : i1 to i32
        %cond3A_407 = arith.constant 0 : i32
        %cond3A_408 = arith.cmpi ne, %convert_element_type3A_406, %cond3A_407 : i32
        scf.if %cond3A_408 {
          %get3A = arith.constant 0 : index
          %get3A_469 = tpu.vector_load %arg8[%get3A] {strides = array<i32>} : memref<3152xi32, #tpu.memory_space<vmem>>, vector<16xi32>,
          %dma_wait3A_470 = arith.constant 5 : i32
          %dma_wait3A_471 = arith.constant 5 : i32
          %dma_wait3A_472 = arith.constant 0 : i32
          %dma_wait3A_473 = arith.constant 0 : i32
          %dma_wait3A_474 = arith.constant 0 : i32
          %dma_wait3A_475 = tpu.memref_slice %arg10[%dma_wait3A_470, %dma_wait3A_472, %dma_wait3A_473, %dma_wait3A_474] : memref<8x24x4x128xf32, #tpu.memory_space<vmem>> -> memref<1x16x4x128xf32, #tpu.memory_space<vmem>>
          %dma_wait3A_476 = tpu.memref_squeeze %dma_wait3A_475 : memref<1x16x4x128xf32, #tpu.memory_space<vmem>> -> memref<16x4x128xf32, #tpu.memory_space<vmem>>
          %dma_wait3A_477 = arith.constant 0 : i32
          %dma_wait3A_478 = arith.constant 0 : i32
          %dma_wait3A_479 = arith.constant 0 : i32
          %dma_wait3A_480 = tpu.memref_slice %arg4[%dma_wait3A_477, %dma_wait3A_478, %dma_wait3A_479] : memref<16384x4x128xf32, #tpu.memory_space<hbm>> -> memref<16384x4x128xf32, #tpu.memory_space<hbm>>
          %dma_wait3A_481 = tpu.memref_slice %arg11[%dma_wait3A_471] : memref<8x!tpu.dma_semaphore, #tpu.memory_space<semaphore_mem>> -> memref<1x!tpu.dma_semaphore, #tpu.memory_space<semaphore_mem>>
          %dma_wait3A_482 = tpu.memref_squeeze %dma_wait3A_481 : memref<1x!tpu.dma_semaphore, #tpu.memory_space<semaphore_mem>> -> memref<!tpu.dma_semaphore, #tpu.memory_space<semaphore_mem>>
          tpu.wait_indirect_dma semaphore(%dma_wait3A_482 : memref<!tpu.dma_semaphore, #tpu.memory_space<semaphore_mem>>) src(%dma_wait3A_480 : memref<16384x4x128xf32, #tpu.memory_space<hbm>>) dst(%dma_wait3A_476 : memref<16x4x128xf32, #tpu.memory_space<vmem>>)
          %add3A_483 = arith.constant 5 : i32
          %add3A_484 = arith.addi %mul3A_324, %add3A_483 : i32
          %mul3A_485 = arith.constant 16 : i32
          %mul3A_486 = arith.muli %add3A_484, %mul3A_485 : i32
          %sub3A_487 = arith.constant 16 : i32
          %sub3A_488 = arith.subi %scan3A_289, %sub3A_487 : i32
          %min3A = arith.minsi %mul3A_486, %sub3A_488 : i32
          %get3A_489 = arith.index_cast %min3A : i32 to index
          %get3A_490 = tpu.vector_load %arg9[%get3A_489] {strides = array<i32>} : memref<3152xi32, #tpu.memory_space<vmem>>, vector<16xi32>,
          %dma_start3A_491 = arith.constant 5 : i32
          %dma_start3A_492 = arith.constant 5 : i32
          %dma_start3A_493 = arith.constant 0 : i32
          %dma_start3A_494 = arith.constant 0 : i32
          %dma_start3A_495 = arith.constant 0 : i32
          %dma_start3A_496 = tpu.memref_slice %arg10[%dma_start3A_491, %dma_start3A_493, %dma_start3A_494, %dma_start3A_495] : memref<8x24x4x128xf32, #tpu.memory_space<vmem>> -> memref<1x16x4x128xf32, #tpu.memory_space<vmem>>
          %dma_start3A_497 = tpu.memref_squeeze %dma_start3A_496 : memref<1x16x4x128xf32, #tpu.memory_space<vmem>> -> memref<16x4x128xf32, #tpu.memory_space<vmem>>
          %dma_start3A_498 = arith.constant 0 : i32
          %dma_start3A_499 = arith.constant 0 : i32
          %dma_start3A_500 = arith.constant 0 : i32
          %dma_start3A_501 = tpu.memref_slice %arg5[%dma_start3A_498, %dma_start3A_499, %dma_start3A_500] : memref<100000x4x128xf32, #tpu.memory_space<hbm>> -> memref<100000x4x128xf32, #tpu.memory_space<hbm>>
          %dma_start3A_502 = tpu.memref_slice %arg12[%dma_start3A_492] : memref<8x!tpu.dma_semaphore, #tpu.memory_space<semaphore_mem>> -> memref<1x!tpu.dma_semaphore, #tpu.memory_space<semaphore_mem>>
          %dma_start3A_503 = tpu.memref_squeeze %dma_start3A_502 : memref<1x!tpu.dma_semaphore, #tpu.memory_space<semaphore_mem>> -> memref<!tpu.dma_semaphore, #tpu.memory_space<semaphore_mem>>
          tpu.enqueue_indirect_dma source(%dma_start3A_497 : memref<16x4x128xf32, #tpu.memory_space<vmem>>) target(%dma_start3A_501 : memref<100000x4x128xf32, #tpu.memory_space<hbm>>) offsets(%get3A_490 : vector<16xi32>) semaphore(%dma_start3A_503 : memref<!tpu.dma_semaphore, #tpu.memory_space<semaphore_mem>>)
        } else {
        }
        %add3A_409 = arith.constant 6 : i32
        %add3A_410 = arith.addi %mul3A_324, %add3A_409 : i32
        %lt3A_411 = arith.cmpi slt, %add3A_410, %shift_right_arithmetic3A_306 : i32
        %convert_element_type3A_412 = arith.extui %lt3A_411 : i1 to i32
        %cond3A_413 = arith.constant 0 : i32
        %cond3A_414 = arith.cmpi ne, %convert_element_type3A_412, %cond3A_413 : i32
        scf.if %cond3A_414 {
          %get3A = arith.constant 0 : index
          %get3A_469 = tpu.vector_load %arg8[%get3A] {strides = array<i32>} : memref<3152xi32, #tpu.memory_space<vmem>>, vector<16xi32>,
          %dma_wait3A_470 = arith.constant 6 : i32
          %dma_wait3A_471 = arith.constant 6 : i32
          %dma_wait3A_472 = arith.constant 0 : i32
          %dma_wait3A_473 = arith.constant 0 : i32
          %dma_wait3A_474 = arith.constant 0 : i32
          %dma_wait3A_475 = tpu.memref_slice %arg10[%dma_wait3A_470, %dma_wait3A_472, %dma_wait3A_473, %dma_wait3A_474] : memref<8x24x4x128xf32, #tpu.memory_space<vmem>> -> memref<1x16x4x128xf32, #tpu.memory_space<vmem>>
          %dma_wait3A_476 = tpu.memref_squeeze %dma_wait3A_475 : memref<1x16x4x128xf32, #tpu.memory_space<vmem>> -> memref<16x4x128xf32, #tpu.memory_space<vmem>>
          %dma_wait3A_477 = arith.constant 0 : i32
          %dma_wait3A_478 = arith.constant 0 : i32
          %dma_wait3A_479 = arith.constant 0 : i32
          %dma_wait3A_480 = tpu.memref_slice %arg4[%dma_wait3A_477, %dma_wait3A_478, %dma_wait3A_479] : memref<16384x4x128xf32, #tpu.memory_space<hbm>> -> memref<16384x4x128xf32, #tpu.memory_space<hbm>>
          %dma_wait3A_481 = tpu.memref_slice %arg11[%dma_wait3A_471] : memref<8x!tpu.dma_semaphore, #tpu.memory_space<semaphore_mem>> -> memref<1x!tpu.dma_semaphore, #tpu.memory_space<semaphore_mem>>
          %dma_wait3A_482 = tpu.memref_squeeze %dma_wait3A_481 : memref<1x!tpu.dma_semaphore, #tpu.memory_space<semaphore_mem>> -> memref<!tpu.dma_semaphore, #tpu.memory_space<semaphore_mem>>
          tpu.wait_indirect_dma semaphore(%dma_wait3A_482 : memref<!tpu.dma_semaphore, #tpu.memory_space<semaphore_mem>>) src(%dma_wait3A_480 : memref<16384x4x128xf32, #tpu.memory_space<hbm>>) dst(%dma_wait3A_476 : memref<16x4x128xf32, #tpu.memory_space<vmem>>)
          %add3A_483 = arith.constant 6 : i32
          %add3A_484 = arith.addi %mul3A_324, %add3A_483 : i32
          %mul3A_485 = arith.constant 16 : i32
          %mul3A_486 = arith.muli %add3A_484, %mul3A_485 : i32
          %sub3A_487 = arith.constant 16 : i32
          %sub3A_488 = arith.subi %scan3A_289, %sub3A_487 : i32
          %min3A = arith.minsi %mul3A_486, %sub3A_488 : i32
          %get3A_489 = arith.index_cast %min3A : i32 to index
          %get3A_490 = tpu.vector_load %arg9[%get3A_489] {strides = array<i32>} : memref<3152xi32, #tpu.memory_space<vmem>>, vector<16xi32>,
          %dma_start3A_491 = arith.constant 6 : i32
          %dma_start3A_492 = arith.constant 6 : i32
          %dma_start3A_493 = arith.constant 0 : i32
          %dma_start3A_494 = arith.constant 0 : i32
          %dma_start3A_495 = arith.constant 0 : i32
          %dma_start3A_496 = tpu.memref_slice %arg10[%dma_start3A_491, %dma_start3A_493, %dma_start3A_494, %dma_start3A_495] : memref<8x24x4x128xf32, #tpu.memory_space<vmem>> -> memref<1x16x4x128xf32, #tpu.memory_space<vmem>>
          %dma_start3A_497 = tpu.memref_squeeze %dma_start3A_496 : memref<1x16x4x128xf32, #tpu.memory_space<vmem>> -> memref<16x4x128xf32, #tpu.memory_space<vmem>>
          %dma_start3A_498 = arith.constant 0 : i32
          %dma_start3A_499 = arith.constant 0 : i32
          %dma_start3A_500 = arith.constant 0 : i32
          %dma_start3A_501 = tpu.memref_slice %arg5[%dma_start3A_498, %dma_start3A_499, %dma_start3A_500] : memref<100000x4x128xf32, #tpu.memory_space<hbm>> -> memref<100000x4x128xf32, #tpu.memory_space<hbm>>
          %dma_start3A_502 = tpu.memref_slice %arg12[%dma_start3A_492] : memref<8x!tpu.dma_semaphore, #tpu.memory_space<semaphore_mem>> -> memref<1x!tpu.dma_semaphore, #tpu.memory_space<semaphore_mem>>
          %dma_start3A_503 = tpu.memref_squeeze %dma_start3A_502 : memref<1x!tpu.dma_semaphore, #tpu.memory_space<semaphore_mem>> -> memref<!tpu.dma_semaphore, #tpu.memory_space<semaphore_mem>>
          tpu.enqueue_indirect_dma source(%dma_start3A_497 : memref<16x4x128xf32, #tpu.memory_space<vmem>>) target(%dma_start3A_501 : memref<100000x4x128xf32, #tpu.memory_space<hbm>>) offsets(%get3A_490 : vector<16xi32>) semaphore(%dma_start3A_503 : memref<!tpu.dma_semaphore, #tpu.memory_space<semaphore_mem>>)
        } else {
        }
        %add3A_415 = arith.constant 7 : i32
        %add3A_416 = arith.addi %mul3A_324, %add3A_415 : i32
        %lt3A_417 = arith.cmpi slt, %add3A_416, %shift_right_arithmetic3A_306 : i32
        %convert_element_type3A_418 = arith.extui %lt3A_417 : i1 to i32
        %cond3A_419 = arith.constant 0 : i32
        %cond3A_420 = arith.cmpi ne, %convert_element_type3A_418, %cond3A_419 : i32
        scf.if %cond3A_420 {
          %get3A = arith.constant 0 : index
          %get3A_469 = tpu.vector_load %arg8[%get3A] {strides = array<i32>} : memref<3152xi32, #tpu.memory_space<vmem>>, vector<16xi32>,
          %dma_wait3A_470 = arith.constant 7 : i32
          %dma_wait3A_471 = arith.constant 7 : i32
          %dma_wait3A_472 = arith.constant 0 : i32
          %dma_wait3A_473 = arith.constant 0 : i32
          %dma_wait3A_474 = arith.constant 0 : i32
          %dma_wait3A_475 = tpu.memref_slice %arg10[%dma_wait3A_470, %dma_wait3A_472, %dma_wait3A_473, %dma_wait3A_474] : memref<8x24x4x128xf32, #tpu.memory_space<vmem>> -> memref<1x16x4x128xf32, #tpu.memory_space<vmem>>
          %dma_wait3A_476 = tpu.memref_squeeze %dma_wait3A_475 : memref<1x16x4x128xf32, #tpu.memory_space<vmem>> -> memref<16x4x128xf32, #tpu.memory_space<vmem>>
          %dma_wait3A_477 = arith.constant 0 : i32
          %dma_wait3A_478 = arith.constant 0 : i32
          %dma_wait3A_479 = arith.constant 0 : i32
          %dma_wait3A_480 = tpu.memref_slice %arg4[%dma_wait3A_477, %dma_wait3A_478, %dma_wait3A_479] : memref<16384x4x128xf32, #tpu.memory_space<hbm>> -> memref<16384x4x128xf32, #tpu.memory_space<hbm>>
          %dma_wait3A_481 = tpu.memref_slice %arg11[%dma_wait3A_471] : memref<8x!tpu.dma_semaphore, #tpu.memory_space<semaphore_mem>> -> memref<1x!tpu.dma_semaphore, #tpu.memory_space<semaphore_mem>>
          %dma_wait3A_482 = tpu.memref_squeeze %dma_wait3A_481 : memref<1x!tpu.dma_semaphore, #tpu.memory_space<semaphore_mem>> -> memref<!tpu.dma_semaphore, #tpu.memory_space<semaphore_mem>>
          tpu.wait_indirect_dma semaphore(%dma_wait3A_482 : memref<!tpu.dma_semaphore, #tpu.memory_space<semaphore_mem>>) src(%dma_wait3A_480 : memref<16384x4x128xf32, #tpu.memory_space<hbm>>) dst(%dma_wait3A_476 : memref<16x4x128xf32, #tpu.memory_space<vmem>>)
          %add3A_483 = arith.constant 7 : i32
          %add3A_484 = arith.addi %mul3A_324, %add3A_483 : i32
          %mul3A_485 = arith.constant 16 : i32
          %mul3A_486 = arith.muli %add3A_484, %mul3A_485 : i32
          %sub3A_487 = arith.constant 16 : i32
          %sub3A_488 = arith.subi %scan3A_289, %sub3A_487 : i32
          %min3A = arith.minsi %mul3A_486, %sub3A_488 : i32
          %get3A_489 = arith.index_cast %min3A : i32 to index
          %get3A_490 = tpu.vector_load %arg9[%get3A_489] {strides = array<i32>} : memref<3152xi32, #tpu.memory_space<vmem>>, vector<16xi32>,
          %dma_start3A_491 = arith.constant 7 : i32
          %dma_start3A_492 = arith.constant 7 : i32
          %dma_start3A_493 = arith.constant 0 : i32
          %dma_start3A_494 = arith.constant 0 : i32
          %dma_start3A_495 = arith.constant 0 : i32
          %dma_start3A_496 = tpu.memref_slice %arg10[%dma_start3A_491, %dma_start3A_493, %dma_start3A_494, %dma_start3A_495] : memref<8x24x4x128xf32, #tpu.memory_space<vmem>> -> memref<1x16x4x128xf32, #tpu.memory_space<vmem>>
          %dma_start3A_497 = tpu.memref_squeeze %dma_start3A_496 : memref<1x16x4x128xf32, #tpu.memory_space<vmem>> -> memref<16x4x128xf32, #tpu.memory_space<vmem>>
          %dma_start3A_498 = arith.constant 0 : i32
          %dma_start3A_499 = arith.constant 0 : i32
          %dma_start3A_500 = arith.constant 0 : i32
          %dma_start3A_501 = tpu.memref_slice %arg5[%dma_start3A_498, %dma_start3A_499, %dma_start3A_500] : memref<100000x4x128xf32, #tpu.memory_space<hbm>> -> memref<100000x4x128xf32, #tpu.memory_space<hbm>>
          %dma_start3A_502 = tpu.memref_slice %arg12[%dma_start3A_492] : memref<8x!tpu.dma_semaphore, #tpu.memory_space<semaphore_mem>> -> memref<1x!tpu.dma_semaphore, #tpu.memory_space<semaphore_mem>>
          %dma_start3A_503 = tpu.memref_squeeze %dma_start3A_502 : memref<1x!tpu.dma_semaphore, #tpu.memory_space<semaphore_mem>> -> memref<!tpu.dma_semaphore, #tpu.memory_space<semaphore_mem>>
          tpu.enqueue_indirect_dma source(%dma_start3A_497 : memref<16x4x128xf32, #tpu.memory_space<vmem>>) target(%dma_start3A_501 : memref<100000x4x128xf32, #tpu.memory_space<hbm>>) offsets(%get3A_490 : vector<16xi32>) semaphore(%dma_start3A_503 : memref<!tpu.dma_semaphore, #tpu.memory_space<semaphore_mem>>)
        } else {
        }
        %add3A_421 = arith.constant 0 : i32
        %add3A_422 = arith.addi %mul3A_324, %add3A_421 : i32
        %lt3A_423 = arith.cmpi slt, %add3A_422, %shift_right_arithmetic3A_306 : i32
        %convert_element_type3A_424 = arith.extui %lt3A_423 : i1 to i32
        %cond3A_425 = arith.constant 0 : i32
        %cond3A_426 = arith.cmpi ne, %convert_element_type3A_424, %cond3A_425 : i32
        scf.if %cond3A_426 {
          %get3A = arith.constant 0 : index
          %get3A_469 = tpu.vector_load %arg9[%get3A] {strides = array<i32>} : memref<3152xi32, #tpu.memory_space<vmem>>, vector<16xi32>,
          %dma_wait3A_470 = arith.constant 0 : i32
          %dma_wait3A_471 = arith.constant 0 : i32
          %dma_wait3A_472 = arith.constant 0 : i32
          %dma_wait3A_473 = arith.constant 0 : i32
          %dma_wait3A_474 = arith.constant 0 : i32
          %dma_wait3A_475 = tpu.memref_slice %arg10[%dma_wait3A_470, %dma_wait3A_472, %dma_wait3A_473, %dma_wait3A_474] : memref<8x24x4x128xf32, #tpu.memory_space<vmem>> -> memref<1x16x4x128xf32, #tpu.memory_space<vmem>>
          %dma_wait3A_476 = tpu.memref_squeeze %dma_wait3A_475 : memref<1x16x4x128xf32, #tpu.memory_space<vmem>> -> memref<16x4x128xf32, #tpu.memory_space<vmem>>
          %dma_wait3A_477 = arith.constant 0 : i32
          %dma_wait3A_478 = arith.constant 0 : i32
          %dma_wait3A_479 = arith.constant 0 : i32
          %dma_wait3A_480 = tpu.memref_slice %arg5[%dma_wait3A_477, %dma_wait3A_478, %dma_wait3A_479] : memref<100000x4x128xf32, #tpu.memory_space<hbm>> -> memref<100000x4x128xf32, #tpu.memory_space<hbm>>
          %dma_wait3A_481 = tpu.memref_slice %arg12[%dma_wait3A_471] : memref<8x!tpu.dma_semaphore, #tpu.memory_space<semaphore_mem>> -> memref<1x!tpu.dma_semaphore, #tpu.memory_space<semaphore_mem>>
          %dma_wait3A_482 = tpu.memref_squeeze %dma_wait3A_481 : memref<1x!tpu.dma_semaphore, #tpu.memory_space<semaphore_mem>> -> memref<!tpu.dma_semaphore, #tpu.memory_space<semaphore_mem>>
          tpu.wait_indirect_dma semaphore(%dma_wait3A_482 : memref<!tpu.dma_semaphore, #tpu.memory_space<semaphore_mem>>) src(%dma_wait3A_476 : memref<16x4x128xf32, #tpu.memory_space<vmem>>) dst(%dma_wait3A_480 : memref<100000x4x128xf32, #tpu.memory_space<hbm>>)
        } else {
        }
        %add3A_427 = arith.constant 1 : i32
        %add3A_428 = arith.addi %mul3A_324, %add3A_427 : i32
        %lt3A_429 = arith.cmpi slt, %add3A_428, %shift_right_arithmetic3A_306 : i32
        %convert_element_type3A_430 = arith.extui %lt3A_429 : i1 to i32
        %cond3A_431 = arith.constant 0 : i32
        %cond3A_432 = arith.cmpi ne, %convert_element_type3A_430, %cond3A_431 : i32
        scf.if %cond3A_432 {
          %get3A = arith.constant 0 : index
          %get3A_469 = tpu.vector_load %arg9[%get3A] {strides = array<i32>} : memref<3152xi32, #tpu.memory_space<vmem>>, vector<16xi32>,
          %dma_wait3A_470 = arith.constant 1 : i32
          %dma_wait3A_471 = arith.constant 1 : i32
          %dma_wait3A_472 = arith.constant 0 : i32
          %dma_wait3A_473 = arith.constant 0 : i32
          %dma_wait3A_474 = arith.constant 0 : i32
          %dma_wait3A_475 = tpu.memref_slice %arg10[%dma_wait3A_470, %dma_wait3A_472, %dma_wait3A_473, %dma_wait3A_474] : memref<8x24x4x128xf32, #tpu.memory_space<vmem>> -> memref<1x16x4x128xf32, #tpu.memory_space<vmem>>
          %dma_wait3A_476 = tpu.memref_squeeze %dma_wait3A_475 : memref<1x16x4x128xf32, #tpu.memory_space<vmem>> -> memref<16x4x128xf32, #tpu.memory_space<vmem>>
          %dma_wait3A_477 = arith.constant 0 : i32
          %dma_wait3A_478 = arith.constant 0 : i32
          %dma_wait3A_479 = arith.constant 0 : i32
          %dma_wait3A_480 = tpu.memref_slice %arg5[%dma_wait3A_477, %dma_wait3A_478, %dma_wait3A_479] : memref<100000x4x128xf32, #tpu.memory_space<hbm>> -> memref<100000x4x128xf32, #tpu.memory_space<hbm>>
          %dma_wait3A_481 = tpu.memref_slice %arg12[%dma_wait3A_471] : memref<8x!tpu.dma_semaphore, #tpu.memory_space<semaphore_mem>> -> memref<1x!tpu.dma_semaphore, #tpu.memory_space<semaphore_mem>>
          %dma_wait3A_482 = tpu.memref_squeeze %dma_wait3A_481 : memref<1x!tpu.dma_semaphore, #tpu.memory_space<semaphore_mem>> -> memref<!tpu.dma_semaphore, #tpu.memory_space<semaphore_mem>>
          tpu.wait_indirect_dma semaphore(%dma_wait3A_482 : memref<!tpu.dma_semaphore, #tpu.memory_space<semaphore_mem>>) src(%dma_wait3A_476 : memref<16x4x128xf32, #tpu.memory_space<vmem>>) dst(%dma_wait3A_480 : memref<100000x4x128xf32, #tpu.memory_space<hbm>>)
        } else {
        }
        %add3A_433 = arith.constant 2 : i32
        %add3A_434 = arith.addi %mul3A_324, %add3A_433 : i32
        %lt3A_435 = arith.cmpi slt, %add3A_434, %shift_right_arithmetic3A_306 : i32
        %convert_element_type3A_436 = arith.extui %lt3A_435 : i1 to i32
        %cond3A_437 = arith.constant 0 : i32
        %cond3A_438 = arith.cmpi ne, %convert_element_type3A_436, %cond3A_437 : i32
        scf.if %cond3A_438 {
          %get3A = arith.constant 0 : index
          %get3A_469 = tpu.vector_load %arg9[%get3A] {strides = array<i32>} : memref<3152xi32, #tpu.memory_space<vmem>>, vector<16xi32>,
          %dma_wait3A_470 = arith.constant 2 : i32
          %dma_wait3A_471 = arith.constant 2 : i32
          %dma_wait3A_472 = arith.constant 0 : i32
          %dma_wait3A_473 = arith.constant 0 : i32
          %dma_wait3A_474 = arith.constant 0 : i32
          %dma_wait3A_475 = tpu.memref_slice %arg10[%dma_wait3A_470, %dma_wait3A_472, %dma_wait3A_473, %dma_wait3A_474] : memref<8x24x4x128xf32, #tpu.memory_space<vmem>> -> memref<1x16x4x128xf32, #tpu.memory_space<vmem>>
          %dma_wait3A_476 = tpu.memref_squeeze %dma_wait3A_475 : memref<1x16x4x128xf32, #tpu.memory_space<vmem>> -> memref<16x4x128xf32, #tpu.memory_space<vmem>>
          %dma_wait3A_477 = arith.constant 0 : i32
          %dma_wait3A_478 = arith.constant 0 : i32
          %dma_wait3A_479 = arith.constant 0 : i32
          %dma_wait3A_480 = tpu.memref_slice %arg5[%dma_wait3A_477, %dma_wait3A_478, %dma_wait3A_479] : memref<100000x4x128xf32, #tpu.memory_space<hbm>> -> memref<100000x4x128xf32, #tpu.memory_space<hbm>>
          %dma_wait3A_481 = tpu.memref_slice %arg12[%dma_wait3A_471] : memref<8x!tpu.dma_semaphore, #tpu.memory_space<semaphore_mem>> -> memref<1x!tpu.dma_semaphore, #tpu.memory_space<semaphore_mem>>
          %dma_wait3A_482 = tpu.memref_squeeze %dma_wait3A_481 : memref<1x!tpu.dma_semaphore, #tpu.memory_space<semaphore_mem>> -> memref<!tpu.dma_semaphore, #tpu.memory_space<semaphore_mem>>
          tpu.wait_indirect_dma semaphore(%dma_wait3A_482 : memref<!tpu.dma_semaphore, #tpu.memory_space<semaphore_mem>>) src(%dma_wait3A_476 : memref<16x4x128xf32, #tpu.memory_space<vmem>>) dst(%dma_wait3A_480 : memref<100000x4x128xf32, #tpu.memory_space<hbm>>)
        } else {
        }
        %add3A_439 = arith.constant 3 : i32
        %add3A_440 = arith.addi %mul3A_324, %add3A_439 : i32
        %lt3A_441 = arith.cmpi slt, %add3A_440, %shift_right_arithmetic3A_306 : i32
        %convert_element_type3A_442 = arith.extui %lt3A_441 : i1 to i32
        %cond3A_443 = arith.constant 0 : i32
        %cond3A_444 = arith.cmpi ne, %convert_element_type3A_442, %cond3A_443 : i32
        scf.if %cond3A_444 {
          %get3A = arith.constant 0 : index
          %get3A_469 = tpu.vector_load %arg9[%get3A] {strides = array<i32>} : memref<3152xi32, #tpu.memory_space<vmem>>, vector<16xi32>,
          %dma_wait3A_470 = arith.constant 3 : i32
          %dma_wait3A_471 = arith.constant 3 : i32
          %dma_wait3A_472 = arith.constant 0 : i32
          %dma_wait3A_473 = arith.constant 0 : i32
          %dma_wait3A_474 = arith.constant 0 : i32
          %dma_wait3A_475 = tpu.memref_slice %arg10[%dma_wait3A_470, %dma_wait3A_472, %dma_wait3A_473, %dma_wait3A_474] : memref<8x24x4x128xf32, #tpu.memory_space<vmem>> -> memref<1x16x4x128xf32, #tpu.memory_space<vmem>>
          %dma_wait3A_476 = tpu.memref_squeeze %dma_wait3A_475 : memref<1x16x4x128xf32, #tpu.memory_space<vmem>> -> memref<16x4x128xf32, #tpu.memory_space<vmem>>
          %dma_wait3A_477 = arith.constant 0 : i32
          %dma_wait3A_478 = arith.constant 0 : i32
          %dma_wait3A_479 = arith.constant 0 : i32
          %dma_wait3A_480 = tpu.memref_slice %arg5[%dma_wait3A_477, %dma_wait3A_478, %dma_wait3A_479] : memref<100000x4x128xf32, #tpu.memory_space<hbm>> -> memref<100000x4x128xf32, #tpu.memory_space<hbm>>
          %dma_wait3A_481 = tpu.memref_slice %arg12[%dma_wait3A_471] : memref<8x!tpu.dma_semaphore, #tpu.memory_space<semaphore_mem>> -> memref<1x!tpu.dma_semaphore, #tpu.memory_space<semaphore_mem>>
          %dma_wait3A_482 = tpu.memref_squeeze %dma_wait3A_481 : memref<1x!tpu.dma_semaphore, #tpu.memory_space<semaphore_mem>> -> memref<!tpu.dma_semaphore, #tpu.memory_space<semaphore_mem>>
          tpu.wait_indirect_dma semaphore(%dma_wait3A_482 : memref<!tpu.dma_semaphore, #tpu.memory_space<semaphore_mem>>) src(%dma_wait3A_476 : memref<16x4x128xf32, #tpu.memory_space<vmem>>) dst(%dma_wait3A_480 : memref<100000x4x128xf32, #tpu.memory_space<hbm>>)
        } else {
        }
        %add3A_445 = arith.constant 4 : i32
        %add3A_446 = arith.addi %mul3A_324, %add3A_445 : i32
        %lt3A_447 = arith.cmpi slt, %add3A_446, %shift_right_arithmetic3A_306 : i32
        %convert_element_type3A_448 = arith.extui %lt3A_447 : i1 to i32
        %cond3A_449 = arith.constant 0 : i32
        %cond3A_450 = arith.cmpi ne, %convert_element_type3A_448, %cond3A_449 : i32
        scf.if %cond3A_450 {
          %get3A = arith.constant 0 : index
          %get3A_469 = tpu.vector_load %arg9[%get3A] {strides = array<i32>} : memref<3152xi32, #tpu.memory_space<vmem>>, vector<16xi32>,
          %dma_wait3A_470 = arith.constant 4 : i32
          %dma_wait3A_471 = arith.constant 4 : i32
          %dma_wait3A_472 = arith.constant 0 : i32
          %dma_wait3A_473 = arith.constant 0 : i32
          %dma_wait3A_474 = arith.constant 0 : i32
          %dma_wait3A_475 = tpu.memref_slice %arg10[%dma_wait3A_470, %dma_wait3A_472, %dma_wait3A_473, %dma_wait3A_474] : memref<8x24x4x128xf32, #tpu.memory_space<vmem>> -> memref<1x16x4x128xf32, #tpu.memory_space<vmem>>
          %dma_wait3A_476 = tpu.memref_squeeze %dma_wait3A_475 : memref<1x16x4x128xf32, #tpu.memory_space<vmem>> -> memref<16x4x128xf32, #tpu.memory_space<vmem>>
          %dma_wait3A_477 = arith.constant 0 : i32
          %dma_wait3A_478 = arith.constant 0 : i32
          %dma_wait3A_479 = arith.constant 0 : i32
          %dma_wait3A_480 = tpu.memref_slice %arg5[%dma_wait3A_477, %dma_wait3A_478, %dma_wait3A_479] : memref<100000x4x128xf32, #tpu.memory_space<hbm>> -> memref<100000x4x128xf32, #tpu.memory_space<hbm>>
          %dma_wait3A_481 = tpu.memref_slice %arg12[%dma_wait3A_471] : memref<8x!tpu.dma_semaphore, #tpu.memory_space<semaphore_mem>> -> memref<1x!tpu.dma_semaphore, #tpu.memory_space<semaphore_mem>>
          %dma_wait3A_482 = tpu.memref_squeeze %dma_wait3A_481 : memref<1x!tpu.dma_semaphore, #tpu.memory_space<semaphore_mem>> -> memref<!tpu.dma_semaphore, #tpu.memory_space<semaphore_mem>>
          tpu.wait_indirect_dma semaphore(%dma_wait3A_482 : memref<!tpu.dma_semaphore, #tpu.memory_space<semaphore_mem>>) src(%dma_wait3A_476 : memref<16x4x128xf32, #tpu.memory_space<vmem>>) dst(%dma_wait3A_480 : memref<100000x4x128xf32, #tpu.memory_space<hbm>>)
        } else {
        }
        %add3A_451 = arith.constant 5 : i32
        %add3A_452 = arith.addi %mul3A_324, %add3A_451 : i32
        %lt3A_453 = arith.cmpi slt, %add3A_452, %shift_right_arithmetic3A_306 : i32
        %convert_element_type3A_454 = arith.extui %lt3A_453 : i1 to i32
        %cond3A_455 = arith.constant 0 : i32
        %cond3A_456 = arith.cmpi ne, %convert_element_type3A_454, %cond3A_455 : i32
        scf.if %cond3A_456 {
          %get3A = arith.constant 0 : index
          %get3A_469 = tpu.vector_load %arg9[%get3A] {strides = array<i32>} : memref<3152xi32, #tpu.memory_space<vmem>>, vector<16xi32>,
          %dma_wait3A_470 = arith.constant 5 : i32
          %dma_wait3A_471 = arith.constant 5 : i32
          %dma_wait3A_472 = arith.constant 0 : i32
          %dma_wait3A_473 = arith.constant 0 : i32
          %dma_wait3A_474 = arith.constant 0 : i32
          %dma_wait3A_475 = tpu.memref_slice %arg10[%dma_wait3A_470, %dma_wait3A_472, %dma_wait3A_473, %dma_wait3A_474] : memref<8x24x4x128xf32, #tpu.memory_space<vmem>> -> memref<1x16x4x128xf32, #tpu.memory_space<vmem>>
          %dma_wait3A_476 = tpu.memref_squeeze %dma_wait3A_475 : memref<1x16x4x128xf32, #tpu.memory_space<vmem>> -> memref<16x4x128xf32, #tpu.memory_space<vmem>>
          %dma_wait3A_477 = arith.constant 0 : i32
          %dma_wait3A_478 = arith.constant 0 : i32
          %dma_wait3A_479 = arith.constant 0 : i32
          %dma_wait3A_480 = tpu.memref_slice %arg5[%dma_wait3A_477, %dma_wait3A_478, %dma_wait3A_479] : memref<100000x4x128xf32, #tpu.memory_space<hbm>> -> memref<100000x4x128xf32, #tpu.memory_space<hbm>>
          %dma_wait3A_481 = tpu.memref_slice %arg12[%dma_wait3A_471] : memref<8x!tpu.dma_semaphore, #tpu.memory_space<semaphore_mem>> -> memref<1x!tpu.dma_semaphore, #tpu.memory_space<semaphore_mem>>
          %dma_wait3A_482 = tpu.memref_squeeze %dma_wait3A_481 : memref<1x!tpu.dma_semaphore, #tpu.memory_space<semaphore_mem>> -> memref<!tpu.dma_semaphore, #tpu.memory_space<semaphore_mem>>
          tpu.wait_indirect_dma semaphore(%dma_wait3A_482 : memref<!tpu.dma_semaphore, #tpu.memory_space<semaphore_mem>>) src(%dma_wait3A_476 : memref<16x4x128xf32, #tpu.memory_space<vmem>>) dst(%dma_wait3A_480 : memref<100000x4x128xf32, #tpu.memory_space<hbm>>)
        } else {
        }
        %add3A_457 = arith.constant 6 : i32
        %add3A_458 = arith.addi %mul3A_324, %add3A_457 : i32
        %lt3A_459 = arith.cmpi slt, %add3A_458, %shift_right_arithmetic3A_306 : i32
        %convert_element_type3A_460 = arith.extui %lt3A_459 : i1 to i32
        %cond3A_461 = arith.constant 0 : i32
        %cond3A_462 = arith.cmpi ne, %convert_element_type3A_460, %cond3A_461 : i32
        scf.if %cond3A_462 {
          %get3A = arith.constant 0 : index
          %get3A_469 = tpu.vector_load %arg9[%get3A] {strides = array<i32>} : memref<3152xi32, #tpu.memory_space<vmem>>, vector<16xi32>,
          %dma_wait3A_470 = arith.constant 6 : i32
          %dma_wait3A_471 = arith.constant 6 : i32
          %dma_wait3A_472 = arith.constant 0 : i32
          %dma_wait3A_473 = arith.constant 0 : i32
          %dma_wait3A_474 = arith.constant 0 : i32
          %dma_wait3A_475 = tpu.memref_slice %arg10[%dma_wait3A_470, %dma_wait3A_472, %dma_wait3A_473, %dma_wait3A_474] : memref<8x24x4x128xf32, #tpu.memory_space<vmem>> -> memref<1x16x4x128xf32, #tpu.memory_space<vmem>>
          %dma_wait3A_476 = tpu.memref_squeeze %dma_wait3A_475 : memref<1x16x4x128xf32, #tpu.memory_space<vmem>> -> memref<16x4x128xf32, #tpu.memory_space<vmem>>
          %dma_wait3A_477 = arith.constant 0 : i32
          %dma_wait3A_478 = arith.constant 0 : i32
          %dma_wait3A_479 = arith.constant 0 : i32
          %dma_wait3A_480 = tpu.memref_slice %arg5[%dma_wait3A_477, %dma_wait3A_478, %dma_wait3A_479] : memref<100000x4x128xf32, #tpu.memory_space<hbm>> -> memref<100000x4x128xf32, #tpu.memory_space<hbm>>
          %dma_wait3A_481 = tpu.memref_slice %arg12[%dma_wait3A_471] : memref<8x!tpu.dma_semaphore, #tpu.memory_space<semaphore_mem>> -> memref<1x!tpu.dma_semaphore, #tpu.memory_space<semaphore_mem>>
          %dma_wait3A_482 = tpu.memref_squeeze %dma_wait3A_481 : memref<1x!tpu.dma_semaphore, #tpu.memory_space<semaphore_mem>> -> memref<!tpu.dma_semaphore, #tpu.memory_space<semaphore_mem>>
          tpu.wait_indirect_dma semaphore(%dma_wait3A_482 : memref<!tpu.dma_semaphore, #tpu.memory_space<semaphore_mem>>) src(%dma_wait3A_476 : memref<16x4x128xf32, #tpu.memory_space<vmem>>) dst(%dma_wait3A_480 : memref<100000x4x128xf32, #tpu.memory_space<hbm>>)
        } else {
        }
        %add3A_463 = arith.constant 7 : i32
        %add3A_464 = arith.addi %mul3A_324, %add3A_463 : i32
        %lt3A_465 = arith.cmpi slt, %add3A_464, %shift_right_arithmetic3A_306 : i32
        %convert_element_type3A_466 = arith.extui %lt3A_465 : i1 to i32
        %cond3A_467 = arith.constant 0 : i32
        %cond3A_468 = arith.cmpi ne, %convert_element_type3A_466, %cond3A_467 : i32
        scf.if %cond3A_468 {
          %get3A = arith.constant 0 : index
          %get3A_469 = tpu.vector_load %arg9[%get3A] {strides = array<i32>} : memref<3152xi32, #tpu.memory_space<vmem>>, vector<16xi32>,
          %dma_wait3A_470 = arith.constant 7 : i32
          %dma_wait3A_471 = arith.constant 7 : i32
          %dma_wait3A_472 = arith.constant 0 : i32
          %dma_wait3A_473 = arith.constant 0 : i32
          %dma_wait3A_474 = arith.constant 0 : i32
          %dma_wait3A_475 = tpu.memref_slice %arg10[%dma_wait3A_470, %dma_wait3A_472, %dma_wait3A_473, %dma_wait3A_474] : memref<8x24x4x128xf32, #tpu.memory_space<vmem>> -> memref<1x16x4x128xf32, #tpu.memory_space<vmem>>
          %dma_wait3A_476 = tpu.memref_squeeze %dma_wait3A_475 : memref<1x16x4x128xf32, #tpu.memory_space<vmem>> -> memref<16x4x128xf32, #tpu.memory_space<vmem>>
          %dma_wait3A_477 = arith.constant 0 : i32
          %dma_wait3A_478 = arith.constant 0 : i32
          %dma_wait3A_479 = arith.constant 0 : i32
          %dma_wait3A_480 = tpu.memref_slice %arg5[%dma_wait3A_477, %dma_wait3A_478, %dma_wait3A_479] : memref<100000x4x128xf32, #tpu.memory_space<hbm>> -> memref<100000x4x128xf32, #tpu.memory_space<hbm>>
          %dma_wait3A_481 = tpu.memref_slice %arg12[%dma_wait3A_471] : memref<8x!tpu.dma_semaphore, #tpu.memory_space<semaphore_mem>> -> memref<1x!tpu.dma_semaphore, #tpu.memory_space<semaphore_mem>>
          %dma_wait3A_482 = tpu.memref_squeeze %dma_wait3A_481 : memref<1x!tpu.dma_semaphore, #tpu.memory_space<semaphore_mem>> -> memref<!tpu.dma_semaphore, #tpu.memory_space<semaphore_mem>>
          tpu.wait_indirect_dma semaphore(%dma_wait3A_482 : memref<!tpu.dma_semaphore, #tpu.memory_space<semaphore_mem>>) src(%dma_wait3A_476 : memref<16x4x128xf32, #tpu.memory_space<vmem>>) dst(%dma_wait3A_480 : memref<100000x4x128xf32, #tpu.memory_space<hbm>>)
        } else {
        }
      }
      %while3A_321 = arith.constant 1 : i32
      scf.for %while3A_322 = %while3A_319 to %while3A_315 step %while3A_321  : i32 {
        %mul3A_323 = arith.constant 8 : i32
        %mul3A_324 = arith.muli %while3A_322, %mul3A_323 : i32
        %add3A_325 = arith.constant 0 : i32
        %add3A_326 = arith.addi %mul3A_324, %add3A_325 : i32
        %lt3A_327 = arith.cmpi slt, %add3A_326, %shift_right_arithmetic3A_306 : i32
        %convert_element_type3A_328 = arith.extui %lt3A_327 : i1 to i32
        %cond3A_329 = arith.constant 0 : i32
        %cond3A_330 = arith.cmpi ne, %convert_element_type3A_328, %cond3A_329 : i32
        scf.if %cond3A_330 {
          %add3A_469 = arith.constant 0 : i32
          %add3A_470 = arith.addi %mul3A_324, %add3A_469 : i32
          %mul3A_471 = arith.constant 16 : i32
          %mul3A_472 = arith.muli %add3A_470, %mul3A_471 : i32
          %sub3A_473 = arith.constant 16 : i32
          %sub3A_474 = arith.subi %scan3A_289, %sub3A_473 : i32
          %min3A = arith.minsi %mul3A_472, %sub3A_474 : i32
          %get3A = arith.index_cast %min3A : i32 to index
          %get3A_475 = tpu.vector_load %arg8[%get3A] {strides = array<i32>} : memref<3152xi32, #tpu.memory_space<vmem>>, vector<16xi32>,
          %dma_start3A_476 = arith.constant 0 : i32
          %dma_start3A_477 = arith.constant 0 : i32
          %dma_start3A_478 = arith.constant 0 : i32
          %dma_start3A_479 = arith.constant 0 : i32
          %dma_start3A_480 = arith.constant 0 : i32
          %dma_start3A_481 = tpu.memref_slice %arg10[%dma_start3A_476, %dma_start3A_478, %dma_start3A_479, %dma_start3A_480] : memref<8x24x4x128xf32, #tpu.memory_space<vmem>> -> memref<1x16x4x128xf32, #tpu.memory_space<vmem>>
          %dma_start3A_482 = tpu.memref_squeeze %dma_start3A_481 : memref<1x16x4x128xf32, #tpu.memory_space<vmem>> -> memref<16x4x128xf32, #tpu.memory_space<vmem>>
          %dma_start3A_483 = arith.constant 0 : i32
          %dma_start3A_484 = arith.constant 0 : i32
          %dma_start3A_485 = arith.constant 0 : i32
          %dma_start3A_486 = tpu.memref_slice %arg4[%dma_start3A_483, %dma_start3A_484, %dma_start3A_485] : memref<16384x4x128xf32, #tpu.memory_space<hbm>> -> memref<16384x4x128xf32, #tpu.memory_space<hbm>>
          %dma_start3A_487 = tpu.memref_slice %arg11[%dma_start3A_477] : memref<8x!tpu.dma_semaphore, #tpu.memory_space<semaphore_mem>> -> memref<1x!tpu.dma_semaphore, #tpu.memory_space<semaphore_mem>>
          %dma_start3A_488 = tpu.memref_squeeze %dma_start3A_487 : memref<1x!tpu.dma_semaphore, #tpu.memory_space<semaphore_mem>> -> memref<!tpu.dma_semaphore, #tpu.memory_space<semaphore_mem>>
          tpu.enqueue_indirect_dma source(%dma_start3A_486 : memref<16384x4x128xf32, #tpu.memory_space<hbm>>) target(%dma_start3A_482 : memref<16x4x128xf32, #tpu.memory_space<vmem>>) offsets(%get3A_475 : vector<16xi32>) semaphore(%dma_start3A_488 : memref<!tpu.dma_semaphore, #tpu.memory_space<semaphore_mem>>)
        } else {
        }
        %add3A_331 = arith.constant 1 : i32
        %add3A_332 = arith.addi %mul3A_324, %add3A_331 : i32
        %lt3A_333 = arith.cmpi slt, %add3A_332, %shift_right_arithmetic3A_306 : i32
        %convert_element_type3A_334 = arith.extui %lt3A_333 : i1 to i32
        %cond3A_335 = arith.constant 0 : i32
        %cond3A_336 = arith.cmpi ne, %convert_element_type3A_334, %cond3A_335 : i32
        scf.if %cond3A_336 {
          %add3A_469 = arith.constant 1 : i32
          %add3A_470 = arith.addi %mul3A_324, %add3A_469 : i32
          %mul3A_471 = arith.constant 16 : i32
          %mul3A_472 = arith.muli %add3A_470, %mul3A_471 : i32
          %sub3A_473 = arith.constant 16 : i32
          %sub3A_474 = arith.subi %scan3A_289, %sub3A_473 : i32
          %min3A = arith.minsi %mul3A_472, %sub3A_474 : i32
          %get3A = arith.index_cast %min3A : i32 to index
          %get3A_475 = tpu.vector_load %arg8[%get3A] {strides = array<i32>} : memref<3152xi32, #tpu.memory_space<vmem>>, vector<16xi32>,
          %dma_start3A_476 = arith.constant 1 : i32
          %dma_start3A_477 = arith.constant 1 : i32
          %dma_start3A_478 = arith.constant 0 : i32
          %dma_start3A_479 = arith.constant 0 : i32
          %dma_start3A_480 = arith.constant 0 : i32
          %dma_start3A_481 = tpu.memref_slice %arg10[%dma_start3A_476, %dma_start3A_478, %dma_start3A_479, %dma_start3A_480] : memref<8x24x4x128xf32, #tpu.memory_space<vmem>> -> memref<1x16x4x128xf32, #tpu.memory_space<vmem>>
          %dma_start3A_482 = tpu.memref_squeeze %dma_start3A_481 : memref<1x16x4x128xf32, #tpu.memory_space<vmem>> -> memref<16x4x128xf32, #tpu.memory_space<vmem>>
          %dma_start3A_483 = arith.constant 0 : i32
          %dma_start3A_484 = arith.constant 0 : i32
          %dma_start3A_485 = arith.constant 0 : i32
          %dma_start3A_486 = tpu.memref_slice %arg4[%dma_start3A_483, %dma_start3A_484, %dma_start3A_485] : memref<16384x4x128xf32, #tpu.memory_space<hbm>> -> memref<16384x4x128xf32, #tpu.memory_space<hbm>>
          %dma_start3A_487 = tpu.memref_slice %arg11[%dma_start3A_477] : memref<8x!tpu.dma_semaphore, #tpu.memory_space<semaphore_mem>> -> memref<1x!tpu.dma_semaphore, #tpu.memory_space<semaphore_mem>>
          %dma_start3A_488 = tpu.memref_squeeze %dma_start3A_487 : memref<1x!tpu.dma_semaphore, #tpu.memory_space<semaphore_mem>> -> memref<!tpu.dma_semaphore, #tpu.memory_space<semaphore_mem>>
          tpu.enqueue_indirect_dma source(%dma_start3A_486 : memref<16384x4x128xf32, #tpu.memory_space<hbm>>) target(%dma_start3A_482 : memref<16x4x128xf32, #tpu.memory_space<vmem>>) offsets(%get3A_475 : vector<16xi32>) semaphore(%dma_start3A_488 : memref<!tpu.dma_semaphore, #tpu.memory_space<semaphore_mem>>)
        } else {
        }
        %add3A_337 = arith.constant 2 : i32
        %add3A_338 = arith.addi %mul3A_324, %add3A_337 : i32
        %lt3A_339 = arith.cmpi slt, %add3A_338, %shift_right_arithmetic3A_306 : i32
        %convert_element_type3A_340 = arith.extui %lt3A_339 : i1 to i32
        %cond3A_341 = arith.constant 0 : i32
        %cond3A_342 = arith.cmpi ne, %convert_element_type3A_340, %cond3A_341 : i32
        scf.if %cond3A_342 {
          %add3A_469 = arith.constant 2 : i32
          %add3A_470 = arith.addi %mul3A_324, %add3A_469 : i32
          %mul3A_471 = arith.constant 16 : i32
          %mul3A_472 = arith.muli %add3A_470, %mul3A_471 : i32
          %sub3A_473 = arith.constant 16 : i32
          %sub3A_474 = arith.subi %scan3A_289, %sub3A_473 : i32
          %min3A = arith.minsi %mul3A_472, %sub3A_474 : i32
          %get3A = arith.index_cast %min3A : i32 to index
          %get3A_475 = tpu.vector_load %arg8[%get3A] {strides = array<i32>} : memref<3152xi32, #tpu.memory_space<vmem>>, vector<16xi32>,
          %dma_start3A_476 = arith.constant 2 : i32
          %dma_start3A_477 = arith.constant 2 : i32
          %dma_start3A_478 = arith.constant 0 : i32
          %dma_start3A_479 = arith.constant 0 : i32
          %dma_start3A_480 = arith.constant 0 : i32
          %dma_start3A_481 = tpu.memref_slice %arg10[%dma_start3A_476, %dma_start3A_478, %dma_start3A_479, %dma_start3A_480] : memref<8x24x4x128xf32, #tpu.memory_space<vmem>> -> memref<1x16x4x128xf32, #tpu.memory_space<vmem>>
          %dma_start3A_482 = tpu.memref_squeeze %dma_start3A_481 : memref<1x16x4x128xf32, #tpu.memory_space<vmem>> -> memref<16x4x128xf32, #tpu.memory_space<vmem>>
          %dma_start3A_483 = arith.constant 0 : i32
          %dma_start3A_484 = arith.constant 0 : i32
          %dma_start3A_485 = arith.constant 0 : i32
          %dma_start3A_486 = tpu.memref_slice %arg4[%dma_start3A_483, %dma_start3A_484, %dma_start3A_485] : memref<16384x4x128xf32, #tpu.memory_space<hbm>> -> memref<16384x4x128xf32, #tpu.memory_space<hbm>>
          %dma_start3A_487 = tpu.memref_slice %arg11[%dma_start3A_477] : memref<8x!tpu.dma_semaphore, #tpu.memory_space<semaphore_mem>> -> memref<1x!tpu.dma_semaphore, #tpu.memory_space<semaphore_mem>>
          %dma_start3A_488 = tpu.memref_squeeze %dma_start3A_487 : memref<1x!tpu.dma_semaphore, #tpu.memory_space<semaphore_mem>> -> memref<!tpu.dma_semaphore, #tpu.memory_space<semaphore_mem>>
          tpu.enqueue_indirect_dma source(%dma_start3A_486 : memref<16384x4x128xf32, #tpu.memory_space<hbm>>) target(%dma_start3A_482 : memref<16x4x128xf32, #tpu.memory_space<vmem>>) offsets(%get3A_475 : vector<16xi32>) semaphore(%dma_start3A_488 : memref<!tpu.dma_semaphore, #tpu.memory_space<semaphore_mem>>)
        } else {
        }
        %add3A_343 = arith.constant 3 : i32
        %add3A_344 = arith.addi %mul3A_324, %add3A_343 : i32
        %lt3A_345 = arith.cmpi slt, %add3A_344, %shift_right_arithmetic3A_306 : i32
        %convert_element_type3A_346 = arith.extui %lt3A_345 : i1 to i32
        %cond3A_347 = arith.constant 0 : i32
        %cond3A_348 = arith.cmpi ne, %convert_element_type3A_346, %cond3A_347 : i32
        scf.if %cond3A_348 {
          %add3A_469 = arith.constant 3 : i32
          %add3A_470 = arith.addi %mul3A_324, %add3A_469 : i32
          %mul3A_471 = arith.constant 16 : i32
          %mul3A_472 = arith.muli %add3A_470, %mul3A_471 : i32
          %sub3A_473 = arith.constant 16 : i32
          %sub3A_474 = arith.subi %scan3A_289, %sub3A_473 : i32
          %min3A = arith.minsi %mul3A_472, %sub3A_474 : i32
          %get3A = arith.index_cast %min3A : i32 to index
          %get3A_475 = tpu.vector_load %arg8[%get3A] {strides = array<i32>} : memref<3152xi32, #tpu.memory_space<vmem>>, vector<16xi32>,
          %dma_start3A_476 = arith.constant 3 : i32
          %dma_start3A_477 = arith.constant 3 : i32
          %dma_start3A_478 = arith.constant 0 : i32
          %dma_start3A_479 = arith.constant 0 : i32
          %dma_start3A_480 = arith.constant 0 : i32
          %dma_start3A_481 = tpu.memref_slice %arg10[%dma_start3A_476, %dma_start3A_478, %dma_start3A_479, %dma_start3A_480] : memref<8x24x4x128xf32, #tpu.memory_space<vmem>> -> memref<1x16x4x128xf32, #tpu.memory_space<vmem>>
          %dma_start3A_482 = tpu.memref_squeeze %dma_start3A_481 : memref<1x16x4x128xf32, #tpu.memory_space<vmem>> -> memref<16x4x128xf32, #tpu.memory_space<vmem>>
          %dma_start3A_483 = arith.constant 0 : i32
          %dma_start3A_484 = arith.constant 0 : i32
          %dma_start3A_485 = arith.constant 0 : i32
          %dma_start3A_486 = tpu.memref_slice %arg4[%dma_start3A_483, %dma_start3A_484, %dma_start3A_485] : memref<16384x4x128xf32, #tpu.memory_space<hbm>> -> memref<16384x4x128xf32, #tpu.memory_space<hbm>>
          %dma_start3A_487 = tpu.memref_slice %arg11[%dma_start3A_477] : memref<8x!tpu.dma_semaphore, #tpu.memory_space<semaphore_mem>> -> memref<1x!tpu.dma_semaphore, #tpu.memory_space<semaphore_mem>>
          %dma_start3A_488 = tpu.memref_squeeze %dma_start3A_487 : memref<1x!tpu.dma_semaphore, #tpu.memory_space<semaphore_mem>> -> memref<!tpu.dma_semaphore, #tpu.memory_space<semaphore_mem>>
          tpu.enqueue_indirect_dma source(%dma_start3A_486 : memref<16384x4x128xf32, #tpu.memory_space<hbm>>) target(%dma_start3A_482 : memref<16x4x128xf32, #tpu.memory_space<vmem>>) offsets(%get3A_475 : vector<16xi32>) semaphore(%dma_start3A_488 : memref<!tpu.dma_semaphore, #tpu.memory_space<semaphore_mem>>)
        } else {
        }
        %add3A_349 = arith.constant 4 : i32
        %add3A_350 = arith.addi %mul3A_324, %add3A_349 : i32
        %lt3A_351 = arith.cmpi slt, %add3A_350, %shift_right_arithmetic3A_306 : i32
        %convert_element_type3A_352 = arith.extui %lt3A_351 : i1 to i32
        %cond3A_353 = arith.constant 0 : i32
        %cond3A_354 = arith.cmpi ne, %convert_element_type3A_352, %cond3A_353 : i32
        scf.if %cond3A_354 {
          %add3A_469 = arith.constant 4 : i32
          %add3A_470 = arith.addi %mul3A_324, %add3A_469 : i32
          %mul3A_471 = arith.constant 16 : i32
          %mul3A_472 = arith.muli %add3A_470, %mul3A_471 : i32
          %sub3A_473 = arith.constant 16 : i32
          %sub3A_474 = arith.subi %scan3A_289, %sub3A_473 : i32
          %min3A = arith.minsi %mul3A_472, %sub3A_474 : i32
          %get3A = arith.index_cast %min3A : i32 to index
          %get3A_475 = tpu.vector_load %arg8[%get3A] {strides = array<i32>} : memref<3152xi32, #tpu.memory_space<vmem>>, vector<16xi32>,
          %dma_start3A_476 = arith.constant 4 : i32
          %dma_start3A_477 = arith.constant 4 : i32
          %dma_start3A_478 = arith.constant 0 : i32
          %dma_start3A_479 = arith.constant 0 : i32
          %dma_start3A_480 = arith.constant 0 : i32
          %dma_start3A_481 = tpu.memref_slice %arg10[%dma_start3A_476, %dma_start3A_478, %dma_start3A_479, %dma_start3A_480] : memref<8x24x4x128xf32, #tpu.memory_space<vmem>> -> memref<1x16x4x128xf32, #tpu.memory_space<vmem>>
          %dma_start3A_482 = tpu.memref_squeeze %dma_start3A_481 : memref<1x16x4x128xf32, #tpu.memory_space<vmem>> -> memref<16x4x128xf32, #tpu.memory_space<vmem>>
          %dma_start3A_483 = arith.constant 0 : i32
          %dma_start3A_484 = arith.constant 0 : i32
          %dma_start3A_485 = arith.constant 0 : i32
          %dma_start3A_486 = tpu.memref_slice %arg4[%dma_start3A_483, %dma_start3A_484, %dma_start3A_485] : memref<16384x4x128xf32, #tpu.memory_space<hbm>> -> memref<16384x4x128xf32, #tpu.memory_space<hbm>>
          %dma_start3A_487 = tpu.memref_slice %arg11[%dma_start3A_477] : memref<8x!tpu.dma_semaphore, #tpu.memory_space<semaphore_mem>> -> memref<1x!tpu.dma_semaphore, #tpu.memory_space<semaphore_mem>>
          %dma_start3A_488 = tpu.memref_squeeze %dma_start3A_487 : memref<1x!tpu.dma_semaphore, #tpu.memory_space<semaphore_mem>> -> memref<!tpu.dma_semaphore, #tpu.memory_space<semaphore_mem>>
          tpu.enqueue_indirect_dma source(%dma_start3A_486 : memref<16384x4x128xf32, #tpu.memory_space<hbm>>) target(%dma_start3A_482 : memref<16x4x128xf32, #tpu.memory_space<vmem>>) offsets(%get3A_475 : vector<16xi32>) semaphore(%dma_start3A_488 : memref<!tpu.dma_semaphore, #tpu.memory_space<semaphore_mem>>)
        } else {
        }
        %add3A_355 = arith.constant 5 : i32
        %add3A_356 = arith.addi %mul3A_324, %add3A_355 : i32
        %lt3A_357 = arith.cmpi slt, %add3A_356, %shift_right_arithmetic3A_306 : i32
        %convert_element_type3A_358 = arith.extui %lt3A_357 : i1 to i32
        %cond3A_359 = arith.constant 0 : i32
        %cond3A_360 = arith.cmpi ne, %convert_element_type3A_358, %cond3A_359 : i32
        scf.if %cond3A_360 {
          %add3A_469 = arith.constant 5 : i32
          %add3A_470 = arith.addi %mul3A_324, %add3A_469 : i32
          %mul3A_471 = arith.constant 16 : i32
          %mul3A_472 = arith.muli %add3A_470, %mul3A_471 : i32
          %sub3A_473 = arith.constant 16 : i32
          %sub3A_474 = arith.subi %scan3A_289, %sub3A_473 : i32
          %min3A = arith.minsi %mul3A_472, %sub3A_474 : i32
          %get3A = arith.index_cast %min3A : i32 to index
          %get3A_475 = tpu.vector_load %arg8[%get3A] {strides = array<i32>} : memref<3152xi32, #tpu.memory_space<vmem>>, vector<16xi32>,
          %dma_start3A_476 = arith.constant 5 : i32
          %dma_start3A_477 = arith.constant 5 : i32
          %dma_start3A_478 = arith.constant 0 : i32
          %dma_start3A_479 = arith.constant 0 : i32
          %dma_start3A_480 = arith.constant 0 : i32
          %dma_start3A_481 = tpu.memref_slice %arg10[%dma_start3A_476, %dma_start3A_478, %dma_start3A_479, %dma_start3A_480] : memref<8x24x4x128xf32, #tpu.memory_space<vmem>> -> memref<1x16x4x128xf32, #tpu.memory_space<vmem>>
          %dma_start3A_482 = tpu.memref_squeeze %dma_start3A_481 : memref<1x16x4x128xf32, #tpu.memory_space<vmem>> -> memref<16x4x128xf32, #tpu.memory_space<vmem>>
          %dma_start3A_483 = arith.constant 0 : i32
          %dma_start3A_484 = arith.constant 0 : i32
          %dma_start3A_485 = arith.constant 0 : i32
          %dma_start3A_486 = tpu.memref_slice %arg4[%dma_start3A_483, %dma_start3A_484, %dma_start3A_485] : memref<16384x4x128xf32, #tpu.memory_space<hbm>> -> memref<16384x4x128xf32, #tpu.memory_space<hbm>>
          %dma_start3A_487 = tpu.memref_slice %arg11[%dma_start3A_477] : memref<8x!tpu.dma_semaphore, #tpu.memory_space<semaphore_mem>> -> memref<1x!tpu.dma_semaphore, #tpu.memory_space<semaphore_mem>>
          %dma_start3A_488 = tpu.memref_squeeze %dma_start3A_487 : memref<1x!tpu.dma_semaphore, #tpu.memory_space<semaphore_mem>> -> memref<!tpu.dma_semaphore, #tpu.memory_space<semaphore_mem>>
          tpu.enqueue_indirect_dma source(%dma_start3A_486 : memref<16384x4x128xf32, #tpu.memory_space<hbm>>) target(%dma_start3A_482 : memref<16x4x128xf32, #tpu.memory_space<vmem>>) offsets(%get3A_475 : vector<16xi32>) semaphore(%dma_start3A_488 : memref<!tpu.dma_semaphore, #tpu.memory_space<semaphore_mem>>)
        } else {
        }
        %add3A_361 = arith.constant 6 : i32
        %add3A_362 = arith.addi %mul3A_324, %add3A_361 : i32
        %lt3A_363 = arith.cmpi slt, %add3A_362, %shift_right_arithmetic3A_306 : i32
        %convert_element_type3A_364 = arith.extui %lt3A_363 : i1 to i32
        %cond3A_365 = arith.constant 0 : i32
        %cond3A_366 = arith.cmpi ne, %convert_element_type3A_364, %cond3A_365 : i32
        scf.if %cond3A_366 {
          %add3A_469 = arith.constant 6 : i32
          %add3A_470 = arith.addi %mul3A_324, %add3A_469 : i32
          %mul3A_471 = arith.constant 16 : i32
          %mul3A_472 = arith.muli %add3A_470, %mul3A_471 : i32
          %sub3A_473 = arith.constant 16 : i32
          %sub3A_474 = arith.subi %scan3A_289, %sub3A_473 : i32
          %min3A = arith.minsi %mul3A_472, %sub3A_474 : i32
          %get3A = arith.index_cast %min3A : i32 to index
          %get3A_475 = tpu.vector_load %arg8[%get3A] {strides = array<i32>} : memref<3152xi32, #tpu.memory_space<vmem>>, vector<16xi32>,
          %dma_start3A_476 = arith.constant 6 : i32
          %dma_start3A_477 = arith.constant 6 : i32
          %dma_start3A_478 = arith.constant 0 : i32
          %dma_start3A_479 = arith.constant 0 : i32
          %dma_start3A_480 = arith.constant 0 : i32
          %dma_start3A_481 = tpu.memref_slice %arg10[%dma_start3A_476, %dma_start3A_478, %dma_start3A_479, %dma_start3A_480] : memref<8x24x4x128xf32, #tpu.memory_space<vmem>> -> memref<1x16x4x128xf32, #tpu.memory_space<vmem>>
          %dma_start3A_482 = tpu.memref_squeeze %dma_start3A_481 : memref<1x16x4x128xf32, #tpu.memory_space<vmem>> -> memref<16x4x128xf32, #tpu.memory_space<vmem>>
          %dma_start3A_483 = arith.constant 0 : i32
          %dma_start3A_484 = arith.constant 0 : i32
          %dma_start3A_485 = arith.constant 0 : i32
          %dma_start3A_486 = tpu.memref_slice %arg4[%dma_start3A_483, %dma_start3A_484, %dma_start3A_485] : memref<16384x4x128xf32, #tpu.memory_space<hbm>> -> memref<16384x4x128xf32, #tpu.memory_space<hbm>>
          %dma_start3A_487 = tpu.memref_slice %arg11[%dma_start3A_477] : memref<8x!tpu.dma_semaphore, #tpu.memory_space<semaphore_mem>> -> memref<1x!tpu.dma_semaphore, #tpu.memory_space<semaphore_mem>>
          %dma_start3A_488 = tpu.memref_squeeze %dma_start3A_487 : memref<1x!tpu.dma_semaphore, #tpu.memory_space<semaphore_mem>> -> memref<!tpu.dma_semaphore, #tpu.memory_space<semaphore_mem>>
          tpu.enqueue_indirect_dma source(%dma_start3A_486 : memref<16384x4x128xf32, #tpu.memory_space<hbm>>) target(%dma_start3A_482 : memref<16x4x128xf32, #tpu.memory_space<vmem>>) offsets(%get3A_475 : vector<16xi32>) semaphore(%dma_start3A_488 : memref<!tpu.dma_semaphore, #tpu.memory_space<semaphore_mem>>)
        } else {
        }
        %add3A_367 = arith.constant 7 : i32
        %add3A_368 = arith.addi %mul3A_324, %add3A_367 : i32
        %lt3A_369 = arith.cmpi slt, %add3A_368, %shift_right_arithmetic3A_306 : i32
        %convert_element_type3A_370 = arith.extui %lt3A_369 : i1 to i32
        %cond3A_371 = arith.constant 0 : i32
        %cond3A_372 = arith.cmpi ne, %convert_element_type3A_370, %cond3A_371 : i32
        scf.if %cond3A_372 {
          %add3A_469 = arith.constant 7 : i32
          %add3A_470 = arith.addi %mul3A_324, %add3A_469 : i32
          %mul3A_471 = arith.constant 16 : i32
          %mul3A_472 = arith.muli %add3A_470, %mul3A_471 : i32
          %sub3A_473 = arith.constant 16 : i32
          %sub3A_474 = arith.subi %scan3A_289, %sub3A_473 : i32
          %min3A = arith.minsi %mul3A_472, %sub3A_474 : i32
          %get3A = arith.index_cast %min3A : i32 to index
          %get3A_475 = tpu.vector_load %arg8[%get3A] {strides = array<i32>} : memref<3152xi32, #tpu.memory_space<vmem>>, vector<16xi32>,
          %dma_start3A_476 = arith.constant 7 : i32
          %dma_start3A_477 = arith.constant 7 : i32
          %dma_start3A_478 = arith.constant 0 : i32
          %dma_start3A_479 = arith.constant 0 : i32
          %dma_start3A_480 = arith.constant 0 : i32
          %dma_start3A_481 = tpu.memref_slice %arg10[%dma_start3A_476, %dma_start3A_478, %dma_start3A_479, %dma_start3A_480] : memref<8x24x4x128xf32, #tpu.memory_space<vmem>> -> memref<1x16x4x128xf32, #tpu.memory_space<vmem>>
          %dma_start3A_482 = tpu.memref_squeeze %dma_start3A_481 : memref<1x16x4x128xf32, #tpu.memory_space<vmem>> -> memref<16x4x128xf32, #tpu.memory_space<vmem>>
          %dma_start3A_483 = arith.constant 0 : i32
          %dma_start3A_484 = arith.constant 0 : i32
          %dma_start3A_485 = arith.constant 0 : i32
          %dma_start3A_486 = tpu.memref_slice %arg4[%dma_start3A_483, %dma_start3A_484, %dma_start3A_485] : memref<16384x4x128xf32, #tpu.memory_space<hbm>> -> memref<16384x4x128xf32, #tpu.memory_space<hbm>>
          %dma_start3A_487 = tpu.memref_slice %arg11[%dma_start3A_477] : memref<8x!tpu.dma_semaphore, #tpu.memory_space<semaphore_mem>> -> memref<1x!tpu.dma_semaphore, #tpu.memory_space<semaphore_mem>>
          %dma_start3A_488 = tpu.memref_squeeze %dma_start3A_487 : memref<1x!tpu.dma_semaphore, #tpu.memory_space<semaphore_mem>> -> memref<!tpu.dma_semaphore, #tpu.memory_space<semaphore_mem>>
          tpu.enqueue_indirect_dma source(%dma_start3A_486 : memref<16384x4x128xf32, #tpu.memory_space<hbm>>) target(%dma_start3A_482 : memref<16x4x128xf32, #tpu.memory_space<vmem>>) offsets(%get3A_475 : vector<16xi32>) semaphore(%dma_start3A_488 : memref<!tpu.dma_semaphore, #tpu.memory_space<semaphore_mem>>)
        } else {
        }
        %add3A_373 = arith.constant 0 : i32
        %add3A_374 = arith.addi %mul3A_324, %add3A_373 : i32
        %lt3A_375 = arith.cmpi slt, %add3A_374, %shift_right_arithmetic3A_306 : i32
        %convert_element_type3A_376 = arith.extui %lt3A_375 : i1 to i32
        %cond3A_377 = arith.constant 0 : i32
        %cond3A_378 = arith.cmpi ne, %convert_element_type3A_376, %cond3A_377 : i32
        scf.if %cond3A_378 {
          %get3A = arith.constant 0 : index
          %get3A_469 = tpu.vector_load %arg8[%get3A] {strides = array<i32>} : memref<3152xi32, #tpu.memory_space<vmem>>, vector<16xi32>,
          %dma_wait3A_470 = arith.constant 0 : i32
          %dma_wait3A_471 = arith.constant 0 : i32
          %dma_wait3A_472 = arith.constant 0 : i32
          %dma_wait3A_473 = arith.constant 0 : i32
          %dma_wait3A_474 = arith.constant 0 : i32
          %dma_wait3A_475 = tpu.memref_slice %arg10[%dma_wait3A_470, %dma_wait3A_472, %dma_wait3A_473, %dma_wait3A_474] : memref<8x24x4x128xf32, #tpu.memory_space<vmem>> -> memref<1x16x4x128xf32, #tpu.memory_space<vmem>>
          %dma_wait3A_476 = tpu.memref_squeeze %dma_wait3A_475 : memref<1x16x4x128xf32, #tpu.memory_space<vmem>> -> memref<16x4x128xf32, #tpu.memory_space<vmem>>
          %dma_wait3A_477 = arith.constant 0 : i32
          %dma_wait3A_478 = arith.constant 0 : i32
          %dma_wait3A_479 = arith.constant 0 : i32
          %dma_wait3A_480 = tpu.memref_slice %arg4[%dma_wait3A_477, %dma_wait3A_478, %dma_wait3A_479] : memref<16384x4x128xf32, #tpu.memory_space<hbm>> -> memref<16384x4x128xf32, #tpu.memory_space<hbm>>
          %dma_wait3A_481 = tpu.memref_slice %arg11[%dma_wait3A_471] : memref<8x!tpu.dma_semaphore, #tpu.memory_space<semaphore_mem>> -> memref<1x!tpu.dma_semaphore, #tpu.memory_space<semaphore_mem>>
          %dma_wait3A_482 = tpu.memref_squeeze %dma_wait3A_481 : memref<1x!tpu.dma_semaphore, #tpu.memory_space<semaphore_mem>> -> memref<!tpu.dma_semaphore, #tpu.memory_space<semaphore_mem>>
          tpu.wait_indirect_dma semaphore(%dma_wait3A_482 : memref<!tpu.dma_semaphore, #tpu.memory_space<semaphore_mem>>) src(%dma_wait3A_480 : memref<16384x4x128xf32, #tpu.memory_space<hbm>>) dst(%dma_wait3A_476 : memref<16x4x128xf32, #tpu.memory_space<vmem>>)
          %add3A_483 = arith.constant 0 : i32
          %add3A_484 = arith.addi %mul3A_324, %add3A_483 : i32
          %mul3A_485 = arith.constant 16 : i32
          %mul3A_486 = arith.muli %add3A_484, %mul3A_485 : i32
          %sub3A_487 = arith.constant 16 : i32
          %sub3A_488 = arith.subi %scan3A_289, %sub3A_487 : i32
          %min3A = arith.minsi %mul3A_486, %sub3A_488 : i32
          %get3A_489 = arith.index_cast %min3A : i32 to index
          %get3A_490 = tpu.vector_load %arg9[%get3A_489] {strides = array<i32>} : memref<3152xi32, #tpu.memory_space<vmem>>, vector<16xi32>,
          %dma_start3A_491 = arith.constant 0 : i32
          %dma_start3A_492 = arith.constant 0 : i32
          %dma_start3A_493 = arith.constant 0 : i32
          %dma_start3A_494 = arith.constant 0 : i32
          %dma_start3A_495 = arith.constant 0 : i32
          %dma_start3A_496 = tpu.memref_slice %arg10[%dma_start3A_491, %dma_start3A_493, %dma_start3A_494, %dma_start3A_495] : memref<8x24x4x128xf32, #tpu.memory_space<vmem>> -> memref<1x16x4x128xf32, #tpu.memory_space<vmem>>
          %dma_start3A_497 = tpu.memref_squeeze %dma_start3A_496 : memref<1x16x4x128xf32, #tpu.memory_space<vmem>> -> memref<16x4x128xf32, #tpu.memory_space<vmem>>
          %dma_start3A_498 = arith.constant 0 : i32
          %dma_start3A_499 = arith.constant 0 : i32
          %dma_start3A_500 = arith.constant 0 : i32
          %dma_start3A_501 = tpu.memref_slice %arg5[%dma_start3A_498, %dma_start3A_499, %dma_start3A_500] : memref<100000x4x128xf32, #tpu.memory_space<hbm>> -> memref<100000x4x128xf32, #tpu.memory_space<hbm>>
          %dma_start3A_502 = tpu.memref_slice %arg12[%dma_start3A_492] : memref<8x!tpu.dma_semaphore, #tpu.memory_space<semaphore_mem>> -> memref<1x!tpu.dma_semaphore, #tpu.memory_space<semaphore_mem>>
          %dma_start3A_503 = tpu.memref_squeeze %dma_start3A_502 : memref<1x!tpu.dma_semaphore, #tpu.memory_space<semaphore_mem>> -> memref<!tpu.dma_semaphore, #tpu.memory_space<semaphore_mem>>
          tpu.enqueue_indirect_dma source(%dma_start3A_497 : memref<16x4x128xf32, #tpu.memory_space<vmem>>) target(%dma_start3A_501 : memref<100000x4x128xf32, #tpu.memory_space<hbm>>) offsets(%get3A_490 : vector<16xi32>) semaphore(%dma_start3A_503 : memref<!tpu.dma_semaphore, #tpu.memory_space<semaphore_mem>>)
        } else {
        }
        %add3A_379 = arith.constant 1 : i32
        %add3A_380 = arith.addi %mul3A_324, %add3A_379 : i32
        %lt3A_381 = arith.cmpi slt, %add3A_380, %shift_right_arithmetic3A_306 : i32
        %convert_element_type3A_382 = arith.extui %lt3A_381 : i1 to i32
        %cond3A_383 = arith.constant 0 : i32
        %cond3A_384 = arith.cmpi ne, %convert_element_type3A_382, %cond3A_383 : i32
        scf.if %cond3A_384 {
          %get3A = arith.constant 0 : index
          %get3A_469 = tpu.vector_load %arg8[%get3A] {strides = array<i32>} : memref<3152xi32, #tpu.memory_space<vmem>>, vector<16xi32>,
          %dma_wait3A_470 = arith.constant 1 : i32
          %dma_wait3A_471 = arith.constant 1 : i32
          %dma_wait3A_472 = arith.constant 0 : i32
          %dma_wait3A_473 = arith.constant 0 : i32
          %dma_wait3A_474 = arith.constant 0 : i32
          %dma_wait3A_475 = tpu.memref_slice %arg10[%dma_wait3A_470, %dma_wait3A_472, %dma_wait3A_473, %dma_wait3A_474] : memref<8x24x4x128xf32, #tpu.memory_space<vmem>> -> memref<1x16x4x128xf32, #tpu.memory_space<vmem>>
          %dma_wait3A_476 = tpu.memref_squeeze %dma_wait3A_475 : memref<1x16x4x128xf32, #tpu.memory_space<vmem>> -> memref<16x4x128xf32, #tpu.memory_space<vmem>>
          %dma_wait3A_477 = arith.constant 0 : i32
          %dma_wait3A_478 = arith.constant 0 : i32
          %dma_wait3A_479 = arith.constant 0 : i32
          %dma_wait3A_480 = tpu.memref_slice %arg4[%dma_wait3A_477, %dma_wait3A_478, %dma_wait3A_479] : memref<16384x4x128xf32, #tpu.memory_space<hbm>> -> memref<16384x4x128xf32, #tpu.memory_space<hbm>>
          %dma_wait3A_481 = tpu.memref_slice %arg11[%dma_wait3A_471] : memref<8x!tpu.dma_semaphore, #tpu.memory_space<semaphore_mem>> -> memref<1x!tpu.dma_semaphore, #tpu.memory_space<semaphore_mem>>
          %dma_wait3A_482 = tpu.memref_squeeze %dma_wait3A_481 : memref<1x!tpu.dma_semaphore, #tpu.memory_space<semaphore_mem>> -> memref<!tpu.dma_semaphore, #tpu.memory_space<semaphore_mem>>
          tpu.wait_indirect_dma semaphore(%dma_wait3A_482 : memref<!tpu.dma_semaphore, #tpu.memory_space<semaphore_mem>>) src(%dma_wait3A_480 : memref<16384x4x128xf32, #tpu.memory_space<hbm>>) dst(%dma_wait3A_476 : memref<16x4x128xf32, #tpu.memory_space<vmem>>)
          %add3A_483 = arith.constant 1 : i32
          %add3A_484 = arith.addi %mul3A_324, %add3A_483 : i32
          %mul3A_485 = arith.constant 16 : i32
          %mul3A_486 = arith.muli %add3A_484, %mul3A_485 : i32
          %sub3A_487 = arith.constant 16 : i32
          %sub3A_488 = arith.subi %scan3A_289, %sub3A_487 : i32
          %min3A = arith.minsi %mul3A_486, %sub3A_488 : i32
          %get3A_489 = arith.index_cast %min3A : i32 to index
          %get3A_490 = tpu.vector_load %arg9[%get3A_489] {strides = array<i32>} : memref<3152xi32, #tpu.memory_space<vmem>>, vector<16xi32>,
          %dma_start3A_491 = arith.constant 1 : i32
          %dma_start3A_492 = arith.constant 1 : i32
          %dma_start3A_493 = arith.constant 0 : i32
          %dma_start3A_494 = arith.constant 0 : i32
          %dma_start3A_495 = arith.constant 0 : i32
          %dma_start3A_496 = tpu.memref_slice %arg10[%dma_start3A_491, %dma_start3A_493, %dma_start3A_494, %dma_start3A_495] : memref<8x24x4x128xf32, #tpu.memory_space<vmem>> -> memref<1x16x4x128xf32, #tpu.memory_space<vmem>>
          %dma_start3A_497 = tpu.memref_squeeze %dma_start3A_496 : memref<1x16x4x128xf32, #tpu.memory_space<vmem>> -> memref<16x4x128xf32, #tpu.memory_space<vmem>>
          %dma_start3A_498 = arith.constant 0 : i32
          %dma_start3A_499 = arith.constant 0 : i32
          %dma_start3A_500 = arith.constant 0 : i32
          %dma_start3A_501 = tpu.memref_slice %arg5[%dma_start3A_498, %dma_start3A_499, %dma_start3A_500] : memref<100000x4x128xf32, #tpu.memory_space<hbm>> -> memref<100000x4x128xf32, #tpu.memory_space<hbm>>
          %dma_start3A_502 = tpu.memref_slice %arg12[%dma_start3A_492] : memref<8x!tpu.dma_semaphore, #tpu.memory_space<semaphore_mem>> -> memref<1x!tpu.dma_semaphore, #tpu.memory_space<semaphore_mem>>
          %dma_start3A_503 = tpu.memref_squeeze %dma_start3A_502 : memref<1x!tpu.dma_semaphore, #tpu.memory_space<semaphore_mem>> -> memref<!tpu.dma_semaphore, #tpu.memory_space<semaphore_mem>>
          tpu.enqueue_indirect_dma source(%dma_start3A_497 : memref<16x4x128xf32, #tpu.memory_space<vmem>>) target(%dma_start3A_501 : memref<100000x4x128xf32, #tpu.memory_space<hbm>>) offsets(%get3A_490 : vector<16xi32>) semaphore(%dma_start3A_503 : memref<!tpu.dma_semaphore, #tpu.memory_space<semaphore_mem>>)
        } else {
        }
        %add3A_385 = arith.constant 2 : i32
        %add3A_386 = arith.addi %mul3A_324, %add3A_385 : i32
        %lt3A_387 = arith.cmpi slt, %add3A_386, %shift_right_arithmetic3A_306 : i32
        %convert_element_type3A_388 = arith.extui %lt3A_387 : i1 to i32
        %cond3A_389 = arith.constant 0 : i32
        %cond3A_390 = arith.cmpi ne, %convert_element_type3A_388, %cond3A_389 : i32
        scf.if %cond3A_390 {
          %get3A = arith.constant 0 : index
          %get3A_469 = tpu.vector_load %arg8[%get3A] {strides = array<i32>} : memref<3152xi32, #tpu.memory_space<vmem>>, vector<16xi32>,
          %dma_wait3A_470 = arith.constant 2 : i32
          %dma_wait3A_471 = arith.constant 2 : i32
          %dma_wait3A_472 = arith.constant 0 : i32
          %dma_wait3A_473 = arith.constant 0 : i32
          %dma_wait3A_474 = arith.constant 0 : i32
          %dma_wait3A_475 = tpu.memref_slice %arg10[%dma_wait3A_470, %dma_wait3A_472, %dma_wait3A_473, %dma_wait3A_474] : memref<8x24x4x128xf32, #tpu.memory_space<vmem>> -> memref<1x16x4x128xf32, #tpu.memory_space<vmem>>
          %dma_wait3A_476 = tpu.memref_squeeze %dma_wait3A_475 : memref<1x16x4x128xf32, #tpu.memory_space<vmem>> -> memref<16x4x128xf32, #tpu.memory_space<vmem>>
          %dma_wait3A_477 = arith.constant 0 : i32
          %dma_wait3A_478 = arith.constant 0 : i32
          %dma_wait3A_479 = arith.constant 0 : i32
          %dma_wait3A_480 = tpu.memref_slice %arg4[%dma_wait3A_477, %dma_wait3A_478, %dma_wait3A_479] : memref<16384x4x128xf32, #tpu.memory_space<hbm>> -> memref<16384x4x128xf32, #tpu.memory_space<hbm>>
          %dma_wait3A_481 = tpu.memref_slice %arg11[%dma_wait3A_471] : memref<8x!tpu.dma_semaphore, #tpu.memory_space<semaphore_mem>> -> memref<1x!tpu.dma_semaphore, #tpu.memory_space<semaphore_mem>>
          %dma_wait3A_482 = tpu.memref_squeeze %dma_wait3A_481 : memref<1x!tpu.dma_semaphore, #tpu.memory_space<semaphore_mem>> -> memref<!tpu.dma_semaphore, #tpu.memory_space<semaphore_mem>>
          tpu.wait_indirect_dma semaphore(%dma_wait3A_482 : memref<!tpu.dma_semaphore, #tpu.memory_space<semaphore_mem>>) src(%dma_wait3A_480 : memref<16384x4x128xf32, #tpu.memory_space<hbm>>) dst(%dma_wait3A_476 : memref<16x4x128xf32, #tpu.memory_space<vmem>>)
          %add3A_483 = arith.constant 2 : i32
          %add3A_484 = arith.addi %mul3A_324, %add3A_483 : i32
          %mul3A_485 = arith.constant 16 : i32
          %mul3A_486 = arith.muli %add3A_484, %mul3A_485 : i32
          %sub3A_487 = arith.constant 16 : i32
          %sub3A_488 = arith.subi %scan3A_289, %sub3A_487 : i32
          %min3A = arith.minsi %mul3A_486, %sub3A_488 : i32
          %get3A_489 = arith.index_cast %min3A : i32 to index
          %get3A_490 = tpu.vector_load %arg9[%get3A_489] {strides = array<i32>} : memref<3152xi32, #tpu.memory_space<vmem>>, vector<16xi32>,
          %dma_start3A_491 = arith.constant 2 : i32
          %dma_start3A_492 = arith.constant 2 : i32
          %dma_start3A_493 = arith.constant 0 : i32
          %dma_start3A_494 = arith.constant 0 : i32
          %dma_start3A_495 = arith.constant 0 : i32
          %dma_start3A_496 = tpu.memref_slice %arg10[%dma_start3A_491, %dma_start3A_493, %dma_start3A_494, %dma_start3A_495] : memref<8x24x4x128xf32, #tpu.memory_space<vmem>> -> memref<1x16x4x128xf32, #tpu.memory_space<vmem>>
          %dma_start3A_497 = tpu.memref_squeeze %dma_start3A_496 : memref<1x16x4x128xf32, #tpu.memory_space<vmem>> -> memref<16x4x128xf32, #tpu.memory_space<vmem>>
          %dma_start3A_498 = arith.constant 0 : i32
          %dma_start3A_499 = arith.constant 0 : i32
          %dma_start3A_500 = arith.constant 0 : i32
          %dma_start3A_501 = tpu.memref_slice %arg5[%dma_start3A_498, %dma_start3A_499, %dma_start3A_500] : memref<100000x4x128xf32, #tpu.memory_space<hbm>> -> memref<100000x4x128xf32, #tpu.memory_space<hbm>>
          %dma_start3A_502 = tpu.memref_slice %arg12[%dma_start3A_492] : memref<8x!tpu.dma_semaphore, #tpu.memory_space<semaphore_mem>> -> memref<1x!tpu.dma_semaphore, #tpu.memory_space<semaphore_mem>>
          %dma_start3A_503 = tpu.memref_squeeze %dma_start3A_502 : memref<1x!tpu.dma_semaphore, #tpu.memory_space<semaphore_mem>> -> memref<!tpu.dma_semaphore, #tpu.memory_space<semaphore_mem>>
          tpu.enqueue_indirect_dma source(%dma_start3A_497 : memref<16x4x128xf32, #tpu.memory_space<vmem>>) target(%dma_start3A_501 : memref<100000x4x128xf32, #tpu.memory_space<hbm>>) offsets(%get3A_490 : vector<16xi32>) semaphore(%dma_start3A_503 : memref<!tpu.dma_semaphore, #tpu.memory_space<semaphore_mem>>)
        } else {
        }
        %add3A_391 = arith.constant 3 : i32
        %add3A_392 = arith.addi %mul3A_324, %add3A_391 : i32
        %lt3A_393 = arith.cmpi slt, %add3A_392, %shift_right_arithmetic3A_306 : i32
        %convert_element_type3A_394 = arith.extui %lt3A_393 : i1 to i32
        %cond3A_395 = arith.constant 0 : i32
        %cond3A_396 = arith.cmpi ne, %convert_element_type3A_394, %cond3A_395 : i32
        scf.if %cond3A_396 {
          %get3A = arith.constant 0 : index
          %get3A_469 = tpu.vector_load %arg8[%get3A] {strides = array<i32>} : memref<3152xi32, #tpu.memory_space<vmem>>, vector<16xi32>,
          %dma_wait3A_470 = arith.constant 3 : i32
          %dma_wait3A_471 = arith.constant 3 : i32
          %dma_wait3A_472 = arith.constant 0 : i32
          %dma_wait3A_473 = arith.constant 0 : i32
          %dma_wait3A_474 = arith.constant 0 : i32
          %dma_wait3A_475 = tpu.memref_slice %arg10[%dma_wait3A_470, %dma_wait3A_472, %dma_wait3A_473, %dma_wait3A_474] : memref<8x24x4x128xf32, #tpu.memory_space<vmem>> -> memref<1x16x4x128xf32, #tpu.memory_space<vmem>>
          %dma_wait3A_476 = tpu.memref_squeeze %dma_wait3A_475 : memref<1x16x4x128xf32, #tpu.memory_space<vmem>> -> memref<16x4x128xf32, #tpu.memory_space<vmem>>
          %dma_wait3A_477 = arith.constant 0 : i32
          %dma_wait3A_478 = arith.constant 0 : i32
          %dma_wait3A_479 = arith.constant 0 : i32
          %dma_wait3A_480 = tpu.memref_slice %arg4[%dma_wait3A_477, %dma_wait3A_478, %dma_wait3A_479] : memref<16384x4x128xf32, #tpu.memory_space<hbm>> -> memref<16384x4x128xf32, #tpu.memory_space<hbm>>
          %dma_wait3A_481 = tpu.memref_slice %arg11[%dma_wait3A_471] : memref<8x!tpu.dma_semaphore, #tpu.memory_space<semaphore_mem>> -> memref<1x!tpu.dma_semaphore, #tpu.memory_space<semaphore_mem>>
          %dma_wait3A_482 = tpu.memref_squeeze %dma_wait3A_481 : memref<1x!tpu.dma_semaphore, #tpu.memory_space<semaphore_mem>> -> memref<!tpu.dma_semaphore, #tpu.memory_space<semaphore_mem>>
          tpu.wait_indirect_dma semaphore(%dma_wait3A_482 : memref<!tpu.dma_semaphore, #tpu.memory_space<semaphore_mem>>) src(%dma_wait3A_480 : memref<16384x4x128xf32, #tpu.memory_space<hbm>>) dst(%dma_wait3A_476 : memref<16x4x128xf32, #tpu.memory_space<vmem>>)
          %add3A_483 = arith.constant 3 : i32
          %add3A_484 = arith.addi %mul3A_324, %add3A_483 : i32
          %mul3A_485 = arith.constant 16 : i32
          %mul3A_486 = arith.muli %add3A_484, %mul3A_485 : i32
          %sub3A_487 = arith.constant 16 : i32
          %sub3A_488 = arith.subi %scan3A_289, %sub3A_487 : i32
          %min3A = arith.minsi %mul3A_486, %sub3A_488 : i32
          %get3A_489 = arith.index_cast %min3A : i32 to index
          %get3A_490 = tpu.vector_load %arg9[%get3A_489] {strides = array<i32>} : memref<3152xi32, #tpu.memory_space<vmem>>, vector<16xi32>,
          %dma_start3A_491 = arith.constant 3 : i32
          %dma_start3A_492 = arith.constant 3 : i32
          %dma_start3A_493 = arith.constant 0 : i32
          %dma_start3A_494 = arith.constant 0 : i32
          %dma_start3A_495 = arith.constant 0 : i32
          %dma_start3A_496 = tpu.memref_slice %arg10[%dma_start3A_491, %dma_start3A_493, %dma_start3A_494, %dma_start3A_495] : memref<8x24x4x128xf32, #tpu.memory_space<vmem>> -> memref<1x16x4x128xf32, #tpu.memory_space<vmem>>
          %dma_start3A_497 = tpu.memref_squeeze %dma_start3A_496 : memref<1x16x4x128xf32, #tpu.memory_space<vmem>> -> memref<16x4x128xf32, #tpu.memory_space<vmem>>
          %dma_start3A_498 = arith.constant 0 : i32
          %dma_start3A_499 = arith.constant 0 : i32
          %dma_start3A_500 = arith.constant 0 : i32
          %dma_start3A_501 = tpu.memref_slice %arg5[%dma_start3A_498, %dma_start3A_499, %dma_start3A_500] : memref<100000x4x128xf32, #tpu.memory_space<hbm>> -> memref<100000x4x128xf32, #tpu.memory_space<hbm>>
          %dma_start3A_502 = tpu.memref_slice %arg12[%dma_start3A_492] : memref<8x!tpu.dma_semaphore, #tpu.memory_space<semaphore_mem>> -> memref<1x!tpu.dma_semaphore, #tpu.memory_space<semaphore_mem>>
          %dma_start3A_503 = tpu.memref_squeeze %dma_start3A_502 : memref<1x!tpu.dma_semaphore, #tpu.memory_space<semaphore_mem>> -> memref<!tpu.dma_semaphore, #tpu.memory_space<semaphore_mem>>
          tpu.enqueue_indirect_dma source(%dma_start3A_497 : memref<16x4x128xf32, #tpu.memory_space<vmem>>) target(%dma_start3A_501 : memref<100000x4x128xf32, #tpu.memory_space<hbm>>) offsets(%get3A_490 : vector<16xi32>) semaphore(%dma_start3A_503 : memref<!tpu.dma_semaphore, #tpu.memory_space<semaphore_mem>>)
        } else {
        }
        %add3A_397 = arith.constant 4 : i32
        %add3A_398 = arith.addi %mul3A_324, %add3A_397 : i32
        %lt3A_399 = arith.cmpi slt, %add3A_398, %shift_right_arithmetic3A_306 : i32
        %convert_element_type3A_400 = arith.extui %lt3A_399 : i1 to i32
        %cond3A_401 = arith.constant 0 : i32
        %cond3A_402 = arith.cmpi ne, %convert_element_type3A_400, %cond3A_401 : i32
        scf.if %cond3A_402 {
          %get3A = arith.constant 0 : index
          %get3A_469 = tpu.vector_load %arg8[%get3A] {strides = array<i32>} : memref<3152xi32, #tpu.memory_space<vmem>>, vector<16xi32>,
          %dma_wait3A_470 = arith.constant 4 : i32
          %dma_wait3A_471 = arith.constant 4 : i32
          %dma_wait3A_472 = arith.constant 0 : i32
          %dma_wait3A_473 = arith.constant 0 : i32
          %dma_wait3A_474 = arith.constant 0 : i32
          %dma_wait3A_475 = tpu.memref_slice %arg10[%dma_wait3A_470, %dma_wait3A_472, %dma_wait3A_473, %dma_wait3A_474] : memref<8x24x4x128xf32, #tpu.memory_space<vmem>> -> memref<1x16x4x128xf32, #tpu.memory_space<vmem>>
          %dma_wait3A_476 = tpu.memref_squeeze %dma_wait3A_475 : memref<1x16x4x128xf32, #tpu.memory_space<vmem>> -> memref<16x4x128xf32, #tpu.memory_space<vmem>>
          %dma_wait3A_477 = arith.constant 0 : i32
          %dma_wait3A_478 = arith.constant 0 : i32
          %dma_wait3A_479 = arith.constant 0 : i32
          %dma_wait3A_480 = tpu.memref_slice %arg4[%dma_wait3A_477, %dma_wait3A_478, %dma_wait3A_479] : memref<16384x4x128xf32, #tpu.memory_space<hbm>> -> memref<16384x4x128xf32, #tpu.memory_space<hbm>>
          %dma_wait3A_481 = tpu.memref_slice %arg11[%dma_wait3A_471] : memref<8x!tpu.dma_semaphore, #tpu.memory_space<semaphore_mem>> -> memref<1x!tpu.dma_semaphore, #tpu.memory_space<semaphore_mem>>
          %dma_wait3A_482 = tpu.memref_squeeze %dma_wait3A_481 : memref<1x!tpu.dma_semaphore, #tpu.memory_space<semaphore_mem>> -> memref<!tpu.dma_semaphore, #tpu.memory_space<semaphore_mem>>
          tpu.wait_indirect_dma semaphore(%dma_wait3A_482 : memref<!tpu.dma_semaphore, #tpu.memory_space<semaphore_mem>>) src(%dma_wait3A_480 : memref<16384x4x128xf32, #tpu.memory_space<hbm>>) dst(%dma_wait3A_476 : memref<16x4x128xf32, #tpu.memory_space<vmem>>)
          %add3A_483 = arith.constant 4 : i32
          %add3A_484 = arith.addi %mul3A_324, %add3A_483 : i32
          %mul3A_485 = arith.constant 16 : i32
          %mul3A_486 = arith.muli %add3A_484, %mul3A_485 : i32
          %sub3A_487 = arith.constant 16 : i32
          %sub3A_488 = arith.subi %scan3A_289, %sub3A_487 : i32
          %min3A = arith.minsi %mul3A_486, %sub3A_488 : i32
          %get3A_489 = arith.index_cast %min3A : i32 to index
          %get3A_490 = tpu.vector_load %arg9[%get3A_489] {strides = array<i32>} : memref<3152xi32, #tpu.memory_space<vmem>>, vector<16xi32>,
          %dma_start3A_491 = arith.constant 4 : i32
          %dma_start3A_492 = arith.constant 4 : i32
          %dma_start3A_493 = arith.constant 0 : i32
          %dma_start3A_494 = arith.constant 0 : i32
          %dma_start3A_495 = arith.constant 0 : i32
          %dma_start3A_496 = tpu.memref_slice %arg10[%dma_start3A_491, %dma_start3A_493, %dma_start3A_494, %dma_start3A_495] : memref<8x24x4x128xf32, #tpu.memory_space<vmem>> -> memref<1x16x4x128xf32, #tpu.memory_space<vmem>>
          %dma_start3A_497 = tpu.memref_squeeze %dma_start3A_496 : memref<1x16x4x128xf32, #tpu.memory_space<vmem>> -> memref<16x4x128xf32, #tpu.memory_space<vmem>>
          %dma_start3A_498 = arith.constant 0 : i32
          %dma_start3A_499 = arith.constant 0 : i32
          %dma_start3A_500 = arith.constant 0 : i32
          %dma_start3A_501 = tpu.memref_slice %arg5[%dma_start3A_498, %dma_start3A_499, %dma_start3A_500] : memref<100000x4x128xf32, #tpu.memory_space<hbm>> -> memref<100000x4x128xf32, #tpu.memory_space<hbm>>
          %dma_start3A_502 = tpu.memref_slice %arg12[%dma_start3A_492] : memref<8x!tpu.dma_semaphore, #tpu.memory_space<semaphore_mem>> -> memref<1x!tpu.dma_semaphore, #tpu.memory_space<semaphore_mem>>
          %dma_start3A_503 = tpu.memref_squeeze %dma_start3A_502 : memref<1x!tpu.dma_semaphore, #tpu.memory_space<semaphore_mem>> -> memref<!tpu.dma_semaphore, #tpu.memory_space<semaphore_mem>>
          tpu.enqueue_indirect_dma source(%dma_start3A_497 : memref<16x4x128xf32, #tpu.memory_space<vmem>>) target(%dma_start3A_501 : memref<100000x4x128xf32, #tpu.memory_space<hbm>>) offsets(%get3A_490 : vector<16xi32>) semaphore(%dma_start3A_503 : memref<!tpu.dma_semaphore, #tpu.memory_space<semaphore_mem>>)
        } else {
        }
        %add3A_403 = arith.constant 5 : i32
        %add3A_404 = arith.addi %mul3A_324, %add3A_403 : i32
        %lt3A_405 = arith.cmpi slt, %add3A_404, %shift_right_arithmetic3A_306 : i32
        %convert_element_type3A_406 = arith.extui %lt3A_405 : i1 to i32
        %cond3A_407 = arith.constant 0 : i32
        %cond3A_408 = arith.cmpi ne, %convert_element_type3A_406, %cond3A_407 : i32
        scf.if %cond3A_408 {
          %get3A = arith.constant 0 : index
          %get3A_469 = tpu.vector_load %arg8[%get3A] {strides = array<i32>} : memref<3152xi32, #tpu.memory_space<vmem>>, vector<16xi32>,
          %dma_wait3A_470 = arith.constant 5 : i32
          %dma_wait3A_471 = arith.constant 5 : i32
          %dma_wait3A_472 = arith.constant 0 : i32
          %dma_wait3A_473 = arith.constant 0 : i32
          %dma_wait3A_474 = arith.constant 0 : i32
          %dma_wait3A_475 = tpu.memref_slice %arg10[%dma_wait3A_470, %dma_wait3A_472, %dma_wait3A_473, %dma_wait3A_474] : memref<8x24x4x128xf32, #tpu.memory_space<vmem>> -> memref<1x16x4x128xf32, #tpu.memory_space<vmem>>
          %dma_wait3A_476 = tpu.memref_squeeze %dma_wait3A_475 : memref<1x16x4x128xf32, #tpu.memory_space<vmem>> -> memref<16x4x128xf32, #tpu.memory_space<vmem>>
          %dma_wait3A_477 = arith.constant 0 : i32
          %dma_wait3A_478 = arith.constant 0 : i32
          %dma_wait3A_479 = arith.constant 0 : i32
          %dma_wait3A_480 = tpu.memref_slice %arg4[%dma_wait3A_477, %dma_wait3A_478, %dma_wait3A_479] : memref<16384x4x128xf32, #tpu.memory_space<hbm>> -> memref<16384x4x128xf32, #tpu.memory_space<hbm>>
          %dma_wait3A_481 = tpu.memref_slice %arg11[%dma_wait3A_471] : memref<8x!tpu.dma_semaphore, #tpu.memory_space<semaphore_mem>> -> memref<1x!tpu.dma_semaphore, #tpu.memory_space<semaphore_mem>>
          %dma_wait3A_482 = tpu.memref_squeeze %dma_wait3A_481 : memref<1x!tpu.dma_semaphore, #tpu.memory_space<semaphore_mem>> -> memref<!tpu.dma_semaphore, #tpu.memory_space<semaphore_mem>>
          tpu.wait_indirect_dma semaphore(%dma_wait3A_482 : memref<!tpu.dma_semaphore, #tpu.memory_space<semaphore_mem>>) src(%dma_wait3A_480 : memref<16384x4x128xf32, #tpu.memory_space<hbm>>) dst(%dma_wait3A_476 : memref<16x4x128xf32, #tpu.memory_space<vmem>>)
          %add3A_483 = arith.constant 5 : i32
          %add3A_484 = arith.addi %mul3A_324, %add3A_483 : i32
          %mul3A_485 = arith.constant 16 : i32
          %mul3A_486 = arith.muli %add3A_484, %mul3A_485 : i32
          %sub3A_487 = arith.constant 16 : i32
          %sub3A_488 = arith.subi %scan3A_289, %sub3A_487 : i32
          %min3A = arith.minsi %mul3A_486, %sub3A_488 : i32
          %get3A_489 = arith.index_cast %min3A : i32 to index
          %get3A_490 = tpu.vector_load %arg9[%get3A_489] {strides = array<i32>} : memref<3152xi32, #tpu.memory_space<vmem>>, vector<16xi32>,
          %dma_start3A_491 = arith.constant 5 : i32
          %dma_start3A_492 = arith.constant 5 : i32
          %dma_start3A_493 = arith.constant 0 : i32
          %dma_start3A_494 = arith.constant 0 : i32
          %dma_start3A_495 = arith.constant 0 : i32
          %dma_start3A_496 = tpu.memref_slice %arg10[%dma_start3A_491, %dma_start3A_493, %dma_start3A_494, %dma_start3A_495] : memref<8x24x4x128xf32, #tpu.memory_space<vmem>> -> memref<1x16x4x128xf32, #tpu.memory_space<vmem>>
          %dma_start3A_497 = tpu.memref_squeeze %dma_start3A_496 : memref<1x16x4x128xf32, #tpu.memory_space<vmem>> -> memref<16x4x128xf32, #tpu.memory_space<vmem>>
          %dma_start3A_498 = arith.constant 0 : i32
          %dma_start3A_499 = arith.constant 0 : i32
          %dma_start3A_500 = arith.constant 0 : i32
          %dma_start3A_501 = tpu.memref_slice %arg5[%dma_start3A_498, %dma_start3A_499, %dma_start3A_500] : memref<100000x4x128xf32, #tpu.memory_space<hbm>> -> memref<100000x4x128xf32, #tpu.memory_space<hbm>>
          %dma_start3A_502 = tpu.memref_slice %arg12[%dma_start3A_492] : memref<8x!tpu.dma_semaphore, #tpu.memory_space<semaphore_mem>> -> memref<1x!tpu.dma_semaphore, #tpu.memory_space<semaphore_mem>>
          %dma_start3A_503 = tpu.memref_squeeze %dma_start3A_502 : memref<1x!tpu.dma_semaphore, #tpu.memory_space<semaphore_mem>> -> memref<!tpu.dma_semaphore, #tpu.memory_space<semaphore_mem>>
          tpu.enqueue_indirect_dma source(%dma_start3A_497 : memref<16x4x128xf32, #tpu.memory_space<vmem>>) target(%dma_start3A_501 : memref<100000x4x128xf32, #tpu.memory_space<hbm>>) offsets(%get3A_490 : vector<16xi32>) semaphore(%dma_start3A_503 : memref<!tpu.dma_semaphore, #tpu.memory_space<semaphore_mem>>)
        } else {
        }
        %add3A_409 = arith.constant 6 : i32
        %add3A_410 = arith.addi %mul3A_324, %add3A_409 : i32
        %lt3A_411 = arith.cmpi slt, %add3A_410, %shift_right_arithmetic3A_306 : i32
        %convert_element_type3A_412 = arith.extui %lt3A_411 : i1 to i32
        %cond3A_413 = arith.constant 0 : i32
        %cond3A_414 = arith.cmpi ne, %convert_element_type3A_412, %cond3A_413 : i32
        scf.if %cond3A_414 {
          %get3A = arith.constant 0 : index
          %get3A_469 = tpu.vector_load %arg8[%get3A] {strides = array<i32>} : memref<3152xi32, #tpu.memory_space<vmem>>, vector<16xi32>,
          %dma_wait3A_470 = arith.constant 6 : i32
          %dma_wait3A_471 = arith.constant 6 : i32
          %dma_wait3A_472 = arith.constant 0 : i32
          %dma_wait3A_473 = arith.constant 0 : i32
          %dma_wait3A_474 = arith.constant 0 : i32
          %dma_wait3A_475 = tpu.memref_slice %arg10[%dma_wait3A_470, %dma_wait3A_472, %dma_wait3A_473, %dma_wait3A_474] : memref<8x24x4x128xf32, #tpu.memory_space<vmem>> -> memref<1x16x4x128xf32, #tpu.memory_space<vmem>>
          %dma_wait3A_476 = tpu.memref_squeeze %dma_wait3A_475 : memref<1x16x4x128xf32, #tpu.memory_space<vmem>> -> memref<16x4x128xf32, #tpu.memory_space<vmem>>
          %dma_wait3A_477 = arith.constant 0 : i32
          %dma_wait3A_478 = arith.constant 0 : i32
          %dma_wait3A_479 = arith.constant 0 : i32
          %dma_wait3A_480 = tpu.memref_slice %arg4[%dma_wait3A_477, %dma_wait3A_478, %dma_wait3A_479] : memref<16384x4x128xf32, #tpu.memory_space<hbm>> -> memref<16384x4x128xf32, #tpu.memory_space<hbm>>
          %dma_wait3A_481 = tpu.memref_slice %arg11[%dma_wait3A_471] : memref<8x!tpu.dma_semaphore, #tpu.memory_space<semaphore_mem>> -> memref<1x!tpu.dma_semaphore, #tpu.memory_space<semaphore_mem>>
          %dma_wait3A_482 = tpu.memref_squeeze %dma_wait3A_481 : memref<1x!tpu.dma_semaphore, #tpu.memory_space<semaphore_mem>> -> memref<!tpu.dma_semaphore, #tpu.memory_space<semaphore_mem>>
          tpu.wait_indirect_dma semaphore(%dma_wait3A_482 : memref<!tpu.dma_semaphore, #tpu.memory_space<semaphore_mem>>) src(%dma_wait3A_480 : memref<16384x4x128xf32, #tpu.memory_space<hbm>>) dst(%dma_wait3A_476 : memref<16x4x128xf32, #tpu.memory_space<vmem>>)
          %add3A_483 = arith.constant 6 : i32
          %add3A_484 = arith.addi %mul3A_324, %add3A_483 : i32
          %mul3A_485 = arith.constant 16 : i32
          %mul3A_486 = arith.muli %add3A_484, %mul3A_485 : i32
          %sub3A_487 = arith.constant 16 : i32
          %sub3A_488 = arith.subi %scan3A_289, %sub3A_487 : i32
          %min3A = arith.minsi %mul3A_486, %sub3A_488 : i32
          %get3A_489 = arith.index_cast %min3A : i32 to index
          %get3A_490 = tpu.vector_load %arg9[%get3A_489] {strides = array<i32>} : memref<3152xi32, #tpu.memory_space<vmem>>, vector<16xi32>,
          %dma_start3A_491 = arith.constant 6 : i32
          %dma_start3A_492 = arith.constant 6 : i32
          %dma_start3A_493 = arith.constant 0 : i32
          %dma_start3A_494 = arith.constant 0 : i32
          %dma_start3A_495 = arith.constant 0 : i32
          %dma_start3A_496 = tpu.memref_slice %arg10[%dma_start3A_491, %dma_start3A_493, %dma_start3A_494, %dma_start3A_495] : memref<8x24x4x128xf32, #tpu.memory_space<vmem>> -> memref<1x16x4x128xf32, #tpu.memory_space<vmem>>
          %dma_start3A_497 = tpu.memref_squeeze %dma_start3A_496 : memref<1x16x4x128xf32, #tpu.memory_space<vmem>> -> memref<16x4x128xf32, #tpu.memory_space<vmem>>
          %dma_start3A_498 = arith.constant 0 : i32
          %dma_start3A_499 = arith.constant 0 : i32
          %dma_start3A_500 = arith.constant 0 : i32
          %dma_start3A_501 = tpu.memref_slice %arg5[%dma_start3A_498, %dma_start3A_499, %dma_start3A_500] : memref<100000x4x128xf32, #tpu.memory_space<hbm>> -> memref<100000x4x128xf32, #tpu.memory_space<hbm>>
          %dma_start3A_502 = tpu.memref_slice %arg12[%dma_start3A_492] : memref<8x!tpu.dma_semaphore, #tpu.memory_space<semaphore_mem>> -> memref<1x!tpu.dma_semaphore, #tpu.memory_space<semaphore_mem>>
          %dma_start3A_503 = tpu.memref_squeeze %dma_start3A_502 : memref<1x!tpu.dma_semaphore, #tpu.memory_space<semaphore_mem>> -> memref<!tpu.dma_semaphore, #tpu.memory_space<semaphore_mem>>
          tpu.enqueue_indirect_dma source(%dma_start3A_497 : memref<16x4x128xf32, #tpu.memory_space<vmem>>) target(%dma_start3A_501 : memref<100000x4x128xf32, #tpu.memory_space<hbm>>) offsets(%get3A_490 : vector<16xi32>) semaphore(%dma_start3A_503 : memref<!tpu.dma_semaphore, #tpu.memory_space<semaphore_mem>>)
        } else {
        }
        %add3A_415 = arith.constant 7 : i32
        %add3A_416 = arith.addi %mul3A_324, %add3A_415 : i32
        %lt3A_417 = arith.cmpi slt, %add3A_416, %shift_right_arithmetic3A_306 : i32
        %convert_element_type3A_418 = arith.extui %lt3A_417 : i1 to i32
        %cond3A_419 = arith.constant 0 : i32
        %cond3A_420 = arith.cmpi ne, %convert_element_type3A_418, %cond3A_419 : i32
        scf.if %cond3A_420 {
          %get3A = arith.constant 0 : index
          %get3A_469 = tpu.vector_load %arg8[%get3A] {strides = array<i32>} : memref<3152xi32, #tpu.memory_space<vmem>>, vector<16xi32>,
          %dma_wait3A_470 = arith.constant 7 : i32
          %dma_wait3A_471 = arith.constant 7 : i32
          %dma_wait3A_472 = arith.constant 0 : i32
          %dma_wait3A_473 = arith.constant 0 : i32
          %dma_wait3A_474 = arith.constant 0 : i32
          %dma_wait3A_475 = tpu.memref_slice %arg10[%dma_wait3A_470, %dma_wait3A_472, %dma_wait3A_473, %dma_wait3A_474] : memref<8x24x4x128xf32, #tpu.memory_space<vmem>> -> memref<1x16x4x128xf32, #tpu.memory_space<vmem>>
          %dma_wait3A_476 = tpu.memref_squeeze %dma_wait3A_475 : memref<1x16x4x128xf32, #tpu.memory_space<vmem>> -> memref<16x4x128xf32, #tpu.memory_space<vmem>>
          %dma_wait3A_477 = arith.constant 0 : i32
          %dma_wait3A_478 = arith.constant 0 : i32
          %dma_wait3A_479 = arith.constant 0 : i32
          %dma_wait3A_480 = tpu.memref_slice %arg4[%dma_wait3A_477, %dma_wait3A_478, %dma_wait3A_479] : memref<16384x4x128xf32, #tpu.memory_space<hbm>> -> memref<16384x4x128xf32, #tpu.memory_space<hbm>>
          %dma_wait3A_481 = tpu.memref_slice %arg11[%dma_wait3A_471] : memref<8x!tpu.dma_semaphore, #tpu.memory_space<semaphore_mem>> -> memref<1x!tpu.dma_semaphore, #tpu.memory_space<semaphore_mem>>
          %dma_wait3A_482 = tpu.memref_squeeze %dma_wait3A_481 : memref<1x!tpu.dma_semaphore, #tpu.memory_space<semaphore_mem>> -> memref<!tpu.dma_semaphore, #tpu.memory_space<semaphore_mem>>
          tpu.wait_indirect_dma semaphore(%dma_wait3A_482 : memref<!tpu.dma_semaphore, #tpu.memory_space<semaphore_mem>>) src(%dma_wait3A_480 : memref<16384x4x128xf32, #tpu.memory_space<hbm>>) dst(%dma_wait3A_476 : memref<16x4x128xf32, #tpu.memory_space<vmem>>)
          %add3A_483 = arith.constant 7 : i32
          %add3A_484 = arith.addi %mul3A_324, %add3A_483 : i32
          %mul3A_485 = arith.constant 16 : i32
          %mul3A_486 = arith.muli %add3A_484, %mul3A_485 : i32
          %sub3A_487 = arith.constant 16 : i32
          %sub3A_488 = arith.subi %scan3A_289, %sub3A_487 : i32
          %min3A = arith.minsi %mul3A_486, %sub3A_488 : i32
          %get3A_489 = arith.index_cast %min3A : i32 to index
          %get3A_490 = tpu.vector_load %arg9[%get3A_489] {strides = array<i32>} : memref<3152xi32, #tpu.memory_space<vmem>>, vector<16xi32>,
          %dma_start3A_491 = arith.constant 7 : i32
          %dma_start3A_492 = arith.constant 7 : i32
          %dma_start3A_493 = arith.constant 0 : i32
          %dma_start3A_494 = arith.constant 0 : i32
          %dma_start3A_495 = arith.constant 0 : i32
          %dma_start3A_496 = tpu.memref_slice %arg10[%dma_start3A_491, %dma_start3A_493, %dma_start3A_494, %dma_start3A_495] : memref<8x24x4x128xf32, #tpu.memory_space<vmem>> -> memref<1x16x4x128xf32, #tpu.memory_space<vmem>>
          %dma_start3A_497 = tpu.memref_squeeze %dma_start3A_496 : memref<1x16x4x128xf32, #tpu.memory_space<vmem>> -> memref<16x4x128xf32, #tpu.memory_space<vmem>>
          %dma_start3A_498 = arith.constant 0 : i32
          %dma_start3A_499 = arith.constant 0 : i32
          %dma_start3A_500 = arith.constant 0 : i32
          %dma_start3A_501 = tpu.memref_slice %arg5[%dma_start3A_498, %dma_start3A_499, %dma_start3A_500] : memref<100000x4x128xf32, #tpu.memory_space<hbm>> -> memref<100000x4x128xf32, #tpu.memory_space<hbm>>
          %dma_start3A_502 = tpu.memref_slice %arg12[%dma_start3A_492] : memref<8x!tpu.dma_semaphore, #tpu.memory_space<semaphore_mem>> -> memref<1x!tpu.dma_semaphore, #tpu.memory_space<semaphore_mem>>
          %dma_start3A_503 = tpu.memref_squeeze %dma_start3A_502 : memref<1x!tpu.dma_semaphore, #tpu.memory_space<semaphore_mem>> -> memref<!tpu.dma_semaphore, #tpu.memory_space<semaphore_mem>>
          tpu.enqueue_indirect_dma source(%dma_start3A_497 : memref<16x4x128xf32, #tpu.memory_space<vmem>>) target(%dma_start3A_501 : memref<100000x4x128xf32, #tpu.memory_space<hbm>>) offsets(%get3A_490 : vector<16xi32>) semaphore(%dma_start3A_503 : memref<!tpu.dma_semaphore, #tpu.memory_space<semaphore_mem>>)
        } else {
        }
        %add3A_421 = arith.constant 0 : i32
        %add3A_422 = arith.addi %mul3A_324, %add3A_421 : i32
        %lt3A_423 = arith.cmpi slt, %add3A_422, %shift_right_arithmetic3A_306 : i32
        %convert_element_type3A_424 = arith.extui %lt3A_423 : i1 to i32
        %cond3A_425 = arith.constant 0 : i32
        %cond3A_426 = arith.cmpi ne, %convert_element_type3A_424, %cond3A_425 : i32
        scf.if %cond3A_426 {
          %get3A = arith.constant 0 : index
          %get3A_469 = tpu.vector_load %arg9[%get3A] {strides = array<i32>} : memref<3152xi32, #tpu.memory_space<vmem>>, vector<16xi32>,
          %dma_wait3A_470 = arith.constant 0 : i32
          %dma_wait3A_471 = arith.constant 0 : i32
          %dma_wait3A_472 = arith.constant 0 : i32
          %dma_wait3A_473 = arith.constant 0 : i32
          %dma_wait3A_474 = arith.constant 0 : i32
          %dma_wait3A_475 = tpu.memref_slice %arg10[%dma_wait3A_470, %dma_wait3A_472, %dma_wait3A_473, %dma_wait3A_474] : memref<8x24x4x128xf32, #tpu.memory_space<vmem>> -> memref<1x16x4x128xf32, #tpu.memory_space<vmem>>
          %dma_wait3A_476 = tpu.memref_squeeze %dma_wait3A_475 : memref<1x16x4x128xf32, #tpu.memory_space<vmem>> -> memref<16x4x128xf32, #tpu.memory_space<vmem>>
          %dma_wait3A_477 = arith.constant 0 : i32
          %dma_wait3A_478 = arith.constant 0 : i32
          %dma_wait3A_479 = arith.constant 0 : i32
          %dma_wait3A_480 = tpu.memref_slice %arg5[%dma_wait3A_477, %dma_wait3A_478, %dma_wait3A_479] : memref<100000x4x128xf32, #tpu.memory_space<hbm>> -> memref<100000x4x128xf32, #tpu.memory_space<hbm>>
          %dma_wait3A_481 = tpu.memref_slice %arg12[%dma_wait3A_471] : memref<8x!tpu.dma_semaphore, #tpu.memory_space<semaphore_mem>> -> memref<1x!tpu.dma_semaphore, #tpu.memory_space<semaphore_mem>>
          %dma_wait3A_482 = tpu.memref_squeeze %dma_wait3A_481 : memref<1x!tpu.dma_semaphore, #tpu.memory_space<semaphore_mem>> -> memref<!tpu.dma_semaphore, #tpu.memory_space<semaphore_mem>>
          tpu.wait_indirect_dma semaphore(%dma_wait3A_482 : memref<!tpu.dma_semaphore, #tpu.memory_space<semaphore_mem>>) src(%dma_wait3A_476 : memref<16x4x128xf32, #tpu.memory_space<vmem>>) dst(%dma_wait3A_480 : memref<100000x4x128xf32, #tpu.memory_space<hbm>>)
        } else {
        }
        %add3A_427 = arith.constant 1 : i32
        %add3A_428 = arith.addi %mul3A_324, %add3A_427 : i32
        %lt3A_429 = arith.cmpi slt, %add3A_428, %shift_right_arithmetic3A_306 : i32
        %convert_element_type3A_430 = arith.extui %lt3A_429 : i1 to i32
        %cond3A_431 = arith.constant 0 : i32
        %cond3A_432 = arith.cmpi ne, %convert_element_type3A_430, %cond3A_431 : i32
        scf.if %cond3A_432 {
          %get3A = arith.constant 0 : index
          %get3A_469 = tpu.vector_load %arg9[%get3A] {strides = array<i32>} : memref<3152xi32, #tpu.memory_space<vmem>>, vector<16xi32>,
          %dma_wait3A_470 = arith.constant 1 : i32
          %dma_wait3A_471 = arith.constant 1 : i32
          %dma_wait3A_472 = arith.constant 0 : i32
          %dma_wait3A_473 = arith.constant 0 : i32
          %dma_wait3A_474 = arith.constant 0 : i32
          %dma_wait3A_475 = tpu.memref_slice %arg10[%dma_wait3A_470, %dma_wait3A_472, %dma_wait3A_473, %dma_wait3A_474] : memref<8x24x4x128xf32, #tpu.memory_space<vmem>> -> memref<1x16x4x128xf32, #tpu.memory_space<vmem>>
          %dma_wait3A_476 = tpu.memref_squeeze %dma_wait3A_475 : memref<1x16x4x128xf32, #tpu.memory_space<vmem>> -> memref<16x4x128xf32, #tpu.memory_space<vmem>>
          %dma_wait3A_477 = arith.constant 0 : i32
          %dma_wait3A_478 = arith.constant 0 : i32
          %dma_wait3A_479 = arith.constant 0 : i32
          %dma_wait3A_480 = tpu.memref_slice %arg5[%dma_wait3A_477, %dma_wait3A_478, %dma_wait3A_479] : memref<100000x4x128xf32, #tpu.memory_space<hbm>> -> memref<100000x4x128xf32, #tpu.memory_space<hbm>>
          %dma_wait3A_481 = tpu.memref_slice %arg12[%dma_wait3A_471] : memref<8x!tpu.dma_semaphore, #tpu.memory_space<semaphore_mem>> -> memref<1x!tpu.dma_semaphore, #tpu.memory_space<semaphore_mem>>
          %dma_wait3A_482 = tpu.memref_squeeze %dma_wait3A_481 : memref<1x!tpu.dma_semaphore, #tpu.memory_space<semaphore_mem>> -> memref<!tpu.dma_semaphore, #tpu.memory_space<semaphore_mem>>
          tpu.wait_indirect_dma semaphore(%dma_wait3A_482 : memref<!tpu.dma_semaphore, #tpu.memory_space<semaphore_mem>>) src(%dma_wait3A_476 : memref<16x4x128xf32, #tpu.memory_space<vmem>>) dst(%dma_wait3A_480 : memref<100000x4x128xf32, #tpu.memory_space<hbm>>)
        } else {
        }
        %add3A_433 = arith.constant 2 : i32
        %add3A_434 = arith.addi %mul3A_324, %add3A_433 : i32
        %lt3A_435 = arith.cmpi slt, %add3A_434, %shift_right_arithmetic3A_306 : i32
        %convert_element_type3A_436 = arith.extui %lt3A_435 : i1 to i32
        %cond3A_437 = arith.constant 0 : i32
        %cond3A_438 = arith.cmpi ne, %convert_element_type3A_436, %cond3A_437 : i32
        scf.if %cond3A_438 {
          %get3A = arith.constant 0 : index
          %get3A_469 = tpu.vector_load %arg9[%get3A] {strides = array<i32>} : memref<3152xi32, #tpu.memory_space<vmem>>, vector<16xi32>,
          %dma_wait3A_470 = arith.constant 2 : i32
          %dma_wait3A_471 = arith.constant 2 : i32
          %dma_wait3A_472 = arith.constant 0 : i32
          %dma_wait3A_473 = arith.constant 0 : i32
          %dma_wait3A_474 = arith.constant 0 : i32
          %dma_wait3A_475 = tpu.memref_slice %arg10[%dma_wait3A_470, %dma_wait3A_472, %dma_wait3A_473, %dma_wait3A_474] : memref<8x24x4x128xf32, #tpu.memory_space<vmem>> -> memref<1x16x4x128xf32, #tpu.memory_space<vmem>>
          %dma_wait3A_476 = tpu.memref_squeeze %dma_wait3A_475 : memref<1x16x4x128xf32, #tpu.memory_space<vmem>> -> memref<16x4x128xf32, #tpu.memory_space<vmem>>
          %dma_wait3A_477 = arith.constant 0 : i32
          %dma_wait3A_478 = arith.constant 0 : i32
          %dma_wait3A_479 = arith.constant 0 : i32
          %dma_wait3A_480 = tpu.memref_slice %arg5[%dma_wait3A_477, %dma_wait3A_478, %dma_wait3A_479] : memref<100000x4x128xf32, #tpu.memory_space<hbm>> -> memref<100000x4x128xf32, #tpu.memory_space<hbm>>
          %dma_wait3A_481 = tpu.memref_slice %arg12[%dma_wait3A_471] : memref<8x!tpu.dma_semaphore, #tpu.memory_space<semaphore_mem>> -> memref<1x!tpu.dma_semaphore, #tpu.memory_space<semaphore_mem>>
          %dma_wait3A_482 = tpu.memref_squeeze %dma_wait3A_481 : memref<1x!tpu.dma_semaphore, #tpu.memory_space<semaphore_mem>> -> memref<!tpu.dma_semaphore, #tpu.memory_space<semaphore_mem>>
          tpu.wait_indirect_dma semaphore(%dma_wait3A_482 : memref<!tpu.dma_semaphore, #tpu.memory_space<semaphore_mem>>) src(%dma_wait3A_476 : memref<16x4x128xf32, #tpu.memory_space<vmem>>) dst(%dma_wait3A_480 : memref<100000x4x128xf32, #tpu.memory_space<hbm>>)
        } else {
        }
        %add3A_439 = arith.constant 3 : i32
        %add3A_440 = arith.addi %mul3A_324, %add3A_439 : i32
        %lt3A_441 = arith.cmpi slt, %add3A_440, %shift_right_arithmetic3A_306 : i32
        %convert_element_type3A_442 = arith.extui %lt3A_441 : i1 to i32
        %cond3A_443 = arith.constant 0 : i32
        %cond3A_444 = arith.cmpi ne, %convert_element_type3A_442, %cond3A_443 : i32
        scf.if %cond3A_444 {
          %get3A = arith.constant 0 : index
          %get3A_469 = tpu.vector_load %arg9[%get3A] {strides = array<i32>} : memref<3152xi32, #tpu.memory_space<vmem>>, vector<16xi32>,
          %dma_wait3A_470 = arith.constant 3 : i32
          %dma_wait3A_471 = arith.constant 3 : i32
          %dma_wait3A_472 = arith.constant 0 : i32
          %dma_wait3A_473 = arith.constant 0 : i32
          %dma_wait3A_474 = arith.constant 0 : i32
          %dma_wait3A_475 = tpu.memref_slice %arg10[%dma_wait3A_470, %dma_wait3A_472, %dma_wait3A_473, %dma_wait3A_474] : memref<8x24x4x128xf32, #tpu.memory_space<vmem>> -> memref<1x16x4x128xf32, #tpu.memory_space<vmem>>
          %dma_wait3A_476 = tpu.memref_squeeze %dma_wait3A_475 : memref<1x16x4x128xf32, #tpu.memory_space<vmem>> -> memref<16x4x128xf32, #tpu.memory_space<vmem>>
          %dma_wait3A_477 = arith.constant 0 : i32
          %dma_wait3A_478 = arith.constant 0 : i32
          %dma_wait3A_479 = arith.constant 0 : i32
          %dma_wait3A_480 = tpu.memref_slice %arg5[%dma_wait3A_477, %dma_wait3A_478, %dma_wait3A_479] : memref<100000x4x128xf32, #tpu.memory_space<hbm>> -> memref<100000x4x128xf32, #tpu.memory_space<hbm>>
          %dma_wait3A_481 = tpu.memref_slice %arg12[%dma_wait3A_471] : memref<8x!tpu.dma_semaphore, #tpu.memory_space<semaphore_mem>> -> memref<1x!tpu.dma_semaphore, #tpu.memory_space<semaphore_mem>>
          %dma_wait3A_482 = tpu.memref_squeeze %dma_wait3A_481 : memref<1x!tpu.dma_semaphore, #tpu.memory_space<semaphore_mem>> -> memref<!tpu.dma_semaphore, #tpu.memory_space<semaphore_mem>>
          tpu.wait_indirect_dma semaphore(%dma_wait3A_482 : memref<!tpu.dma_semaphore, #tpu.memory_space<semaphore_mem>>) src(%dma_wait3A_476 : memref<16x4x128xf32, #tpu.memory_space<vmem>>) dst(%dma_wait3A_480 : memref<100000x4x128xf32, #tpu.memory_space<hbm>>)
        } else {
        }
        %add3A_445 = arith.constant 4 : i32
        %add3A_446 = arith.addi %mul3A_324, %add3A_445 : i32
        %lt3A_447 = arith.cmpi slt, %add3A_446, %shift_right_arithmetic3A_306 : i32
        %convert_element_type3A_448 = arith.extui %lt3A_447 : i1 to i32
        %cond3A_449 = arith.constant 0 : i32
        %cond3A_450 = arith.cmpi ne, %convert_element_type3A_448, %cond3A_449 : i32
        scf.if %cond3A_450 {
          %get3A = arith.constant 0 : index
          %get3A_469 = tpu.vector_load %arg9[%get3A] {strides = array<i32>} : memref<3152xi32, #tpu.memory_space<vmem>>, vector<16xi32>,
          %dma_wait3A_470 = arith.constant 4 : i32
          %dma_wait3A_471 = arith.constant 4 : i32
          %dma_wait3A_472 = arith.constant 0 : i32
          %dma_wait3A_473 = arith.constant 0 : i32
          %dma_wait3A_474 = arith.constant 0 : i32
          %dma_wait3A_475 = tpu.memref_slice %arg10[%dma_wait3A_470, %dma_wait3A_472, %dma_wait3A_473, %dma_wait3A_474] : memref<8x24x4x128xf32, #tpu.memory_space<vmem>> -> memref<1x16x4x128xf32, #tpu.memory_space<vmem>>
          %dma_wait3A_476 = tpu.memref_squeeze %dma_wait3A_475 : memref<1x16x4x128xf32, #tpu.memory_space<vmem>> -> memref<16x4x128xf32, #tpu.memory_space<vmem>>
          %dma_wait3A_477 = arith.constant 0 : i32
          %dma_wait3A_478 = arith.constant 0 : i32
          %dma_wait3A_479 = arith.constant 0 : i32
          %dma_wait3A_480 = tpu.memref_slice %arg5[%dma_wait3A_477, %dma_wait3A_478, %dma_wait3A_479] : memref<100000x4x128xf32, #tpu.memory_space<hbm>> -> memref<100000x4x128xf32, #tpu.memory_space<hbm>>
          %dma_wait3A_481 = tpu.memref_slice %arg12[%dma_wait3A_471] : memref<8x!tpu.dma_semaphore, #tpu.memory_space<semaphore_mem>> -> memref<1x!tpu.dma_semaphore, #tpu.memory_space<semaphore_mem>>
          %dma_wait3A_482 = tpu.memref_squeeze %dma_wait3A_481 : memref<1x!tpu.dma_semaphore, #tpu.memory_space<semaphore_mem>> -> memref<!tpu.dma_semaphore, #tpu.memory_space<semaphore_mem>>
          tpu.wait_indirect_dma semaphore(%dma_wait3A_482 : memref<!tpu.dma_semaphore, #tpu.memory_space<semaphore_mem>>) src(%dma_wait3A_476 : memref<16x4x128xf32, #tpu.memory_space<vmem>>) dst(%dma_wait3A_480 : memref<100000x4x128xf32, #tpu.memory_space<hbm>>)
        } else {
        }
        %add3A_451 = arith.constant 5 : i32
        %add3A_452 = arith.addi %mul3A_324, %add3A_451 : i32
        %lt3A_453 = arith.cmpi slt, %add3A_452, %shift_right_arithmetic3A_306 : i32
        %convert_element_type3A_454 = arith.extui %lt3A_453 : i1 to i32
        %cond3A_455 = arith.constant 0 : i32
        %cond3A_456 = arith.cmpi ne, %convert_element_type3A_454, %cond3A_455 : i32
        scf.if %cond3A_456 {
          %get3A = arith.constant 0 : index
          %get3A_469 = tpu.vector_load %arg9[%get3A] {strides = array<i32>} : memref<3152xi32, #tpu.memory_space<vmem>>, vector<16xi32>,
          %dma_wait3A_470 = arith.constant 5 : i32
          %dma_wait3A_471 = arith.constant 5 : i32
          %dma_wait3A_472 = arith.constant 0 : i32
          %dma_wait3A_473 = arith.constant 0 : i32
          %dma_wait3A_474 = arith.constant 0 : i32
          %dma_wait3A_475 = tpu.memref_slice %arg10[%dma_wait3A_470, %dma_wait3A_472, %dma_wait3A_473, %dma_wait3A_474] : memref<8x24x4x128xf32, #tpu.memory_space<vmem>> -> memref<1x16x4x128xf32, #tpu.memory_space<vmem>>
          %dma_wait3A_476 = tpu.memref_squeeze %dma_wait3A_475 : memref<1x16x4x128xf32, #tpu.memory_space<vmem>> -> memref<16x4x128xf32, #tpu.memory_space<vmem>>
          %dma_wait3A_477 = arith.constant 0 : i32
          %dma_wait3A_478 = arith.constant 0 : i32
          %dma_wait3A_479 = arith.constant 0 : i32
          %dma_wait3A_480 = tpu.memref_slice %arg5[%dma_wait3A_477, %dma_wait3A_478, %dma_wait3A_479] : memref<100000x4x128xf32, #tpu.memory_space<hbm>> -> memref<100000x4x128xf32, #tpu.memory_space<hbm>>
          %dma_wait3A_481 = tpu.memref_slice %arg12[%dma_wait3A_471] : memref<8x!tpu.dma_semaphore, #tpu.memory_space<semaphore_mem>> -> memref<1x!tpu.dma_semaphore, #tpu.memory_space<semaphore_mem>>
          %dma_wait3A_482 = tpu.memref_squeeze %dma_wait3A_481 : memref<1x!tpu.dma_semaphore, #tpu.memory_space<semaphore_mem>> -> memref<!tpu.dma_semaphore, #tpu.memory_space<semaphore_mem>>
          tpu.wait_indirect_dma semaphore(%dma_wait3A_482 : memref<!tpu.dma_semaphore, #tpu.memory_space<semaphore_mem>>) src(%dma_wait3A_476 : memref<16x4x128xf32, #tpu.memory_space<vmem>>) dst(%dma_wait3A_480 : memref<100000x4x128xf32, #tpu.memory_space<hbm>>)
        } else {
        }
        %add3A_457 = arith.constant 6 : i32
        %add3A_458 = arith.addi %mul3A_324, %add3A_457 : i32
        %lt3A_459 = arith.cmpi slt, %add3A_458, %shift_right_arithmetic3A_306 : i32
        %convert_element_type3A_460 = arith.extui %lt3A_459 : i1 to i32
        %cond3A_461 = arith.constant 0 : i32
        %cond3A_462 = arith.cmpi ne, %convert_element_type3A_460, %cond3A_461 : i32
        scf.if %cond3A_462 {
          %get3A = arith.constant 0 : index
          %get3A_469 = tpu.vector_load %arg9[%get3A] {strides = array<i32>} : memref<3152xi32, #tpu.memory_space<vmem>>, vector<16xi32>,
          %dma_wait3A_470 = arith.constant 6 : i32
          %dma_wait3A_471 = arith.constant 6 : i32
          %dma_wait3A_472 = arith.constant 0 : i32
          %dma_wait3A_473 = arith.constant 0 : i32
          %dma_wait3A_474 = arith.constant 0 : i32
          %dma_wait3A_475 = tpu.memref_slice %arg10[%dma_wait3A_470, %dma_wait3A_472, %dma_wait3A_473, %dma_wait3A_474] : memref<8x24x4x128xf32, #tpu.memory_space<vmem>> -> memref<1x16x4x128xf32, #tpu.memory_space<vmem>>
          %dma_wait3A_476 = tpu.memref_squeeze %dma_wait3A_475 : memref<1x16x4x128xf32, #tpu.memory_space<vmem>> -> memref<16x4x128xf32, #tpu.memory_space<vmem>>
          %dma_wait3A_477 = arith.constant 0 : i32
          %dma_wait3A_478 = arith.constant 0 : i32
          %dma_wait3A_479 = arith.constant 0 : i32
          %dma_wait3A_480 = tpu.memref_slice %arg5[%dma_wait3A_477, %dma_wait3A_478, %dma_wait3A_479] : memref<100000x4x128xf32, #tpu.memory_space<hbm>> -> memref<100000x4x128xf32, #tpu.memory_space<hbm>>
          %dma_wait3A_481 = tpu.memref_slice %arg12[%dma_wait3A_471] : memref<8x!tpu.dma_semaphore, #tpu.memory_space<semaphore_mem>> -> memref<1x!tpu.dma_semaphore, #tpu.memory_space<semaphore_mem>>
          %dma_wait3A_482 = tpu.memref_squeeze %dma_wait3A_481 : memref<1x!tpu.dma_semaphore, #tpu.memory_space<semaphore_mem>> -> memref<!tpu.dma_semaphore, #tpu.memory_space<semaphore_mem>>
          tpu.wait_indirect_dma semaphore(%dma_wait3A_482 : memref<!tpu.dma_semaphore, #tpu.memory_space<semaphore_mem>>) src(%dma_wait3A_476 : memref<16x4x128xf32, #tpu.memory_space<vmem>>) dst(%dma_wait3A_480 : memref<100000x4x128xf32, #tpu.memory_space<hbm>>)
        } else {
        }
        %add3A_463 = arith.constant 7 : i32
        %add3A_464 = arith.addi %mul3A_324, %add3A_463 : i32
        %lt3A_465 = arith.cmpi slt, %add3A_464, %shift_right_arithmetic3A_306 : i32
        %convert_element_type3A_466 = arith.extui %lt3A_465 : i1 to i32
        %cond3A_467 = arith.constant 0 : i32
        %cond3A_468 = arith.cmpi ne, %convert_element_type3A_466, %cond3A_467 : i32
        scf.if %cond3A_468 {
          %get3A = arith.constant 0 : index
          %get3A_469 = tpu.vector_load %arg9[%get3A] {strides = array<i32>} : memref<3152xi32, #tpu.memory_space<vmem>>, vector<16xi32>,
          %dma_wait3A_470 = arith.constant 7 : i32
          %dma_wait3A_471 = arith.constant 7 : i32
          %dma_wait3A_472 = arith.constant 0 : i32
          %dma_wait3A_473 = arith.constant 0 : i32
          %dma_wait3A_474 = arith.constant 0 : i32
          %dma_wait3A_475 = tpu.memref_slice %arg10[%dma_wait3A_470, %dma_wait3A_472, %dma_wait3A_473, %dma_wait3A_474] : memref<8x24x4x128xf32, #tpu.memory_space<vmem>> -> memref<1x16x4x128xf32, #tpu.memory_space<vmem>>
          %dma_wait3A_476 = tpu.memref_squeeze %dma_wait3A_475 : memref<1x16x4x128xf32, #tpu.memory_space<vmem>> -> memref<16x4x128xf32, #tpu.memory_space<vmem>>
          %dma_wait3A_477 = arith.constant 0 : i32
          %dma_wait3A_478 = arith.constant 0 : i32
          %dma_wait3A_479 = arith.constant 0 : i32
          %dma_wait3A_480 = tpu.memref_slice %arg5[%dma_wait3A_477, %dma_wait3A_478, %dma_wait3A_479] : memref<100000x4x128xf32, #tpu.memory_space<hbm>> -> memref<100000x4x128xf32, #tpu.memory_space<hbm>>
          %dma_wait3A_481 = tpu.memref_slice %arg12[%dma_wait3A_471] : memref<8x!tpu.dma_semaphore, #tpu.memory_space<semaphore_mem>> -> memref<1x!tpu.dma_semaphore, #tpu.memory_space<semaphore_mem>>
          %dma_wait3A_482 = tpu.memref_squeeze %dma_wait3A_481 : memref<1x!tpu.dma_semaphore, #tpu.memory_space<semaphore_mem>> -> memref<!tpu.dma_semaphore, #tpu.memory_space<semaphore_mem>>
          tpu.wait_indirect_dma semaphore(%dma_wait3A_482 : memref<!tpu.dma_semaphore, #tpu.memory_space<semaphore_mem>>) src(%dma_wait3A_476 : memref<16x4x128xf32, #tpu.memory_space<vmem>>) dst(%dma_wait3A_480 : memref<100000x4x128xf32, #tpu.memory_space<hbm>>)
        } else {
        }
      }
    } else {
    }
    %gt3A_295 = arith.constant 0 : i32
    %gt3A_296 = arith.cmpi sgt, %scan3A_289, %gt3A_295 : i32
    %lt3A = arith.constant 16 : i32
    %lt3A_297 = arith.cmpi slt, %scan3A_289, %lt3A : i32
    %and3A = arith.andi %gt3A_296, %lt3A_297 : i1
    %convert_element_type3A_298 = arith.extui %and3A : i1 to i32
    %cond3A_299 = arith.constant 0 : i32
    %cond3A_300 = arith.cmpi ne, %convert_element_type3A_298, %cond3A_299 : i32
    scf.if %cond3A_300 {
      %get3A = arith.constant 0 : index
      %get3A_301 = tpu.vector_load %arg8[%get3A] {strides = array<i32>} : memref<3152xi32, #tpu.memory_space<vmem>>, vector<16xi32>,
      %get3A_302 = arith.constant 0 : index
      %get3A_303 = tpu.vector_load %arg9[%get3A_302] {strides = array<i32>} : memref<3152xi32, #tpu.memory_space<vmem>>, vector<16xi32>,
      %scan3A_304 = arith.constant 0 : i32
      %scan3A_305 = arith.constant 0 : i32
      %scan3A_306 = arith.constant 16 : i32
      %scan3A_307 = arith.addi %scan3A_305, %scan3A_306 : i32
      %scan3A_308 = arith.constant 1 : i32
      scf.for %scan3A_310 = %scan3A_305 to %scan3A_307 step %scan3A_308  : i32 {
        %lt3A_311 = arith.cmpi slt, %scan3A_310, %scan3A_289 : i32
        %convert_element_type3A_312 = arith.extui %lt3A_311 : i1 to i32
        %cond3A_313 = arith.constant 0 : i32
        %cond3A_314 = arith.cmpi ne, %convert_element_type3A_312, %cond3A_313 : i32
        scf.if %cond3A_314 {
          %eq3A = vector.broadcast %scan3A_310 : i32 to vector<16xi32>
          %eq3A_315 = arith.cmpi eq, %iota3A, %eq3A : vector<16xi32>
          %jit3A = arith.constant -1 : i32
          %broadcast_in_dim3A_316 = vector.broadcast %jit3A : i32 to vector<16xi32>
          %select_n3A = arith.select %eq3A_315, %get3A_301, %broadcast_in_dim3A_316 : vector<16xi1>, vector<16xi32>
          %reduce_max3A = arith.constant true
          %reduce_max3A_317 = vector.broadcast %reduce_max3A : i1 to vector<16xi1>
          %reduce_max3A_318 = arith.constant -2147483648 : i32
          %reduce_max3A_319 = vector.broadcast %reduce_max3A_318 : i32 to vector<16xi32>
          %reduce_max3A_320 = arith.xori %select_n3A, %reduce_max3A_319 : vector<16xi32>
          %reduce_max3A_321 = tpu.scan <max>, %reduce_max3A_320 masked %reduce_max3A_317 : vector<16xi32>, vector<16xi1> -> vector<16xi32>
          %reduce_max3A_322 = arith.xori %reduce_max3A_321, %reduce_max3A_319 : vector<16xi32>
          %reduce_max3A_323 = vector.extract %reduce_max3A_322[15] : i32 from vector<16xi32>
          %eq3A_324 = vector.broadcast %scan3A_310 : i32 to vector<16xi32>
          %eq3A_325 = arith.cmpi eq, %iota3A, %eq3A_324 : vector<16xi32>
          %jit3A_326 = arith.constant -1 : i32
          %broadcast_in_dim3A_327 = vector.broadcast %jit3A_326 : i32 to vector<16xi32>
          %select_n3A_328 = arith.select %eq3A_325, %get3A_303, %broadcast_in_dim3A_327 : vector<16xi1>, vector<16xi32>
          %reduce_max3A_329 = arith.constant true
          %reduce_max3A_330 = vector.broadcast %reduce_max3A_329 : i1 to vector<16xi1>
          %reduce_max3A_331 = arith.constant -2147483648 : i32
          %reduce_max3A_332 = vector.broadcast %reduce_max3A_331 : i32 to vector<16xi32>
          %reduce_max3A_333 = arith.xori %select_n3A_328, %reduce_max3A_332 : vector<16xi32>
          %reduce_max3A_334 = tpu.scan <max>, %reduce_max3A_333 masked %reduce_max3A_330 : vector<16xi32>, vector<16xi1> -> vector<16xi32>
          %reduce_max3A_335 = arith.xori %reduce_max3A_334, %reduce_max3A_332 : vector<16xi32>
          %reduce_max3A_336 = vector.extract %reduce_max3A_335[15] : i32 from vector<16xi32>
          %run_scoped3A = arith.constant 0 : i32
          "tpu.region"() ({
            %run_scoped3A_338 = tpu.sem_alloc : memref<!tpu.dma_semaphore, #tpu.memory_space<semaphore_mem>>
            %dma_start3A_339 = arith.constant 0 : i32
            %dma_start3A_340 = arith.constant 0 : i32
            %dma_start3A_341 = arith.constant 0 : i32
            %dma_start3A_342 = tpu.memref_slice %arg10[%run_scoped3A, %dma_start3A_339, %dma_start3A_340, %dma_start3A_341] : memref<8x24x4x128xf32, #tpu.memory_space<vmem>> -> memref<1x1x4x128xf32, #tpu.memory_space<vmem>>
            %dma_start3A_343 = tpu.memref_squeeze %dma_start3A_342 : memref<1x1x4x128xf32, #tpu.memory_space<vmem>> -> memref<1x4x128xf32, #tpu.memory_space<vmem>>
            %dma_start3A_344 = arith.constant 0 : i32
            %dma_start3A_345 = arith.constant 0 : i32
            %dma_start3A_346 = tpu.memref_slice %arg4[%reduce_max3A_323, %dma_start3A_344, %dma_start3A_345] : memref<16384x4x128xf32, #tpu.memory_space<hbm>> -> memref<1x4x128xf32, #tpu.memory_space<hbm>>
            %dma_start3A_347 = arith.constant 0 : i32
            %dma_start3A_348 = arith.constant 0 : i32
            %dma_start3A_349 = arith.constant 0 : i32
            %dma_start3A_350 = tpu.memref_slice %arg10[%run_scoped3A, %dma_start3A_347, %dma_start3A_348, %dma_start3A_349] : memref<8x24x4x128xf32, #tpu.memory_space<vmem>> -> memref<1x1x4x128xf32, #tpu.memory_space<vmem>>
            %dma_start3A_351 = tpu.memref_squeeze %dma_start3A_350 : memref<1x1x4x128xf32, #tpu.memory_space<vmem>> -> memref<1x4x128xf32, #tpu.memory_space<vmem>>
            %dma_start3A_352 = arith.constant 0 : i32
            %dma_start3A_353 = arith.constant 0 : i32
            %dma_start3A_354 = tpu.memref_slice %arg4[%reduce_max3A_323, %dma_start3A_352, %dma_start3A_353] : memref<16384x4x128xf32, #tpu.memory_space<hbm>> -> memref<1x4x128xf32, #tpu.memory_space<hbm>>
            tpu.enqueue_dma source(%dma_start3A_354 : memref<1x4x128xf32, #tpu.memory_space<hbm>>) target(%dma_start3A_351 : memref<1x4x128xf32, #tpu.memory_space<vmem>>) target_semaphore(%run_scoped3A_338 : memref<!tpu.dma_semaphore, #tpu.memory_space<semaphore_mem>>)
            %dma_wait3A_355 = arith.constant 0 : i32
            %dma_wait3A_356 = arith.constant 0 : i32
            %dma_wait3A_357 = arith.constant 0 : i32
            %dma_wait3A_358 = tpu.memref_slice %arg10[%run_scoped3A, %dma_wait3A_355, %dma_wait3A_356, %dma_wait3A_357] : memref<8x24x4x128xf32, #tpu.memory_space<vmem>> -> memref<1x1x4x128xf32, #tpu.memory_space<vmem>>
            %dma_wait3A_359 = tpu.memref_squeeze %dma_wait3A_358 : memref<1x1x4x128xf32, #tpu.memory_space<vmem>> -> memref<1x4x128xf32, #tpu.memory_space<vmem>>
            %dma_wait3A_360 = arith.constant 0 : i32
            %dma_wait3A_361 = arith.constant 0 : i32
            %dma_wait3A_362 = tpu.memref_slice %arg4[%reduce_max3A_323, %dma_wait3A_360, %dma_wait3A_361] : memref<16384x4x128xf32, #tpu.memory_space<hbm>> -> memref<1x4x128xf32, #tpu.memory_space<hbm>>
            %dma_wait3A_363 = arith.constant 0 : i32
            %dma_wait3A_364 = arith.constant 0 : i32
            %dma_wait3A_365 = arith.constant 0 : i32
            %dma_wait3A_366 = tpu.memref_slice %arg10[%run_scoped3A, %dma_wait3A_363, %dma_wait3A_364, %dma_wait3A_365] : memref<8x24x4x128xf32, #tpu.memory_space<vmem>> -> memref<1x1x4x128xf32, #tpu.memory_space<vmem>>
            %dma_wait3A_367 = tpu.memref_squeeze %dma_wait3A_366 : memref<1x1x4x128xf32, #tpu.memory_space<vmem>> -> memref<1x4x128xf32, #tpu.memory_space<vmem>>
            %dma_wait3A_368 = arith.constant 0 : i32
            %dma_wait3A_369 = arith.constant 0 : i32
            %dma_wait3A_370 = tpu.memref_slice %arg4[%reduce_max3A_323, %dma_wait3A_368, %dma_wait3A_369] : memref<16384x4x128xf32, #tpu.memory_space<hbm>> -> memref<1x4x128xf32, #tpu.memory_space<hbm>>
            tpu.wait_dma2 semaphore(%run_scoped3A_338 : memref<!tpu.dma_semaphore, #tpu.memory_space<semaphore_mem>>) src(%dma_wait3A_370 : memref<1x4x128xf32, #tpu.memory_space<hbm>>) dst(%dma_wait3A_367 : memref<1x4x128xf32, #tpu.memory_space<vmem>>)
            tpu.yield
          }) : () -> ()
          %run_scoped3A_337 = arith.constant 0 : i32
          "tpu.region"() ({
            %run_scoped3A_338 = tpu.sem_alloc : memref<!tpu.dma_semaphore, #tpu.memory_space<semaphore_mem>>
            %dma_start3A_339 = arith.constant 0 : i32
            %dma_start3A_340 = arith.constant 0 : i32
            %dma_start3A_341 = arith.constant 0 : i32
            %dma_start3A_342 = tpu.memref_slice %arg10[%run_scoped3A_337, %dma_start3A_339, %dma_start3A_340, %dma_start3A_341] : memref<8x24x4x128xf32, #tpu.memory_space<vmem>> -> memref<1x1x4x128xf32, #tpu.memory_space<vmem>>
            %dma_start3A_343 = tpu.memref_squeeze %dma_start3A_342 : memref<1x1x4x128xf32, #tpu.memory_space<vmem>> -> memref<1x4x128xf32, #tpu.memory_space<vmem>>
            %dma_start3A_344 = arith.constant 0 : i32
            %dma_start3A_345 = arith.constant 0 : i32
            %dma_start3A_346 = tpu.memref_slice %arg5[%reduce_max3A_336, %dma_start3A_344, %dma_start3A_345] : memref<100000x4x128xf32, #tpu.memory_space<hbm>> -> memref<1x4x128xf32, #tpu.memory_space<hbm>>
            %dma_start3A_347 = arith.constant 0 : i32
            %dma_start3A_348 = arith.constant 0 : i32
            %dma_start3A_349 = tpu.memref_slice %arg5[%reduce_max3A_336, %dma_start3A_347, %dma_start3A_348] : memref<100000x4x128xf32, #tpu.memory_space<hbm>> -> memref<1x4x128xf32, #tpu.memory_space<hbm>>
            %dma_start3A_350 = arith.constant 0 : i32
            %dma_start3A_351 = arith.constant 0 : i32
            %dma_start3A_352 = arith.constant 0 : i32
            %dma_start3A_353 = tpu.memref_slice %arg10[%run_scoped3A_337, %dma_start3A_350, %dma_start3A_351, %dma_start3A_352] : memref<8x24x4x128xf32, #tpu.memory_space<vmem>> -> memref<1x1x4x128xf32, #tpu.memory_space<vmem>>
            %dma_start3A_354 = tpu.memref_squeeze %dma_start3A_353 : memref<1x1x4x128xf32, #tpu.memory_space<vmem>> -> memref<1x4x128xf32, #tpu.memory_space<vmem>>
            tpu.enqueue_dma source(%dma_start3A_354 : memref<1x4x128xf32, #tpu.memory_space<vmem>>) target(%dma_start3A_349 : memref<1x4x128xf32, #tpu.memory_space<hbm>>) target_semaphore(%run_scoped3A_338 : memref<!tpu.dma_semaphore, #tpu.memory_space<semaphore_mem>>)
            %dma_wait3A_355 = arith.constant 0 : i32
            %dma_wait3A_356 = arith.constant 0 : i32
            %dma_wait3A_357 = arith.constant 0 : i32
            %dma_wait3A_358 = tpu.memref_slice %arg10[%run_scoped3A_337, %dma_wait3A_355, %dma_wait3A_356, %dma_wait3A_357] : memref<8x24x4x128xf32, #tpu.memory_space<vmem>> -> memref<1x1x4x128xf32, #tpu.memory_space<vmem>>
            %dma_wait3A_359 = tpu.memref_squeeze %dma_wait3A_358 : memref<1x1x4x128xf32, #tpu.memory_space<vmem>> -> memref<1x4x128xf32, #tpu.memory_space<vmem>>
            %dma_wait3A_360 = arith.constant 0 : i32
            %dma_wait3A_361 = arith.constant 0 : i32
            %dma_wait3A_362 = tpu.memref_slice %arg5[%reduce_max3A_336, %dma_wait3A_360, %dma_wait3A_361] : memref<100000x4x128xf32, #tpu.memory_space<hbm>> -> memref<1x4x128xf32, #tpu.memory_space<hbm>>
            %dma_wait3A_363 = arith.constant 0 : i32
            %dma_wait3A_364 = arith.constant 0 : i32
            %dma_wait3A_365 = tpu.memref_slice %arg5[%reduce_max3A_336, %dma_wait3A_363, %dma_wait3A_364] : memref<100000x4x128xf32, #tpu.memory_space<hbm>> -> memref<1x4x128xf32, #tpu.memory_space<hbm>>
            %dma_wait3A_366 = arith.constant 0 : i32
            %dma_wait3A_367 = arith.constant 0 : i32
            %dma_wait3A_368 = arith.constant 0 : i32
            %dma_wait3A_369 = tpu.memref_slice %arg10[%run_scoped3A_337, %dma_wait3A_366, %dma_wait3A_367, %dma_wait3A_368] : memref<8x24x4x128xf32, #tpu.memory_space<vmem>> -> memref<1x1x4x128xf32, #tpu.memory_space<vmem>>
            %dma_wait3A_370 = tpu.memref_squeeze %dma_wait3A_369 : memref<1x1x4x128xf32, #tpu.memory_space<vmem>> -> memref<1x4x128xf32, #tpu.memory_space<vmem>>
            tpu.wait_dma2 semaphore(%run_scoped3A_338 : memref<!tpu.dma_semaphore, #tpu.memory_space<semaphore_mem>>) src(%dma_wait3A_370 : memref<1x4x128xf32, #tpu.memory_space<vmem>>) dst(%dma_wait3A_365 : memref<1x4x128xf32, #tpu.memory_space<hbm>>)
            tpu.yield
          }) : () -> ()
        } else {
        }
      }
      %scan3A_309 = arith.constant 16 : i32
    } else {
    }
    return
  }
}

</mosaic_0001>

<sc_bundles>
// kernel: kernel.3.cloned.1.call-start
scs
__scs_entry_jumppad:
0x0: {  	(pc) =	sbr.rel $0x88, $3  }
0x1: {  	(tag) =	ssettag $0x0;
	lr =	simm.s32 $0x1  }
0x2: {  	[smem:$0x3F9E] =	sst lr;
	_ =	strace $0xD0000000  }
0x3: {  	_ = 	snop  }
0x4: {  	_ = 	snop  }
0x5: {  	_ = 	snop  }
0x6: {  	_ = 	snop  }
0x7: {  	_ = 	snop  }
__scs_overlays_trampoline_lowered:
0x8: {  	[smem:$0x3FAD] =	sst s0  }
0x9: {  	[smem:$0x3FAE] =	sst s1  }
0xa: {  	[smem:$0x3FAF] =	sst s2  }
0xb: {  	[smem:$0x3FB0] =	sst s3  }
0xc: {  	[smem:$0x3FB1] =	sst s4  }
0xd: {  	[smem:$0x3FB2] =	sst s5  }
0xe: {  	[smem:$0x3FB3] =	sst s6  }
0xf: {  	[smem:$0x3FB4] =	sst s7  }
0x10: {  	[smem:$0x3FB5] =	sst s8  }
0x11: {  	[smem:$0x3FB6] =	sst s9;
	s0 =	simm.s32 @!p0 $0x0  }
0x12: {  	s1 =	sld [smem:$0x3F9C];
	s0 =	simm.s32 @p0 $0x1  }
0x13: {  	[smem:$0x3FB7] =	sst s0;
	s0 =	simm.s32 @!p1 $0x0  }
0x14: {  	s2 =	sld [smem:$0x3F9B];
	s0 =	simm.s32 @p1 $0x1  }
0x15: {  	[smem:$0x3FB8] =	sst s0;
	s0 =	simm.s32 @!p2 $0x0  }
0x16: {  	s3 =	sld [smem:$0x3FDB];
	s0 =	simm.s32 @p2 $0x1  }
0x17: {  	s4 =	simm.s32 $0x1BF5;
	[smem:$0x3FBA] =	sst s0  }
0x18: {  	s0 =	sld [smem:$0x3F9D];
	_ =	swait.ge [sflag:s4], $0x0  }
0x19: {  	s7 =	sld [smem:$0x3F9E]  }
0x1a: {  	s8 =	sadd.s32 $0xFFFFE003, lr  }
0x1b: {  	s9 =	sadd.s32 $0xFFFFFEF7, lr;
	s5 =	simm.s32 $0xFFFFFFFF;
	p2 =	slt.u32 s8, $0xFFFFF086  }
0x1c: {  	p1 =	slt.u32 s9, $0xF7A;
	s5 =	simm.s32 @!p2 $0x0  }
0x1d: {  	s5 =	simm.s32 @p1 $0x1;
	p0 =	seq.s32 s7, s2  }
0x1e: {  	s7 =	smul.u32 @!p0 $0xF7A, s2;
	p2 =	seq.s32 @!p0 s5, $0x0  }
0x1f: {  	s9 =	smul.u32 $0xF7A, s1;
	s8 =	simm.s32 @!p0 $0x1BF5;
	p2 =	por !p2, p0  }
0x20: {  	[sflag:s8] =	ssyncset.s32 @!p0 $0xFFFFF086;
	s6 =	sadd.s32 @!p0 s3, s7;
	s7 =	simm.s32 @!p0 $0x108  }
0x21: {  	s3 =	sadd.s32 s3, s9;
	s6 =	sadd.s32 @!p0 $0x88, s6;
	s7 =	simm.s32 @p2 $0x1082  }
0x22: {  	[simem:s7], [sflag:s8] =	dma.local @!p0 [hbm:s6], $0xF7A  }
0x23: {  	s9 =	sor.u32 $0xD0000000, s2;
	s6 =	simm.s32 $0x108;
	_ =	swait.ge @!p0 [sflag:s8], $0x0  }
0x24: {  	s3 =	sadd.s32 $0x88, s3;
	s6 =	simm.s32 @!p1 $0x1082;
	[sflag:s4] =	ssyncset.s32 $0xFFFFF086  }
0x25: {  	[simem:s6], [sflag:s4] =	dma.local [hbm:s3], $0xF7A  }
0x26: {  	[smem:$0x3F9E] =	sst s1;
	(tag) =	ssettag s2;
	_ =	strace s9  }
0x27: {  	s1 =	sld [smem:$0x3FAE]  }
0x28: {  	s2 =	sld [smem:$0x3FAF]  }
0x29: {  	s4 =	sld [smem:$0x3FB1]  }
0x2a: {  	p0 =	seq.s32 s5, $0x0;
	s5 =	sld [smem:$0x3FB2]  }
0x2b: {  	s6 =	sld [smem:$0x3FB3]  }
0x2c: {  	s7 =	sld [smem:$0x3FB4]  }
0x2d: {  	s3 =	simm.s32 $0x108;
	s8 =	sld [smem:$0x3FB5]  }
0x2e: {  	s3 =	simm.s32 @!p0 $0x1082;
	s9 =	sld [smem:$0x3FB6]  }
0x2f: {  	lr =	sadd.s32 s0, s3;
	s0 =	sld [smem:$0x3FAD]  }
0x30: {  	s3 =	sld [smem:$0x3FB0]  }
0x31: {  	[smem:$0x3FB9] =	sst s10  }
0x32: {  	s10 =	sld [smem:$0x3FB7];
	_ =	sdelay $0x3  }
0x33: {  	p0 =	seq.s32 s10, $0x1;
	s10 =	sld [smem:$0x3FB9];
	_ =	sdelay $0x3  }
0x34: {  	[smem:$0x3FB9] =	sst s10  }
0x35: {  	s10 =	sld [smem:$0x3FB8];
	_ =	sdelay $0x3  }
0x36: {  	p1 =	seq.s32 s10, $0x1;
	s10 =	sld [smem:$0x3FB9];
	_ =	sdelay $0x3  }
0x37: {  	[smem:$0x3FB9] =	sst s10  }
0x38: {  	s10 =	sld [smem:$0x3FBA]  }
0x39: {  	_ = 	snop;
	(pc) =	sbr.ind lr, $3  }
0x3a: {  	_ = 	snop  }
0x3b: {  	_ = 	snop  }
0x3c: {  	p2 =	seq.s32 s10, $0x1;
	s10 =	sld [smem:$0x3FB9]  }
0x3d: {  	_ =	shalt  }
0x3e: {  	_ =	shalt  }
0x3f: {  	_ =	shalt  }
0x40: {  	_ =	shalt  }
0x41: {  	_ =	shalt  }
0x42: {  	_ =	shalt  }
0x43: {  	_ =	shalt  }
0x44: {  	_ =	shalt  }
0x45: {  	_ =	shalt  }
0x46: {  	_ =	shalt  }
0x47: {  	_ =	shalt  }
0x48: {  	_ =	shalt  }
0x49: {  	_ =	shalt  }
0x4a: {  	_ =	shalt  }
0x4b: {  	_ =	shalt  }
0x4c: {  	_ =	shalt  }
0x4d: {  	_ =	shalt  }
0x4e: {  	_ =	shalt  }
0x4f: {  	_ =	shalt  }
0x50: {  	_ =	shalt  }
0x51: {  	_ =	shalt  }
0x52: {  	_ =	shalt  }
0x53: {  	_ =	shalt  }
0x54: {  	_ =	shalt  }
0x55: {  	_ =	shalt  }
0x56: {  	_ =	shalt  }
0x57: {  	_ =	shalt  }
0x58: {  	_ =	shalt  }
0x59: {  	_ =	shalt  }
0x5a: {  	_ =	shalt  }
0x5b: {  	_ =	shalt  }
0x5c: {  	_ =	shalt  }
0x5d: {  	_ =	shalt  }
0x5e: {  	_ =	shalt  }
0x5f: {  	_ =	shalt  }
0x60: {  	_ =	shalt  }
0x61: {  	_ =	shalt  }
0x62: {  	_ =	shalt  }
0x63: {  	_ =	shalt  }
0x64: {  	_ =	shalt  }
0x65: {  	_ =	shalt  }
0x66: {  	_ =	shalt  }
0x67: {  	_ =	shalt  }
0x68: {  	_ =	shalt  }
0x69: {  	_ =	shalt  }
0x6a: {  	_ =	shalt  }
0x6b: {  	_ =	shalt  }
0x6c: {  	_ =	shalt  }
0x6d: {  	_ =	shalt  }
0x6e: {  	_ =	shalt  }
0x6f: {  	_ =	shalt  }
0x70: {  	_ =	shalt  }
0x71: {  	_ =	shalt  }
0x72: {  	_ =	shalt  }
0x73: {  	_ =	shalt  }
0x74: {  	_ =	shalt  }
0x75: {  	_ =	shalt  }
0x76: {  	_ =	shalt  }
0x77: {  	_ =	shalt  }
0x78: {  	_ =	shalt  }
0x79: {  	_ =	shalt  }
0x7a: {  	_ =	shalt  }
0x7b: {  	_ =	shalt  }
0x7c: {  	_ =	shalt  }
0x7d: {  	_ =	shalt  }
0x7e: {  	_ =	shalt  }
0x7f: {  	_ =	shalt  }
0x80: {  	_ =	shalt  }
0x81: {  	_ =	shalt  }
0x82: {  	_ =	shalt  }
0x83: {  	_ =	shalt  }
0x84: {  	_ =	shalt  }
0x85: {  	_ =	shalt  }
0x86: {  	_ =	shalt  }
0x87: {  	_ =	shalt  }
.Lfunc_end0:
.L_simem_size_0:
called_computation_lowered:
.L_overlay_start_0:
0x88: {  	s2 =	sld [smem:$0x3FD9]  }
0x89: {  	s3 =	sld [smem:$0x3FFE];
	_ =	sdelay $0x1  }
0x8a: {  	s1 =	srdreg.scid  }
0x8b: {  	s0 =	sand.u32 $0x1, s1  }
0x8c: {  	s18 =	sshll.u32 s0, $0xA;
	s2 =	sadd.s32 s3, s2  }
0x8d: {  	s2 =	sadd.s32 s2, s18  }
0x8e: {  	[smem:$0x3FC5] =	sst s2  }
0x8f: {  	_ = 	snop  }
0x90: {  	s2 =	sld [smem:$0x3FC9]  }
0x91: {  	s19 =	sld [smem:$0x3FC8]  }
0x92: {  	s4 =	sld [smem:$0x3FC7]  }
0x93: {  	s5 =	sld [smem:$0x3FD0];
	(tm) =	ssettm $0x1  }
0x94: {  	s6 =	sld [smem:$0x3FFB];
	_ =	sdelay $0x3  }
0x95: {  	_ =	strace s6  }
0x96: {  	s6 =	sld [smem:$0x3FFC];
	_ =	sdelay $0x3  }
0x97: {  	_ =	strace s6  }
0x98: {  	s6 =	sld [smem:$0x3FFD];
	_ =	sdelay $0x3  }
0x99: {  	_ =	strace s6  }
0x9a: {  	_ =	strace $0x8FFFFFFF  }
0x9b: {  	s20 =	sld [smem:$0x3FDB];
	_ =	sdelay $0x1  }
0x9c: {  	s7 =	simm.s32 $_scs_section_size  }
0x9d: {  	s8 =	simm.s32 $_size__tile_overlayer_lowered;
	s9 =	simm.s32 $_tile_overlayer_lowered  }
0x9e: {  	s23 =	simm.s32 $0x1BFF;
	s22 =	sshll.u32 s9, $0x1;
	s6 =	sadd.s32 s7, s20  }
0x9f: {  	s10 =	simm.s32 $0x0;
	s21 =	sshll.u32 s8, $0x1;
	s8 =	sadd.s32 s22, s6  }
0xa0: {  	[timem:s10], [sflag:s23] =	dma.local [hbm:s8], s21  }
0xa1: {  	_ =	swait.ge [sflag:s23], s21  }
0xa2: {  	s7 =	ssub.s32 $0x0, s21;
	[sflag:s23] =	ssyncset.done $0x0  }
0xa3: {  	[sflag:s23] =	ssyncadd.s32 s7;
	_ =	sdelay $0x1  }
0xa4: {  	s24 =	simm.s32 $0x1B8B  }
0xa5: {  	_ =	swait.ge [sflag:s24], $0x1  }
0xa6: {  	[sflag:s24] =	ssyncset.done $0x0  }
0xa7: {  	s25 =	simm.s32 $0x1B8E;
	[sflag:s24] =	ssyncadd.s32 $0xFFFFFFFF  }
0xa8: {  	s26 =	simm.s32 $execute0_lowered;
	[smem:$0x3FD2] =	sst s25  }
0xa9: {  	s7 =	sshll.u32 s26, $0x1;
	_ =	strace $0x80000046;
	[dreg:$0x1] =	wrdreg $0xFFFFFFFF  }
0xaa: {  	s28 =	simm.s32 $_size_execute0_lowered;
	s6 =	sadd.s32 s6, s7;
	[dreg:$0x0] =	wrdreg $0x0  }
0xab: {  	s7 =	sshll.u32 s28, $0x1;
	[dreg:$0x2] =	wrdreg s6  }
0xac: {  	[dreg:$0x3] =	wrdreg s7  }
0xad: {  	[dreg:$0x4] =	wrdreg $0xC0  }
0xae: {  	_ =	task [dreg:s10], $0x5FFFF  }
0xaf: {  	[dreg:$0x1] =	wrdreg $0xFFFFFFFF  }
0xb0: {  	[dreg:$0x0] =	wrdreg $0x60  }
0xb1: {  	[dreg:$0x2] =	wrdreg s2  }
0xb2: {  	[dreg:$0x3] =	wrdreg s19  }
0xb3: {  	[dreg:$0x4] =	wrdreg s4  }
0xb4: {  	[dreg:$0x5] =	wrdreg s5  }
0xb5: {  	[dreg:$0x6] =	wrdreg $0x9  }
0xb6: {  	_ =	task.clear_ibuf [dreg:s10], $0x7FFFF;
	_ =	strace $0x90000046  }
0xb7: {  	s29 =	simm.s32 $0x9;
	_ =	strace $0x80000048  }
0xb8: {  	_ =	swait.ge [sflag:s29], $0x1  }
0xb9: {  	[sflag:s29] =	ssyncadd.s32 $0xFFFFFFFF  }
0xba: {  	_ =	strace $0x90000048  }
0xbb: {  	_ =	sfence  }
0xbc: {  	s30 =	sld [smem:$0x0];
	_ =	sdelay $0x2  }
0xbd: {  	s31 =	sshll.u32 s1, $0xD;
	s1 =	sshrl.u32 s1, $0x2  }
0xbe: {  	s3 =	sand.u32 $0x4000, s31;
	s1 =	sadd.s32 s1, s30  }
0xbf: {  	s0 =	sor.u32 s3, s0;
	s1 =	sshll.u32 s1, $0x11  }
0xc0: {  	s0 =	sor.u32 s1, s0  }
0xc1: {  	s0 =	sadd.s32 $0x8F2B, s0  }
0xc2: {  	[sflag:s0] =	ssyncadd.remote.s32 $0x1  }
0xc3: {  	_ =	sfence.sel $0xFFFF  }
0xc4: {  	[dreg:$0x0] =	wrdreg $0xFFFFFFFF;
	(pc) =	sbr.abs _section_cstart, $3  }
0xc5: {  	[dreg:$0x1] =	wrdreg $0xFFFFFFFF  }
0xc6: {  	_ =	task.clear_ibuf [dreg:s10], $0x2FFFF;
	_ =	strace $0x9FFFFFFF  }
0xc7: {  	(tm) =	ssettm $0x7FFFFFFF  }
tec
execute0_lowered:
.L_overlay_start_1:
0x0: {  	(tag) =	ssettag $0x1  }
0x1: {  	s7 =	rddreg [dreg:$0x0];
	s0 =	srdreg.scid  }
0x2: {  	s24 =	rddreg [dreg:$0x3];
	s8 =	stileid.u32;
	s0 =	sand.u32 $0x1, s0  }
0x3: {  	s2 =	simm.s32 $0x0;
	s25 =	smul.u32 $0xC35, s8;
	s1 =	sshll.u32 s0, $0x4  }
0x4: {  	s17 =	ssub.s32 $0x2, s0;
	s0 =	smul.u32 $0xC350, s0;
	s1 =	sor.u32 s8, s1  }
0x5: {  	[smem:$0x7FF] =	sst s2;
	s9 =	smul.u32 $0xC35, s1  }
0x6: {  	_ =	strace $0x80000047;
	s4 =	sshrl.u32 s17, $0x1;
	s3 =	smul.u32 $0x30D4, s1  }
0x7: {  	s1 =	smul.u32 $0x30D40, s1;
	s2 =	ssub.s32 s17, s4;
	s0 =	sadd.s32 s25, s0  }
0x8: {  	s31 =	smax.u32 s2, $0x1;
	s0 =	sand.u32 $0x1FFF8, s0;
	[dreg:$0x5] =	wrdreg s9  }
0x9: {  	s5 =	sand.u32 $0x1FFF8, s9;
	s3 =	sadd.s32 $0x30D4, s3;
	[dreg:$0x10] =	wrdreg s31  }
0xa: {  	s1 =	sand.u32 $0x7FFE00, s1;
	s22 =	sadd.s32 $0xC0, s9;
	[dreg:$0x11] =	wrdreg s0  }
0xb: {  	s23 =	sadd.s32 $0xD8, s9;
	s26 =	sadd.s32 $0xF0, s9;
	[dreg:$0xa] =	wrdreg s22  }
0xc: {  	s28 =	sadd.s32 $0x108, s9;
	s18 =	sshll.u32 s5, $0x6;
	[dreg:$0xb] =	wrdreg s23  }
0xd: {  	s3 =	sshrl.u32 s3, $0x2;
	s1 =	sadd.s32 s7, s1;
	[dreg:$0xc] =	wrdreg s26  }
0xe: {  	[dreg:$0xd] =	wrdreg s28;
	s6 =	sadd.s32 s7, s18;
	s3 =	sand.u32 $0x3FFF8, s3  }
0xf: {  	[dreg:$0x6] =	wrdreg s1;
	s4 =	sadd.s32 $0x30C00, s18;
	s19 =	sadd.s32 $0x600, s6  }
0x10: {  	s20 =	sadd.s32 $0xC00, s6;
	s21 =	sadd.s32 $0x1200, s6;
	[dreg:$0x7] =	wrdreg s19  }
.Ltmp0:
0x11: {  	s29 =	ssub.s32 s3, s5;
	[dreg:$0x8] =	wrdreg s20;
	(pc) =	sbr.rel .LBB2_1-.Ltmp0, $4  }
0x12: {  	s7 =	sadd.s32 s7, s4;
	[dreg:$0x9] =	wrdreg s21;
	p0 =	slt.s32 s29, $0xC31  }
0x13: {  	s30 =	sadd.s32 s24, s4;
	[dreg:$0xe] =	wrdreg s7;
	s0 =	simm.s32 @!p0 $0x0  }
0x14: {  	v2 =	vlaneseq.u32;
	[dreg:$0xf] =	wrdreg s30;
	s0 =	simm.s32 @p0 $0x1  }
0x15: {  	v3 =	vimm.s32 $0x0;
	v0 =	vmov s5;
	v1 =	vmov s3;
	s3 =	simm.s32 $0x0;
	[smem:$0x7FD] =	sst s0  }
.LBB2_41:
0x16: {  	s3 =	sadd.s32 $0x1, s3;
	s0 =	rddreg [dreg:$0x10]  }
0x17: {  	p0 =	sne.s32 s3, s0  }
.Ltmp1:
0x18: {  	_ = 	snop;
	(pc) =	sbr.rel @!p0 .LBB2_42-.Ltmp1, $1  }
0x19: {  	_ =	sdelay $0x3  }
.LBB2_1:
0x1a: {  	[dreg:$0x12] =	wrdreg s3  }
0x1b: {  	s1 =	simm.s32 $0x0;
	s0 =	rddreg [dreg:$0x6]  }
0x1c: {  	s2 =	simm.s32 $0x6580;
	s3 =	simm.s32 $0x9580;
	s4 =	rddreg [dreg:$0x8]  }
0x1d: {  	s5 =	simm.s32 $0xC580;
	s6 =	rddreg [dreg:$0x9];
	s7 =	simm.s32 $0xF580  }
0x1e: {  	s8 =	rddreg [dreg:$0x1];
	s9 =	simm.s32 $0x11;
	s18 =	simm.s32 $0xFFFFF3C0  }
0x1f: {  	s31 =	simm.s32 $0xFFFFF460;
	s11 =	simm.s32 $0x40A0;
	s10 =	simm.s32 $0xFFFFF500  }
0x20: {  	s12 =	simm.s32 $0x14;
	s13 =	simm.s32 $0xFFFFF5A0;
	s22 =	simm.s32 $0x1E  }
0x21: {  	[tilespmem:s2], [sflag:$0x1] =	stream.linear.gather [hbm4b:s0+s1], $0x3000, $0x38;
	[tilespmem:$0x1E580] =	vst v63  }
0x22: {  	s23 =	simm.s32 $0x41E0;
	s14 =	simm.s32 $0xFFFFF640;
	s2 =	rddreg [dreg:$0x7]  }
0x23: {  	[tilespmem:s3], [sflag:$0x2] =	stream.linear.gather [hbm4b:s2+s1], $0x3000, $0x38;
	[tilespmem:$0x1E580] =	vst v63  }
0x24: {  	s15 =	simm.s32 $0xFFFFF6E0;
	s28 =	simm.s32 $0x32;
	s29 =	simm.s32 $0x4320  }
0x25: {  	[tilespmem:s5], [sflag:$0x3] =	stream.linear.gather [hbm4b:s4+s1], $0x3000, $0x38;
	[tilespmem:$0x1E580] =	vst v63  }
0x26: {  	s16 =	simm.s32 $0xFFFFF780;
	s17 =	simm.s32 $0xFFFFF820;
	s20 =	simm.s32 $0x46  }
0x27: {  	[tilespmem:s7], [sflag:$0x4] =	stream.linear.gather [hbm4b:s6+s1], $0x3000, $0x38;
	[tilespmem:$0x1E580] =	vst v63  }
0x28: {  	s21 =	simm.s32 $0x4460;
	s30 =	simm.s32 $0xFFFFF820;
	s25 =	simm.s32 $0xFFFFF6E0  }
0x29: {  	[tilespmem:s1], [sflag:$0x11] =	stream.linear.gather [hbm4b:s8+s1], $0x4000, $0x38;
	[tilespmem:$0x1E580] =	vst v63  }
0x2a: {  	s26 =	simm.s32 $0xFFFFF640;
	_ =	swait.ge [sflag:s9], $0x4000;
	[dreg:$0x15] =	wrdreg s10  }
0x2b: {  	s19 =	simm.s32 $0xFFFFF460;
	s0 =	simm.s32 $0xFFFFF500;
	[dreg:$0x16] =	wrdreg s12  }
0x2c: {  	s3 =	simm.s32 $0xFFFFF780;
	s4 =	simm.s32 $0xA;
	[dreg:$0x17] =	wrdreg s13  }
0x2d: {  	s5 =	simm.s32 $0x0;
	s7 =	simm.s32 $0x4000;
	[dreg:$0x18] =	wrdreg s14  }
.Ltmp2:
0x2e: {  	s6 =	simm.s32 $0xFFFFF5A0;
	[dreg:$0x19] =	wrdreg s15;
	(pc) =	sbr.rel .LBB2_2-.Ltmp2, $4  }
0x2f: {  	s1 =	simm.s32 $0x3C;
	s8 =	simm.s32 $0xFFFFF3C0;
	[dreg:$0x1a] =	wrdreg s16  }
0x30: {  	s10 =	simm.s32 $0x4140;
	s13 =	simm.s32 $0x28;
	[dreg:$0x1b] =	wrdreg s17  }
0x31: {  	s14 =	simm.s32 $0x4280;
	[dreg:$0x1c] =	wrdreg s19;
	[sflag:s9] =	ssyncset.done $0x0  }
0x32: {  	s17 =	simm.s32 $0x0;
	[sflag:s9] =	ssyncadd.s32 $0xFFFFC000;
	s9 =	simm.s32 $0x43C0  }
.LBB2_30:
0x33: {  	s8 =	rddreg [dreg:$0x1d]  }
0x34: {  	s7 =	rddreg [dreg:$0x13]  }
0x35: {  	s2 =	rddreg [dreg:$0x1c]  }
0x36: {  	s17 =	sadd.s32 $0x1, s17;
	s18 =	sadd.s32 $0x500, s18;
	s11 =	rddreg [dreg:$0x14]  }
0x37: {  	s5 =	sadd.s32 $0x50, s5;
	s31 =	sadd.s32 $0x500, s31;
	s15 =	rddreg [dreg:$0x15]  }
0x38: {  	s4 =	sadd.s32 $0x50, s4;
	s0 =	sadd.s32 $0x500, s0;
	s16 =	rddreg [dreg:$0x16]  }
0x39: {  	s10 =	sadd.s32 $0x500, s10;
	s6 =	sadd.s32 $0x500, s6;
	s19 =	rddreg [dreg:$0x17]  }
0x3a: {  	s22 =	sadd.s32 $0x50, s22;
	s23 =	sadd.s32 $0x500, s23;
	s26 =	sadd.s32 $0x500, s26  }
0x3b: {  	s12 =	rddreg [dreg:$0x18];
	s13 =	sadd.s32 $0x50, s13;
	s2 =	sadd.s32 $0x500, s2  }
0x3c: {  	s14 =	sadd.s32 $0x500, s14;
	s25 =	sadd.s32 $0x500, s25;
	[dreg:$0x1c] =	wrdreg s2  }
0x3d: {  	s28 =	sadd.s32 $0x50, s28;
	s2 =	sadd.s32 $0x500, s15;
	s15 =	rddreg [dreg:$0x19]  }
0x3e: {  	s29 =	sadd.s32 $0x500, s29;
	s3 =	sadd.s32 $0x500, s3;
	[dreg:$0x15] =	wrdreg s2  }
0x3f: {  	s1 =	sadd.s32 $0x50, s1;
	s2 =	sadd.s32 $0x50, s16;
	s16 =	rddreg [dreg:$0x1a]  }
0x40: {  	s9 =	sadd.s32 $0x500, s9;
	s30 =	sadd.s32 $0x500, s30;
	[dreg:$0x16] =	wrdreg s2  }
0x41: {  	p0 =	sne.s32 s17, $0x11;
	s2 =	sadd.s32 $0x500, s19;
	s19 =	rddreg [dreg:$0x1b]  }
.Ltmp3:
0x42: {  	[dreg:$0x17] =	wrdreg s2;
	s2 =	sadd.s32 $0x500, s12;
	(pc) =	sbr.rel @!p0 .LBB2_31-.Ltmp3, $4  }
0x43: {  	s20 =	sadd.s32 $0x50, s20;
	[dreg:$0x18] =	wrdreg s2;
	s2 =	sadd.s32 $0x500, s15  }
0x44: {  	s21 =	sadd.s32 $0x500, s21;
	[dreg:$0x19] =	wrdreg s2;
	s2 =	sadd.s32 $0x500, s16  }
0x45: {  	s8 =	sadd.s32 $0x500, s8;
	[dreg:$0x1a] =	wrdreg s2;
	s2 =	sadd.s32 $0x500, s19  }
0x46: {  	s7 =	sadd.s32 $0x500, s7;
	s11 =	sadd.s32 $0x500, s11;
	[dreg:$0x1b] =	wrdreg s2  }
.LBB2_2:
0x47: {  	v5 =	vmov s8  }
0x48: {  	p0 =	sgt.u32 s5, $0xC3  }
0x49: {  	p1 =	sgt.u32 @p0 s5, $0x4C3  }
0x4a: {  	p2 =	por p1, !p0  }
0x4b: {  	s2 =	simm.s32 @!p2 $0x0  }
0x4c: {  	v4 =	vld.idx.msk @!p2 [tilespmem:v5+s2+$0x0 ss:$0x1], $0xffff;
	_ =	sdelay $0x4  }
0x4d: {  	vm0 =	vge.s32 @!p2 v4, v0;
	vm1 =	vlt.s32 @!p2 v4, v1  }
0x4e: {  	vm0 =	vmand @!p2 vm0, vm1  }
0x4f: {  	(xrf1) =	vunique.msk.u32 @!p2 vm0, v4;
	_ =	sdelay $0xd  }
0x50: {  	_, v6, vm1 =	vpop @!p2 (xrf1)  }
0x51: {  	v4 =	vsub.s32 @!p2 v4, v0;
	vm0 =	vmand @!p2 vm0, vm1  }
0x52: {  	v6 =	vnsel @!p2 vm0, $0x0, v4  }
0x53: {  	v4 =	vmov s7  }
0x54: {  	[dreg:$0x13] =	wrdreg s7;
	s7 =	sadd.s32 $0x1, s5  }
0x55: {  	v7 =	vlaneseq.u32 @!p2;
	p1 =	sgt.u32 s7, $0xC3  }
0x56: {  	p3 =	por p0, p0;
	v7 =	vor.u32 @!p2 s18, v7;
	s2 =	simm.s32 @!p2 $0x4000;
	p0 =	sgt.u32 @p1 s7, $0x4C3  }
0x57: {  	p0 =	por p0, !p1;
	[tilespmem:v6+s2+$0x0] =	vst.idx.msk @!p2 vm0, v7;
	s2 =	simm.s32 @!p3 $0x0;
	v6 =	vimm.s32 @!p3 $0xFFFFFFFF  }
0x58: {  	s12 =	simm.s32 @!p0 $0x10;
	[tilespmem:v4+s2+$0x0 ss:$0x1] =	vst.idx.msk @!p3 $0xffff, v6  }
0x59: {  	v6 =	vld.idx.msk @!p0 [tilespmem:v5+s12+$0x0 ss:$0x1], $0xffff;
	_ =	sdelay $0x4  }
0x5a: {  	vm0 =	vge.s32 @!p0 v6, v0;
	vm1 =	vlt.s32 @!p0 v6, v1  }
0x5b: {  	vm0 =	vmand @!p0 vm0, vm1  }
0x5c: {  	(xrf1) =	vunique.msk.u32 @!p0 vm0, v6;
	_ =	sdelay $0xd  }
0x5d: {  	_, v7, vm1 =	vpop @!p0 (xrf1)  }
0x5e: {  	v6 =	vsub.s32 @!p0 v6, v0;
	vm0 =	vmand @!p0 vm0, vm1  }
0x5f: {  	v6 =	vnsel @!p0 vm0, $0x0, v6  }
0x60: {  	[dreg:$0x1d] =	wrdreg s8;
	s16 =	simm.s32 $0x40;
	s7 =	sadd.s32 $0x1, s7  }
0x61: {  	p2 =	por p1, p1;
	s2 =	simm.s32 $0x80;
	s12 =	smov.u32 s18  }
.LBB2_3:
0x62: {  	p3 =	sgt.u32 s7, $0xC3;
	v7 =	vlaneseq.u32 @!p0;
	s12 =	sadd.s32 $0x10, s12;
	s15 =	smov.u32 s2  }
0x63: {  	s2 =	sadd.s32 $0x40, s2;
	s19 =	simm.s32 @!p0 $0x4000;
	p4 =	sgt.u32 @p3 s7, $0x4C3;
	v7 =	vor.u32 @!p0 s12, v7  }
0x64: {  	s16 =	sshra.s32 @!p2 s16, $0x2;
	p1 =	sne.s32 s2, $0x280;
	[tilespmem:v6+s19+$0x0] =	vst.idx.msk @!p0 vm0, v7;
	p0 =	por p4, !p3;
	v6 =	vimm.s32 @!p2 $0xFFFFFFFF  }
0x65: {  	s19 =	sshra.s32 @!p0 s15, $0x2;
	[tilespmem:v4+s16+$0x0 ss:$0x1] =	vst.idx.msk @!p2 $0xffff, v6;
	s16 =	smov.u32 s15;
	p2 =	por p3, p3  }
0x66: {  	v6 =	vld.idx.msk @!p0 [tilespmem:v5+s19+$0x0 ss:$0x1], $0xffff;
	_ =	sdelay $0x5  }
0x67: {  	vm0 =	vge.s32 @!p0 v6, v0;
	vm1 =	vlt.s32 @!p0 v6, v1  }
0x68: {  	vm0 =	vmand @!p0 vm0, vm1  }
0x69: {  	(xrf1) =	vunique.msk.u32 @!p0 vm0, v6;
	_ =	sdelay $0xd  }
.Ltmp4:
0x6a: {  	_, v7, vm1 =	vpop @!p0 (xrf1);
	(pc) =	sbr.rel @p1 .LBB2_3-.Ltmp4, $3  }
0x6b: {  	v6 =	vsub.s32 @!p0 v6, v0;
	vm0 =	vmand @!p0 vm0, vm1  }
0x6c: {  	v6 =	vnsel @!p0 vm0, $0x0, v6;
	_ =	sdelay $0x1  }
0x6d: {  	s7 =	sadd.s32 $0x1, s7  }
0x6e: {  	_ = 	snop  }
0x6f: {  	s2 =	sshll.u32 s17, $0x3  }
0x70: {  	s8 =	sor.u32 $0x4, s2  }
0x71: {  	v5 =	vlaneseq.u32 @!p0;
	s7 =	sadd.s32 $0x10, s12;
	p1 =	sgt.u32 s8, $0x81  }
0x72: {  	v5 =	vor.u32 @!p0 s7, v5;
	s7 =	simm.s32 @!p0 $0x4000;
	p3 =	seq.s32 @!p1 s17, $0x0  }
0x73: {  	[tilespmem:v6+s7+$0x0] =	vst.idx.msk @!p0 vm0, v5;
	s7 =	sshra.s32 @!p2 s16, $0x2;
	v5 =	vimm.s32 @!p2 $0xFFFFFFFF;
	p0 =	por p3, p1  }
0x74: {  	[dreg:$0x1f] =	wrdreg s8;
	s12 =	smul.u32 @!p1 $0x18, s8;
	[tilespmem:v4+s7+$0x0 ss:$0x1] =	vst.idx.msk @!p2 $0xffff, v5;
	s7 =	simm.s32 @!p0 $0xD  }
0x75: {  	s8 =	rddreg [dreg:$0x5];
	_ =	swait.ge @!p0 [sflag:s7], $0x3000  }
0x76: {  	s12 =	sadd.s32 @!p1 s8, s12;
	[sflag:s7] =	ssyncset.done @!p0 $0x0  }
0x77: {  	s12 =	sshll.u32 @!p1 s12, $0x6;
	[sflag:s7] =	ssyncadd.s32 @!p0 $0xFFFFD000  }
0x78: {  	s19 =	smul.u32 $0xC0, s17;
	s12 =	sand.u32 @!p1 $0x1FFFFE00, s12;
	s7 =	rddreg [dreg:$0x0]  }
0x79: {  	s15 =	simm.s32 @!p1 $0x12580;
	s7 =	sadd.s32 @!p1 s7, s12;
	s12 =	simm.s32 @!p1 $0x0  }
0x7a: {  	[tilespmem:s15], [sflag:$0x5] =	stream.linear.gather @!p1 [hbm4b:s7+s12], $0x3000, $0x38;
	[tilespmem:$0x1E580] =	vst v63  }
0x7b: {  	s12 =	sadd.s32 s8, s19  }
0x7c: {  	[dreg:$0x1e] =	wrdreg s19;
	s15 =	simm.s32 $0x1;
	s7 =	sshll.u32 s12, $0x6  }
0x7d: {  	_ =	swait.ge [sflag:s15], $0x3000;
	s7 =	sand.u32 $0x1FFFFE00, s7  }
0x7e: {  	s7 =	sadd.s32 s24, s7;
	s24 =	rddreg [dreg:$0x1c]  }
0x7f: {  	p0 =	sgt.u32 s4, $0xC3;
	v4 =	vmov s24  }
0x80: {  	s16 =	simm.s32 $0x0;
	p2 =	sgt.u32 @p0 s4, $0x4C3;
	[sflag:s15] =	ssyncset.done $0x0  }
0x81: {  	p3 =	por p2, !p0;
	s19 =	simm.s32 $0x6580;
	[sflag:s15] =	ssyncadd.s32 $0xFFFFD000  }
0x82: {  	[hbm4b:s7+s16] =	stream.linear.scatter [tilespmem:s19], [sflag:$0x9], $0x3000, $0x38;
	[tilespmem:$0x1E580] =	vst v63  }
0x83: {  	s7 =	simm.s32 @!p3 $0x0  }
0x84: {  	v5 =	vld.idx.msk @!p3 [tilespmem:v4+s7+$0x0 ss:$0x1], $0xffff;
	_ =	sdelay $0x4  }
0x85: {  	vm0 =	vge.s32 @!p3 v5, v0;
	vm1 =	vlt.s32 @!p3 v5, v1  }
0x86: {  	vm0 =	vmand @!p3 vm0, vm1  }
0x87: {  	(xrf1) =	vunique.msk.u32 @!p3 vm0, v5;
	_ =	sdelay $0xd  }
0x88: {  	_, v6, vm1 =	vpop @!p3 (xrf1)  }
0x89: {  	v5 =	vsub.s32 @!p3 v5, v0;
	vm0 =	vmand @!p3 vm0, vm1  }
0x8a: {  	v6 =	vnsel @!p3 vm0, $0x0, v5  }
0x8b: {  	v5 =	vmov s11  }
0x8c: {  	s7 =	sadd.s32 $0x1, s4  }
0x8d: {  	v7 =	vlaneseq.u32 @!p3;
	p2 =	sgt.u32 s7, $0xC3  }
0x8e: {  	p4 =	por p0, p0;
	v7 =	vor.u32 @!p3 s31, v7;
	s12 =	simm.s32 @!p3 $0x4000;
	p0 =	sgt.u32 @p2 s7, $0x4C3  }
0x8f: {  	p0 =	por p0, !p2;
	[tilespmem:v6+s12+$0x0] =	vst.idx.msk @!p3 vm0, v7;
	s12 =	simm.s32 @!p4 $0x0;
	v6 =	vimm.s32 @!p4 $0xFFFFFFFF  }
0x90: {  	s15 =	simm.s32 @!p0 $0x10;
	[tilespmem:v5+s12+$0x0 ss:$0x1] =	vst.idx.msk @!p4 $0xffff, v6  }
0x91: {  	v6 =	vld.idx.msk @!p0 [tilespmem:v4+s15+$0x0 ss:$0x1], $0xffff;
	_ =	sdelay $0x4  }
0x92: {  	vm0 =	vge.s32 @!p0 v6, v0;
	vm1 =	vlt.s32 @!p0 v6, v1  }
0x93: {  	vm0 =	vmand @!p0 vm0, vm1  }
0x94: {  	(xrf1) =	vunique.msk.u32 @!p0 vm0, v6;
	_ =	sdelay $0xd  }
0x95: {  	_, v7, vm1 =	vpop @!p0 (xrf1)  }
0x96: {  	v6 =	vsub.s32 @!p0 v6, v0;
	vm0 =	vmand @!p0 vm0, vm1  }
0x97: {  	[dreg:$0x14] =	wrdreg s11;
	v6 =	vnsel @!p0 vm0, $0x0, v6  }
0x98: {  	s16 =	sor.u32 $0x1, s2;
	s19 =	smov.u32 s31;
	s7 =	sadd.s32 $0x1, s7  }
0x99: {  	p3 =	por p2, p2;
	s12 =	simm.s32 $0x40;
	s15 =	simm.s32 $0x80  }
.LBB2_5:
0x9a: {  	p4 =	sgt.u32 s7, $0xC3;
	v7 =	vlaneseq.u32 @!p0;
	s19 =	sadd.s32 $0x10, s19;
	s11 =	smov.u32 s15  }
0x9b: {  	s15 =	sadd.s32 $0x40, s15;
	s24 =	simm.s32 @!p0 $0x4000;
	p5 =	sgt.u32 @p4 s7, $0x4C3;
	v7 =	vor.u32 @!p0 s19, v7  }
0x9c: {  	s12 =	sshra.s32 @!p3 s12, $0x2;
	p2 =	sne.s32 s15, $0x280;
	[tilespmem:v6+s24+$0x0] =	vst.idx.msk @!p0 vm0, v7;
	p0 =	por p5, !p4;
	v6 =	vimm.s32 @!p3 $0xFFFFFFFF  }
0x9d: {  	s24 =	sshra.s32 @!p0 s11, $0x2;
	[tilespmem:v5+s12+$0x0 ss:$0x1] =	vst.idx.msk @!p3 $0xffff, v6;
	s12 =	smov.u32 s11;
	p3 =	por p4, p4  }
0x9e: {  	v6 =	vld.idx.msk @!p0 [tilespmem:v4+s24+$0x0 ss:$0x1], $0xffff;
	_ =	sdelay $0x5  }
0x9f: {  	vm0 =	vge.s32 @!p0 v6, v0;
	vm1 =	vlt.s32 @!p0 v6, v1  }
0xa0: {  	vm0 =	vmand @!p0 vm0, vm1  }
0xa1: {  	(xrf1) =	vunique.msk.u32 @!p0 vm0, v6;
	_ =	sdelay $0xd  }
.Ltmp5:
0xa2: {  	_, v7, vm1 =	vpop @!p0 (xrf1);
	(pc) =	sbr.rel @p2 .LBB2_5-.Ltmp5, $3  }
0xa3: {  	v6 =	vsub.s32 @!p0 v6, v0;
	vm0 =	vmand @!p0 vm0, vm1  }
0xa4: {  	v6 =	vnsel @!p0 vm0, $0x0, v6;
	_ =	sdelay $0x1  }
0xa5: {  	s7 =	sadd.s32 $0x1, s7  }
0xa6: {  	_ =	sdelay $0x1  }
0xa7: {  	s8 =	sor.u32 $0x5, s2  }
0xa8: {  	v4 =	vlaneseq.u32 @!p0;
	s7 =	sadd.s32 $0x10, s19;
	p2 =	sgt.u32 s8, $0x81  }
0xa9: {  	v4 =	vor.u32 @!p0 s7, v4;
	s7 =	simm.s32 @!p0 $0x4000;
	p4 =	seq.s32 @!p2 s17, $0x0  }
0xaa: {  	[tilespmem:v6+s7+$0x0] =	vst.idx.msk @!p0 vm0, v4;
	s7 =	sshra.s32 @!p3 s12, $0x2;
	v4 =	vimm.s32 @!p3 $0xFFFFFFFF;
	p0 =	por p4, p2  }
0xab: {  	[smem:$0x7FC] =	sst s8;
	s11 =	smul.u32 @!p2 $0x18, s8;
	[tilespmem:v5+s7+$0x0 ss:$0x1] =	vst.idx.msk @!p3 $0xffff, v4;
	s7 =	simm.s32 @!p0 $0xE  }
0xac: {  	s8 =	rddreg [dreg:$0x5];
	_ =	swait.ge @!p0 [sflag:s7], $0x3000  }
0xad: {  	s11 =	sadd.s32 @!p2 s8, s11;
	[sflag:s7] =	ssyncset.done @!p0 $0x0  }
0xae: {  	s11 =	sshll.u32 @!p2 s11, $0x6;
	[sflag:s7] =	ssyncadd.s32 @!p0 $0xFFFFD000  }
0xaf: {  	s15 =	smul.u32 $0x18, s16;
	s11 =	sand.u32 @!p2 $0x1FFFFE00, s11;
	s7 =	rddreg [dreg:$0x0]  }
0xb0: {  	s12 =	simm.s32 @!p2 $0x15580;
	s7 =	sadd.s32 @!p2 s7, s11;
	s11 =	simm.s32 @!p2 $0x0  }
0xb1: {  	[tilespmem:s12], [sflag:$0x6] =	stream.linear.gather @!p2 [hbm4b:s7+s11], $0x3000, $0x38;
	[tilespmem:$0x1E580] =	vst v63  }
0xb2: {  	s12 =	sadd.s32 s8, s15;
	s15 =	simm.s32 $0x2  }
0xb3: {  	_ =	swait.ge [sflag:s15], $0x3000  }
0xb4: {  	[sflag:s15] =	ssyncset.done $0x0  }
0xb5: {  	s7 =	sshll.u32 s12, $0x6;
	[sflag:s15] =	ssyncadd.s32 $0xFFFFD000  }
0xb6: {  	s7 =	sand.u32 $0x1FFFFE00, s7;
	s24 =	rddreg [dreg:$0x3]  }
0xb7: {  	s16 =	simm.s32 $0x0;
	s19 =	simm.s32 $0x9580;
	s7 =	sadd.s32 s24, s7  }
0xb8: {  	[hbm4b:s7+s16] =	stream.linear.scatter [tilespmem:s19], [sflag:$0xA], $0x3000, $0x38;
	[tilespmem:$0x1E580] =	vst v63  }
0xb9: {  	s16 =	sor.u32 $0x2, s2  }
0xba: {  	p0 =	sgt.u32 s16, $0x81  }
.Ltmp6:
0xbb: {  	_ = 	snop;
	(pc) =	sbr.rel @p0 .LBB2_10-.Ltmp6, $1  }
0xbc: {  	_ =	sdelay $0x3  }
0xbd: {  	s8 =	rddreg [dreg:$0x16]  }
0xbe: {  	p4 =	sgt.u32 s8, $0xC3  }
0xbf: {  	p0 =	sgt.u32 @p4 s8, $0x4C3  }
0xc0: {  	p3 =	por p0, !p4  }
0xc1: {  	s7 =	sadd.s32 @!p3 $0x0, s0;
	p0 =	por p3, p3  }
0xc2: {  	v4 =	vld @!p0 [tilespmem:s7+$0x0];
	_ =	sdelay $0x4  }
0xc3: {  	vm0 =	vge.s32 @!p0 v4, v0;
	vm1 =	vlt.s32 @!p0 v4, v1  }
0xc4: {  	vm0 =	vmand @!p0 vm0, vm1  }
0xc5: {  	(xrf1) =	vunique.msk.u32 @!p0 vm0, v4;
	_ =	sdelay $0xd  }
0xc6: {  	_, v5, vm1 =	vpop @!p3 (xrf1)  }
0xc7: {  	v4 =	vsub.s32 @!p0 v4, v0;
	vm0 =	vmand @!p0 vm0, vm1  }
0xc8: {  	v4 =	vnsel @!p0 vm0, $0x0, v4;
	_ =	sdelay $0x1  }
0xc9: {  	s11 =	sadd.s32 $0x1, s8  }
0xca: {  	s15 =	rddreg [dreg:$0x15];
	p3 =	sgt.u32 s11, $0xC3;
	v5 =	vlaneseq.u32 @!p0  }
0xcb: {  	p4 =	por p4, p4;
	s7 =	simm.s32 @!p0 $0x4000;
	p5 =	sgt.u32 @p3 s11, $0x4C3;
	v5 =	vor.u32 @!p0 s15, v5  }
0xcc: {  	p5 =	por p5, !p3;
	[tilespmem:v4+s7+$0x0] =	vst.idx.msk @!p0 vm0, v5;
	s7 =	sadd.s32 @!p4 $0x0, s10;
	v4 =	vimm.s32 @!p4 $0xFFFFFFFF  }
0xcd: {  	s12 =	sadd.s32 @!p5 $0x10, s0;
	p0 =	por p5, p5;
	[tilespmem:s7+$0x0] =	vst @!p4 v4  }
0xce: {  	v4 =	vld @!p0 [tilespmem:s12+$0x0];
	_ =	sdelay $0x4  }
0xcf: {  	vm0 =	vge.s32 @!p0 v4, v0;
	vm1 =	vlt.s32 @!p0 v4, v1  }
0xd0: {  	vm0 =	vmand @!p0 vm0, vm1  }
0xd1: {  	(xrf1) =	vunique.msk.u32 @!p0 vm0, v4;
	_ =	sdelay $0xd  }
0xd2: {  	_, v5, vm1 =	vpop @!p5 (xrf1)  }
0xd3: {  	v4 =	vsub.s32 @!p0 v4, v0;
	vm0 =	vmand @!p0 vm0, vm1  }
0xd4: {  	s19 =	sadd.s32 $0x1, s11;
	v4 =	vnsel @!p0 vm0, $0x0, v4  }
0xd5: {  	p3 =	por p3, p3;
	s7 =	simm.s32 $0x40;
	s12 =	simm.s32 $0x80  }
.LBB2_8:
0xd6: {  	p6 =	sgt.u32 s19, $0xC3;
	s15 =	sadd.s32 $0x10, s15;
	s11 =	smov.u32 s12  }
0xd7: {  	s12 =	sadd.s32 $0x40, s12;
	v5 =	vlaneseq.u32 @!p0;
	s7 =	sshra.s32 @!p3 s7, $0x2;
	p4 =	sgt.u32 @p6 s19, $0x4C3  }
0xd8: {  	s24 =	simm.s32 @!p0 $0x4000;
	v5 =	vor.u32 @!p0 s15, v5;
	p5 =	por p4, !p6;
	p4 =	sne.s32 s12, $0x280  }
0xd9: {  	s8 =	sshra.s32 @!p5 s11, $0x2;
	[tilespmem:v4+s24+$0x0] =	vst.idx.msk @!p0 vm0, v5;
	s24 =	sadd.s32 @!p3 s7, s10;
	v4 =	vimm.s32 @!p3 $0xFFFFFFFF;
	s7 =	smov.u32 s11  }
0xda: {  	p0 =	por p5, p5;
	s8 =	sadd.s32 @!p5 s8, s0;
	[tilespmem:s24+$0x0] =	vst @!p3 v4;
	p3 =	por p6, p6  }
0xdb: {  	v4 =	vld @!p0 [tilespmem:s8+$0x0];
	_ =	sdelay $0x4  }
0xdc: {  	vm0 =	vge.s32 @!p0 v4, v0;
	vm1 =	vlt.s32 @!p0 v4, v1  }
0xdd: {  	vm0 =	vmand @!p0 vm0, vm1  }
0xde: {  	(xrf1) =	vunique.msk.u32 @!p0 vm0, v4;
	_ =	sdelay $0xc  }
.Ltmp7:
0xdf: {  	(pc) =	sbr.rel @p4 .LBB2_8-.Ltmp7, $4  }
0xe0: {  	_, v5, vm1 =	vpop @!p5 (xrf1)  }
0xe1: {  	v4 =	vsub.s32 @!p0 v4, v0;
	vm0 =	vmand @!p0 vm0, vm1  }
0xe2: {  	v4 =	vnsel @!p0 vm0, $0x0, v4  }
0xe3: {  	s19 =	sadd.s32 $0x1, s19  }
0xe4: {  	_ =	sdelay $0x1  }
0xe5: {  	s8 =	sor.u32 $0x6, s2  }
0xe6: {  	s11 =	sadd.s32 $0x10, s15;
	v5 =	vlaneseq.u32 @!p0;
	p4 =	sgt.u32 s8, $0x81  }
0xe7: {  	s7 =	sshra.s32 @!p3 s7, $0x2;
	v5 =	vor.u32 @!p0 s11, v5;
	s11 =	simm.s32 @!p0 $0x4000;
	p5 =	seq.s32 @!p4 s17, $0x0  }
0xe8: {  	s7 =	sadd.s32 @!p3 s7, s10;
	[tilespmem:v4+s11+$0x0] =	vst.idx.msk @!p0 vm0, v5;
	v4 =	vimm.s32 @!p3 $0xFFFFFFFF;
	p0 =	por p5, p4  }
0xe9: {  	s8 =	smul.u32 @!p4 $0x18, s8;
	[tilespmem:s7+$0x0] =	vst @!p3 v4;
	s7 =	simm.s32 @!p0 $0xF  }
0xea: {  	s15 =	rddreg [dreg:$0x5];
	_ =	swait.ge @!p0 [sflag:s7], $0x3000  }
0xeb: {  	s12 =	smul.u32 $0x18, s16;
	s8 =	sadd.s32 @!p4 s15, s8;
	[sflag:s7] =	ssyncset.done @!p0 $0x0  }
0xec: {  	s11 =	simm.s32 @!p4 $0x18580;
	s8 =	sshll.u32 @!p4 s8, $0x6;
	[sflag:s7] =	ssyncadd.s32 @!p0 $0xFFFFD000  }
0xed: {  	s12 =	sadd.s32 s15, s12;
	s8 =	sand.u32 @!p4 $0x1FFFFE00, s8;
	s7 =	rddreg [dreg:$0x0]  }
0xee: {  	s15 =	simm.s32 $0x3;
	s7 =	sadd.s32 @!p4 s7, s8;
	s8 =	simm.s32 @!p4 $0x0  }
0xef: {  	[tilespmem:s11], [sflag:$0x7] =	stream.linear.gather @!p4 [hbm4b:s7+s8], $0x3000, $0x38;
	[tilespmem:$0x1E580] =	vst v63  }
0xf0: {  	_ =	swait.ge [sflag:s15], $0x3000  }
0xf1: {  	[sflag:s15] =	ssyncset.done $0x0  }
0xf2: {  	s7 =	sshll.u32 s12, $0x6;
	[sflag:s15] =	ssyncadd.s32 $0xFFFFD000  }
0xf3: {  	s7 =	sand.u32 $0x1FFFFE00, s7;
	s24 =	rddreg [dreg:$0x3]  }
0xf4: {  	s16 =	simm.s32 $0x0;
	s19 =	simm.s32 $0xC580;
	s7 =	sadd.s32 s24, s7  }
0xf5: {  	[hbm4b:s7+s16] =	stream.linear.scatter [tilespmem:s19], [sflag:$0xB], $0x3000, $0x38;
	[tilespmem:$0x1E580] =	vst v63  }
.LBB2_10:
0xf6: {  	s16 =	sor.u32 $0x3, s2  }
0xf7: {  	p0 =	sgt.u32 s16, $0x81  }
.Ltmp8:
0xf8: {  	_ = 	snop;
	(pc) =	sbr.rel @p0 .LBB2_14-.Ltmp8, $1  }
0xf9: {  	_ =	sdelay $0x3  }
0xfa: {  	p4 =	sgt.u32 s22, $0xC3  }
0xfb: {  	p0 =	sgt.u32 @p4 s22, $0x4C3  }
0xfc: {  	p3 =	por p0, !p4  }
0xfd: {  	s7 =	sadd.s32 @!p3 $0x0, s6;
	p0 =	por p3, p3  }
0xfe: {  	v4 =	vld @!p0 [tilespmem:s7+$0x0];
	_ =	sdelay $0x4  }
0xff: {  	vm0 =	vge.s32 @!p0 v4, v0;
	vm1 =	vlt.s32 @!p0 v4, v1  }
0x100: {  	vm0 =	vmand @!p0 vm0, vm1  }
0x101: {  	(xrf1) =	vunique.msk.u32 @!p0 vm0, v4;
	_ =	sdelay $0xd  }
0x102: {  	_, v5, vm1 =	vpop @!p3 (xrf1)  }
0x103: {  	v4 =	vsub.s32 @!p0 v4, v0;
	vm0 =	vmand @!p0 vm0, vm1  }
0x104: {  	v4 =	vnsel @!p0 vm0, $0x0, v4;
	_ =	sdelay $0x1  }
0x105: {  	s8 =	sadd.s32 $0x1, s22  }
0x106: {  	s15 =	rddreg [dreg:$0x17];
	p3 =	sgt.u32 s8, $0xC3;
	v5 =	vlaneseq.u32 @!p0  }
0x107: {  	p4 =	por p4, p4;
	s7 =	simm.s32 @!p0 $0x4000;
	p5 =	sgt.u32 @p3 s8, $0x4C3;
	v5 =	vor.u32 @!p0 s15, v5  }
0x108: {  	p5 =	por p5, !p3;
	[tilespmem:v4+s7+$0x0] =	vst.idx.msk @!p0 vm0, v5;
	s7 =	sadd.s32 @!p4 $0x0, s23;
	v4 =	vimm.s32 @!p4 $0xFFFFFFFF  }
0x109: {  	s11 =	sadd.s32 @!p5 $0x10, s6;
	p0 =	por p5, p5;
	[tilespmem:s7+$0x0] =	vst @!p4 v4  }
0x10a: {  	v4 =	vld @!p0 [tilespmem:s11+$0x0];
	_ =	sdelay $0x4  }
0x10b: {  	vm0 =	vge.s32 @!p0 v4, v0;
	vm1 =	vlt.s32 @!p0 v4, v1  }
0x10c: {  	vm0 =	vmand @!p0 vm0, vm1  }
0x10d: {  	(xrf1) =	vunique.msk.u32 @!p0 vm0, v4;
	_ =	sdelay $0xd  }
0x10e: {  	_, v5, vm1 =	vpop @!p5 (xrf1)  }
0x10f: {  	v4 =	vsub.s32 @!p0 v4, v0;
	vm0 =	vmand @!p0 vm0, vm1  }
0x110: {  	s12 =	simm.s32 $0x80;
	v4 =	vnsel @!p0 vm0, $0x0, v4  }
0x111: {  	s19 =	sadd.s32 $0x1, s8;
	p3 =	por p3, p3;
	s7 =	simm.s32 $0x40  }
.LBB2_12:
0x112: {  	p6 =	sgt.u32 s19, $0xC3;
	s15 =	sadd.s32 $0x10, s15;
	s8 =	smov.u32 s12  }
0x113: {  	s12 =	sadd.s32 $0x40, s12;
	v5 =	vlaneseq.u32 @!p0;
	s7 =	sshra.s32 @!p3 s7, $0x2;
	p4 =	sgt.u32 @p6 s19, $0x4C3  }
0x114: {  	s11 =	simm.s32 @!p0 $0x4000;
	v5 =	vor.u32 @!p0 s15, v5;
	p5 =	por p4, !p6;
	p4 =	sne.s32 s12, $0x280  }
0x115: {  	s24 =	sshra.s32 @!p5 s8, $0x2;
	[tilespmem:v4+s11+$0x0] =	vst.idx.msk @!p0 vm0, v5;
	s11 =	sadd.s32 @!p3 s7, s23;
	v4 =	vimm.s32 @!p3 $0xFFFFFFFF;
	s7 =	smov.u32 s8  }
0x116: {  	p0 =	por p5, p5;
	s8 =	sadd.s32 @!p5 s24, s6;
	[tilespmem:s11+$0x0] =	vst @!p3 v4;
	p3 =	por p6, p6  }
0x117: {  	v4 =	vld @!p0 [tilespmem:s8+$0x0];
	_ =	sdelay $0x4  }
0x118: {  	vm0 =	vge.s32 @!p0 v4, v0;
	vm1 =	vlt.s32 @!p0 v4, v1  }
0x119: {  	vm0 =	vmand @!p0 vm0, vm1  }
0x11a: {  	(xrf1) =	vunique.msk.u32 @!p0 vm0, v4;
	_ =	sdelay $0xc  }
.Ltmp9:
0x11b: {  	(pc) =	sbr.rel @p4 .LBB2_12-.Ltmp9, $4  }
0x11c: {  	_, v5, vm1 =	vpop @!p5 (xrf1)  }
0x11d: {  	v4 =	vsub.s32 @!p0 v4, v0;
	vm0 =	vmand @!p0 vm0, vm1  }
0x11e: {  	v4 =	vnsel @!p0 vm0, $0x0, v4  }
0x11f: {  	s19 =	sadd.s32 $0x1, s19  }
0x120: {  	_ =	sdelay $0x1  }
0x121: {  	s8 =	sor.u32 $0x7, s2  }
0x122: {  	s11 =	sadd.s32 $0x10, s15;
	v5 =	vlaneseq.u32 @!p0;
	p4 =	sgt.u32 s8, $0x81  }
0x123: {  	s7 =	sshra.s32 @!p3 s7, $0x2;
	v5 =	vor.u32 @!p0 s11, v5;
	s11 =	simm.s32 @!p0 $0x4000;
	p5 =	seq.s32 @!p4 s17, $0x0  }
0x124: {  	s7 =	sadd.s32 @!p3 s7, s23;
	[tilespmem:v4+s11+$0x0] =	vst.idx.msk @!p0 vm0, v5;
	v4 =	vimm.s32 @!p3 $0xFFFFFFFF;
	p0 =	por p5, p4  }
0x125: {  	s8 =	smul.u32 @!p4 $0x18, s8;
	[tilespmem:s7+$0x0] =	vst @!p3 v4;
	s7 =	simm.s32 @!p0 $0x10  }
0x126: {  	s15 =	rddreg [dreg:$0x5];
	_ =	swait.ge @!p0 [sflag:s7], $0x3000  }
0x127: {  	s12 =	smul.u32 $0x18, s16;
	s8 =	sadd.s32 @!p4 s15, s8;
	[sflag:s7] =	ssyncset.done @!p0 $0x0  }
0x128: {  	s11 =	simm.s32 @!p4 $0x1B580;
	s8 =	sshll.u32 @!p4 s8, $0x6;
	[sflag:s7] =	ssyncadd.s32 @!p0 $0xFFFFD000  }
0x129: {  	s12 =	sadd.s32 s15, s12;
	s8 =	sand.u32 @!p4 $0x1FFFFE00, s8;
	s7 =	rddreg [dreg:$0x0]  }
0x12a: {  	s15 =	simm.s32 $0x4;
	s7 =	sadd.s32 @!p4 s7, s8;
	s8 =	simm.s32 @!p4 $0x0  }
0x12b: {  	[tilespmem:s11], [sflag:$0x8] =	stream.linear.gather @!p4 [hbm4b:s7+s8], $0x3000, $0x38;
	[tilespmem:$0x1E580] =	vst v63  }
0x12c: {  	_ =	swait.ge [sflag:s15], $0x3000  }
0x12d: {  	[sflag:s15] =	ssyncset.done $0x0  }
0x12e: {  	s7 =	sshll.u32 s12, $0x6;
	[sflag:s15] =	ssyncadd.s32 $0xFFFFD000  }
0x12f: {  	s7 =	sand.u32 $0x1FFFFE00, s7;
	s24 =	rddreg [dreg:$0x3]  }
0x130: {  	s16 =	simm.s32 $0x0;
	s19 =	simm.s32 $0xF580;
	s7 =	sadd.s32 s24, s7  }
0x131: {  	[hbm4b:s7+s16] =	stream.linear.scatter [tilespmem:s19], [sflag:$0xC], $0x3000, $0x38;
	[tilespmem:$0x1E580] =	vst v63  }
.LBB2_14:
.Ltmp10:
0x132: {  	(pc) =	sbr.rel @p1 .LBB2_18-.Ltmp10, $1  }
0x133: {  	_ =	sdelay $0x3  }
0x134: {  	p3 =	sgt.u32 s13, $0xC3  }
0x135: {  	p0 =	sgt.u32 @p3 s13, $0x4C3  }
0x136: {  	p1 =	por p0, !p3  }
0x137: {  	s7 =	sadd.s32 @!p1 $0x0, s26;
	p0 =	por p1, p1  }
0x138: {  	v4 =	vld @!p0 [tilespmem:s7+$0x0];
	_ =	sdelay $0x4  }
0x139: {  	vm0 =	vge.s32 @!p0 v4, v0;
	vm1 =	vlt.s32 @!p0 v4, v1  }
0x13a: {  	vm0 =	vmand @!p0 vm0, vm1  }
0x13b: {  	(xrf1) =	vunique.msk.u32 @!p0 vm0, v4;
	_ =	sdelay $0xd  }
0x13c: {  	_, v5, vm1 =	vpop @!p1 (xrf1)  }
0x13d: {  	v4 =	vsub.s32 @!p0 v4, v0;
	vm0 =	vmand @!p0 vm0, vm1  }
0x13e: {  	v4 =	vnsel @!p0 vm0, $0x0, v4;
	_ =	sdelay $0x1  }
0x13f: {  	s8 =	sadd.s32 $0x1, s13  }
0x140: {  	s15 =	rddreg [dreg:$0x18];
	p1 =	sgt.u32 s8, $0xC3;
	v5 =	vlaneseq.u32 @!p0  }
0x141: {  	p3 =	por p3, p3;
	s7 =	simm.s32 @!p0 $0x4000;
	p4 =	sgt.u32 @p1 s8, $0x4C3;
	v5 =	vor.u32 @!p0 s15, v5  }
0x142: {  	p4 =	por p4, !p1;
	[tilespmem:v4+s7+$0x0] =	vst.idx.msk @!p0 vm0, v5;
	s7 =	sadd.s32 @!p3 $0x0, s14;
	v4 =	vimm.s32 @!p3 $0xFFFFFFFF  }
0x143: {  	s11 =	sadd.s32 @!p4 $0x10, s26;
	p0 =	por p4, p4;
	[tilespmem:s7+$0x0] =	vst @!p3 v4  }
0x144: {  	v4 =	vld @!p0 [tilespmem:s11+$0x0];
	_ =	sdelay $0x4  }
0x145: {  	vm0 =	vge.s32 @!p0 v4, v0;
	vm1 =	vlt.s32 @!p0 v4, v1  }
0x146: {  	vm0 =	vmand @!p0 vm0, vm1  }
0x147: {  	(xrf1) =	vunique.msk.u32 @!p0 vm0, v4;
	_ =	sdelay $0xd  }
0x148: {  	_, v5, vm1 =	vpop @!p4 (xrf1)  }
0x149: {  	v4 =	vsub.s32 @!p0 v4, v0;
	vm0 =	vmand @!p0 vm0, vm1  }
0x14a: {  	s12 =	simm.s32 $0x80;
	v4 =	vnsel @!p0 vm0, $0x0, v4  }
0x14b: {  	s16 =	sadd.s32 $0x1, s8;
	p1 =	por p1, p1;
	s7 =	simm.s32 $0x40  }
.LBB2_16:
0x14c: {  	p5 =	sgt.u32 s16, $0xC3;
	s15 =	sadd.s32 $0x10, s15;
	s8 =	smov.u32 s12  }
0x14d: {  	s12 =	sadd.s32 $0x40, s12;
	v5 =	vlaneseq.u32 @!p0;
	s7 =	sshra.s32 @!p1 s7, $0x2;
	p3 =	sgt.u32 @p5 s16, $0x4C3  }
0x14e: {  	s11 =	simm.s32 @!p0 $0x4000;
	v5 =	vor.u32 @!p0 s15, v5;
	p4 =	por p3, !p5;
	p3 =	sne.s32 s12, $0x280  }
0x14f: {  	s19 =	sshra.s32 @!p4 s8, $0x2;
	[tilespmem:v4+s11+$0x0] =	vst.idx.msk @!p0 vm0, v5;
	s11 =	sadd.s32 @!p1 s7, s14;
	v4 =	vimm.s32 @!p1 $0xFFFFFFFF;
	s7 =	smov.u32 s8  }
0x150: {  	p0 =	por p4, p4;
	s8 =	sadd.s32 @!p4 s19, s26;
	[tilespmem:s11+$0x0] =	vst @!p1 v4;
	p1 =	por p5, p5  }
0x151: {  	v4 =	vld @!p0 [tilespmem:s8+$0x0];
	_ =	sdelay $0x4  }
0x152: {  	vm0 =	vge.s32 @!p0 v4, v0;
	vm1 =	vlt.s32 @!p0 v4, v1  }
0x153: {  	vm0 =	vmand @!p0 vm0, vm1  }
0x154: {  	(xrf1) =	vunique.msk.u32 @!p0 vm0, v4;
	_ =	sdelay $0xc  }
.Ltmp11:
0x155: {  	(pc) =	sbr.rel @p3 .LBB2_16-.Ltmp11, $4  }
0x156: {  	_, v5, vm1 =	vpop @!p4 (xrf1)  }
0x157: {  	v4 =	vsub.s32 @!p0 v4, v0;
	vm0 =	vmand @!p0 vm0, vm1  }
0x158: {  	v4 =	vnsel @!p0 vm0, $0x0, v4  }
0x159: {  	s16 =	sadd.s32 $0x1, s16  }
0x15a: {  	_ =	sdelay $0x2  }
0x15b: {  	s8 =	sadd.s32 $0x10, s15;
	v5 =	vlaneseq.u32 @!p0  }
0x15c: {  	s7 =	sshra.s32 @!p1 s7, $0x2;
	v5 =	vor.u32 @!p0 s8, v5;
	s8 =	simm.s32 @!p0 $0x4000  }
0x15d: {  	s7 =	sadd.s32 @!p1 s7, s14;
	[tilespmem:v4+s8+$0x0] =	vst.idx.msk @!p0 vm0, v5;
	v4 =	vimm.s32 @!p1 $0xFFFFFFFF  }
0x15e: {  	s16 =	rddreg [dreg:$0xa];
	s11 =	simm.s32 $0x9;
	[tilespmem:s7+$0x0] =	vst @!p1 v4  }
0x15f: {  	s19 =	rddreg [dreg:$0x1e];
	_ =	swait.ge [sflag:s11], $0x3000  }
0x160: {  	s7 =	sadd.s32 s19, s16;
	[sflag:s11] =	ssyncset.done $0x0;
	s12 =	rddreg [dreg:$0x1f]  }
0x161: {  	s7 =	sshll.u32 s7, $0x6;
	s15 =	rddreg [dreg:$0x5];
	[sflag:s11] =	ssyncadd.s32 $0xFFFFD000  }
0x162: {  	s7 =	sand.u32 $0x1FFFFE00, s7;
	s11 =	simm.s32 $0x0;
	s8 =	rddreg [dreg:$0x0]  }
0x163: {  	s7 =	sadd.s32 s8, s7;
	s8 =	smul.u32 $0x18, s12;
	s12 =	simm.s32 $0x6580  }
0x164: {  	[tilespmem:s12], [sflag:$0x1] =	stream.linear.gather [hbm4b:s7+s11], $0x3000, $0x38;
	[tilespmem:$0x1E580] =	vst v63  }
0x165: {  	s16 =	simm.s32 $0x5;
	s7 =	sadd.s32 s15, s8  }
0x166: {  	_ =	swait.ge [sflag:s16], $0x3000;
	s7 =	sshll.u32 s7, $0x6  }
0x167: {  	[sflag:s16] =	ssyncset.done $0x0;
	s7 =	sand.u32 $0x1FFFFE00, s7  }
0x168: {  	s19 =	simm.s32 $0x12580;
	[sflag:s16] =	ssyncadd.s32 $0xFFFFD000;
	s7 =	sadd.s32 s24, s7  }
0x169: {  	[hbm4b:s7+s11] =	stream.linear.scatter [tilespmem:s19], [sflag:$0xD], $0x3000, $0x38;
	[tilespmem:$0x1E580] =	vst v63  }
.LBB2_18:
.Ltmp12:
0x16a: {  	(pc) =	sbr.rel @p2 .LBB2_22-.Ltmp12, $1  }
0x16b: {  	_ =	sdelay $0x3  }
0x16c: {  	p2 =	sgt.u32 s28, $0xC3  }
0x16d: {  	p0 =	sgt.u32 @p2 s28, $0x4C3  }
0x16e: {  	p1 =	por p0, !p2  }
0x16f: {  	s7 =	sadd.s32 @!p1 $0x0, s25;
	p0 =	por p1, p1  }
0x170: {  	v4 =	vld @!p0 [tilespmem:s7+$0x0];
	_ =	sdelay $0x4  }
0x171: {  	vm0 =	vge.s32 @!p0 v4, v0;
	vm1 =	vlt.s32 @!p0 v4, v1  }
0x172: {  	vm0 =	vmand @!p0 vm0, vm1  }
0x173: {  	(xrf1) =	vunique.msk.u32 @!p0 vm0, v4;
	_ =	sdelay $0xd  }
0x174: {  	_, v5, vm1 =	vpop @!p1 (xrf1)  }
0x175: {  	v4 =	vsub.s32 @!p0 v4, v0;
	vm0 =	vmand @!p0 vm0, vm1  }
0x176: {  	v4 =	vnsel @!p0 vm0, $0x0, v4;
	_ =	sdelay $0x1  }
0x177: {  	s8 =	sadd.s32 $0x1, s28  }
0x178: {  	s15 =	rddreg [dreg:$0x19];
	p1 =	sgt.u32 s8, $0xC3;
	v5 =	vlaneseq.u32 @!p0  }
0x179: {  	p2 =	por p2, p2;
	s7 =	simm.s32 @!p0 $0x4000;
	p3 =	sgt.u32 @p1 s8, $0x4C3;
	v5 =	vor.u32 @!p0 s15, v5  }
0x17a: {  	p3 =	por p3, !p1;
	[tilespmem:v4+s7+$0x0] =	vst.idx.msk @!p0 vm0, v5;
	s7 =	sadd.s32 @!p2 $0x0, s29;
	v4 =	vimm.s32 @!p2 $0xFFFFFFFF  }
0x17b: {  	s11 =	sadd.s32 @!p3 $0x10, s25;
	p0 =	por p3, p3;
	[tilespmem:s7+$0x0] =	vst @!p2 v4  }
0x17c: {  	v4 =	vld @!p0 [tilespmem:s11+$0x0];
	_ =	sdelay $0x4  }
0x17d: {  	vm0 =	vge.s32 @!p0 v4, v0;
	vm1 =	vlt.s32 @!p0 v4, v1  }
0x17e: {  	vm0 =	vmand @!p0 vm0, vm1  }
0x17f: {  	(xrf1) =	vunique.msk.u32 @!p0 vm0, v4;
	_ =	sdelay $0xd  }
0x180: {  	_, v5, vm1 =	vpop @!p3 (xrf1)  }
0x181: {  	v4 =	vsub.s32 @!p0 v4, v0;
	vm0 =	vmand @!p0 vm0, vm1  }
0x182: {  	s12 =	simm.s32 $0x80;
	v4 =	vnsel @!p0 vm0, $0x0, v4  }
0x183: {  	s16 =	sadd.s32 $0x1, s8;
	p1 =	por p1, p1;
	s7 =	simm.s32 $0x40  }
.LBB2_20:
0x184: {  	p4 =	sgt.u32 s16, $0xC3;
	s15 =	sadd.s32 $0x10, s15;
	s8 =	smov.u32 s12  }
0x185: {  	s12 =	sadd.s32 $0x40, s12;
	v5 =	vlaneseq.u32 @!p0;
	s7 =	sshra.s32 @!p1 s7, $0x2;
	p2 =	sgt.u32 @p4 s16, $0x4C3  }
0x186: {  	s11 =	simm.s32 @!p0 $0x4000;
	v5 =	vor.u32 @!p0 s15, v5;
	p3 =	por p2, !p4;
	p2 =	sne.s32 s12, $0x280  }
0x187: {  	s19 =	sshra.s32 @!p3 s8, $0x2;
	[tilespmem:v4+s11+$0x0] =	vst.idx.msk @!p0 vm0, v5;
	s11 =	sadd.s32 @!p1 s7, s29;
	v4 =	vimm.s32 @!p1 $0xFFFFFFFF;
	s7 =	smov.u32 s8  }
0x188: {  	p0 =	por p3, p3;
	s8 =	sadd.s32 @!p3 s19, s25;
	[tilespmem:s11+$0x0] =	vst @!p1 v4;
	p1 =	por p4, p4  }
0x189: {  	v4 =	vld @!p0 [tilespmem:s8+$0x0];
	_ =	sdelay $0x4  }
0x18a: {  	vm0 =	vge.s32 @!p0 v4, v0;
	vm1 =	vlt.s32 @!p0 v4, v1  }
0x18b: {  	vm0 =	vmand @!p0 vm0, vm1  }
0x18c: {  	(xrf1) =	vunique.msk.u32 @!p0 vm0, v4;
	_ =	sdelay $0xc  }
.Ltmp13:
0x18d: {  	(pc) =	sbr.rel @p2 .LBB2_20-.Ltmp13, $4  }
0x18e: {  	_, v5, vm1 =	vpop @!p3 (xrf1)  }
0x18f: {  	v4 =	vsub.s32 @!p0 v4, v0;
	vm0 =	vmand @!p0 vm0, vm1  }
0x190: {  	v4 =	vnsel @!p0 vm0, $0x0, v4  }
0x191: {  	s16 =	sadd.s32 $0x1, s16  }
0x192: {  	_ =	sdelay $0x2  }
0x193: {  	s8 =	sadd.s32 $0x10, s15;
	v5 =	vlaneseq.u32 @!p0  }
0x194: {  	s7 =	sshra.s32 @!p1 s7, $0x2;
	v5 =	vor.u32 @!p0 s8, v5;
	s8 =	simm.s32 @!p0 $0x4000  }
0x195: {  	s7 =	sadd.s32 @!p1 s7, s29;
	[tilespmem:v4+s8+$0x0] =	vst.idx.msk @!p0 vm0, v5;
	v4 =	vimm.s32 @!p1 $0xFFFFFFFF  }
0x196: {  	s16 =	rddreg [dreg:$0xb];
	s11 =	simm.s32 $0xA;
	[tilespmem:s7+$0x0] =	vst @!p1 v4  }
0x197: {  	s19 =	rddreg [dreg:$0x1e];
	_ =	swait.ge [sflag:s11], $0x3000  }
0x198: {  	s7 =	sadd.s32 s19, s16;
	[sflag:s11] =	ssyncset.done $0x0;
	s12 =	sld [smem:$0x7FC]  }
0x199: {  	s7 =	sshll.u32 s7, $0x6;
	s15 =	rddreg [dreg:$0x5];
	[sflag:s11] =	ssyncadd.s32 $0xFFFFD000  }
0x19a: {  	s7 =	sand.u32 $0x1FFFFE00, s7;
	s11 =	simm.s32 $0x0;
	s8 =	rddreg [dreg:$0x0]  }
0x19b: {  	s7 =	sadd.s32 s8, s7;
	s8 =	smul.u32 $0x18, s12;
	s12 =	simm.s32 $0x9580  }
0x19c: {  	[tilespmem:s12], [sflag:$0x2] =	stream.linear.gather [hbm4b:s7+s11], $0x3000, $0x38;
	[tilespmem:$0x1E580] =	vst v63  }
0x19d: {  	s16 =	simm.s32 $0x6;
	s7 =	sadd.s32 s15, s8  }
0x19e: {  	_ =	swait.ge [sflag:s16], $0x3000;
	s7 =	sshll.u32 s7, $0x6  }
0x19f: {  	[sflag:s16] =	ssyncset.done $0x0;
	s7 =	sand.u32 $0x1FFFFE00, s7  }
0x1a0: {  	s19 =	simm.s32 $0x15580;
	[sflag:s16] =	ssyncadd.s32 $0xFFFFD000;
	s7 =	sadd.s32 s24, s7  }
0x1a1: {  	[hbm4b:s7+s11] =	stream.linear.scatter [tilespmem:s19], [sflag:$0xE], $0x3000, $0x38;
	[tilespmem:$0x1E580] =	vst v63  }
.LBB2_22:
0x1a2: {  	s16 =	sor.u32 $0x6, s2  }
0x1a3: {  	p0 =	sgt.u32 s16, $0x81  }
.Ltmp14:
0x1a4: {  	_ = 	snop;
	(pc) =	sbr.rel @p0 .LBB2_26-.Ltmp14, $1  }
0x1a5: {  	_ =	sdelay $0x3  }
0x1a6: {  	p2 =	sgt.u32 s1, $0xC3  }
0x1a7: {  	p0 =	sgt.u32 @p2 s1, $0x4C3  }
0x1a8: {  	p1 =	por p0, !p2  }
0x1a9: {  	s7 =	sadd.s32 @!p1 $0x0, s3;
	p0 =	por p1, p1  }
0x1aa: {  	v4 =	vld @!p0 [tilespmem:s7+$0x0];
	_ =	sdelay $0x4  }
0x1ab: {  	vm0 =	vge.s32 @!p0 v4, v0;
	vm1 =	vlt.s32 @!p0 v4, v1  }
0x1ac: {  	vm0 =	vmand @!p0 vm0, vm1  }
0x1ad: {  	(xrf1) =	vunique.msk.u32 @!p0 vm0, v4;
	_ =	sdelay $0xd  }
0x1ae: {  	_, v5, vm1 =	vpop @!p1 (xrf1)  }
0x1af: {  	v4 =	vsub.s32 @!p0 v4, v0;
	vm0 =	vmand @!p0 vm0, vm1  }
0x1b0: {  	v4 =	vnsel @!p0 vm0, $0x0, v4;
	_ =	sdelay $0x1  }
0x1b1: {  	s8 =	sadd.s32 $0x1, s1  }
0x1b2: {  	s15 =	rddreg [dreg:$0x1a];
	p1 =	sgt.u32 s8, $0xC3;
	v5 =	vlaneseq.u32 @!p0  }
0x1b3: {  	p2 =	por p2, p2;
	s7 =	simm.s32 @!p0 $0x4000;
	p3 =	sgt.u32 @p1 s8, $0x4C3;
	v5 =	vor.u32 @!p0 s15, v5  }
0x1b4: {  	p3 =	por p3, !p1;
	[tilespmem:v4+s7+$0x0] =	vst.idx.msk @!p0 vm0, v5;
	s7 =	sadd.s32 @!p2 $0x0, s9;
	v4 =	vimm.s32 @!p2 $0xFFFFFFFF  }
0x1b5: {  	s11 =	sadd.s32 @!p3 $0x10, s3;
	p0 =	por p3, p3;
	[tilespmem:s7+$0x0] =	vst @!p2 v4  }
0x1b6: {  	v4 =	vld @!p0 [tilespmem:s11+$0x0];
	_ =	sdelay $0x4  }
0x1b7: {  	vm0 =	vge.s32 @!p0 v4, v0;
	vm1 =	vlt.s32 @!p0 v4, v1  }
0x1b8: {  	vm0 =	vmand @!p0 vm0, vm1  }
0x1b9: {  	(xrf1) =	vunique.msk.u32 @!p0 vm0, v4;
	_ =	sdelay $0xd  }
0x1ba: {  	_, v5, vm1 =	vpop @!p3 (xrf1)  }
0x1bb: {  	v4 =	vsub.s32 @!p0 v4, v0;
	vm0 =	vmand @!p0 vm0, vm1  }
0x1bc: {  	s12 =	simm.s32 $0x80;
	v4 =	vnsel @!p0 vm0, $0x0, v4  }
0x1bd: {  	s19 =	sadd.s32 $0x1, s8;
	p1 =	por p1, p1;
	s7 =	simm.s32 $0x40  }
.LBB2_24:
0x1be: {  	p4 =	sgt.u32 s19, $0xC3;
	s15 =	sadd.s32 $0x10, s15;
	s8 =	smov.u32 s12  }
0x1bf: {  	s12 =	sadd.s32 $0x40, s12;
	v5 =	vlaneseq.u32 @!p0;
	s7 =	sshra.s32 @!p1 s7, $0x2;
	p2 =	sgt.u32 @p4 s19, $0x4C3  }
0x1c0: {  	s11 =	simm.s32 @!p0 $0x4000;
	v5 =	vor.u32 @!p0 s15, v5;
	p3 =	por p2, !p4;
	p2 =	sne.s32 s12, $0x280  }
0x1c1: {  	s24 =	sshra.s32 @!p3 s8, $0x2;
	[tilespmem:v4+s11+$0x0] =	vst.idx.msk @!p0 vm0, v5;
	s11 =	sadd.s32 @!p1 s7, s9;
	v4 =	vimm.s32 @!p1 $0xFFFFFFFF;
	s7 =	smov.u32 s8  }
0x1c2: {  	p0 =	por p3, p3;
	s8 =	sadd.s32 @!p3 s24, s3;
	[tilespmem:s11+$0x0] =	vst @!p1 v4;
	p1 =	por p4, p4  }
0x1c3: {  	v4 =	vld @!p0 [tilespmem:s8+$0x0];
	_ =	sdelay $0x4  }
0x1c4: {  	vm0 =	vge.s32 @!p0 v4, v0;
	vm1 =	vlt.s32 @!p0 v4, v1  }
0x1c5: {  	vm0 =	vmand @!p0 vm0, vm1  }
0x1c6: {  	(xrf1) =	vunique.msk.u32 @!p0 vm0, v4;
	_ =	sdelay $0xc  }
.Ltmp15:
0x1c7: {  	(pc) =	sbr.rel @p2 .LBB2_24-.Ltmp15, $4  }
0x1c8: {  	_, v5, vm1 =	vpop @!p3 (xrf1)  }
0x1c9: {  	v4 =	vsub.s32 @!p0 v4, v0;
	vm0 =	vmand @!p0 vm0, vm1  }
0x1ca: {  	v4 =	vnsel @!p0 vm0, $0x0, v4  }
0x1cb: {  	s19 =	sadd.s32 $0x1, s19  }
0x1cc: {  	_ =	sdelay $0x2  }
0x1cd: {  	s8 =	sadd.s32 $0x10, s15;
	v5 =	vlaneseq.u32 @!p0  }
0x1ce: {  	s7 =	sshra.s32 @!p1 s7, $0x2;
	v5 =	vor.u32 @!p0 s8, v5;
	s8 =	simm.s32 @!p0 $0x4000  }
0x1cf: {  	s7 =	sadd.s32 @!p1 s7, s9;
	[tilespmem:v4+s8+$0x0] =	vst.idx.msk @!p0 vm0, v5;
	v4 =	vimm.s32 @!p1 $0xFFFFFFFF;
	p0 =	sgt.u32 s17, $0xE  }
0x1d0: {  	s11 =	rddreg [dreg:$0x1e];
	[tilespmem:s7+$0x0] =	vst @!p1 v4;
	s7 =	simm.s32 @!p0 $0xB  }
0x1d1: {  	s8 =	rddreg [dreg:$0xc];
	_ =	swait.ge @!p0 [sflag:s7], $0x3000  }
0x1d2: {  	s8 =	sadd.s32 @!p0 s11, s8;
	[sflag:s7] =	ssyncset.done @!p0 $0x0  }
0x1d3: {  	s12 =	smul.u32 $0x18, s16;
	s8 =	sshll.u32 @!p0 s8, $0x6;
	[sflag:s7] =	ssyncadd.s32 @!p0 $0xFFFFD000  }
0x1d4: {  	s15 =	simm.s32 $0x7;
	s8 =	sand.u32 @!p0 $0x1FFFFE00, s8;
	s7 =	rddreg [dreg:$0x0]  }
0x1d5: {  	s11 =	simm.s32 @!p0 $0xC580;
	s7 =	sadd.s32 @!p0 s7, s8;
	s8 =	simm.s32 @!p0 $0x0  }
0x1d6: {  	[tilespmem:s11], [sflag:$0x3] =	stream.linear.gather @!p0 [hbm4b:s7+s8], $0x3000, $0x38;
	[tilespmem:$0x1E580] =	vst v63  }
0x1d7: {  	s11 =	rddreg [dreg:$0x5];
	_ =	swait.ge [sflag:s15], $0x3000  }
0x1d8: {  	s7 =	sadd.s32 s11, s12;
	[sflag:s15] =	ssyncset.done $0x0  }
0x1d9: {  	s7 =	sshll.u32 s7, $0x6;
	[sflag:s15] =	ssyncadd.s32 $0xFFFFD000  }
0x1da: {  	s7 =	sand.u32 $0x1FFFFE00, s7;
	s24 =	rddreg [dreg:$0x3]  }
0x1db: {  	s16 =	simm.s32 $0x0;
	s19 =	simm.s32 $0x18580;
	s7 =	sadd.s32 s24, s7  }
0x1dc: {  	[hbm4b:s7+s16] =	stream.linear.scatter [tilespmem:s19], [sflag:$0xF], $0x3000, $0x38;
	[tilespmem:$0x1E580] =	vst v63  }
.LBB2_26:
0x1dd: {  	s2 =	sor.u32 $0x7, s2  }
0x1de: {  	p0 =	sgt.u32 s2, $0x81  }
.Ltmp16:
0x1df: {  	_ = 	snop;
	(pc) =	sbr.rel @p0 .LBB2_30-.Ltmp16, $1  }
0x1e0: {  	_ =	sdelay $0x3  }
0x1e1: {  	p2 =	sgt.u32 s20, $0xC3  }
0x1e2: {  	p0 =	sgt.u32 @p2 s20, $0x4C3  }
0x1e3: {  	p1 =	por p0, !p2  }
0x1e4: {  	s7 =	sadd.s32 @!p1 $0x0, s30;
	p0 =	por p1, p1  }
0x1e5: {  	v4 =	vld @!p0 [tilespmem:s7+$0x0];
	_ =	sdelay $0x4  }
0x1e6: {  	vm0 =	vge.s32 @!p0 v4, v0;
	vm1 =	vlt.s32 @!p0 v4, v1  }
0x1e7: {  	vm0 =	vmand @!p0 vm0, vm1  }
0x1e8: {  	(xrf1) =	vunique.msk.u32 @!p0 vm0, v4;
	_ =	sdelay $0xd  }
0x1e9: {  	_, v5, vm1 =	vpop @!p1 (xrf1)  }
0x1ea: {  	v4 =	vsub.s32 @!p0 v4, v0;
	vm0 =	vmand @!p0 vm0, vm1  }
0x1eb: {  	v4 =	vnsel @!p0 vm0, $0x0, v4;
	_ =	sdelay $0x1  }
0x1ec: {  	s8 =	sadd.s32 $0x1, s20  }
0x1ed: {  	s15 =	rddreg [dreg:$0x1b];
	p1 =	sgt.u32 s8, $0xC3;
	v5 =	vlaneseq.u32 @!p0  }
0x1ee: {  	p2 =	por p2, p2;
	s7 =	simm.s32 @!p0 $0x4000;
	p3 =	sgt.u32 @p1 s8, $0x4C3;
	v5 =	vor.u32 @!p0 s15, v5  }
0x1ef: {  	p3 =	por p3, !p1;
	[tilespmem:v4+s7+$0x0] =	vst.idx.msk @!p0 vm0, v5;
	s7 =	sadd.s32 @!p2 $0x0, s21;
	v4 =	vimm.s32 @!p2 $0xFFFFFFFF  }
0x1f0: {  	s11 =	sadd.s32 @!p3 $0x10, s30;
	p0 =	por p3, p3;
	[tilespmem:s7+$0x0] =	vst @!p2 v4  }
0x1f1: {  	v4 =	vld @!p0 [tilespmem:s11+$0x0];
	_ =	sdelay $0x4  }
0x1f2: {  	vm0 =	vge.s32 @!p0 v4, v0;
	vm1 =	vlt.s32 @!p0 v4, v1  }
0x1f3: {  	vm0 =	vmand @!p0 vm0, vm1  }
0x1f4: {  	(xrf1) =	vunique.msk.u32 @!p0 vm0, v4;
	_ =	sdelay $0xd  }
0x1f5: {  	_, v5, vm1 =	vpop @!p3 (xrf1)  }
0x1f6: {  	v4 =	vsub.s32 @!p0 v4, v0;
	vm0 =	vmand @!p0 vm0, vm1  }
0x1f7: {  	s12 =	simm.s32 $0x80;
	v4 =	vnsel @!p0 vm0, $0x0, v4  }
0x1f8: {  	s16 =	sadd.s32 $0x1, s8;
	p1 =	por p1, p1;
	s7 =	simm.s32 $0x40  }
.LBB2_28:
0x1f9: {  	p4 =	sgt.u32 s16, $0xC3;
	s15 =	sadd.s32 $0x10, s15;
	s8 =	smov.u32 s12  }
0x1fa: {  	s12 =	sadd.s32 $0x40, s12;
	v5 =	vlaneseq.u32 @!p0;
	s7 =	sshra.s32 @!p1 s7, $0x2;
	p2 =	sgt.u32 @p4 s16, $0x4C3  }
0x1fb: {  	s11 =	simm.s32 @!p0 $0x4000;
	v5 =	vor.u32 @!p0 s15, v5;
	p3 =	por p2, !p4;
	p2 =	sne.s32 s12, $0x280  }
0x1fc: {  	s19 =	sshra.s32 @!p3 s8, $0x2;
	[tilespmem:v4+s11+$0x0] =	vst.idx.msk @!p0 vm0, v5;
	s11 =	sadd.s32 @!p1 s7, s21;
	v4 =	vimm.s32 @!p1 $0xFFFFFFFF;
	s7 =	smov.u32 s8  }
0x1fd: {  	p0 =	por p3, p3;
	s8 =	sadd.s32 @!p3 s19, s30;
	[tilespmem:s11+$0x0] =	vst @!p1 v4;
	p1 =	por p4, p4  }
0x1fe: {  	v4 =	vld @!p0 [tilespmem:s8+$0x0];
	_ =	sdelay $0x4  }
0x1ff: {  	vm0 =	vge.s32 @!p0 v4, v0;
	vm1 =	vlt.s32 @!p0 v4, v1  }
0x200: {  	vm0 =	vmand @!p0 vm0, vm1  }
0x201: {  	(xrf1) =	vunique.msk.u32 @!p0 vm0, v4;
	_ =	sdelay $0xc  }
.Ltmp17:
0x202: {  	(pc) =	sbr.rel @p2 .LBB2_28-.Ltmp17, $4  }
0x203: {  	_, v5, vm1 =	vpop @!p3 (xrf1)  }
0x204: {  	v4 =	vsub.s32 @!p0 v4, v0;
	vm0 =	vmand @!p0 vm0, vm1  }
0x205: {  	v4 =	vnsel @!p0 vm0, $0x0, v4  }
0x206: {  	s16 =	sadd.s32 $0x1, s16  }
0x207: {  	_ =	sdelay $0x2  }
0x208: {  	s8 =	sadd.s32 $0x10, s15;
	v5 =	vlaneseq.u32 @!p0  }
0x209: {  	s7 =	sshra.s32 @!p1 s7, $0x2;
	v5 =	vor.u32 @!p0 s8, v5;
	s8 =	simm.s32 @!p0 $0x4000  }
0x20a: {  	s7 =	sadd.s32 @!p1 s7, s21;
	[tilespmem:v4+s8+$0x0] =	vst.idx.msk @!p0 vm0, v5;
	v4 =	vimm.s32 @!p1 $0xFFFFFFFF;
	p0 =	sgt.u32 s17, $0xE  }
0x20b: {  	s11 =	rddreg [dreg:$0x1e];
	[tilespmem:s7+$0x0] =	vst @!p1 v4;
	s7 =	simm.s32 @!p0 $0xC  }
0x20c: {  	s8 =	rddreg [dreg:$0xd];
	_ =	swait.ge @!p0 [sflag:s7], $0x3000  }
0x20d: {  	s8 =	sadd.s32 @!p0 s11, s8;
	[sflag:s7] =	ssyncset.done @!p0 $0x0  }
0x20e: {  	s2 =	smul.u32 $0x18, s2;
	s8 =	sshll.u32 @!p0 s8, $0x6;
	[sflag:s7] =	ssyncadd.s32 @!p0 $0xFFFFD000  }
0x20f: {  	s11 =	simm.s32 @!p0 $0xF580;
	s8 =	sand.u32 @!p0 $0x1FFFFE00, s8;
	s7 =	rddreg [dreg:$0x0]  }
0x210: {  	s12 =	rddreg [dreg:$0x5];
	s7 =	sadd.s32 @!p0 s7, s8;
	s8 =	simm.s32 @!p0 $0x0  }
0x211: {  	[tilespmem:s11], [sflag:$0x4] =	stream.linear.gather @!p0 [hbm4b:s7+s8], $0x3000, $0x38;
	[tilespmem:$0x1E580] =	vst v63  }
.Ltmp18:
0x212: {  	s15 =	simm.s32 $0x8;
	s2 =	sadd.s32 s12, s2;
	(pc) =	sbr.rel .LBB2_30-.Ltmp18, $4  }
0x213: {  	s2 =	sshll.u32 s2, $0x6;
	_ =	swait.ge [sflag:s15], $0x3000  }
0x214: {  	s16 =	simm.s32 $0x0;
	s2 =	sand.u32 $0x1FFFFE00, s2;
	[sflag:s15] =	ssyncset.done $0x0  }
0x215: {  	s19 =	simm.s32 $0x1B580;
	s2 =	sadd.s32 s24, s2;
	[sflag:s15] =	ssyncadd.s32 $0xFFFFD000  }
0x216: {  	[hbm4b:s2+s16] =	stream.linear.scatter [tilespmem:s19], [sflag:$0x10], $0x3000, $0x38;
	[tilespmem:$0x1E580] =	vst v63  }
.LBB2_31:
0x217: {  	s0 =	simm.s32 $0xB  }
0x218: {  	_ =	swait.ge [sflag:s0], $0x3000  }
0x219: {  	[sflag:s0] =	ssyncset.done $0x0  }
0x21a: {  	s21 =	simm.s32 $0xC;
	[sflag:s0] =	ssyncadd.s32 $0xFFFFD000  }
0x21b: {  	_ =	swait.ge [sflag:s21], $0x3000  }
0x21c: {  	[sflag:s21] =	ssyncset.done $0x0  }
0x21d: {  	s22 =	simm.s32 $0xD;
	[sflag:s21] =	ssyncadd.s32 $0xFFFFD000  }
0x21e: {  	_ =	swait.ge [sflag:s22], $0x3000  }
0x21f: {  	[sflag:s22] =	ssyncset.done $0x0  }
0x220: {  	s23 =	simm.s32 $0xE;
	[sflag:s22] =	ssyncadd.s32 $0xFFFFD000  }
0x221: {  	_ =	swait.ge [sflag:s23], $0x3000  }
0x222: {  	[sflag:s23] =	ssyncset.done $0x0  }
0x223: {  	s25 =	simm.s32 $0xF;
	[sflag:s23] =	ssyncadd.s32 $0xFFFFD000  }
0x224: {  	_ =	swait.ge [sflag:s25], $0x3000  }
0x225: {  	[sflag:s25] =	ssyncset.done $0x0  }
0x226: {  	s26 =	simm.s32 $0x10;
	[sflag:s25] =	ssyncadd.s32 $0xFFFFD000  }
0x227: {  	_ =	swait.ge [sflag:s26], $0x3000  }
0x228: {  	[sflag:s26] =	ssyncset.done $0x0  }
0x229: {  	s28 =	simm.s32 $0x9;
	[sflag:s26] =	ssyncadd.s32 $0xFFFFD000  }
0x22a: {  	_ =	swait.ge [sflag:s28], $0x3000  }
0x22b: {  	[sflag:s28] =	ssyncset.done $0x0  }
0x22c: {  	s29 =	simm.s32 $0xA;
	[sflag:s28] =	ssyncadd.s32 $0xFFFFD000  }
0x22d: {  	_ =	swait.ge [sflag:s29], $0x3000  }
0x22e: {  	s30 =	sld [smem:$0x7FD];
	_ =	sdelay $0x2  }
0x22f: {  	[sflag:s29] =	ssyncset.done $0x0;
	s2 =	rddreg [dreg:$0xe];
	p0 =	seq.s32 s30, $0x1  }
0x230: {  	[sflag:s29] =	ssyncadd.s32 $0xFFFFD000;
	s0 =	simm.s32 @!p0 $0x0;
	s1 =	simm.s32 @!p0 $0x6580  }
0x231: {  	[tilespmem:s1], [sflag:$0x11] =	stream.linear.gather @!p0 [hbm4b:s2+s0], $0x1000, $0x38;
	[tilespmem:$0x1E580] =	vst v63  }
0x232: {  	s2 =	simm.s32 @!p0 $0x11  }
0x233: {  	_ =	swait.ge @!p0 [sflag:s2], $0x1000  }
0x234: {  	[sflag:s2] =	ssyncset.done @!p0 $0x0  }
0x235: {  	s3 =	rddreg [dreg:$0xf];
	[sflag:s2] =	ssyncadd.s32 @!p0 $0xFFFFF000  }
0x236: {  	[hbm4b:s3+s0] =	stream.linear.scatter @!p0 [tilespmem:s1], [sflag:$0x11], $0x1000, $0x38;
	[tilespmem:$0x1E580] =	vst v63  }
0x237: {  	_ =	swait.ge @!p0 [sflag:s2], $0x1000  }
0x238: {  	[sflag:s2] =	ssyncset.done @!p0 $0x0  }
0x239: {  	s31 =	simm.s32 $0x0;
	[sflag:s2] =	ssyncadd.s32 @!p0 $0xFFFFF000  }
0x23a: {  	v4 =	vld [tilespmem:s31+$0x4000];
	_ =	sdelay $0x4  }
0x23b: {  	vm0 =	vgt.s32 v4, $0xFFFFFFFF  }
0x23c: {  	v5 =	vsel vm0, $0x1, v3  }
0x23d: {  	(xrf0) =	vadd.scan.msk.s32 $0xffff, v5;
	_ =	sdelay $0x5  }
0x23e: {  	v5, _, _ =	vpop (xrf0)  }
0x23f: {  	s0 =	simm.s32 $0x0;
	s1 =	rddreg [dreg:$0x11];
	(v2sf) =	vpush v5, $0xF  }
0x240: {  	v6 =	vadd.s32 s1, v2;
	[tilespmem:s0+$0x4C80] =	vst.msk vm0, v4  }
0x241: {  	s3 =	simm.s32 $0x10;
	s2 =	simm.s32 $0x80;
	[tilespmem:s0+$0x5900] =	vst.msk vm0, v6  }
.LBB2_32:
0x242: {  	p0 =	sne.s32 s2, $0x30C0;
	v4 =	vld [tilespmem:s3+$0x4000];
	_ =	sdelay $0x4  }
0x243: {  	vm0 =	vgt.s32 v4, $0xFFFFFFFF  }
0x244: {  	v5 =	vsel vm0, $0x1, v3  }
0x245: {  	(xrf0) =	vadd.scan.msk.s32 $0xffff, v5;
	_ =	sdelay $0x4  }
.Ltmp19:
0x246: {  	s3 =	spop (v2sf);
	(pc) =	sbr.rel @p0 .LBB2_32-.Ltmp19, $4  }
0x247: {  	s1 =	sadd.s32 $0x10, s1;
	v5, _, _ =	vpop (xrf0);
	s0 =	sadd.s32 s0, s3  }
0x248: {  	v6 =	vadd.s32 s1, v2;
	[tilespmem:s0+$0x4C80] =	vst.msk vm0, v4;
	(v2sf) =	vpush v5, $0xF  }
0x249: {  	[tilespmem:s0+$0x5900] =	vst.msk vm0, v6  }
0x24a: {  	s3 =	sshra.s32 s2, $0x2;
	s2 =	sadd.s32 $0x40, s2  }
0x24b: {  	v4 =	vld [tilespmem:s3+$0x4000];
	_ =	sdelay $0x4  }
0x24c: {  	vm0 =	vgt.s32 v4, $0xFFFFFFFF  }
0x24d: {  	v5 =	vsel vm0, $0x1, v3  }
0x24e: {  	(xrf0) =	vadd.scan.msk.s32 $0xffff, v5;
	_ =	sdelay $0x5  }
0x24f: {  	v5, _, _ =	vpop (xrf0)  }
0x250: {  	(v2sf) =	vpush v5, $0xF;
	_ =	sdelay $0xd  }
0x251: {  	s2 =	spop (v2sf)  }
0x252: {  	s2 =	sadd.s32 s0, s2;
	s30 =	spop (v2sf)  }
0x253: {  	s0 =	sadd.s32 s2, s30  }
0x254: {  	p0 =	slt.s32 s0, $0x10  }
.Ltmp20:
0x255: {  	_ = 	snop;
	(pc) =	sbr.rel @p0 .LBB2_37-.Ltmp20, $4  }
0x256: {  	_ = 	snop  }
0x257: {  	s1 =	sadd.s32 $0x10, s1  }
0x258: {  	v5 =	vadd.s32 s1, v2;
	[tilespmem:s2+$0x4C80] =	vst.msk vm0, v4  }
0x259: {  	s31 =	rddreg [dreg:$0x2];
	[tilespmem:s2+$0x5900] =	vst.msk vm0, v5  }
0x25a: {  	s1 =	sadd.s32 $0xF, s0  }
0x25b: {  	s1 =	sshra.s32 s1, $0x4  }
0x25c: {  	s2 =	sadd.s32 $0x7, s1  }
0x25d: {  	s2 =	sshra.s32 s2, $0x3  }
0x25e: {  	p0 =	slt.s32 s2, $0x1  }
.Ltmp21:
0x25f: {  	_ = 	snop;
	(pc) =	sbr.rel @p0 .LBB2_41-.Ltmp21, $2  }
0x260: {  	_ =	sdelay $0x2  }
0x261: {  	s3 =	rddreg [dreg:$0x12]  }
0x262: {  	s3 =	sadd.s32 $0xFFFFFFF0, s0;
	s4 =	simm.s32 $0x0;
	s5 =	simm.s32 $0x7  }
.LBB2_36:
0x263: {  	s6 =	sadd.s32 $0xFFFFFFF9, s5  }
0x264: {  	p1 =	sge.s32 s6, s1  }
0x265: {  	s6 =	simm.s32 @!p1 $0x0  }
0x266: {  	p0 =	slt.s32 @!p1 s4, s3;
	s6 =	simm.s32 @p1 $0x1  }
0x267: {  	p0 =	por !p0, p1;
	[smem:$0x7F9] =	sst s6;
	s6 =	smov.u32 s4  }
0x268: {  	s6 =	smov.u32 @p0 s3  }
0x269: {  	v4 =	vld @!p1 [tilespmem:s6+$0x4C80];
	_ =	sdelay $0x6  }
0x26a: {  	s8 =	sadd.s32 $0xFFFFFFFA, s5;
	vm0 =	vmmov @!p1 $0xffff;
	s7 =	simm.s32 @!p1 $0x0;
	s9 =	simm.s32 @!p1 $0x6580  }
0x26b: {  	[tilespmem:s9], [sflag:$0x1] =	stream.indirect_vreg.gather @!p1 [hbm4b:s31+s7], $0x200, v4, vm0, $0xb8;
	[tilespmem:$0x1E580] =	vst v63  }
0x26c: {  	p1 =	sge.s32 s8, s1  }
0x26d: {  	s8 =	simm.s32 @!p1 $0x0  }
0x26e: {  	s8 =	simm.s32 @p1 $0x1  }
0x26f: {  	[smem:$0x7FB] =	sst s8;
	s8 =	sadd.s32 @!p1 $0x10, s4  }
0x270: {  	p0 =	slt.s32 @!p1 s8, s3  }
0x271: {  	p0 =	por !p0, p1  }
0x272: {  	s8 =	smov.u32 @p0 s3  }
0x273: {  	v4 =	vld @!p1 [tilespmem:s8+$0x4C80];
	_ =	sdelay $0x6  }
0x274: {  	s11 =	sadd.s32 $0xFFFFFFFB, s5;
	vm1 =	vmmov @!p1 $0xffff;
	s10 =	simm.s32 @!p1 $0x0;
	s12 =	simm.s32 @!p1 $0x9580  }
0x275: {  	[tilespmem:s12], [sflag:$0x2] =	stream.indirect_vreg.gather @!p1 [hbm4b:s31+s10], $0x200, v4, vm1, $0xb8;
	[tilespmem:$0x1E580] =	vst v63  }
0x276: {  	p1 =	sge.s32 s11, s1  }
0x277: {  	s11 =	simm.s32 @!p1 $0x0  }
0x278: {  	s11 =	simm.s32 @p1 $0x1  }
0x279: {  	[smem:$0x7FA] =	sst s11;
	s11 =	sadd.s32 @!p1 $0x20, s4  }
0x27a: {  	p0 =	slt.s32 @!p1 s11, s3  }
0x27b: {  	p0 =	por !p0, p1  }
0x27c: {  	s11 =	smov.u32 @p0 s3  }
0x27d: {  	v4 =	vld @!p1 [tilespmem:s11+$0x4C80];
	_ =	sdelay $0x1  }
0x27e: {  	s14 =	sadd.s32 $0xFFFFFFFC, s5  }
0x27f: {  	p4 =	sge.s32 s14, s1  }
0x280: {  	s14 =	sadd.s32 @!p4 $0x30, s4  }
0x281: {  	p0 =	slt.s32 @!p4 s14, s3  }
0x282: {  	p0 =	por !p0, p4  }
0x283: {  	vm2 =	vmmov @!p1 $0xffff;
	s13 =	simm.s32 @!p1 $0x0;
	s15 =	simm.s32 @!p1 $0xC580;
	s14 =	smov.u32 @p0 s3  }
0x284: {  	[tilespmem:s15], [sflag:$0x3] =	stream.indirect_vreg.gather @!p1 [hbm4b:s31+s13], $0x200, v4, vm2, $0xb8;
	[tilespmem:$0x1E580] =	vst v63  }
0x285: {  	v4 =	vld @!p4 [tilespmem:s14+$0x4C80];
	_ =	sdelay $0x1  }
0x286: {  	s17 =	sadd.s32 $0xFFFFFFFD, s5  }
0x287: {  	p5 =	sge.s32 s17, s1  }
0x288: {  	s17 =	sadd.s32 @!p5 $0x40, s4  }
0x289: {  	p0 =	slt.s32 @!p5 s17, s3  }
0x28a: {  	p0 =	por !p0, p5  }
0x28b: {  	vm3 =	vmmov @!p4 $0xffff;
	s16 =	simm.s32 @!p4 $0x0;
	s18 =	simm.s32 @!p4 $0xF580;
	s17 =	smov.u32 @p0 s3  }
0x28c: {  	[tilespmem:s18], [sflag:$0x4] =	stream.indirect_vreg.gather @!p4 [hbm4b:s31+s16], $0x200, v4, vm3, $0xb8;
	[tilespmem:$0x1E580] =	vst v63  }
0x28d: {  	v4 =	vld @!p5 [tilespmem:s17+$0x4C80];
	_ =	sdelay $0x1  }
0x28e: {  	s20 =	sadd.s32 $0xFFFFFFFE, s5  }
0x28f: {  	p6 =	sge.s32 s20, s1  }
0x290: {  	s20 =	sadd.s32 @!p6 $0x50, s4  }
0x291: {  	p0 =	slt.s32 @!p6 s20, s3  }
0x292: {  	p0 =	por !p0, p6  }
0x293: {  	vm4 =	vmmov @!p5 $0xffff;
	s19 =	simm.s32 @!p5 $0x0;
	s21 =	simm.s32 @!p5 $0x12580;
	s20 =	smov.u32 @p0 s3  }
0x294: {  	[tilespmem:s21], [sflag:$0x5] =	stream.indirect_vreg.gather @!p5 [hbm4b:s31+s19], $0x200, v4, vm4, $0xb8;
	[tilespmem:$0x1E580] =	vst v63  }
0x295: {  	v4 =	vld @!p6 [tilespmem:s20+$0x4C80];
	_ =	sdelay $0x1  }
0x296: {  	s22 =	sadd.s32 $0xFFFFFFFF, s5  }
0x297: {  	p3 =	sge.s32 s22, s1  }
0x298: {  	s22 =	sadd.s32 @!p3 $0x60, s4  }
0x299: {  	p0 =	slt.s32 @!p3 s22, s3  }
0x29a: {  	p0 =	por !p0, p3  }
0x29b: {  	vm5 =	vmmov @!p6 $0xffff;
	s23 =	simm.s32 @!p6 $0x0;
	s24 =	simm.s32 @!p6 $0x15580;
	s22 =	smov.u32 @p0 s3  }
0x29c: {  	[tilespmem:s24], [sflag:$0x6] =	stream.indirect_vreg.gather @!p6 [hbm4b:s31+s23], $0x200, v4, vm5, $0xb8;
	[tilespmem:$0x1E580] =	vst v63  }
0x29d: {  	v4 =	vld @!p3 [tilespmem:s22+$0x4C80];
	_ =	sdelay $0x2  }
0x29e: {  	p1 =	sge.s32 s5, s1  }
0x29f: {  	s25 =	sadd.s32 @!p1 $0x70, s4  }
0x2a0: {  	p2 =	slt.s32 @!p1 s25, s3  }
0x2a1: {  	p2 =	por !p2, p1  }
0x2a2: {  	vm7 =	vmmov @!p3 $0xffff;
	s26 =	simm.s32 @!p3 $0x0;
	s28 =	simm.s32 @!p3 $0x18580;
	s25 =	smov.u32 @p2 s3  }
0x2a3: {  	[tilespmem:s28], [sflag:$0x7] =	stream.indirect_vreg.gather @!p3 [hbm4b:s31+s26], $0x200, v4, vm7, $0xb8;
	[tilespmem:$0x1E580] =	vst v63  }
0x2a4: {  	v4 =	vld @!p1 [tilespmem:s25+$0x4C80];
	_ =	sdelay $0x6  }
0x2a5: {  	vm6 =	vmmov @!p1 $0xffff;
	s29 =	simm.s32 @!p1 $0x0;
	s30 =	simm.s32 @!p1 $0x1B580  }
0x2a6: {  	[tilespmem:s30], [sflag:$0x8] =	stream.indirect_vreg.gather @!p1 [hbm4b:s31+s29], $0x200, v4, vm6, $0xb8;
	[tilespmem:$0x1E580] =	vst v63  }
0x2a7: {  	s31 =	sld [smem:$0x7F9];
	_ =	sdelay $0x2  }
0x2a8: {  	p0 =	seq.s32 s31, $0x1  }
0x2a9: {  	s31 =	simm.s32 @!p0 $0x1  }
0x2aa: {  	_ =	swait.ge @!p0 [sflag:s31], $0x2000  }
0x2ab: {  	[sflag:s31] =	ssyncset.done @!p0 $0x0  }
0x2ac: {  	[sflag:s31] =	ssyncadd.s32 @!p0 $0xFFFFE000  }
0x2ad: {  	v4 =	vld @!p0 [tilespmem:s6+$0x5900];
	_ =	sdelay $0x6  }
0x2ae: {  	s6 =	rddreg [dreg:$0x3]  }
0x2af: {  	[hbm4b:s6+s7] =	stream.indirect_vreg.scatter @!p0 [tilespmem:s9], [sflag:$0x9], $0x200, v4, vm0, $0xb8;
	[tilespmem:$0x1E580] =	vst v63  }
0x2b0: {  	s9 =	sld [smem:$0x7FB];
	_ =	sdelay $0x2  }
0x2b1: {  	p2 =	seq.s32 s9, $0x1  }
0x2b2: {  	s6 =	simm.s32 @!p2 $0x2  }
0x2b3: {  	s31 =	rddreg [dreg:$0x2];
	_ =	swait.ge @!p2 [sflag:s6], $0x2000  }
0x2b4: {  	[sflag:s6] =	ssyncset.done @!p2 $0x0  }
0x2b5: {  	[sflag:s6] =	ssyncadd.s32 @!p2 $0xFFFFE000  }
0x2b6: {  	v4 =	vld @!p2 [tilespmem:s8+$0x5900];
	_ =	sdelay $0x6  }
0x2b7: {  	s6 =	rddreg [dreg:$0x3]  }
0x2b8: {  	[hbm4b:s6+s10] =	stream.indirect_vreg.scatter @!p2 [tilespmem:s12], [sflag:$0xA], $0x200, v4, vm1, $0xb8;
	[tilespmem:$0x1E580] =	vst v63  }
0x2b9: {  	s12 =	sld [smem:$0x7FA];
	_ =	sdelay $0x2  }
0x2ba: {  	p2 =	seq.s32 s12, $0x1  }
0x2bb: {  	s6 =	simm.s32 @!p2 $0x3  }
0x2bc: {  	_ =	swait.ge @!p2 [sflag:s6], $0x2000  }
0x2bd: {  	[sflag:s6] =	ssyncset.done @!p2 $0x0  }
0x2be: {  	[sflag:s6] =	ssyncadd.s32 @!p2 $0xFFFFE000  }
0x2bf: {  	v4 =	vld @!p2 [tilespmem:s11+$0x5900];
	_ =	sdelay $0x6  }
0x2c0: {  	s6 =	rddreg [dreg:$0x3]  }
0x2c1: {  	[hbm4b:s6+s13] =	stream.indirect_vreg.scatter @!p2 [tilespmem:s15], [sflag:$0xB], $0x200, v4, vm2, $0xb8;
	[tilespmem:$0x1E580] =	vst v63  }
0x2c2: {  	s6 =	simm.s32 @!p4 $0x4  }
0x2c3: {  	_ =	swait.ge @!p4 [sflag:s6], $0x2000  }
0x2c4: {  	[sflag:s6] =	ssyncset.done @!p4 $0x0  }
0x2c5: {  	[sflag:s6] =	ssyncadd.s32 @!p4 $0xFFFFE000  }
0x2c6: {  	v4 =	vld @!p4 [tilespmem:s14+$0x5900];
	_ =	sdelay $0x6  }
0x2c7: {  	s6 =	rddreg [dreg:$0x3]  }
0x2c8: {  	[hbm4b:s6+s16] =	stream.indirect_vreg.scatter @!p4 [tilespmem:s18], [sflag:$0xC], $0x200, v4, vm3, $0xb8;
	[tilespmem:$0x1E580] =	vst v63  }
0x2c9: {  	s6 =	simm.s32 @!p5 $0x5  }
0x2ca: {  	_ =	swait.ge @!p5 [sflag:s6], $0x2000  }
0x2cb: {  	[sflag:s6] =	ssyncset.done @!p5 $0x0  }
0x2cc: {  	[sflag:s6] =	ssyncadd.s32 @!p5 $0xFFFFE000  }
0x2cd: {  	v4 =	vld @!p5 [tilespmem:s17+$0x5900];
	_ =	sdelay $0x6  }
0x2ce: {  	s6 =	rddreg [dreg:$0x3]  }
0x2cf: {  	[hbm4b:s6+s19] =	stream.indirect_vreg.scatter @!p5 [tilespmem:s21], [sflag:$0xD], $0x200, v4, vm4, $0xb8;
	[tilespmem:$0x1E580] =	vst v63  }
0x2d0: {  	s6 =	simm.s32 @!p6 $0x6  }
0x2d1: {  	_ =	swait.ge @!p6 [sflag:s6], $0x2000  }
0x2d2: {  	[sflag:s6] =	ssyncset.done @!p6 $0x0  }
0x2d3: {  	[sflag:s6] =	ssyncadd.s32 @!p6 $0xFFFFE000  }
0x2d4: {  	v4 =	vld @!p6 [tilespmem:s20+$0x5900];
	_ =	sdelay $0x6  }
0x2d5: {  	s6 =	rddreg [dreg:$0x3]  }
0x2d6: {  	[hbm4b:s6+s23] =	stream.indirect_vreg.scatter @!p6 [tilespmem:s24], [sflag:$0xE], $0x200, v4, vm5, $0xb8;
	[tilespmem:$0x1E580] =	vst v63  }
0x2d7: {  	s6 =	simm.s32 @!p3 $0x7  }
0x2d8: {  	s24 =	rddreg [dreg:$0x3];
	_ =	swait.ge @!p3 [sflag:s6], $0x2000  }
0x2d9: {  	[sflag:s6] =	ssyncset.done @!p3 $0x0  }
0x2da: {  	[sflag:s6] =	ssyncadd.s32 @!p3 $0xFFFFE000  }
0x2db: {  	v4 =	vld @!p3 [tilespmem:s22+$0x5900];
	_ =	sdelay $0x6  }
0x2dc: {  	s6 =	simm.s32 @!p1 $0x8  }
0x2dd: {  	[hbm4b:s24+s26] =	stream.indirect_vreg.scatter @!p3 [tilespmem:s28], [sflag:$0xF], $0x200, v4, vm7, $0xb8;
	[tilespmem:$0x1E580] =	vst v63  }
0x2de: {  	_ =	swait.ge @!p1 [sflag:s6], $0x2000  }
0x2df: {  	[sflag:s6] =	ssyncset.done @!p1 $0x0  }
0x2e0: {  	[sflag:s6] =	ssyncadd.s32 @!p1 $0xFFFFE000  }
0x2e1: {  	v4 =	vld @!p1 [tilespmem:s25+$0x5900];
	_ =	sdelay $0x6  }
0x2e2: {  	s6 =	simm.s32 @!p0 $0x9  }
0x2e3: {  	[hbm4b:s24+s29] =	stream.indirect_vreg.scatter @!p1 [tilespmem:s30], [sflag:$0x10], $0x200, v4, vm6, $0xb8;
	[tilespmem:$0x1E580] =	vst v63  }
0x2e4: {  	_ =	swait.ge @!p0 [sflag:s6], $0x2000  }
0x2e5: {  	s30 =	sld [smem:$0x7FB];
	_ =	sdelay $0x1  }
0x2e6: {  	[sflag:s6] =	ssyncset.done @!p0 $0x0  }
0x2e7: {  	[sflag:s6] =	ssyncadd.s32 @!p0 $0xFFFFE000;
	p0 =	seq.s32 s30, $0x1  }
0x2e8: {  	s6 =	simm.s32 @!p0 $0xA  }
0x2e9: {  	_ =	swait.ge @!p0 [sflag:s6], $0x2000  }
0x2ea: {  	[sflag:s6] =	ssyncset.done @!p0 $0x0  }
0x2eb: {  	[sflag:s6] =	ssyncadd.s32 @!p0 $0xFFFFE000;
	s6 =	simm.s32 @!p2 $0xB  }
0x2ec: {  	_ =	swait.ge @!p2 [sflag:s6], $0x2000  }
0x2ed: {  	[sflag:s6] =	ssyncset.done @!p2 $0x0  }
0x2ee: {  	[sflag:s6] =	ssyncadd.s32 @!p2 $0xFFFFE000;
	s6 =	simm.s32 @!p4 $0xC  }
0x2ef: {  	_ =	swait.ge @!p4 [sflag:s6], $0x2000  }
0x2f0: {  	[sflag:s6] =	ssyncset.done @!p4 $0x0  }
0x2f1: {  	[sflag:s6] =	ssyncadd.s32 @!p4 $0xFFFFE000;
	s6 =	simm.s32 @!p5 $0xD  }
0x2f2: {  	_ =	swait.ge @!p5 [sflag:s6], $0x2000  }
0x2f3: {  	[sflag:s6] =	ssyncset.done @!p5 $0x0  }
0x2f4: {  	[sflag:s6] =	ssyncadd.s32 @!p5 $0xFFFFE000;
	s6 =	simm.s32 @!p6 $0xE  }
0x2f5: {  	_ =	swait.ge @!p6 [sflag:s6], $0x2000  }
0x2f6: {  	[sflag:s6] =	ssyncset.done @!p6 $0x0  }
0x2f7: {  	s2 =	sadd.s32 $0xFFFFFFFF, s2;
	[sflag:s6] =	ssyncadd.s32 @!p6 $0xFFFFE000;
	s6 =	simm.s32 @!p3 $0xF  }
0x2f8: {  	p0 =	sne.s32 s2, $0x0;
	_ =	swait.ge @!p3 [sflag:s6], $0x2000  }
.Ltmp22:
0x2f9: {  	[sflag:s6] =	ssyncset.done @!p3 $0x0;
	(pc) =	sbr.rel @p0 .LBB2_36-.Ltmp22, $4  }
0x2fa: {  	[sflag:s6] =	ssyncadd.s32 @!p3 $0xFFFFE000;
	s6 =	simm.s32 @!p1 $0x10  }
0x2fb: {  	_ =	swait.ge @!p1 [sflag:s6], $0x2000  }
0x2fc: {  	[sflag:s6] =	ssyncset.done @!p1 $0x0  }
0x2fd: {  	s5 =	sadd.s32 $0x8, s5;
	s4 =	sadd.s32 $0x80, s4;
	[sflag:s6] =	ssyncadd.s32 @!p1 $0xFFFFE000  }
.LBB2_37:
0x2fe: {  	s1 =	sadd.s32 $0xFFFFFFFF, s0  }
0x2ff: {  	p0 =	sgt.u32 s1, $0xE  }
.Ltmp23:
0x300: {  	_ = 	snop;
	(pc) =	sbr.rel @p0 .LBB2_41-.Ltmp23, $2  }
0x301: {  	_ =	sdelay $0x2  }
0x302: {  	s3 =	rddreg [dreg:$0x12]  }
0x303: {  	v4 =	vld [tilespmem:$0x4C80];
	_ =	sdelay $0x2  }
0x304: {  	s1 =	simm.s32 $0x0;
	p0 =	sle.s32 s0, $0x0  }
0x305: {  	v5 =	vld [tilespmem:$0x5900];
	v6 =	vmov @!p0 s1;
	v7 =	vlaneseq.u32 @!p0  }
0x306: {  	vm0 =	veq.s32 @!p0 v6, v7;
	v4 =	vxor.u32 $0x80000000, v4  }
0x307: {  	v6 =	vnsel @!p0 vm0, $0x7FFFFFFF, v4  }
0x308: {  	(xrf0) =	vmax.scan.msk.u32 @!p0 $0xffff, v6;
	_ =	sdelay $0x1  }
0x309: {  	v5 =	vxor.u32 $0x80000000, v5  }
0x30a: {  	v7 =	vnsel @!p0 vm0, $0x7FFFFFFF, v5  }
0x30b: {  	(xrf0) =	vmax.scan.msk.u32 @!p0 $0xffff, v7;
	_ =	sdelay $0x1  }
0x30c: {  	p3 =	sle.s32 s0, $0x1;
	p2 =	por p0, p0;
	s1 =	simm.s32 $0x1;
	v6, _, _ =	vpop @!p0 (xrf0)  }
0x30d: {  	v8 =	vlaneseq.u32 @!p3;
	(v2sf) =	vpush @!p2 v6, $0xF;
	v6 =	vmov @!p3 s1  }
0x30e: {  	vm0 =	veq.s32 @!p3 v6, v8  }
0x30f: {  	v6 =	vnsel @!p3 vm0, $0x7FFFFFFF, v4  }
0x310: {  	v7, _, _ =	vpop @!p0 (xrf0);
	(xrf0) =	vmax.scan.msk.u32 @!p3 $0xffff, v6  }
0x311: {  	(v2sf) =	vpush @!p2 v7, $0xF;
	_ =	sdelay $0x3  }
0x312: {  	v8 =	vnsel @!p3 vm0, $0x7FFFFFFF, v5  }
0x313: {  	p1 =	sle.s32 s0, $0x2;
	s1 =	simm.s32 $0x2;
	v9, _, _ =	vpop @!p3 (xrf0);
	(xrf0) =	vmax.scan.msk.u32 @!p3 $0xffff, v8  }
0x314: {  	v7 =	vlaneseq.u32 @!p1;
	v6 =	vmov @!p1 s1  }
0x315: {  	vm0 =	veq.s32 @!p1 v6, v7  }
0x316: {  	p5 =	por p3, p3;
	v6 =	vnsel @!p1 vm0, $0x7FFFFFFF, v4  }
0x317: {  	(v2sf) =	vpush @!p5 v9, $0xF;
	_ =	sdelay $0x1  }
0x318: {  	v7 =	vnsel @!p1 vm0, $0x7FFFFFFF, v5;
	(xrf0) =	vmax.scan.msk.u32 @!p1 $0xffff, v6;
	v6, _, _ =	vpop @!p3 (xrf0)  }
0x319: {  	(xrf0) =	vmax.scan.msk.u32 @!p1 $0xffff, v7;
	s3 =	spop @!p0 (v2sf);
	(v2sf) =	vpush @!p5 v6, $0xF  }
0x31a: {  	p2 =	por p2, p2  }
0x31b: {  	p4 =	por p1, p1;
	s2 =	simm.s32 @!p2 $0x12  }
0x31c: {  	s3 =	sshll.u32 @!p2 s3, $0x6;
	s4 =	spop @!p0 (v2sf);
	p0 =	por p2, p2  }
0x31d: {  	s1 =	simm.s32 $0x3;
	p2 =	sle.s32 s0, $0x3;
	s3 =	sand.u32 @!p0 $0x1FFFFFC0, s3  }
0x31e: {  	v6, _, _ =	vpop @!p1 (xrf0);
	s5 =	simm.s32 @!p0 $0x6580;
	s6 =	simm.s32 @!p0 $0x0;
	v7 =	vmov @!p2 s1;
	v8 =	vlaneseq.u32 @!p2;
	s3 =	sadd.s32 @!p0 s31, s3  }
0x31f: {  	v9, _, _ =	vpop @!p1 (xrf0);
	(v2sf) =	vpush @!p4 v6, $0xF;
	vm0 =	veq.s32 @!p2 v7, v8;
	[tilespmem:s5], [sflag:$0x12] =	stream.linear.gather @!p0 [hbm4b:s3+s6], $0x200, $0x38;
	[tilespmem:$0x1E580] =	vst v63  }
0x320: {  	s1 =	sshll.u32 @!p0 s4, $0x6;
	v6 =	vnsel @!p2 vm0, $0x7FFFFFFF, v4;
	_ =	swait.ge @!p0 [sflag:s2], $0x200  }
0x321: {  	s1 =	sand.u32 @!p0 $0x1FFFFFC0, s1;
	[sflag:s2] =	ssyncset.done @!p0 $0x0;
	(xrf0) =	vmax.scan.msk.u32 @!p2 $0xffff, v6;
	v6 =	vnsel @!p2 vm0, $0x7FFFFFFF, v5  }
0x322: {  	s1 =	sadd.s32 @!p0 s24, s1;
	s3 =	simm.s32 @!p0 $0x11;
	[sflag:s2] =	ssyncadd.s32 @!p0 $0xFFFFFE00;
	(xrf0) =	vmax.scan.msk.u32 @!p2 $0xffff, v6  }
0x323: {  	(v2sf) =	vpush @!p4 v9, $0xF;
	[hbm4b:s1+s6] =	stream.linear.scatter @!p0 [tilespmem:s5], [sflag:$0x11], $0x200, $0x38;
	[tilespmem:$0x1E580] =	vst v63  }
0x324: {  	p5 =	por p5, p5;
	s2 =	simm.s32 $0x4;
	_ =	swait.ge @!p0 [sflag:s3], $0x200  }
0x325: {  	s1 =	simm.s32 @!p5 $0x12;
	s4 =	spop @!p3 (v2sf);
	[sflag:s3] =	ssyncset.done @!p0 $0x0  }
.LBB2_39:
0x326: {  	p6 =	por p3, p3  }
0x327: {  	p3 =	por p1, p1;
	p1 =	por p2, p2;
	s4 =	sshll.u32 @!p5 s4, $0x6  }
0x328: {  	s5 =	spop @!p6 (v2sf);
	[sflag:s3] =	ssyncadd.s32 @!p0 $0xFFFFFE00;
	s3 =	smov.u32 s2  }
0x329: {  	p0 =	por p5, p5;
	p5 =	por p4, p4;
	p4 =	por p2, p2  }
0x32a: {  	s2 =	sadd.s32 $0x1, s2;
	s4 =	sand.u32 @!p0 $0x1FFFFFC0, s4;
	s6 =	simm.s32 @!p0 $0x6580  }
0x32b: {  	p2 =	sge.s32 s3, s0;
	s7 =	simm.s32 @!p0 $0x0;
	s4 =	sadd.s32 @!p0 s31, s4  }
0x32c: {  	v6, _, _ =	vpop @!p1 (xrf0);
	[tilespmem:s6], [sflag:$0x12] =	stream.linear.gather @!p0 [hbm4b:s4+s7], $0x200, $0x38;
	[tilespmem:$0x1E580] =	vst v63  }
0x32d: {  	v9, _, _ =	vpop @!p1 (xrf0);
	(v2sf) =	vpush @!p4 v6, $0xF  }
0x32e: {  	p6 =	sne.s32 s2, $0x10;
	v7 =	vmov @!p2 s3;
	v8 =	vlaneseq.u32 @!p2;
	s3 =	sshll.u32 @!p0 s5, $0x6;
	_ =	swait.ge @!p0 [sflag:s1], $0x200  }
0x32f: {  	vm0 =	veq.s32 @!p2 v7, v8;
	s3 =	sand.u32 @!p0 $0x1FFFFFC0, s3;
	(v2sf) =	vpush @!p4 v9, $0xF;
	[sflag:s1] =	ssyncset.done @!p0 $0x0  }
0x330: {  	v6 =	vnsel @!p2 vm0, $0x7FFFFFFF, v5;
	v7 =	vnsel @!p2 vm0, $0x7FFFFFFF, v4;
	[sflag:s1] =	ssyncadd.s32 @!p0 $0xFFFFFE00;
	s1 =	sadd.s32 @!p0 s24, s3;
	s3 =	simm.s32 @!p0 $0x11  }
.Ltmp24:
0x331: {  	(xrf0) =	vmax.scan.msk.u32 @!p2 $0xffff, v7;
	(pc) =	sbr.rel @p6 .LBB2_39-.Ltmp24, $4  }
0x332: {  	[hbm4b:s1+s7] =	stream.linear.scatter @!p0 [tilespmem:s6], [sflag:$0x11], $0x200, $0x38;
	[tilespmem:$0x1E580] =	vst v63  }
0x333: {  	(xrf0) =	vmax.scan.msk.u32 @!p2 $0xffff, v6  }
0x334: {  	_ =	swait.ge @!p0 [sflag:s3], $0x200  }
0x335: {  	s1 =	simm.s32 @!p5 $0x12;
	s4 =	spop @!p3 (v2sf);
	[sflag:s3] =	ssyncset.done @!p0 $0x0  }
0x336: {  	s0 =	sshll.u32 @!p5 s4, $0x6;
	s2 =	spop @!p3 (v2sf);
	p3 =	por p5, p5  }
0x337: {  	[sflag:s3] =	ssyncadd.s32 @!p0 $0xFFFFFE00;
	p0 =	por p2, p2;
	s0 =	sand.u32 @!p3 $0x1FFFFFC0, s0  }
0x338: {  	s3 =	simm.s32 @!p3 $0x6580;
	s4 =	simm.s32 @!p3 $0x0;
	v4, _, _ =	vpop @!p2 (xrf0);
	s0 =	sadd.s32 @!p3 s31, s0  }
0x339: {  	(v2sf) =	vpush @!p0 v4, $0xF;
	[tilespmem:s3], [sflag:$0x12] =	stream.linear.gather @!p3 [hbm4b:s0+s4], $0x200, $0x38;
	v5, _, _ =	vpop @!p2 (xrf0);
	[tilespmem:$0x1E580] =	vst v63  }
0x33a: {  	s0 =	sshll.u32 @!p3 s2, $0x6;
	_ =	swait.ge @!p3 [sflag:s1], $0x200  }
0x33b: {  	s0 =	sand.u32 @!p3 $0x1FFFFFC0, s0;
	[sflag:s1] =	ssyncset.done @!p3 $0x0  }
0x33c: {  	(v2sf) =	vpush @!p0 v5, $0xF;
	s0 =	sadd.s32 @!p3 s24, s0;
	[sflag:s1] =	ssyncadd.s32 @!p3 $0xFFFFFE00;
	s1 =	simm.s32 @!p3 $0x11  }
0x33d: {  	[hbm4b:s0+s4] =	stream.linear.scatter @!p3 [tilespmem:s3], [sflag:$0x11], $0x200, $0x38;
	[tilespmem:$0x1E580] =	vst v63  }
0x33e: {  	p4 =	por p4, p4;
	_ =	swait.ge @!p3 [sflag:s1], $0x200  }
0x33f: {  	s0 =	simm.s32 @!p4 $0x12;
	s2 =	spop @!p1 (v2sf)  }
0x340: {  	[sflag:s1] =	ssyncset.done @!p3 $0x0;
	s2 =	sshll.u32 @!p4 s2, $0x6;
	p4 =	por p4, p4  }
0x341: {  	s3 =	spop @!p1 (v2sf);
	[sflag:s1] =	ssyncadd.s32 @!p3 $0xFFFFFE00;
	s1 =	sand.u32 @!p4 $0x1FFFFFC0, s2  }
0x342: {  	s2 =	simm.s32 @!p4 $0x6580;
	s4 =	simm.s32 @!p4 $0x0;
	s1 =	sadd.s32 @!p4 s31, s1  }
0x343: {  	[tilespmem:s2], [sflag:$0x12] =	stream.linear.gather @!p4 [hbm4b:s1+s4], $0x200, $0x38;
	[tilespmem:$0x1E580] =	vst v63  }
0x344: {  	s1 =	sshll.u32 @!p4 s3, $0x6;
	_ =	swait.ge @!p4 [sflag:s0], $0x200  }
0x345: {  	s1 =	sand.u32 @!p4 $0x1FFFFFC0, s1;
	[sflag:s0] =	ssyncset.done @!p4 $0x0  }
0x346: {  	[sflag:s0] =	ssyncadd.s32 @!p4 $0xFFFFFE00;
	s0 =	sadd.s32 @!p4 s24, s1;
	s1 =	simm.s32 @!p4 $0x11  }
0x347: {  	[hbm4b:s0+s4] =	stream.linear.scatter @!p4 [tilespmem:s2], [sflag:$0x11], $0x200, $0x38;
	[tilespmem:$0x1E580] =	vst v63  }
0x348: {  	p0 =	por p0, p0;
	_ =	swait.ge @!p4 [sflag:s1], $0x200  }
0x349: {  	s0 =	simm.s32 @!p0 $0x12;
	s2 =	spop @!p2 (v2sf)  }
0x34a: {  	[sflag:s1] =	ssyncset.done @!p4 $0x0;
	s2 =	sshll.u32 @!p0 s2, $0x6;
	p0 =	por p0, p0  }
0x34b: {  	s3 =	spop @!p2 (v2sf);
	[sflag:s1] =	ssyncadd.s32 @!p4 $0xFFFFFE00;
	s1 =	sand.u32 @!p0 $0x1FFFFFC0, s2  }
0x34c: {  	s2 =	simm.s32 @!p0 $0x6580;
	s4 =	simm.s32 @!p0 $0x0;
	s1 =	sadd.s32 @!p0 s31, s1  }
0x34d: {  	[tilespmem:s2], [sflag:$0x12] =	stream.linear.gather @!p0 [hbm4b:s1+s4], $0x200, $0x38;
	[tilespmem:$0x1E580] =	vst v63  }
0x34e: {  	_ =	swait.ge @!p0 [sflag:s0], $0x200  }
0x34f: {  	s1 =	sshll.u32 @!p0 s3, $0x6;
	[sflag:s0] =	ssyncset.done @!p0 $0x0  }
0x350: {  	s1 =	sand.u32 @!p0 $0x1FFFFFC0, s1;
	[sflag:s0] =	ssyncadd.s32 @!p0 $0xFFFFFE00  }
.Ltmp25:
0x351: {  	s0 =	sadd.s32 @!p0 s24, s1;
	s1 =	simm.s32 @!p0 $0x11;
	(pc) =	sbr.rel .LBB2_41-.Ltmp25, $4  }
0x352: {  	[hbm4b:s0+s4] =	stream.linear.scatter @!p0 [tilespmem:s2], [sflag:$0x11], $0x200, $0x38;
	[tilespmem:$0x1E580] =	vst v63  }
0x353: {  	_ =	swait.ge @!p0 [sflag:s1], $0x200  }
0x354: {  	[sflag:s1] =	ssyncset.done @!p0 $0x0  }
0x355: {  	s3 =	rddreg [dreg:$0x12];
	[sflag:s1] =	ssyncadd.s32 @!p0 $0xFFFFFE00  }
.LBB2_42:
0x356: {  	_ =	sfence.sel $0x180000  }
0x357: {  	[bflag:$0x0] =	sbarrier.arrive $0xFFFF  }
0x358: {  	_ =	strace $0x90000047  }
0x359: {  	s0 =	stileid.u32;
	[bflag:$0x2] =	sbarrier.arrive $0xFFFF  }
0x35a: {  	p0 =	sne.s32 s0, $0x0;
	s0 =	rddreg [dreg:$0x4]  }
0x35b: {  	s0 =	sadd.s32 @!p0 $0x100000, s0  }
0x35c: {  	[sflag:s0] =	ssyncadd.tile.s32 @!p0 $0x1;
	_ =	shalt  }
.Lfunc_end2:
_tile_overlayer_lowered:
.L_overlay_start_2:
0x35d: {  	(tag) =	ssettag $0x2  }
0x35e: {  	s0 =	rddreg [dreg:$0x0];
	s2 =	stileid.u32  }
0x35f: {  	s1 =	rddreg [dreg:$0x1];
	p0 =	sne.s32 s2, $0x0  }
0x360: {  	s3 =	rddreg [dreg:$0x2];
	[bflag:$0x3] =	sbarrier.arrive $0xFFFF;
	s2 =	simm.s32 @!p0 $0x1C11  }
0x361: {  	[timem:s3], [sflag:s2] =	dma.local @!p0 [hbm:s0], s1  }
0x362: {  	s0 =	simm.s32 @!p0 $0x11  }
0x363: {  	_ =	swait.ge @!p0 [sflag:s0], s1  }
0x364: {  	s1 =	ssub.s32 @!p0 $0x0, s1;
	[sflag:s0] =	ssyncset.done @!p0 $0x0  }
0x365: {  	[sflag:s0] =	ssyncadd.s32 @!p0 s1  }
0x366: {  	[bflag:$0x3] =	sbarrier.arrive $0xFFFF  }
0x367: {  	_ =	shalt  }

</sc_bundles>
